<compile_context>
chip_gen: v7x
topology: tpu7x:2x2x1
jax: 0.10.2.dev20260603
libtpu: 0.0.44.dev20260713+nightly
codegen_flags: <defaults>
</compile_context>

<pallas_src>
import functools

import jax
import jax.numpy as jnp
from jax import lax
from jax.experimental import pallas as pl
from jax.experimental.pallas import tpu as pltpu
from jax.experimental.pallas import tpu_sc as plsc

_NC = 2
_NS = 16
_NW = _NC * _NS
_CHUNK = 128


@functools.lru_cache(maxsize=None)
def _make_sc_gather_tiled(V, D, B):
    bpw = B // _NW
    n_chunks = bpw // _CHUNK
    n_tr = D // 8
    n_tc = B // 128
    w_tc = bpw // 128
    wpan = w_tc * 1024
    mesh = plsc.VectorSubcoreMesh(core_axis_name="c", subcore_axis_name="s")

    @functools.partial(
        pl.kernel,
        mesh=mesh,
        out_type=jax.ShapeDtypeStruct((n_tr, n_tc, 1024), jnp.float32),
        scratch_types=[
            pltpu.VMEM((bpw,), jnp.int32),
            pltpu.VMEM((bpw, D), jnp.float32),
            pltpu.VMEM((n_tr * wpan,), jnp.float32),
            pltpu.SemaphoreType.DMA,
            pltpu.SemaphoreType.DMA,
        ],
        compiler_params=pltpu.CompilerParams(
            use_tc_tiling_on_sc=False, needs_layout_passes=False
        ),
    )
    def sc_gather_t(table_hbm, idx_hbm, out_hbm, idx_v, rows_v, panel, gsem, wsem):
        wid = lax.axis_index("s") * _NC + lax.axis_index("c")
        base = wid * bpw
        pltpu.sync_copy(idx_hbm.at[pl.ds(base, bpw)], idx_v)
        for c in range(n_chunks):
            pltpu.async_copy(
                table_hbm.at[idx_v.at[pl.ds(c * _CHUNK, _CHUNK)]],
                rows_v.at[pl.ds(c * _CHUNK, _CHUNK)],
                gsem,
            )
        lane = lax.iota(jnp.int32, 16)
        diag = [(lane + i) % 16 for i in range(16)]
        svec = [(dg // 8) * wpan + (dg % 8) * 128 + lane for dg in diag]

        def t_body(t, _):
            jg = lax.rem(t, _CHUNK // 16)

            @pl.when(jg == 0)
            def _():
                pltpu.make_async_copy(
                    table_hbm.at[idx_v.at[pl.ds(0, _CHUNK)]],
                    rows_v.at[pl.ds(0, _CHUNK)],
                    gsem,
                ).wait()

            j_vec = t * 16 + lane
            off = lax.div(t, _CHUNK // 16) * 1024 + jg * 16
            for cg in range(D // 16):
                off_cg = off + cg * (2 * wpan)
                for i in range(16):
                    v = plsc.load_gather(rows_v, [j_vec, diag[i] + cg * 16])
                    plsc.store_scatter(panel, [svec[i] + off_cg], v)

            for c_s in range(n_chunks):
                @pl.when(t == c_s * (_CHUNK // 16) + (_CHUNK // 16 - 1))
                def _(c_s=c_s):
                    for tr in range(n_tr):
                        pltpu.async_copy(
                            panel.at[pl.ds(tr * wpan + c_s * 1024, 1024)],
                            out_hbm.at[tr, wid * w_tc + c_s],
                            wsem,
                        )
            return 0

        lax.fori_loop(0, n_chunks * (_CHUNK // 16), t_body, 0)
        for c in range(n_chunks):
            for tr in range(n_tr):
                pltpu.make_async_copy(
                    panel.at[pl.ds(tr * wpan + c * 1024, 1024)],
                    out_hbm.at[tr, wid * w_tc + c],
                    wsem,
                ).wait()

    return sc_gather_t


def kernel(speaker, embedding_table):
    idx = speaker.astype(jnp.int32)
    (B,) = idx.shape
    V, D = embedding_table.shape
    x = _make_sc_gather_tiled(V, D, B)(embedding_table, idx)
    out_t = x.reshape(D // 8, B // 128, 8, 128).transpose(0, 2, 1, 3).reshape(D, B)
    return out_t.T

# --- scband reference (transcript-rebuilt; emitter-appended) ---
"""Pipeline reference for scband-speaker-encoder-81071802679490 (READ-ONLY COPY).

The authoritative reference and input builder live on the scoring server;
editing this copy changes nothing except your own understanding.
"""

import jax, jax.numpy as jnp
import numpy as np

N_SPEAKER = 1000
EMBED_DIM = 64
BATCH = 16384

def setup_inputs(seed: int = 0) -> dict:
    key = jax.random.key(seed)
    k_idx, k_tab = jax.random.split(key)
    speaker = jax.random.randint(k_idx, (BATCH,), 0, N_SPEAKER, dtype=jnp.int64 if jax.config.jax_enable_x64 else jnp.int32)
    embedding_table = jax.random.normal(k_tab, (N_SPEAKER, EMBED_DIM), dtype=jnp.float32)
    return {"speaker": speaker, "embedding_table": embedding_table}

def reference(speaker, embedding_table):
    # nn.Embedding lookup: table[idx]
    speaker_embedding = jnp.take(embedding_table, speaker, axis=0)
    return speaker_embedding

if __name__ == "__main__":
    import jax
    _d = setup_inputs()
    print(jax.jit(kernel)(*tuple(_d.values())))

</pallas_src>

<mosaic_0001>
#map = affine_map<(d0, d1) -> (0, 0)>
#map1 = affine_map<(d0, d1) -> (0)>
#map2 = affine_map<(d0, d1) -> (0, 0, 0)>
module attributes {stable_mosaic.version = 14 : i64} {
  func.func @sc_gather_t(%arg0: i32, %arg1: i32, %arg2: memref<1000x64xf32, #tpu.memory_space<hbm>>, %arg3: memref<16384xi32, #tpu.memory_space<hbm>>, %arg4: memref<8x128x1024xf32, #tpu.memory_space<hbm>>, %arg5: memref<512xi32, #tpu.memory_space<vmem>>, %arg6: memref<512x64xf32, #tpu.memory_space<vmem>>, %arg7: memref<32768xf32, #tpu.memory_space<vmem>>, %arg8: memref<!tpu.dma_semaphore, #tpu.memory_space<semaphore_mem>>, %arg9: memref<!tpu.dma_semaphore, #tpu.memory_space<semaphore_mem>>) attributes {dimension_semantics = [#tpu.dimension_semantics<core_parallel>, #tpu.dimension_semantics<subcore_parallel>], iteration_bounds = array<i64: 2, 16>, scalar_prefetch = 0 : i64, scratch_operands = 5 : i64, tpu.core_type = #tpu.core_type<sc_vector_subcore>, window_params = [{transform_indices = #map}, {transform_indices = #map1}, {transform_indices = #map2}]} {
    %mul3A = arith.constant 2 : i32
    %mul3A_0 = arith.muli %arg1, %mul3A : i32
    %add3A = arith.addi %mul3A_0, %arg0 : i32
    %mul3A_1 = arith.constant 512 : i32
    %mul3A_2 = arith.muli %add3A, %mul3A_1 : i32
    "tpu.region"() ({
      %run_scoped3A = tpu.sem_alloc : memref<!tpu.dma_semaphore, #tpu.memory_space<semaphore_mem>>
      %dma_start3A_1885 = tpu.memref_slice %arg3[%mul3A_2] : memref<16384xi32, #tpu.memory_space<hbm>> -> memref<512xi32, #tpu.memory_space<hbm>>
      %dma_start3A_1886 = tpu.memref_slice %arg3[%mul3A_2] : memref<16384xi32, #tpu.memory_space<hbm>> -> memref<512xi32, #tpu.memory_space<hbm>>
      tpu.enqueue_dma source(%dma_start3A_1886 : memref<512xi32, #tpu.memory_space<hbm>>) target(%arg5 : memref<512xi32, #tpu.memory_space<vmem>>) target_semaphore(%run_scoped3A : memref<!tpu.dma_semaphore, #tpu.memory_space<semaphore_mem>>)
      %dma_wait3A_1887 = tpu.memref_slice %arg3[%mul3A_2] : memref<16384xi32, #tpu.memory_space<hbm>> -> memref<512xi32, #tpu.memory_space<hbm>>
      %dma_wait3A_1888 = tpu.memref_slice %arg3[%mul3A_2] : memref<16384xi32, #tpu.memory_space<hbm>> -> memref<512xi32, #tpu.memory_space<hbm>>
      tpu.wait_dma2 semaphore(%run_scoped3A : memref<!tpu.dma_semaphore, #tpu.memory_space<semaphore_mem>>) src(%dma_wait3A_1888 : memref<512xi32, #tpu.memory_space<hbm>>) dst(%arg5 : memref<512xi32, #tpu.memory_space<vmem>>)
      tpu.yield
    }) : () -> ()
    %dma_start3A = arith.constant 0 : i32
    %dma_start3A_3 = arith.constant 0 : i32
    %dma_start3A_4 = tpu.memref_slice %arg6[%dma_start3A, %dma_start3A_3] : memref<512x64xf32, #tpu.memory_space<vmem>> -> memref<128x64xf32, #tpu.memory_space<vmem>>
    %dma_start3A_5 = arith.constant 0 : i32
    %dma_start3A_6 = tpu.memref_slice %arg5[%dma_start3A_5] : memref<512xi32, #tpu.memory_space<vmem>> -> memref<128xi32, #tpu.memory_space<vmem>>
    %dma_start3A_7 = arith.constant 0 : i32
    %dma_start3A_8 = arith.constant 0 : i32
    %dma_start3A_9 = tpu.memref_slice %arg2[%dma_start3A_7, %dma_start3A_8] : memref<1000x64xf32, #tpu.memory_space<hbm>> -> memref<1000x64xf32, #tpu.memory_space<hbm>>
    tpu.enqueue_indirect_dma source(%dma_start3A_9 : memref<1000x64xf32, #tpu.memory_space<hbm>>) target(%dma_start3A_4 : memref<128x64xf32, #tpu.memory_space<vmem>>) offsets(%dma_start3A_6 : memref<128xi32, #tpu.memory_space<vmem>>) semaphore(%arg8 : memref<!tpu.dma_semaphore, #tpu.memory_space<semaphore_mem>>)
    %dma_start3A_10 = arith.constant 128 : i32
    %dma_start3A_11 = arith.constant 0 : i32
    %dma_start3A_12 = tpu.memref_slice %arg6[%dma_start3A_10, %dma_start3A_11] : memref<512x64xf32, #tpu.memory_space<vmem>> -> memref<128x64xf32, #tpu.memory_space<vmem>>
    %dma_start3A_13 = arith.constant 128 : i32
    %dma_start3A_14 = tpu.memref_slice %arg5[%dma_start3A_13] : memref<512xi32, #tpu.memory_space<vmem>> -> memref<128xi32, #tpu.memory_space<vmem>>
    %dma_start3A_15 = arith.constant 0 : i32
    %dma_start3A_16 = arith.constant 0 : i32
    %dma_start3A_17 = tpu.memref_slice %arg2[%dma_start3A_15, %dma_start3A_16] : memref<1000x64xf32, #tpu.memory_space<hbm>> -> memref<1000x64xf32, #tpu.memory_space<hbm>>
    tpu.enqueue_indirect_dma source(%dma_start3A_17 : memref<1000x64xf32, #tpu.memory_space<hbm>>) target(%dma_start3A_12 : memref<128x64xf32, #tpu.memory_space<vmem>>) offsets(%dma_start3A_14 : memref<128xi32, #tpu.memory_space<vmem>>) semaphore(%arg8 : memref<!tpu.dma_semaphore, #tpu.memory_space<semaphore_mem>>)
    %dma_start3A_18 = arith.constant 256 : i32
    %dma_start3A_19 = arith.constant 0 : i32
    %dma_start3A_20 = tpu.memref_slice %arg6[%dma_start3A_18, %dma_start3A_19] : memref<512x64xf32, #tpu.memory_space<vmem>> -> memref<128x64xf32, #tpu.memory_space<vmem>>
    %dma_start3A_21 = arith.constant 256 : i32
    %dma_start3A_22 = tpu.memref_slice %arg5[%dma_start3A_21] : memref<512xi32, #tpu.memory_space<vmem>> -> memref<128xi32, #tpu.memory_space<vmem>>
    %dma_start3A_23 = arith.constant 0 : i32
    %dma_start3A_24 = arith.constant 0 : i32
    %dma_start3A_25 = tpu.memref_slice %arg2[%dma_start3A_23, %dma_start3A_24] : memref<1000x64xf32, #tpu.memory_space<hbm>> -> memref<1000x64xf32, #tpu.memory_space<hbm>>
    tpu.enqueue_indirect_dma source(%dma_start3A_25 : memref<1000x64xf32, #tpu.memory_space<hbm>>) target(%dma_start3A_20 : memref<128x64xf32, #tpu.memory_space<vmem>>) offsets(%dma_start3A_22 : memref<128xi32, #tpu.memory_space<vmem>>) semaphore(%arg8 : memref<!tpu.dma_semaphore, #tpu.memory_space<semaphore_mem>>)
    %dma_start3A_26 = arith.constant 384 : i32
    %dma_start3A_27 = arith.constant 0 : i32
    %dma_start3A_28 = tpu.memref_slice %arg6[%dma_start3A_26, %dma_start3A_27] : memref<512x64xf32, #tpu.memory_space<vmem>> -> memref<128x64xf32, #tpu.memory_space<vmem>>
    %dma_start3A_29 = arith.constant 384 : i32
    %dma_start3A_30 = tpu.memref_slice %arg5[%dma_start3A_29] : memref<512xi32, #tpu.memory_space<vmem>> -> memref<128xi32, #tpu.memory_space<vmem>>
    %dma_start3A_31 = arith.constant 0 : i32
    %dma_start3A_32 = arith.constant 0 : i32
    %dma_start3A_33 = tpu.memref_slice %arg2[%dma_start3A_31, %dma_start3A_32] : memref<1000x64xf32, #tpu.memory_space<hbm>> -> memref<1000x64xf32, #tpu.memory_space<hbm>>
    tpu.enqueue_indirect_dma source(%dma_start3A_33 : memref<1000x64xf32, #tpu.memory_space<hbm>>) target(%dma_start3A_28 : memref<128x64xf32, #tpu.memory_space<vmem>>) offsets(%dma_start3A_30 : memref<128xi32, #tpu.memory_space<vmem>>) semaphore(%arg8 : memref<!tpu.dma_semaphore, #tpu.memory_space<semaphore_mem>>)
    %iota3A = tpu.iota {dimensions = array<i32: 0>} : vector<16xi32>
    %add3A_34 = arith.constant 0 : i32
    %add3A_35 = vector.broadcast %add3A_34 : i32 to vector<16xi32>
    %add3A_36 = arith.addi %iota3A, %add3A_35 : vector<16xi32>
    %jit3A = arith.constant 16 : i32
    %eq3A = arith.constant 0 : i32
    %eq3A_37 = arith.cmpi eq, %jit3A, %eq3A : i32
    %jit3A_38 = arith.constant 1 : i32
    %select_n3A = arith.select %eq3A_37, %jit3A_38, %jit3A : i32
    %rem3A = vector.broadcast %select_n3A : i32 to vector<16xi32>
    %rem3A_39 = arith.remsi %add3A_36, %rem3A : vector<16xi32>
    %ne3A = arith.constant 0 : i32
    %ne3A_40 = vector.broadcast %ne3A : i32 to vector<16xi32>
    %ne3A_41 = arith.cmpi ne, %rem3A_39, %ne3A_40 : vector<16xi32>
    %lt3A = arith.constant 0 : i32
    %lt3A_42 = vector.broadcast %lt3A : i32 to vector<16xi32>
    %lt3A_43 = arith.cmpi slt, %rem3A_39, %lt3A_42 : vector<16xi32>
    %lt3A_44 = arith.constant 0 : i32
    %lt3A_45 = arith.cmpi slt, %select_n3A, %lt3A_44 : i32
    %ne3A_46 = vector.broadcast %lt3A_45 : i1 to vector<16xi1>
    %ne3A_47 = vector.broadcast %ne3A_46 : vector<16xi1> to vector<16xi1>
    %ne3A_48 = arith.xori %lt3A_43, %ne3A_47 : vector<16xi1>
    %and3A = arith.andi %ne3A_48, %ne3A_41 : vector<16xi1>
    %add3A_49 = vector.broadcast %select_n3A : i32 to vector<16xi32>
    %add3A_50 = arith.addi %rem3A_39, %add3A_49 : vector<16xi32>
    %select_n3A_51 = arith.select %and3A, %add3A_50, %rem3A_39 : vector<16xi1>, vector<16xi32>
    %add3A_52 = arith.constant 1 : i32
    %add3A_53 = vector.broadcast %add3A_52 : i32 to vector<16xi32>
    %add3A_54 = arith.addi %iota3A, %add3A_53 : vector<16xi32>
    %jit3A_55 = arith.constant 16 : i32
    %eq3A_56 = arith.constant 0 : i32
    %eq3A_57 = arith.cmpi eq, %jit3A_55, %eq3A_56 : i32
    %jit3A_58 = arith.constant 1 : i32
    %select_n3A_59 = arith.select %eq3A_57, %jit3A_58, %jit3A_55 : i32
    %rem3A_60 = vector.broadcast %select_n3A_59 : i32 to vector<16xi32>
    %rem3A_61 = arith.remsi %add3A_54, %rem3A_60 : vector<16xi32>
    %ne3A_62 = arith.constant 0 : i32
    %ne3A_63 = vector.broadcast %ne3A_62 : i32 to vector<16xi32>
    %ne3A_64 = arith.cmpi ne, %rem3A_61, %ne3A_63 : vector<16xi32>
    %lt3A_65 = arith.constant 0 : i32
    %lt3A_66 = vector.broadcast %lt3A_65 : i32 to vector<16xi32>
    %lt3A_67 = arith.cmpi slt, %rem3A_61, %lt3A_66 : vector<16xi32>
    %lt3A_68 = arith.constant 0 : i32
    %lt3A_69 = arith.cmpi slt, %select_n3A_59, %lt3A_68 : i32
    %ne3A_70 = vector.broadcast %lt3A_69 : i1 to vector<16xi1>
    %ne3A_71 = vector.broadcast %ne3A_70 : vector<16xi1> to vector<16xi1>
    %ne3A_72 = arith.xori %lt3A_67, %ne3A_71 : vector<16xi1>
    %and3A_73 = arith.andi %ne3A_72, %ne3A_64 : vector<16xi1>
    %add3A_74 = vector.broadcast %select_n3A_59 : i32 to vector<16xi32>
    %add3A_75 = arith.addi %rem3A_61, %add3A_74 : vector<16xi32>
    %select_n3A_76 = arith.select %and3A_73, %add3A_75, %rem3A_61 : vector<16xi1>, vector<16xi32>
    %add3A_77 = arith.constant 2 : i32
    %add3A_78 = vector.broadcast %add3A_77 : i32 to vector<16xi32>
    %add3A_79 = arith.addi %iota3A, %add3A_78 : vector<16xi32>
    %jit3A_80 = arith.constant 16 : i32
    %eq3A_81 = arith.constant 0 : i32
    %eq3A_82 = arith.cmpi eq, %jit3A_80, %eq3A_81 : i32
    %jit3A_83 = arith.constant 1 : i32
    %select_n3A_84 = arith.select %eq3A_82, %jit3A_83, %jit3A_80 : i32
    %rem3A_85 = vector.broadcast %select_n3A_84 : i32 to vector<16xi32>
    %rem3A_86 = arith.remsi %add3A_79, %rem3A_85 : vector<16xi32>
    %ne3A_87 = arith.constant 0 : i32
    %ne3A_88 = vector.broadcast %ne3A_87 : i32 to vector<16xi32>
    %ne3A_89 = arith.cmpi ne, %rem3A_86, %ne3A_88 : vector<16xi32>
    %lt3A_90 = arith.constant 0 : i32
    %lt3A_91 = vector.broadcast %lt3A_90 : i32 to vector<16xi32>
    %lt3A_92 = arith.cmpi slt, %rem3A_86, %lt3A_91 : vector<16xi32>
    %lt3A_93 = arith.constant 0 : i32
    %lt3A_94 = arith.cmpi slt, %select_n3A_84, %lt3A_93 : i32
    %ne3A_95 = vector.broadcast %lt3A_94 : i1 to vector<16xi1>
    %ne3A_96 = vector.broadcast %ne3A_95 : vector<16xi1> to vector<16xi1>
    %ne3A_97 = arith.xori %lt3A_92, %ne3A_96 : vector<16xi1>
    %and3A_98 = arith.andi %ne3A_97, %ne3A_89 : vector<16xi1>
    %add3A_99 = vector.broadcast %select_n3A_84 : i32 to vector<16xi32>
    %add3A_100 = arith.addi %rem3A_86, %add3A_99 : vector<16xi32>
    %select_n3A_101 = arith.select %and3A_98, %add3A_100, %rem3A_86 : vector<16xi1>, vector<16xi32>
    %add3A_102 = arith.constant 3 : i32
    %add3A_103 = vector.broadcast %add3A_102 : i32 to vector<16xi32>
    %add3A_104 = arith.addi %iota3A, %add3A_103 : vector<16xi32>
    %jit3A_105 = arith.constant 16 : i32
    %eq3A_106 = arith.constant 0 : i32
    %eq3A_107 = arith.cmpi eq, %jit3A_105, %eq3A_106 : i32
    %jit3A_108 = arith.constant 1 : i32
    %select_n3A_109 = arith.select %eq3A_107, %jit3A_108, %jit3A_105 : i32
    %rem3A_110 = vector.broadcast %select_n3A_109 : i32 to vector<16xi32>
    %rem3A_111 = arith.remsi %add3A_104, %rem3A_110 : vector<16xi32>
    %ne3A_112 = arith.constant 0 : i32
    %ne3A_113 = vector.broadcast %ne3A_112 : i32 to vector<16xi32>
    %ne3A_114 = arith.cmpi ne, %rem3A_111, %ne3A_113 : vector<16xi32>
    %lt3A_115 = arith.constant 0 : i32
    %lt3A_116 = vector.broadcast %lt3A_115 : i32 to vector<16xi32>
    %lt3A_117 = arith.cmpi slt, %rem3A_111, %lt3A_116 : vector<16xi32>
    %lt3A_118 = arith.constant 0 : i32
    %lt3A_119 = arith.cmpi slt, %select_n3A_109, %lt3A_118 : i32
    %ne3A_120 = vector.broadcast %lt3A_119 : i1 to vector<16xi1>
    %ne3A_121 = vector.broadcast %ne3A_120 : vector<16xi1> to vector<16xi1>
    %ne3A_122 = arith.xori %lt3A_117, %ne3A_121 : vector<16xi1>
    %and3A_123 = arith.andi %ne3A_122, %ne3A_114 : vector<16xi1>
    %add3A_124 = vector.broadcast %select_n3A_109 : i32 to vector<16xi32>
    %add3A_125 = arith.addi %rem3A_111, %add3A_124 : vector<16xi32>
    %select_n3A_126 = arith.select %and3A_123, %add3A_125, %rem3A_111 : vector<16xi1>, vector<16xi32>
    %add3A_127 = arith.constant 4 : i32
    %add3A_128 = vector.broadcast %add3A_127 : i32 to vector<16xi32>
    %add3A_129 = arith.addi %iota3A, %add3A_128 : vector<16xi32>
    %jit3A_130 = arith.constant 16 : i32
    %eq3A_131 = arith.constant 0 : i32
    %eq3A_132 = arith.cmpi eq, %jit3A_130, %eq3A_131 : i32
    %jit3A_133 = arith.constant 1 : i32
    %select_n3A_134 = arith.select %eq3A_132, %jit3A_133, %jit3A_130 : i32
    %rem3A_135 = vector.broadcast %select_n3A_134 : i32 to vector<16xi32>
    %rem3A_136 = arith.remsi %add3A_129, %rem3A_135 : vector<16xi32>
    %ne3A_137 = arith.constant 0 : i32
    %ne3A_138 = vector.broadcast %ne3A_137 : i32 to vector<16xi32>
    %ne3A_139 = arith.cmpi ne, %rem3A_136, %ne3A_138 : vector<16xi32>
    %lt3A_140 = arith.constant 0 : i32
    %lt3A_141 = vector.broadcast %lt3A_140 : i32 to vector<16xi32>
    %lt3A_142 = arith.cmpi slt, %rem3A_136, %lt3A_141 : vector<16xi32>
    %lt3A_143 = arith.constant 0 : i32
    %lt3A_144 = arith.cmpi slt, %select_n3A_134, %lt3A_143 : i32
    %ne3A_145 = vector.broadcast %lt3A_144 : i1 to vector<16xi1>
    %ne3A_146 = vector.broadcast %ne3A_145 : vector<16xi1> to vector<16xi1>
    %ne3A_147 = arith.xori %lt3A_142, %ne3A_146 : vector<16xi1>
    %and3A_148 = arith.andi %ne3A_147, %ne3A_139 : vector<16xi1>
    %add3A_149 = vector.broadcast %select_n3A_134 : i32 to vector<16xi32>
    %add3A_150 = arith.addi %rem3A_136, %add3A_149 : vector<16xi32>
    %select_n3A_151 = arith.select %and3A_148, %add3A_150, %rem3A_136 : vector<16xi1>, vector<16xi32>
    %add3A_152 = arith.constant 5 : i32
    %add3A_153 = vector.broadcast %add3A_152 : i32 to vector<16xi32>
    %add3A_154 = arith.addi %iota3A, %add3A_153 : vector<16xi32>
    %jit3A_155 = arith.constant 16 : i32
    %eq3A_156 = arith.constant 0 : i32
    %eq3A_157 = arith.cmpi eq, %jit3A_155, %eq3A_156 : i32
    %jit3A_158 = arith.constant 1 : i32
    %select_n3A_159 = arith.select %eq3A_157, %jit3A_158, %jit3A_155 : i32
    %rem3A_160 = vector.broadcast %select_n3A_159 : i32 to vector<16xi32>
    %rem3A_161 = arith.remsi %add3A_154, %rem3A_160 : vector<16xi32>
    %ne3A_162 = arith.constant 0 : i32
    %ne3A_163 = vector.broadcast %ne3A_162 : i32 to vector<16xi32>
    %ne3A_164 = arith.cmpi ne, %rem3A_161, %ne3A_163 : vector<16xi32>
    %lt3A_165 = arith.constant 0 : i32
    %lt3A_166 = vector.broadcast %lt3A_165 : i32 to vector<16xi32>
    %lt3A_167 = arith.cmpi slt, %rem3A_161, %lt3A_166 : vector<16xi32>
    %lt3A_168 = arith.constant 0 : i32
    %lt3A_169 = arith.cmpi slt, %select_n3A_159, %lt3A_168 : i32
    %ne3A_170 = vector.broadcast %lt3A_169 : i1 to vector<16xi1>
    %ne3A_171 = vector.broadcast %ne3A_170 : vector<16xi1> to vector<16xi1>
    %ne3A_172 = arith.xori %lt3A_167, %ne3A_171 : vector<16xi1>
    %and3A_173 = arith.andi %ne3A_172, %ne3A_164 : vector<16xi1>
    %add3A_174 = vector.broadcast %select_n3A_159 : i32 to vector<16xi32>
    %add3A_175 = arith.addi %rem3A_161, %add3A_174 : vector<16xi32>
    %select_n3A_176 = arith.select %and3A_173, %add3A_175, %rem3A_161 : vector<16xi1>, vector<16xi32>
    %add3A_177 = arith.constant 6 : i32
    %add3A_178 = vector.broadcast %add3A_177 : i32 to vector<16xi32>
    %add3A_179 = arith.addi %iota3A, %add3A_178 : vector<16xi32>
    %jit3A_180 = arith.constant 16 : i32
    %eq3A_181 = arith.constant 0 : i32
    %eq3A_182 = arith.cmpi eq, %jit3A_180, %eq3A_181 : i32
    %jit3A_183 = arith.constant 1 : i32
    %select_n3A_184 = arith.select %eq3A_182, %jit3A_183, %jit3A_180 : i32
    %rem3A_185 = vector.broadcast %select_n3A_184 : i32 to vector<16xi32>
    %rem3A_186 = arith.remsi %add3A_179, %rem3A_185 : vector<16xi32>
    %ne3A_187 = arith.constant 0 : i32
    %ne3A_188 = vector.broadcast %ne3A_187 : i32 to vector<16xi32>
    %ne3A_189 = arith.cmpi ne, %rem3A_186, %ne3A_188 : vector<16xi32>
    %lt3A_190 = arith.constant 0 : i32
    %lt3A_191 = vector.broadcast %lt3A_190 : i32 to vector<16xi32>
    %lt3A_192 = arith.cmpi slt, %rem3A_186, %lt3A_191 : vector<16xi32>
    %lt3A_193 = arith.constant 0 : i32
    %lt3A_194 = arith.cmpi slt, %select_n3A_184, %lt3A_193 : i32
    %ne3A_195 = vector.broadcast %lt3A_194 : i1 to vector<16xi1>
    %ne3A_196 = vector.broadcast %ne3A_195 : vector<16xi1> to vector<16xi1>
    %ne3A_197 = arith.xori %lt3A_192, %ne3A_196 : vector<16xi1>
    %and3A_198 = arith.andi %ne3A_197, %ne3A_189 : vector<16xi1>
    %add3A_199 = vector.broadcast %select_n3A_184 : i32 to vector<16xi32>
    %add3A_200 = arith.addi %rem3A_186, %add3A_199 : vector<16xi32>
    %select_n3A_201 = arith.select %and3A_198, %add3A_200, %rem3A_186 : vector<16xi1>, vector<16xi32>
    %add3A_202 = arith.constant 7 : i32
    %add3A_203 = vector.broadcast %add3A_202 : i32 to vector<16xi32>
    %add3A_204 = arith.addi %iota3A, %add3A_203 : vector<16xi32>
    %jit3A_205 = arith.constant 16 : i32
    %eq3A_206 = arith.constant 0 : i32
    %eq3A_207 = arith.cmpi eq, %jit3A_205, %eq3A_206 : i32
    %jit3A_208 = arith.constant 1 : i32
    %select_n3A_209 = arith.select %eq3A_207, %jit3A_208, %jit3A_205 : i32
    %rem3A_210 = vector.broadcast %select_n3A_209 : i32 to vector<16xi32>
    %rem3A_211 = arith.remsi %add3A_204, %rem3A_210 : vector<16xi32>
    %ne3A_212 = arith.constant 0 : i32
    %ne3A_213 = vector.broadcast %ne3A_212 : i32 to vector<16xi32>
    %ne3A_214 = arith.cmpi ne, %rem3A_211, %ne3A_213 : vector<16xi32>
    %lt3A_215 = arith.constant 0 : i32
    %lt3A_216 = vector.broadcast %lt3A_215 : i32 to vector<16xi32>
    %lt3A_217 = arith.cmpi slt, %rem3A_211, %lt3A_216 : vector<16xi32>
    %lt3A_218 = arith.constant 0 : i32
    %lt3A_219 = arith.cmpi slt, %select_n3A_209, %lt3A_218 : i32
    %ne3A_220 = vector.broadcast %lt3A_219 : i1 to vector<16xi1>
    %ne3A_221 = vector.broadcast %ne3A_220 : vector<16xi1> to vector<16xi1>
    %ne3A_222 = arith.xori %lt3A_217, %ne3A_221 : vector<16xi1>
    %and3A_223 = arith.andi %ne3A_222, %ne3A_214 : vector<16xi1>
    %add3A_224 = vector.broadcast %select_n3A_209 : i32 to vector<16xi32>
    %add3A_225 = arith.addi %rem3A_211, %add3A_224 : vector<16xi32>
    %select_n3A_226 = arith.select %and3A_223, %add3A_225, %rem3A_211 : vector<16xi1>, vector<16xi32>
    %add3A_227 = arith.constant 8 : i32
    %add3A_228 = vector.broadcast %add3A_227 : i32 to vector<16xi32>
    %add3A_229 = arith.addi %iota3A, %add3A_228 : vector<16xi32>
    %jit3A_230 = arith.constant 16 : i32
    %eq3A_231 = arith.constant 0 : i32
    %eq3A_232 = arith.cmpi eq, %jit3A_230, %eq3A_231 : i32
    %jit3A_233 = arith.constant 1 : i32
    %select_n3A_234 = arith.select %eq3A_232, %jit3A_233, %jit3A_230 : i32
    %rem3A_235 = vector.broadcast %select_n3A_234 : i32 to vector<16xi32>
    %rem3A_236 = arith.remsi %add3A_229, %rem3A_235 : vector<16xi32>
    %ne3A_237 = arith.constant 0 : i32
    %ne3A_238 = vector.broadcast %ne3A_237 : i32 to vector<16xi32>
    %ne3A_239 = arith.cmpi ne, %rem3A_236, %ne3A_238 : vector<16xi32>
    %lt3A_240 = arith.constant 0 : i32
    %lt3A_241 = vector.broadcast %lt3A_240 : i32 to vector<16xi32>
    %lt3A_242 = arith.cmpi slt, %rem3A_236, %lt3A_241 : vector<16xi32>
    %lt3A_243 = arith.constant 0 : i32
    %lt3A_244 = arith.cmpi slt, %select_n3A_234, %lt3A_243 : i32
    %ne3A_245 = vector.broadcast %lt3A_244 : i1 to vector<16xi1>
    %ne3A_246 = vector.broadcast %ne3A_245 : vector<16xi1> to vector<16xi1>
    %ne3A_247 = arith.xori %lt3A_242, %ne3A_246 : vector<16xi1>
    %and3A_248 = arith.andi %ne3A_247, %ne3A_239 : vector<16xi1>
    %add3A_249 = vector.broadcast %select_n3A_234 : i32 to vector<16xi32>
    %add3A_250 = arith.addi %rem3A_236, %add3A_249 : vector<16xi32>
    %select_n3A_251 = arith.select %and3A_248, %add3A_250, %rem3A_236 : vector<16xi1>, vector<16xi32>
    %add3A_252 = arith.constant 9 : i32
    %add3A_253 = vector.broadcast %add3A_252 : i32 to vector<16xi32>
    %add3A_254 = arith.addi %iota3A, %add3A_253 : vector<16xi32>
    %jit3A_255 = arith.constant 16 : i32
    %eq3A_256 = arith.constant 0 : i32
    %eq3A_257 = arith.cmpi eq, %jit3A_255, %eq3A_256 : i32
    %jit3A_258 = arith.constant 1 : i32
    %select_n3A_259 = arith.select %eq3A_257, %jit3A_258, %jit3A_255 : i32
    %rem3A_260 = vector.broadcast %select_n3A_259 : i32 to vector<16xi32>
    %rem3A_261 = arith.remsi %add3A_254, %rem3A_260 : vector<16xi32>
    %ne3A_262 = arith.constant 0 : i32
    %ne3A_263 = vector.broadcast %ne3A_262 : i32 to vector<16xi32>
    %ne3A_264 = arith.cmpi ne, %rem3A_261, %ne3A_263 : vector<16xi32>
    %lt3A_265 = arith.constant 0 : i32
    %lt3A_266 = vector.broadcast %lt3A_265 : i32 to vector<16xi32>
    %lt3A_267 = arith.cmpi slt, %rem3A_261, %lt3A_266 : vector<16xi32>
    %lt3A_268 = arith.constant 0 : i32
    %lt3A_269 = arith.cmpi slt, %select_n3A_259, %lt3A_268 : i32
    %ne3A_270 = vector.broadcast %lt3A_269 : i1 to vector<16xi1>
    %ne3A_271 = vector.broadcast %ne3A_270 : vector<16xi1> to vector<16xi1>
    %ne3A_272 = arith.xori %lt3A_267, %ne3A_271 : vector<16xi1>
    %and3A_273 = arith.andi %ne3A_272, %ne3A_264 : vector<16xi1>
    %add3A_274 = vector.broadcast %select_n3A_259 : i32 to vector<16xi32>
    %add3A_275 = arith.addi %rem3A_261, %add3A_274 : vector<16xi32>
    %select_n3A_276 = arith.select %and3A_273, %add3A_275, %rem3A_261 : vector<16xi1>, vector<16xi32>
    %add3A_277 = arith.constant 10 : i32
    %add3A_278 = vector.broadcast %add3A_277 : i32 to vector<16xi32>
    %add3A_279 = arith.addi %iota3A, %add3A_278 : vector<16xi32>
    %jit3A_280 = arith.constant 16 : i32
    %eq3A_281 = arith.constant 0 : i32
    %eq3A_282 = arith.cmpi eq, %jit3A_280, %eq3A_281 : i32
    %jit3A_283 = arith.constant 1 : i32
    %select_n3A_284 = arith.select %eq3A_282, %jit3A_283, %jit3A_280 : i32
    %rem3A_285 = vector.broadcast %select_n3A_284 : i32 to vector<16xi32>
    %rem3A_286 = arith.remsi %add3A_279, %rem3A_285 : vector<16xi32>
    %ne3A_287 = arith.constant 0 : i32
    %ne3A_288 = vector.broadcast %ne3A_287 : i32 to vector<16xi32>
    %ne3A_289 = arith.cmpi ne, %rem3A_286, %ne3A_288 : vector<16xi32>
    %lt3A_290 = arith.constant 0 : i32
    %lt3A_291 = vector.broadcast %lt3A_290 : i32 to vector<16xi32>
    %lt3A_292 = arith.cmpi slt, %rem3A_286, %lt3A_291 : vector<16xi32>
    %lt3A_293 = arith.constant 0 : i32
    %lt3A_294 = arith.cmpi slt, %select_n3A_284, %lt3A_293 : i32
    %ne3A_295 = vector.broadcast %lt3A_294 : i1 to vector<16xi1>
    %ne3A_296 = vector.broadcast %ne3A_295 : vector<16xi1> to vector<16xi1>
    %ne3A_297 = arith.xori %lt3A_292, %ne3A_296 : vector<16xi1>
    %and3A_298 = arith.andi %ne3A_297, %ne3A_289 : vector<16xi1>
    %add3A_299 = vector.broadcast %select_n3A_284 : i32 to vector<16xi32>
    %add3A_300 = arith.addi %rem3A_286, %add3A_299 : vector<16xi32>
    %select_n3A_301 = arith.select %and3A_298, %add3A_300, %rem3A_286 : vector<16xi1>, vector<16xi32>
    %add3A_302 = arith.constant 11 : i32
    %add3A_303 = vector.broadcast %add3A_302 : i32 to vector<16xi32>
    %add3A_304 = arith.addi %iota3A, %add3A_303 : vector<16xi32>
    %jit3A_305 = arith.constant 16 : i32
    %eq3A_306 = arith.constant 0 : i32
    %eq3A_307 = arith.cmpi eq, %jit3A_305, %eq3A_306 : i32
    %jit3A_308 = arith.constant 1 : i32
    %select_n3A_309 = arith.select %eq3A_307, %jit3A_308, %jit3A_305 : i32
    %rem3A_310 = vector.broadcast %select_n3A_309 : i32 to vector<16xi32>
    %rem3A_311 = arith.remsi %add3A_304, %rem3A_310 : vector<16xi32>
    %ne3A_312 = arith.constant 0 : i32
    %ne3A_313 = vector.broadcast %ne3A_312 : i32 to vector<16xi32>
    %ne3A_314 = arith.cmpi ne, %rem3A_311, %ne3A_313 : vector<16xi32>
    %lt3A_315 = arith.constant 0 : i32
    %lt3A_316 = vector.broadcast %lt3A_315 : i32 to vector<16xi32>
    %lt3A_317 = arith.cmpi slt, %rem3A_311, %lt3A_316 : vector<16xi32>
    %lt3A_318 = arith.constant 0 : i32
    %lt3A_319 = arith.cmpi slt, %select_n3A_309, %lt3A_318 : i32
    %ne3A_320 = vector.broadcast %lt3A_319 : i1 to vector<16xi1>
    %ne3A_321 = vector.broadcast %ne3A_320 : vector<16xi1> to vector<16xi1>
    %ne3A_322 = arith.xori %lt3A_317, %ne3A_321 : vector<16xi1>
    %and3A_323 = arith.andi %ne3A_322, %ne3A_314 : vector<16xi1>
    %add3A_324 = vector.broadcast %select_n3A_309 : i32 to vector<16xi32>
    %add3A_325 = arith.addi %rem3A_311, %add3A_324 : vector<16xi32>
    %select_n3A_326 = arith.select %and3A_323, %add3A_325, %rem3A_311 : vector<16xi1>, vector<16xi32>
    %add3A_327 = arith.constant 12 : i32
    %add3A_328 = vector.broadcast %add3A_327 : i32 to vector<16xi32>
    %add3A_329 = arith.addi %iota3A, %add3A_328 : vector<16xi32>
    %jit3A_330 = arith.constant 16 : i32
    %eq3A_331 = arith.constant 0 : i32
    %eq3A_332 = arith.cmpi eq, %jit3A_330, %eq3A_331 : i32
    %jit3A_333 = arith.constant 1 : i32
    %select_n3A_334 = arith.select %eq3A_332, %jit3A_333, %jit3A_330 : i32
    %rem3A_335 = vector.broadcast %select_n3A_334 : i32 to vector<16xi32>
    %rem3A_336 = arith.remsi %add3A_329, %rem3A_335 : vector<16xi32>
    %ne3A_337 = arith.constant 0 : i32
    %ne3A_338 = vector.broadcast %ne3A_337 : i32 to vector<16xi32>
    %ne3A_339 = arith.cmpi ne, %rem3A_336, %ne3A_338 : vector<16xi32>
    %lt3A_340 = arith.constant 0 : i32
    %lt3A_341 = vector.broadcast %lt3A_340 : i32 to vector<16xi32>
    %lt3A_342 = arith.cmpi slt, %rem3A_336, %lt3A_341 : vector<16xi32>
    %lt3A_343 = arith.constant 0 : i32
    %lt3A_344 = arith.cmpi slt, %select_n3A_334, %lt3A_343 : i32
    %ne3A_345 = vector.broadcast %lt3A_344 : i1 to vector<16xi1>
    %ne3A_346 = vector.broadcast %ne3A_345 : vector<16xi1> to vector<16xi1>
    %ne3A_347 = arith.xori %lt3A_342, %ne3A_346 : vector<16xi1>
    %and3A_348 = arith.andi %ne3A_347, %ne3A_339 : vector<16xi1>
    %add3A_349 = vector.broadcast %select_n3A_334 : i32 to vector<16xi32>
    %add3A_350 = arith.addi %rem3A_336, %add3A_349 : vector<16xi32>
    %select_n3A_351 = arith.select %and3A_348, %add3A_350, %rem3A_336 : vector<16xi1>, vector<16xi32>
    %add3A_352 = arith.constant 13 : i32
    %add3A_353 = vector.broadcast %add3A_352 : i32 to vector<16xi32>
    %add3A_354 = arith.addi %iota3A, %add3A_353 : vector<16xi32>
    %jit3A_355 = arith.constant 16 : i32
    %eq3A_356 = arith.constant 0 : i32
    %eq3A_357 = arith.cmpi eq, %jit3A_355, %eq3A_356 : i32
    %jit3A_358 = arith.constant 1 : i32
    %select_n3A_359 = arith.select %eq3A_357, %jit3A_358, %jit3A_355 : i32
    %rem3A_360 = vector.broadcast %select_n3A_359 : i32 to vector<16xi32>
    %rem3A_361 = arith.remsi %add3A_354, %rem3A_360 : vector<16xi32>
    %ne3A_362 = arith.constant 0 : i32
    %ne3A_363 = vector.broadcast %ne3A_362 : i32 to vector<16xi32>
    %ne3A_364 = arith.cmpi ne, %rem3A_361, %ne3A_363 : vector<16xi32>
    %lt3A_365 = arith.constant 0 : i32
    %lt3A_366 = vector.broadcast %lt3A_365 : i32 to vector<16xi32>
    %lt3A_367 = arith.cmpi slt, %rem3A_361, %lt3A_366 : vector<16xi32>
    %lt3A_368 = arith.constant 0 : i32
    %lt3A_369 = arith.cmpi slt, %select_n3A_359, %lt3A_368 : i32
    %ne3A_370 = vector.broadcast %lt3A_369 : i1 to vector<16xi1>
    %ne3A_371 = vector.broadcast %ne3A_370 : vector<16xi1> to vector<16xi1>
    %ne3A_372 = arith.xori %lt3A_367, %ne3A_371 : vector<16xi1>
    %and3A_373 = arith.andi %ne3A_372, %ne3A_364 : vector<16xi1>
    %add3A_374 = vector.broadcast %select_n3A_359 : i32 to vector<16xi32>
    %add3A_375 = arith.addi %rem3A_361, %add3A_374 : vector<16xi32>
    %select_n3A_376 = arith.select %and3A_373, %add3A_375, %rem3A_361 : vector<16xi1>, vector<16xi32>
    %add3A_377 = arith.constant 14 : i32
    %add3A_378 = vector.broadcast %add3A_377 : i32 to vector<16xi32>
    %add3A_379 = arith.addi %iota3A, %add3A_378 : vector<16xi32>
    %jit3A_380 = arith.constant 16 : i32
    %eq3A_381 = arith.constant 0 : i32
    %eq3A_382 = arith.cmpi eq, %jit3A_380, %eq3A_381 : i32
    %jit3A_383 = arith.constant 1 : i32
    %select_n3A_384 = arith.select %eq3A_382, %jit3A_383, %jit3A_380 : i32
    %rem3A_385 = vector.broadcast %select_n3A_384 : i32 to vector<16xi32>
    %rem3A_386 = arith.remsi %add3A_379, %rem3A_385 : vector<16xi32>
    %ne3A_387 = arith.constant 0 : i32
    %ne3A_388 = vector.broadcast %ne3A_387 : i32 to vector<16xi32>
    %ne3A_389 = arith.cmpi ne, %rem3A_386, %ne3A_388 : vector<16xi32>
    %lt3A_390 = arith.constant 0 : i32
    %lt3A_391 = vector.broadcast %lt3A_390 : i32 to vector<16xi32>
    %lt3A_392 = arith.cmpi slt, %rem3A_386, %lt3A_391 : vector<16xi32>
    %lt3A_393 = arith.constant 0 : i32
    %lt3A_394 = arith.cmpi slt, %select_n3A_384, %lt3A_393 : i32
    %ne3A_395 = vector.broadcast %lt3A_394 : i1 to vector<16xi1>
    %ne3A_396 = vector.broadcast %ne3A_395 : vector<16xi1> to vector<16xi1>
    %ne3A_397 = arith.xori %lt3A_392, %ne3A_396 : vector<16xi1>
    %and3A_398 = arith.andi %ne3A_397, %ne3A_389 : vector<16xi1>
    %add3A_399 = vector.broadcast %select_n3A_384 : i32 to vector<16xi32>
    %add3A_400 = arith.addi %rem3A_386, %add3A_399 : vector<16xi32>
    %select_n3A_401 = arith.select %and3A_398, %add3A_400, %rem3A_386 : vector<16xi1>, vector<16xi32>
    %add3A_402 = arith.constant 15 : i32
    %add3A_403 = vector.broadcast %add3A_402 : i32 to vector<16xi32>
    %add3A_404 = arith.addi %iota3A, %add3A_403 : vector<16xi32>
    %jit3A_405 = arith.constant 16 : i32
    %eq3A_406 = arith.constant 0 : i32
    %eq3A_407 = arith.cmpi eq, %jit3A_405, %eq3A_406 : i32
    %jit3A_408 = arith.constant 1 : i32
    %select_n3A_409 = arith.select %eq3A_407, %jit3A_408, %jit3A_405 : i32
    %rem3A_410 = vector.broadcast %select_n3A_409 : i32 to vector<16xi32>
    %rem3A_411 = arith.remsi %add3A_404, %rem3A_410 : vector<16xi32>
    %ne3A_412 = arith.constant 0 : i32
    %ne3A_413 = vector.broadcast %ne3A_412 : i32 to vector<16xi32>
    %ne3A_414 = arith.cmpi ne, %rem3A_411, %ne3A_413 : vector<16xi32>
    %lt3A_415 = arith.constant 0 : i32
    %lt3A_416 = vector.broadcast %lt3A_415 : i32 to vector<16xi32>
    %lt3A_417 = arith.cmpi slt, %rem3A_411, %lt3A_416 : vector<16xi32>
    %lt3A_418 = arith.constant 0 : i32
    %lt3A_419 = arith.cmpi slt, %select_n3A_409, %lt3A_418 : i32
    %ne3A_420 = vector.broadcast %lt3A_419 : i1 to vector<16xi1>
    %ne3A_421 = vector.broadcast %ne3A_420 : vector<16xi1> to vector<16xi1>
    %ne3A_422 = arith.xori %lt3A_417, %ne3A_421 : vector<16xi1>
    %and3A_423 = arith.andi %ne3A_422, %ne3A_414 : vector<16xi1>
    %add3A_424 = vector.broadcast %select_n3A_409 : i32 to vector<16xi32>
    %add3A_425 = arith.addi %rem3A_411, %add3A_424 : vector<16xi32>
    %select_n3A_426 = arith.select %and3A_423, %add3A_425, %rem3A_411 : vector<16xi1>, vector<16xi32>
    %jit3A_427 = arith.constant 8 : i32
    %div3A = vector.broadcast %jit3A_427 : i32 to vector<16xi32>
    %div3A_428 = arith.divsi %select_n3A_51, %div3A : vector<16xi32>
    %sign3A = arith.constant 0 : i32
    %sign3A_429 = vector.broadcast %sign3A : i32 to vector<16xi32>
    %sign3A_430 = arith.cmpi sgt, %select_n3A_51, %sign3A_429 : vector<16xi32>
    %sign3A_431 = arith.extui %sign3A_430 : vector<16xi1> to vector<16xi32>
    %sign3A_432 = arith.constant 0 : i32
    %sign3A_433 = vector.broadcast %sign3A_432 : i32 to vector<16xi32>
    %sign3A_434 = arith.cmpi slt, %select_n3A_51, %sign3A_433 : vector<16xi32>
    %sign3A_435 = arith.extui %sign3A_434 : vector<16xi1> to vector<16xi32>
    %sign3A_436 = arith.subi %sign3A_431, %sign3A_435 : vector<16xi32>
    %sign3A_437 = arith.constant 0 : i32
    %sign3A_438 = arith.cmpi sgt, %jit3A_427, %sign3A_437 : i32
    %sign3A_439 = arith.extui %sign3A_438 : i1 to i32
    %sign3A_440 = arith.constant 0 : i32
    %sign3A_441 = arith.cmpi slt, %jit3A_427, %sign3A_440 : i32
    %sign3A_442 = arith.extui %sign3A_441 : i1 to i32
    %sign3A_443 = arith.subi %sign3A_439, %sign3A_442 : i32
    %ne3A_444 = vector.broadcast %sign3A_443 : i32 to vector<16xi32>
    %ne3A_445 = arith.cmpi ne, %sign3A_436, %ne3A_444 : vector<16xi32>
    %rem3A_446 = vector.broadcast %jit3A_427 : i32 to vector<16xi32>
    %rem3A_447 = arith.remsi %select_n3A_51, %rem3A_446 : vector<16xi32>
    %ne3A_448 = arith.constant 0 : i32
    %ne3A_449 = vector.broadcast %ne3A_448 : i32 to vector<16xi32>
    %ne3A_450 = arith.cmpi ne, %rem3A_447, %ne3A_449 : vector<16xi32>
    %and3A_451 = arith.andi %ne3A_445, %ne3A_450 : vector<16xi1>
    %sub3A = arith.constant 1 : i32
    %sub3A_452 = vector.broadcast %sub3A : i32 to vector<16xi32>
    %sub3A_453 = arith.subi %div3A_428, %sub3A_452 : vector<16xi32>
    %select_n3A_454 = arith.select %and3A_451, %sub3A_453, %div3A_428 : vector<16xi1>, vector<16xi32>
    %mul3A_455 = arith.constant 4096 : i32
    %mul3A_456 = vector.broadcast %mul3A_455 : i32 to vector<16xi32>
    %mul3A_457 = arith.muli %select_n3A_454, %mul3A_456 : vector<16xi32>
    %jit3A_458 = arith.constant 8 : i32
    %eq3A_459 = arith.constant 0 : i32
    %eq3A_460 = arith.cmpi eq, %jit3A_458, %eq3A_459 : i32
    %jit3A_461 = arith.constant 1 : i32
    %select_n3A_462 = arith.select %eq3A_460, %jit3A_461, %jit3A_458 : i32
    %rem3A_463 = vector.broadcast %select_n3A_462 : i32 to vector<16xi32>
    %rem3A_464 = arith.remsi %select_n3A_51, %rem3A_463 : vector<16xi32>
    %ne3A_465 = arith.constant 0 : i32
    %ne3A_466 = vector.broadcast %ne3A_465 : i32 to vector<16xi32>
    %ne3A_467 = arith.cmpi ne, %rem3A_464, %ne3A_466 : vector<16xi32>
    %lt3A_468 = arith.constant 0 : i32
    %lt3A_469 = vector.broadcast %lt3A_468 : i32 to vector<16xi32>
    %lt3A_470 = arith.cmpi slt, %rem3A_464, %lt3A_469 : vector<16xi32>
    %lt3A_471 = arith.constant 0 : i32
    %lt3A_472 = arith.cmpi slt, %select_n3A_462, %lt3A_471 : i32
    %ne3A_473 = vector.broadcast %lt3A_472 : i1 to vector<16xi1>
    %ne3A_474 = vector.broadcast %ne3A_473 : vector<16xi1> to vector<16xi1>
    %ne3A_475 = arith.xori %lt3A_470, %ne3A_474 : vector<16xi1>
    %and3A_476 = arith.andi %ne3A_475, %ne3A_467 : vector<16xi1>
    %add3A_477 = vector.broadcast %select_n3A_462 : i32 to vector<16xi32>
    %add3A_478 = arith.addi %rem3A_464, %add3A_477 : vector<16xi32>
    %select_n3A_479 = arith.select %and3A_476, %add3A_478, %rem3A_464 : vector<16xi1>, vector<16xi32>
    %mul3A_480 = arith.constant 128 : i32
    %mul3A_481 = vector.broadcast %mul3A_480 : i32 to vector<16xi32>
    %mul3A_482 = arith.muli %select_n3A_479, %mul3A_481 : vector<16xi32>
    %add3A_483 = arith.addi %mul3A_457, %mul3A_482 : vector<16xi32>
    %add3A_484 = arith.addi %add3A_483, %iota3A : vector<16xi32>
    %jit3A_485 = arith.constant 8 : i32
    %div3A_486 = vector.broadcast %jit3A_485 : i32 to vector<16xi32>
    %div3A_487 = arith.divsi %select_n3A_76, %div3A_486 : vector<16xi32>
    %sign3A_488 = arith.constant 0 : i32
    %sign3A_489 = vector.broadcast %sign3A_488 : i32 to vector<16xi32>
    %sign3A_490 = arith.cmpi sgt, %select_n3A_76, %sign3A_489 : vector<16xi32>
    %sign3A_491 = arith.extui %sign3A_490 : vector<16xi1> to vector<16xi32>
    %sign3A_492 = arith.constant 0 : i32
    %sign3A_493 = vector.broadcast %sign3A_492 : i32 to vector<16xi32>
    %sign3A_494 = arith.cmpi slt, %select_n3A_76, %sign3A_493 : vector<16xi32>
    %sign3A_495 = arith.extui %sign3A_494 : vector<16xi1> to vector<16xi32>
    %sign3A_496 = arith.subi %sign3A_491, %sign3A_495 : vector<16xi32>
    %sign3A_497 = arith.constant 0 : i32
    %sign3A_498 = arith.cmpi sgt, %jit3A_485, %sign3A_497 : i32
    %sign3A_499 = arith.extui %sign3A_498 : i1 to i32
    %sign3A_500 = arith.constant 0 : i32
    %sign3A_501 = arith.cmpi slt, %jit3A_485, %sign3A_500 : i32
    %sign3A_502 = arith.extui %sign3A_501 : i1 to i32
    %sign3A_503 = arith.subi %sign3A_499, %sign3A_502 : i32
    %ne3A_504 = vector.broadcast %sign3A_503 : i32 to vector<16xi32>
    %ne3A_505 = arith.cmpi ne, %sign3A_496, %ne3A_504 : vector<16xi32>
    %rem3A_506 = vector.broadcast %jit3A_485 : i32 to vector<16xi32>
    %rem3A_507 = arith.remsi %select_n3A_76, %rem3A_506 : vector<16xi32>
    %ne3A_508 = arith.constant 0 : i32
    %ne3A_509 = vector.broadcast %ne3A_508 : i32 to vector<16xi32>
    %ne3A_510 = arith.cmpi ne, %rem3A_507, %ne3A_509 : vector<16xi32>
    %and3A_511 = arith.andi %ne3A_505, %ne3A_510 : vector<16xi1>
    %sub3A_512 = arith.constant 1 : i32
    %sub3A_513 = vector.broadcast %sub3A_512 : i32 to vector<16xi32>
    %sub3A_514 = arith.subi %div3A_487, %sub3A_513 : vector<16xi32>
    %select_n3A_515 = arith.select %and3A_511, %sub3A_514, %div3A_487 : vector<16xi1>, vector<16xi32>
    %mul3A_516 = arith.constant 4096 : i32
    %mul3A_517 = vector.broadcast %mul3A_516 : i32 to vector<16xi32>
    %mul3A_518 = arith.muli %select_n3A_515, %mul3A_517 : vector<16xi32>
    %jit3A_519 = arith.constant 8 : i32
    %eq3A_520 = arith.constant 0 : i32
    %eq3A_521 = arith.cmpi eq, %jit3A_519, %eq3A_520 : i32
    %jit3A_522 = arith.constant 1 : i32
    %select_n3A_523 = arith.select %eq3A_521, %jit3A_522, %jit3A_519 : i32
    %rem3A_524 = vector.broadcast %select_n3A_523 : i32 to vector<16xi32>
    %rem3A_525 = arith.remsi %select_n3A_76, %rem3A_524 : vector<16xi32>
    %ne3A_526 = arith.constant 0 : i32
    %ne3A_527 = vector.broadcast %ne3A_526 : i32 to vector<16xi32>
    %ne3A_528 = arith.cmpi ne, %rem3A_525, %ne3A_527 : vector<16xi32>
    %lt3A_529 = arith.constant 0 : i32
    %lt3A_530 = vector.broadcast %lt3A_529 : i32 to vector<16xi32>
    %lt3A_531 = arith.cmpi slt, %rem3A_525, %lt3A_530 : vector<16xi32>
    %lt3A_532 = arith.constant 0 : i32
    %lt3A_533 = arith.cmpi slt, %select_n3A_523, %lt3A_532 : i32
    %ne3A_534 = vector.broadcast %lt3A_533 : i1 to vector<16xi1>
    %ne3A_535 = vector.broadcast %ne3A_534 : vector<16xi1> to vector<16xi1>
    %ne3A_536 = arith.xori %lt3A_531, %ne3A_535 : vector<16xi1>
    %and3A_537 = arith.andi %ne3A_536, %ne3A_528 : vector<16xi1>
    %add3A_538 = vector.broadcast %select_n3A_523 : i32 to vector<16xi32>
    %add3A_539 = arith.addi %rem3A_525, %add3A_538 : vector<16xi32>
    %select_n3A_540 = arith.select %and3A_537, %add3A_539, %rem3A_525 : vector<16xi1>, vector<16xi32>
    %mul3A_541 = arith.constant 128 : i32
    %mul3A_542 = vector.broadcast %mul3A_541 : i32 to vector<16xi32>
    %mul3A_543 = arith.muli %select_n3A_540, %mul3A_542 : vector<16xi32>
    %add3A_544 = arith.addi %mul3A_518, %mul3A_543 : vector<16xi32>
    %add3A_545 = arith.addi %add3A_544, %iota3A : vector<16xi32>
    %jit3A_546 = arith.constant 8 : i32
    %div3A_547 = vector.broadcast %jit3A_546 : i32 to vector<16xi32>
    %div3A_548 = arith.divsi %select_n3A_101, %div3A_547 : vector<16xi32>
    %sign3A_549 = arith.constant 0 : i32
    %sign3A_550 = vector.broadcast %sign3A_549 : i32 to vector<16xi32>
    %sign3A_551 = arith.cmpi sgt, %select_n3A_101, %sign3A_550 : vector<16xi32>
    %sign3A_552 = arith.extui %sign3A_551 : vector<16xi1> to vector<16xi32>
    %sign3A_553 = arith.constant 0 : i32
    %sign3A_554 = vector.broadcast %sign3A_553 : i32 to vector<16xi32>
    %sign3A_555 = arith.cmpi slt, %select_n3A_101, %sign3A_554 : vector<16xi32>
    %sign3A_556 = arith.extui %sign3A_555 : vector<16xi1> to vector<16xi32>
    %sign3A_557 = arith.subi %sign3A_552, %sign3A_556 : vector<16xi32>
    %sign3A_558 = arith.constant 0 : i32
    %sign3A_559 = arith.cmpi sgt, %jit3A_546, %sign3A_558 : i32
    %sign3A_560 = arith.extui %sign3A_559 : i1 to i32
    %sign3A_561 = arith.constant 0 : i32
    %sign3A_562 = arith.cmpi slt, %jit3A_546, %sign3A_561 : i32
    %sign3A_563 = arith.extui %sign3A_562 : i1 to i32
    %sign3A_564 = arith.subi %sign3A_560, %sign3A_563 : i32
    %ne3A_565 = vector.broadcast %sign3A_564 : i32 to vector<16xi32>
    %ne3A_566 = arith.cmpi ne, %sign3A_557, %ne3A_565 : vector<16xi32>
    %rem3A_567 = vector.broadcast %jit3A_546 : i32 to vector<16xi32>
    %rem3A_568 = arith.remsi %select_n3A_101, %rem3A_567 : vector<16xi32>
    %ne3A_569 = arith.constant 0 : i32
    %ne3A_570 = vector.broadcast %ne3A_569 : i32 to vector<16xi32>
    %ne3A_571 = arith.cmpi ne, %rem3A_568, %ne3A_570 : vector<16xi32>
    %and3A_572 = arith.andi %ne3A_566, %ne3A_571 : vector<16xi1>
    %sub3A_573 = arith.constant 1 : i32
    %sub3A_574 = vector.broadcast %sub3A_573 : i32 to vector<16xi32>
    %sub3A_575 = arith.subi %div3A_548, %sub3A_574 : vector<16xi32>
    %select_n3A_576 = arith.select %and3A_572, %sub3A_575, %div3A_548 : vector<16xi1>, vector<16xi32>
    %mul3A_577 = arith.constant 4096 : i32
    %mul3A_578 = vector.broadcast %mul3A_577 : i32 to vector<16xi32>
    %mul3A_579 = arith.muli %select_n3A_576, %mul3A_578 : vector<16xi32>
    %jit3A_580 = arith.constant 8 : i32
    %eq3A_581 = arith.constant 0 : i32
    %eq3A_582 = arith.cmpi eq, %jit3A_580, %eq3A_581 : i32
    %jit3A_583 = arith.constant 1 : i32
    %select_n3A_584 = arith.select %eq3A_582, %jit3A_583, %jit3A_580 : i32
    %rem3A_585 = vector.broadcast %select_n3A_584 : i32 to vector<16xi32>
    %rem3A_586 = arith.remsi %select_n3A_101, %rem3A_585 : vector<16xi32>
    %ne3A_587 = arith.constant 0 : i32
    %ne3A_588 = vector.broadcast %ne3A_587 : i32 to vector<16xi32>
    %ne3A_589 = arith.cmpi ne, %rem3A_586, %ne3A_588 : vector<16xi32>
    %lt3A_590 = arith.constant 0 : i32
    %lt3A_591 = vector.broadcast %lt3A_590 : i32 to vector<16xi32>
    %lt3A_592 = arith.cmpi slt, %rem3A_586, %lt3A_591 : vector<16xi32>
    %lt3A_593 = arith.constant 0 : i32
    %lt3A_594 = arith.cmpi slt, %select_n3A_584, %lt3A_593 : i32
    %ne3A_595 = vector.broadcast %lt3A_594 : i1 to vector<16xi1>
    %ne3A_596 = vector.broadcast %ne3A_595 : vector<16xi1> to vector<16xi1>
    %ne3A_597 = arith.xori %lt3A_592, %ne3A_596 : vector<16xi1>
    %and3A_598 = arith.andi %ne3A_597, %ne3A_589 : vector<16xi1>
    %add3A_599 = vector.broadcast %select_n3A_584 : i32 to vector<16xi32>
    %add3A_600 = arith.addi %rem3A_586, %add3A_599 : vector<16xi32>
    %select_n3A_601 = arith.select %and3A_598, %add3A_600, %rem3A_586 : vector<16xi1>, vector<16xi32>
    %mul3A_602 = arith.constant 128 : i32
    %mul3A_603 = vector.broadcast %mul3A_602 : i32 to vector<16xi32>
    %mul3A_604 = arith.muli %select_n3A_601, %mul3A_603 : vector<16xi32>
    %add3A_605 = arith.addi %mul3A_579, %mul3A_604 : vector<16xi32>
    %add3A_606 = arith.addi %add3A_605, %iota3A : vector<16xi32>
    %jit3A_607 = arith.constant 8 : i32
    %div3A_608 = vector.broadcast %jit3A_607 : i32 to vector<16xi32>
    %div3A_609 = arith.divsi %select_n3A_126, %div3A_608 : vector<16xi32>
    %sign3A_610 = arith.constant 0 : i32
    %sign3A_611 = vector.broadcast %sign3A_610 : i32 to vector<16xi32>
    %sign3A_612 = arith.cmpi sgt, %select_n3A_126, %sign3A_611 : vector<16xi32>
    %sign3A_613 = arith.extui %sign3A_612 : vector<16xi1> to vector<16xi32>
    %sign3A_614 = arith.constant 0 : i32
    %sign3A_615 = vector.broadcast %sign3A_614 : i32 to vector<16xi32>
    %sign3A_616 = arith.cmpi slt, %select_n3A_126, %sign3A_615 : vector<16xi32>
    %sign3A_617 = arith.extui %sign3A_616 : vector<16xi1> to vector<16xi32>
    %sign3A_618 = arith.subi %sign3A_613, %sign3A_617 : vector<16xi32>
    %sign3A_619 = arith.constant 0 : i32
    %sign3A_620 = arith.cmpi sgt, %jit3A_607, %sign3A_619 : i32
    %sign3A_621 = arith.extui %sign3A_620 : i1 to i32
    %sign3A_622 = arith.constant 0 : i32
    %sign3A_623 = arith.cmpi slt, %jit3A_607, %sign3A_622 : i32
    %sign3A_624 = arith.extui %sign3A_623 : i1 to i32
    %sign3A_625 = arith.subi %sign3A_621, %sign3A_624 : i32
    %ne3A_626 = vector.broadcast %sign3A_625 : i32 to vector<16xi32>
    %ne3A_627 = arith.cmpi ne, %sign3A_618, %ne3A_626 : vector<16xi32>
    %rem3A_628 = vector.broadcast %jit3A_607 : i32 to vector<16xi32>
    %rem3A_629 = arith.remsi %select_n3A_126, %rem3A_628 : vector<16xi32>
    %ne3A_630 = arith.constant 0 : i32
    %ne3A_631 = vector.broadcast %ne3A_630 : i32 to vector<16xi32>
    %ne3A_632 = arith.cmpi ne, %rem3A_629, %ne3A_631 : vector<16xi32>
    %and3A_633 = arith.andi %ne3A_627, %ne3A_632 : vector<16xi1>
    %sub3A_634 = arith.constant 1 : i32
    %sub3A_635 = vector.broadcast %sub3A_634 : i32 to vector<16xi32>
    %sub3A_636 = arith.subi %div3A_609, %sub3A_635 : vector<16xi32>
    %select_n3A_637 = arith.select %and3A_633, %sub3A_636, %div3A_609 : vector<16xi1>, vector<16xi32>
    %mul3A_638 = arith.constant 4096 : i32
    %mul3A_639 = vector.broadcast %mul3A_638 : i32 to vector<16xi32>
    %mul3A_640 = arith.muli %select_n3A_637, %mul3A_639 : vector<16xi32>
    %jit3A_641 = arith.constant 8 : i32
    %eq3A_642 = arith.constant 0 : i32
    %eq3A_643 = arith.cmpi eq, %jit3A_641, %eq3A_642 : i32
    %jit3A_644 = arith.constant 1 : i32
    %select_n3A_645 = arith.select %eq3A_643, %jit3A_644, %jit3A_641 : i32
    %rem3A_646 = vector.broadcast %select_n3A_645 : i32 to vector<16xi32>
    %rem3A_647 = arith.remsi %select_n3A_126, %rem3A_646 : vector<16xi32>
    %ne3A_648 = arith.constant 0 : i32
    %ne3A_649 = vector.broadcast %ne3A_648 : i32 to vector<16xi32>
    %ne3A_650 = arith.cmpi ne, %rem3A_647, %ne3A_649 : vector<16xi32>
    %lt3A_651 = arith.constant 0 : i32
    %lt3A_652 = vector.broadcast %lt3A_651 : i32 to vector<16xi32>
    %lt3A_653 = arith.cmpi slt, %rem3A_647, %lt3A_652 : vector<16xi32>
    %lt3A_654 = arith.constant 0 : i32
    %lt3A_655 = arith.cmpi slt, %select_n3A_645, %lt3A_654 : i32
    %ne3A_656 = vector.broadcast %lt3A_655 : i1 to vector<16xi1>
    %ne3A_657 = vector.broadcast %ne3A_656 : vector<16xi1> to vector<16xi1>
    %ne3A_658 = arith.xori %lt3A_653, %ne3A_657 : vector<16xi1>
    %and3A_659 = arith.andi %ne3A_658, %ne3A_650 : vector<16xi1>
    %add3A_660 = vector.broadcast %select_n3A_645 : i32 to vector<16xi32>
    %add3A_661 = arith.addi %rem3A_647, %add3A_660 : vector<16xi32>
    %select_n3A_662 = arith.select %and3A_659, %add3A_661, %rem3A_647 : vector<16xi1>, vector<16xi32>
    %mul3A_663 = arith.constant 128 : i32
    %mul3A_664 = vector.broadcast %mul3A_663 : i32 to vector<16xi32>
    %mul3A_665 = arith.muli %select_n3A_662, %mul3A_664 : vector<16xi32>
    %add3A_666 = arith.addi %mul3A_640, %mul3A_665 : vector<16xi32>
    %add3A_667 = arith.addi %add3A_666, %iota3A : vector<16xi32>
    %jit3A_668 = arith.constant 8 : i32
    %div3A_669 = vector.broadcast %jit3A_668 : i32 to vector<16xi32>
    %div3A_670 = arith.divsi %select_n3A_151, %div3A_669 : vector<16xi32>
    %sign3A_671 = arith.constant 0 : i32
    %sign3A_672 = vector.broadcast %sign3A_671 : i32 to vector<16xi32>
    %sign3A_673 = arith.cmpi sgt, %select_n3A_151, %sign3A_672 : vector<16xi32>
    %sign3A_674 = arith.extui %sign3A_673 : vector<16xi1> to vector<16xi32>
    %sign3A_675 = arith.constant 0 : i32
    %sign3A_676 = vector.broadcast %sign3A_675 : i32 to vector<16xi32>
    %sign3A_677 = arith.cmpi slt, %select_n3A_151, %sign3A_676 : vector<16xi32>
    %sign3A_678 = arith.extui %sign3A_677 : vector<16xi1> to vector<16xi32>
    %sign3A_679 = arith.subi %sign3A_674, %sign3A_678 : vector<16xi32>
    %sign3A_680 = arith.constant 0 : i32
    %sign3A_681 = arith.cmpi sgt, %jit3A_668, %sign3A_680 : i32
    %sign3A_682 = arith.extui %sign3A_681 : i1 to i32
    %sign3A_683 = arith.constant 0 : i32
    %sign3A_684 = arith.cmpi slt, %jit3A_668, %sign3A_683 : i32
    %sign3A_685 = arith.extui %sign3A_684 : i1 to i32
    %sign3A_686 = arith.subi %sign3A_682, %sign3A_685 : i32
    %ne3A_687 = vector.broadcast %sign3A_686 : i32 to vector<16xi32>
    %ne3A_688 = arith.cmpi ne, %sign3A_679, %ne3A_687 : vector<16xi32>
    %rem3A_689 = vector.broadcast %jit3A_668 : i32 to vector<16xi32>
    %rem3A_690 = arith.remsi %select_n3A_151, %rem3A_689 : vector<16xi32>
    %ne3A_691 = arith.constant 0 : i32
    %ne3A_692 = vector.broadcast %ne3A_691 : i32 to vector<16xi32>
    %ne3A_693 = arith.cmpi ne, %rem3A_690, %ne3A_692 : vector<16xi32>
    %and3A_694 = arith.andi %ne3A_688, %ne3A_693 : vector<16xi1>
    %sub3A_695 = arith.constant 1 : i32
    %sub3A_696 = vector.broadcast %sub3A_695 : i32 to vector<16xi32>
    %sub3A_697 = arith.subi %div3A_670, %sub3A_696 : vector<16xi32>
    %select_n3A_698 = arith.select %and3A_694, %sub3A_697, %div3A_670 : vector<16xi1>, vector<16xi32>
    %mul3A_699 = arith.constant 4096 : i32
    %mul3A_700 = vector.broadcast %mul3A_699 : i32 to vector<16xi32>
    %mul3A_701 = arith.muli %select_n3A_698, %mul3A_700 : vector<16xi32>
    %jit3A_702 = arith.constant 8 : i32
    %eq3A_703 = arith.constant 0 : i32
    %eq3A_704 = arith.cmpi eq, %jit3A_702, %eq3A_703 : i32
    %jit3A_705 = arith.constant 1 : i32
    %select_n3A_706 = arith.select %eq3A_704, %jit3A_705, %jit3A_702 : i32
    %rem3A_707 = vector.broadcast %select_n3A_706 : i32 to vector<16xi32>
    %rem3A_708 = arith.remsi %select_n3A_151, %rem3A_707 : vector<16xi32>
    %ne3A_709 = arith.constant 0 : i32
    %ne3A_710 = vector.broadcast %ne3A_709 : i32 to vector<16xi32>
    %ne3A_711 = arith.cmpi ne, %rem3A_708, %ne3A_710 : vector<16xi32>
    %lt3A_712 = arith.constant 0 : i32
    %lt3A_713 = vector.broadcast %lt3A_712 : i32 to vector<16xi32>
    %lt3A_714 = arith.cmpi slt, %rem3A_708, %lt3A_713 : vector<16xi32>
    %lt3A_715 = arith.constant 0 : i32
    %lt3A_716 = arith.cmpi slt, %select_n3A_706, %lt3A_715 : i32
    %ne3A_717 = vector.broadcast %lt3A_716 : i1 to vector<16xi1>
    %ne3A_718 = vector.broadcast %ne3A_717 : vector<16xi1> to vector<16xi1>
    %ne3A_719 = arith.xori %lt3A_714, %ne3A_718 : vector<16xi1>
    %and3A_720 = arith.andi %ne3A_719, %ne3A_711 : vector<16xi1>
    %add3A_721 = vector.broadcast %select_n3A_706 : i32 to vector<16xi32>
    %add3A_722 = arith.addi %rem3A_708, %add3A_721 : vector<16xi32>
    %select_n3A_723 = arith.select %and3A_720, %add3A_722, %rem3A_708 : vector<16xi1>, vector<16xi32>
    %mul3A_724 = arith.constant 128 : i32
    %mul3A_725 = vector.broadcast %mul3A_724 : i32 to vector<16xi32>
    %mul3A_726 = arith.muli %select_n3A_723, %mul3A_725 : vector<16xi32>
    %add3A_727 = arith.addi %mul3A_701, %mul3A_726 : vector<16xi32>
    %add3A_728 = arith.addi %add3A_727, %iota3A : vector<16xi32>
    %jit3A_729 = arith.constant 8 : i32
    %div3A_730 = vector.broadcast %jit3A_729 : i32 to vector<16xi32>
    %div3A_731 = arith.divsi %select_n3A_176, %div3A_730 : vector<16xi32>
    %sign3A_732 = arith.constant 0 : i32
    %sign3A_733 = vector.broadcast %sign3A_732 : i32 to vector<16xi32>
    %sign3A_734 = arith.cmpi sgt, %select_n3A_176, %sign3A_733 : vector<16xi32>
    %sign3A_735 = arith.extui %sign3A_734 : vector<16xi1> to vector<16xi32>
    %sign3A_736 = arith.constant 0 : i32
    %sign3A_737 = vector.broadcast %sign3A_736 : i32 to vector<16xi32>
    %sign3A_738 = arith.cmpi slt, %select_n3A_176, %sign3A_737 : vector<16xi32>
    %sign3A_739 = arith.extui %sign3A_738 : vector<16xi1> to vector<16xi32>
    %sign3A_740 = arith.subi %sign3A_735, %sign3A_739 : vector<16xi32>
    %sign3A_741 = arith.constant 0 : i32
    %sign3A_742 = arith.cmpi sgt, %jit3A_729, %sign3A_741 : i32
    %sign3A_743 = arith.extui %sign3A_742 : i1 to i32
    %sign3A_744 = arith.constant 0 : i32
    %sign3A_745 = arith.cmpi slt, %jit3A_729, %sign3A_744 : i32
    %sign3A_746 = arith.extui %sign3A_745 : i1 to i32
    %sign3A_747 = arith.subi %sign3A_743, %sign3A_746 : i32
    %ne3A_748 = vector.broadcast %sign3A_747 : i32 to vector<16xi32>
    %ne3A_749 = arith.cmpi ne, %sign3A_740, %ne3A_748 : vector<16xi32>
    %rem3A_750 = vector.broadcast %jit3A_729 : i32 to vector<16xi32>
    %rem3A_751 = arith.remsi %select_n3A_176, %rem3A_750 : vector<16xi32>
    %ne3A_752 = arith.constant 0 : i32
    %ne3A_753 = vector.broadcast %ne3A_752 : i32 to vector<16xi32>
    %ne3A_754 = arith.cmpi ne, %rem3A_751, %ne3A_753 : vector<16xi32>
    %and3A_755 = arith.andi %ne3A_749, %ne3A_754 : vector<16xi1>
    %sub3A_756 = arith.constant 1 : i32
    %sub3A_757 = vector.broadcast %sub3A_756 : i32 to vector<16xi32>
    %sub3A_758 = arith.subi %div3A_731, %sub3A_757 : vector<16xi32>
    %select_n3A_759 = arith.select %and3A_755, %sub3A_758, %div3A_731 : vector<16xi1>, vector<16xi32>
    %mul3A_760 = arith.constant 4096 : i32
    %mul3A_761 = vector.broadcast %mul3A_760 : i32 to vector<16xi32>
    %mul3A_762 = arith.muli %select_n3A_759, %mul3A_761 : vector<16xi32>
    %jit3A_763 = arith.constant 8 : i32
    %eq3A_764 = arith.constant 0 : i32
    %eq3A_765 = arith.cmpi eq, %jit3A_763, %eq3A_764 : i32
    %jit3A_766 = arith.constant 1 : i32
    %select_n3A_767 = arith.select %eq3A_765, %jit3A_766, %jit3A_763 : i32
    %rem3A_768 = vector.broadcast %select_n3A_767 : i32 to vector<16xi32>
    %rem3A_769 = arith.remsi %select_n3A_176, %rem3A_768 : vector<16xi32>
    %ne3A_770 = arith.constant 0 : i32
    %ne3A_771 = vector.broadcast %ne3A_770 : i32 to vector<16xi32>
    %ne3A_772 = arith.cmpi ne, %rem3A_769, %ne3A_771 : vector<16xi32>
    %lt3A_773 = arith.constant 0 : i32
    %lt3A_774 = vector.broadcast %lt3A_773 : i32 to vector<16xi32>
    %lt3A_775 = arith.cmpi slt, %rem3A_769, %lt3A_774 : vector<16xi32>
    %lt3A_776 = arith.constant 0 : i32
    %lt3A_777 = arith.cmpi slt, %select_n3A_767, %lt3A_776 : i32
    %ne3A_778 = vector.broadcast %lt3A_777 : i1 to vector<16xi1>
    %ne3A_779 = vector.broadcast %ne3A_778 : vector<16xi1> to vector<16xi1>
    %ne3A_780 = arith.xori %lt3A_775, %ne3A_779 : vector<16xi1>
    %and3A_781 = arith.andi %ne3A_780, %ne3A_772 : vector<16xi1>
    %add3A_782 = vector.broadcast %select_n3A_767 : i32 to vector<16xi32>
    %add3A_783 = arith.addi %rem3A_769, %add3A_782 : vector<16xi32>
    %select_n3A_784 = arith.select %and3A_781, %add3A_783, %rem3A_769 : vector<16xi1>, vector<16xi32>
    %mul3A_785 = arith.constant 128 : i32
    %mul3A_786 = vector.broadcast %mul3A_785 : i32 to vector<16xi32>
    %mul3A_787 = arith.muli %select_n3A_784, %mul3A_786 : vector<16xi32>
    %add3A_788 = arith.addi %mul3A_762, %mul3A_787 : vector<16xi32>
    %add3A_789 = arith.addi %add3A_788, %iota3A : vector<16xi32>
    %jit3A_790 = arith.constant 8 : i32
    %div3A_791 = vector.broadcast %jit3A_790 : i32 to vector<16xi32>
    %div3A_792 = arith.divsi %select_n3A_201, %div3A_791 : vector<16xi32>
    %sign3A_793 = arith.constant 0 : i32
    %sign3A_794 = vector.broadcast %sign3A_793 : i32 to vector<16xi32>
    %sign3A_795 = arith.cmpi sgt, %select_n3A_201, %sign3A_794 : vector<16xi32>
    %sign3A_796 = arith.extui %sign3A_795 : vector<16xi1> to vector<16xi32>
    %sign3A_797 = arith.constant 0 : i32
    %sign3A_798 = vector.broadcast %sign3A_797 : i32 to vector<16xi32>
    %sign3A_799 = arith.cmpi slt, %select_n3A_201, %sign3A_798 : vector<16xi32>
    %sign3A_800 = arith.extui %sign3A_799 : vector<16xi1> to vector<16xi32>
    %sign3A_801 = arith.subi %sign3A_796, %sign3A_800 : vector<16xi32>
    %sign3A_802 = arith.constant 0 : i32
    %sign3A_803 = arith.cmpi sgt, %jit3A_790, %sign3A_802 : i32
    %sign3A_804 = arith.extui %sign3A_803 : i1 to i32
    %sign3A_805 = arith.constant 0 : i32
    %sign3A_806 = arith.cmpi slt, %jit3A_790, %sign3A_805 : i32
    %sign3A_807 = arith.extui %sign3A_806 : i1 to i32
    %sign3A_808 = arith.subi %sign3A_804, %sign3A_807 : i32
    %ne3A_809 = vector.broadcast %sign3A_808 : i32 to vector<16xi32>
    %ne3A_810 = arith.cmpi ne, %sign3A_801, %ne3A_809 : vector<16xi32>
    %rem3A_811 = vector.broadcast %jit3A_790 : i32 to vector<16xi32>
    %rem3A_812 = arith.remsi %select_n3A_201, %rem3A_811 : vector<16xi32>
    %ne3A_813 = arith.constant 0 : i32
    %ne3A_814 = vector.broadcast %ne3A_813 : i32 to vector<16xi32>
    %ne3A_815 = arith.cmpi ne, %rem3A_812, %ne3A_814 : vector<16xi32>
    %and3A_816 = arith.andi %ne3A_810, %ne3A_815 : vector<16xi1>
    %sub3A_817 = arith.constant 1 : i32
    %sub3A_818 = vector.broadcast %sub3A_817 : i32 to vector<16xi32>
    %sub3A_819 = arith.subi %div3A_792, %sub3A_818 : vector<16xi32>
    %select_n3A_820 = arith.select %and3A_816, %sub3A_819, %div3A_792 : vector<16xi1>, vector<16xi32>
    %mul3A_821 = arith.constant 4096 : i32
    %mul3A_822 = vector.broadcast %mul3A_821 : i32 to vector<16xi32>
    %mul3A_823 = arith.muli %select_n3A_820, %mul3A_822 : vector<16xi32>
    %jit3A_824 = arith.constant 8 : i32
    %eq3A_825 = arith.constant 0 : i32
    %eq3A_826 = arith.cmpi eq, %jit3A_824, %eq3A_825 : i32
    %jit3A_827 = arith.constant 1 : i32
    %select_n3A_828 = arith.select %eq3A_826, %jit3A_827, %jit3A_824 : i32
    %rem3A_829 = vector.broadcast %select_n3A_828 : i32 to vector<16xi32>
    %rem3A_830 = arith.remsi %select_n3A_201, %rem3A_829 : vector<16xi32>
    %ne3A_831 = arith.constant 0 : i32
    %ne3A_832 = vector.broadcast %ne3A_831 : i32 to vector<16xi32>
    %ne3A_833 = arith.cmpi ne, %rem3A_830, %ne3A_832 : vector<16xi32>
    %lt3A_834 = arith.constant 0 : i32
    %lt3A_835 = vector.broadcast %lt3A_834 : i32 to vector<16xi32>
    %lt3A_836 = arith.cmpi slt, %rem3A_830, %lt3A_835 : vector<16xi32>
    %lt3A_837 = arith.constant 0 : i32
    %lt3A_838 = arith.cmpi slt, %select_n3A_828, %lt3A_837 : i32
    %ne3A_839 = vector.broadcast %lt3A_838 : i1 to vector<16xi1>
    %ne3A_840 = vector.broadcast %ne3A_839 : vector<16xi1> to vector<16xi1>
    %ne3A_841 = arith.xori %lt3A_836, %ne3A_840 : vector<16xi1>
    %and3A_842 = arith.andi %ne3A_841, %ne3A_833 : vector<16xi1>
    %add3A_843 = vector.broadcast %select_n3A_828 : i32 to vector<16xi32>
    %add3A_844 = arith.addi %rem3A_830, %add3A_843 : vector<16xi32>
    %select_n3A_845 = arith.select %and3A_842, %add3A_844, %rem3A_830 : vector<16xi1>, vector<16xi32>
    %mul3A_846 = arith.constant 128 : i32
    %mul3A_847 = vector.broadcast %mul3A_846 : i32 to vector<16xi32>
    %mul3A_848 = arith.muli %select_n3A_845, %mul3A_847 : vector<16xi32>
    %add3A_849 = arith.addi %mul3A_823, %mul3A_848 : vector<16xi32>
    %add3A_850 = arith.addi %add3A_849, %iota3A : vector<16xi32>
    %jit3A_851 = arith.constant 8 : i32
    %div3A_852 = vector.broadcast %jit3A_851 : i32 to vector<16xi32>
    %div3A_853 = arith.divsi %select_n3A_226, %div3A_852 : vector<16xi32>
    %sign3A_854 = arith.constant 0 : i32
    %sign3A_855 = vector.broadcast %sign3A_854 : i32 to vector<16xi32>
    %sign3A_856 = arith.cmpi sgt, %select_n3A_226, %sign3A_855 : vector<16xi32>
    %sign3A_857 = arith.extui %sign3A_856 : vector<16xi1> to vector<16xi32>
    %sign3A_858 = arith.constant 0 : i32
    %sign3A_859 = vector.broadcast %sign3A_858 : i32 to vector<16xi32>
    %sign3A_860 = arith.cmpi slt, %select_n3A_226, %sign3A_859 : vector<16xi32>
    %sign3A_861 = arith.extui %sign3A_860 : vector<16xi1> to vector<16xi32>
    %sign3A_862 = arith.subi %sign3A_857, %sign3A_861 : vector<16xi32>
    %sign3A_863 = arith.constant 0 : i32
    %sign3A_864 = arith.cmpi sgt, %jit3A_851, %sign3A_863 : i32
    %sign3A_865 = arith.extui %sign3A_864 : i1 to i32
    %sign3A_866 = arith.constant 0 : i32
    %sign3A_867 = arith.cmpi slt, %jit3A_851, %sign3A_866 : i32
    %sign3A_868 = arith.extui %sign3A_867 : i1 to i32
    %sign3A_869 = arith.subi %sign3A_865, %sign3A_868 : i32
    %ne3A_870 = vector.broadcast %sign3A_869 : i32 to vector<16xi32>
    %ne3A_871 = arith.cmpi ne, %sign3A_862, %ne3A_870 : vector<16xi32>
    %rem3A_872 = vector.broadcast %jit3A_851 : i32 to vector<16xi32>
    %rem3A_873 = arith.remsi %select_n3A_226, %rem3A_872 : vector<16xi32>
    %ne3A_874 = arith.constant 0 : i32
    %ne3A_875 = vector.broadcast %ne3A_874 : i32 to vector<16xi32>
    %ne3A_876 = arith.cmpi ne, %rem3A_873, %ne3A_875 : vector<16xi32>
    %and3A_877 = arith.andi %ne3A_871, %ne3A_876 : vector<16xi1>
    %sub3A_878 = arith.constant 1 : i32
    %sub3A_879 = vector.broadcast %sub3A_878 : i32 to vector<16xi32>
    %sub3A_880 = arith.subi %div3A_853, %sub3A_879 : vector<16xi32>
    %select_n3A_881 = arith.select %and3A_877, %sub3A_880, %div3A_853 : vector<16xi1>, vector<16xi32>
    %mul3A_882 = arith.constant 4096 : i32
    %mul3A_883 = vector.broadcast %mul3A_882 : i32 to vector<16xi32>
    %mul3A_884 = arith.muli %select_n3A_881, %mul3A_883 : vector<16xi32>
    %jit3A_885 = arith.constant 8 : i32
    %eq3A_886 = arith.constant 0 : i32
    %eq3A_887 = arith.cmpi eq, %jit3A_885, %eq3A_886 : i32
    %jit3A_888 = arith.constant 1 : i32
    %select_n3A_889 = arith.select %eq3A_887, %jit3A_888, %jit3A_885 : i32
    %rem3A_890 = vector.broadcast %select_n3A_889 : i32 to vector<16xi32>
    %rem3A_891 = arith.remsi %select_n3A_226, %rem3A_890 : vector<16xi32>
    %ne3A_892 = arith.constant 0 : i32
    %ne3A_893 = vector.broadcast %ne3A_892 : i32 to vector<16xi32>
    %ne3A_894 = arith.cmpi ne, %rem3A_891, %ne3A_893 : vector<16xi32>
    %lt3A_895 = arith.constant 0 : i32
    %lt3A_896 = vector.broadcast %lt3A_895 : i32 to vector<16xi32>
    %lt3A_897 = arith.cmpi slt, %rem3A_891, %lt3A_896 : vector<16xi32>
    %lt3A_898 = arith.constant 0 : i32
    %lt3A_899 = arith.cmpi slt, %select_n3A_889, %lt3A_898 : i32
    %ne3A_900 = vector.broadcast %lt3A_899 : i1 to vector<16xi1>
    %ne3A_901 = vector.broadcast %ne3A_900 : vector<16xi1> to vector<16xi1>
    %ne3A_902 = arith.xori %lt3A_897, %ne3A_901 : vector<16xi1>
    %and3A_903 = arith.andi %ne3A_902, %ne3A_894 : vector<16xi1>
    %add3A_904 = vector.broadcast %select_n3A_889 : i32 to vector<16xi32>
    %add3A_905 = arith.addi %rem3A_891, %add3A_904 : vector<16xi32>
    %select_n3A_906 = arith.select %and3A_903, %add3A_905, %rem3A_891 : vector<16xi1>, vector<16xi32>
    %mul3A_907 = arith.constant 128 : i32
    %mul3A_908 = vector.broadcast %mul3A_907 : i32 to vector<16xi32>
    %mul3A_909 = arith.muli %select_n3A_906, %mul3A_908 : vector<16xi32>
    %add3A_910 = arith.addi %mul3A_884, %mul3A_909 : vector<16xi32>
    %add3A_911 = arith.addi %add3A_910, %iota3A : vector<16xi32>
    %jit3A_912 = arith.constant 8 : i32
    %div3A_913 = vector.broadcast %jit3A_912 : i32 to vector<16xi32>
    %div3A_914 = arith.divsi %select_n3A_251, %div3A_913 : vector<16xi32>
    %sign3A_915 = arith.constant 0 : i32
    %sign3A_916 = vector.broadcast %sign3A_915 : i32 to vector<16xi32>
    %sign3A_917 = arith.cmpi sgt, %select_n3A_251, %sign3A_916 : vector<16xi32>
    %sign3A_918 = arith.extui %sign3A_917 : vector<16xi1> to vector<16xi32>
    %sign3A_919 = arith.constant 0 : i32
    %sign3A_920 = vector.broadcast %sign3A_919 : i32 to vector<16xi32>
    %sign3A_921 = arith.cmpi slt, %select_n3A_251, %sign3A_920 : vector<16xi32>
    %sign3A_922 = arith.extui %sign3A_921 : vector<16xi1> to vector<16xi32>
    %sign3A_923 = arith.subi %sign3A_918, %sign3A_922 : vector<16xi32>
    %sign3A_924 = arith.constant 0 : i32
    %sign3A_925 = arith.cmpi sgt, %jit3A_912, %sign3A_924 : i32
    %sign3A_926 = arith.extui %sign3A_925 : i1 to i32
    %sign3A_927 = arith.constant 0 : i32
    %sign3A_928 = arith.cmpi slt, %jit3A_912, %sign3A_927 : i32
    %sign3A_929 = arith.extui %sign3A_928 : i1 to i32
    %sign3A_930 = arith.subi %sign3A_926, %sign3A_929 : i32
    %ne3A_931 = vector.broadcast %sign3A_930 : i32 to vector<16xi32>
    %ne3A_932 = arith.cmpi ne, %sign3A_923, %ne3A_931 : vector<16xi32>
    %rem3A_933 = vector.broadcast %jit3A_912 : i32 to vector<16xi32>
    %rem3A_934 = arith.remsi %select_n3A_251, %rem3A_933 : vector<16xi32>
    %ne3A_935 = arith.constant 0 : i32
    %ne3A_936 = vector.broadcast %ne3A_935 : i32 to vector<16xi32>
    %ne3A_937 = arith.cmpi ne, %rem3A_934, %ne3A_936 : vector<16xi32>
    %and3A_938 = arith.andi %ne3A_932, %ne3A_937 : vector<16xi1>
    %sub3A_939 = arith.constant 1 : i32
    %sub3A_940 = vector.broadcast %sub3A_939 : i32 to vector<16xi32>
    %sub3A_941 = arith.subi %div3A_914, %sub3A_940 : vector<16xi32>
    %select_n3A_942 = arith.select %and3A_938, %sub3A_941, %div3A_914 : vector<16xi1>, vector<16xi32>
    %mul3A_943 = arith.constant 4096 : i32
    %mul3A_944 = vector.broadcast %mul3A_943 : i32 to vector<16xi32>
    %mul3A_945 = arith.muli %select_n3A_942, %mul3A_944 : vector<16xi32>
    %jit3A_946 = arith.constant 8 : i32
    %eq3A_947 = arith.constant 0 : i32
    %eq3A_948 = arith.cmpi eq, %jit3A_946, %eq3A_947 : i32
    %jit3A_949 = arith.constant 1 : i32
    %select_n3A_950 = arith.select %eq3A_948, %jit3A_949, %jit3A_946 : i32
    %rem3A_951 = vector.broadcast %select_n3A_950 : i32 to vector<16xi32>
    %rem3A_952 = arith.remsi %select_n3A_251, %rem3A_951 : vector<16xi32>
    %ne3A_953 = arith.constant 0 : i32
    %ne3A_954 = vector.broadcast %ne3A_953 : i32 to vector<16xi32>
    %ne3A_955 = arith.cmpi ne, %rem3A_952, %ne3A_954 : vector<16xi32>
    %lt3A_956 = arith.constant 0 : i32
    %lt3A_957 = vector.broadcast %lt3A_956 : i32 to vector<16xi32>
    %lt3A_958 = arith.cmpi slt, %rem3A_952, %lt3A_957 : vector<16xi32>
    %lt3A_959 = arith.constant 0 : i32
    %lt3A_960 = arith.cmpi slt, %select_n3A_950, %lt3A_959 : i32
    %ne3A_961 = vector.broadcast %lt3A_960 : i1 to vector<16xi1>
    %ne3A_962 = vector.broadcast %ne3A_961 : vector<16xi1> to vector<16xi1>
    %ne3A_963 = arith.xori %lt3A_958, %ne3A_962 : vector<16xi1>
    %and3A_964 = arith.andi %ne3A_963, %ne3A_955 : vector<16xi1>
    %add3A_965 = vector.broadcast %select_n3A_950 : i32 to vector<16xi32>
    %add3A_966 = arith.addi %rem3A_952, %add3A_965 : vector<16xi32>
    %select_n3A_967 = arith.select %and3A_964, %add3A_966, %rem3A_952 : vector<16xi1>, vector<16xi32>
    %mul3A_968 = arith.constant 128 : i32
    %mul3A_969 = vector.broadcast %mul3A_968 : i32 to vector<16xi32>
    %mul3A_970 = arith.muli %select_n3A_967, %mul3A_969 : vector<16xi32>
    %add3A_971 = arith.addi %mul3A_945, %mul3A_970 : vector<16xi32>
    %add3A_972 = arith.addi %add3A_971, %iota3A : vector<16xi32>
    %jit3A_973 = arith.constant 8 : i32
    %div3A_974 = vector.broadcast %jit3A_973 : i32 to vector<16xi32>
    %div3A_975 = arith.divsi %select_n3A_276, %div3A_974 : vector<16xi32>
    %sign3A_976 = arith.constant 0 : i32
    %sign3A_977 = vector.broadcast %sign3A_976 : i32 to vector<16xi32>
    %sign3A_978 = arith.cmpi sgt, %select_n3A_276, %sign3A_977 : vector<16xi32>
    %sign3A_979 = arith.extui %sign3A_978 : vector<16xi1> to vector<16xi32>
    %sign3A_980 = arith.constant 0 : i32
    %sign3A_981 = vector.broadcast %sign3A_980 : i32 to vector<16xi32>
    %sign3A_982 = arith.cmpi slt, %select_n3A_276, %sign3A_981 : vector<16xi32>
    %sign3A_983 = arith.extui %sign3A_982 : vector<16xi1> to vector<16xi32>
    %sign3A_984 = arith.subi %sign3A_979, %sign3A_983 : vector<16xi32>
    %sign3A_985 = arith.constant 0 : i32
    %sign3A_986 = arith.cmpi sgt, %jit3A_973, %sign3A_985 : i32
    %sign3A_987 = arith.extui %sign3A_986 : i1 to i32
    %sign3A_988 = arith.constant 0 : i32
    %sign3A_989 = arith.cmpi slt, %jit3A_973, %sign3A_988 : i32
    %sign3A_990 = arith.extui %sign3A_989 : i1 to i32
    %sign3A_991 = arith.subi %sign3A_987, %sign3A_990 : i32
    %ne3A_992 = vector.broadcast %sign3A_991 : i32 to vector<16xi32>
    %ne3A_993 = arith.cmpi ne, %sign3A_984, %ne3A_992 : vector<16xi32>
    %rem3A_994 = vector.broadcast %jit3A_973 : i32 to vector<16xi32>
    %rem3A_995 = arith.remsi %select_n3A_276, %rem3A_994 : vector<16xi32>
    %ne3A_996 = arith.constant 0 : i32
    %ne3A_997 = vector.broadcast %ne3A_996 : i32 to vector<16xi32>
    %ne3A_998 = arith.cmpi ne, %rem3A_995, %ne3A_997 : vector<16xi32>
    %and3A_999 = arith.andi %ne3A_993, %ne3A_998 : vector<16xi1>
    %sub3A_1000 = arith.constant 1 : i32
    %sub3A_1001 = vector.broadcast %sub3A_1000 : i32 to vector<16xi32>
    %sub3A_1002 = arith.subi %div3A_975, %sub3A_1001 : vector<16xi32>
    %select_n3A_1003 = arith.select %and3A_999, %sub3A_1002, %div3A_975 : vector<16xi1>, vector<16xi32>
    %mul3A_1004 = arith.constant 4096 : i32
    %mul3A_1005 = vector.broadcast %mul3A_1004 : i32 to vector<16xi32>
    %mul3A_1006 = arith.muli %select_n3A_1003, %mul3A_1005 : vector<16xi32>
    %jit3A_1007 = arith.constant 8 : i32
    %eq3A_1008 = arith.constant 0 : i32
    %eq3A_1009 = arith.cmpi eq, %jit3A_1007, %eq3A_1008 : i32
    %jit3A_1010 = arith.constant 1 : i32
    %select_n3A_1011 = arith.select %eq3A_1009, %jit3A_1010, %jit3A_1007 : i32
    %rem3A_1012 = vector.broadcast %select_n3A_1011 : i32 to vector<16xi32>
    %rem3A_1013 = arith.remsi %select_n3A_276, %rem3A_1012 : vector<16xi32>
    %ne3A_1014 = arith.constant 0 : i32
    %ne3A_1015 = vector.broadcast %ne3A_1014 : i32 to vector<16xi32>
    %ne3A_1016 = arith.cmpi ne, %rem3A_1013, %ne3A_1015 : vector<16xi32>
    %lt3A_1017 = arith.constant 0 : i32
    %lt3A_1018 = vector.broadcast %lt3A_1017 : i32 to vector<16xi32>
    %lt3A_1019 = arith.cmpi slt, %rem3A_1013, %lt3A_1018 : vector<16xi32>
    %lt3A_1020 = arith.constant 0 : i32
    %lt3A_1021 = arith.cmpi slt, %select_n3A_1011, %lt3A_1020 : i32
    %ne3A_1022 = vector.broadcast %lt3A_1021 : i1 to vector<16xi1>
    %ne3A_1023 = vector.broadcast %ne3A_1022 : vector<16xi1> to vector<16xi1>
    %ne3A_1024 = arith.xori %lt3A_1019, %ne3A_1023 : vector<16xi1>
    %and3A_1025 = arith.andi %ne3A_1024, %ne3A_1016 : vector<16xi1>
    %add3A_1026 = vector.broadcast %select_n3A_1011 : i32 to vector<16xi32>
    %add3A_1027 = arith.addi %rem3A_1013, %add3A_1026 : vector<16xi32>
    %select_n3A_1028 = arith.select %and3A_1025, %add3A_1027, %rem3A_1013 : vector<16xi1>, vector<16xi32>
    %mul3A_1029 = arith.constant 128 : i32
    %mul3A_1030 = vector.broadcast %mul3A_1029 : i32 to vector<16xi32>
    %mul3A_1031 = arith.muli %select_n3A_1028, %mul3A_1030 : vector<16xi32>
    %add3A_1032 = arith.addi %mul3A_1006, %mul3A_1031 : vector<16xi32>
    %add3A_1033 = arith.addi %add3A_1032, %iota3A : vector<16xi32>
    %jit3A_1034 = arith.constant 8 : i32
    %div3A_1035 = vector.broadcast %jit3A_1034 : i32 to vector<16xi32>
    %div3A_1036 = arith.divsi %select_n3A_301, %div3A_1035 : vector<16xi32>
    %sign3A_1037 = arith.constant 0 : i32
    %sign3A_1038 = vector.broadcast %sign3A_1037 : i32 to vector<16xi32>
    %sign3A_1039 = arith.cmpi sgt, %select_n3A_301, %sign3A_1038 : vector<16xi32>
    %sign3A_1040 = arith.extui %sign3A_1039 : vector<16xi1> to vector<16xi32>
    %sign3A_1041 = arith.constant 0 : i32
    %sign3A_1042 = vector.broadcast %sign3A_1041 : i32 to vector<16xi32>
    %sign3A_1043 = arith.cmpi slt, %select_n3A_301, %sign3A_1042 : vector<16xi32>
    %sign3A_1044 = arith.extui %sign3A_1043 : vector<16xi1> to vector<16xi32>
    %sign3A_1045 = arith.subi %sign3A_1040, %sign3A_1044 : vector<16xi32>
    %sign3A_1046 = arith.constant 0 : i32
    %sign3A_1047 = arith.cmpi sgt, %jit3A_1034, %sign3A_1046 : i32
    %sign3A_1048 = arith.extui %sign3A_1047 : i1 to i32
    %sign3A_1049 = arith.constant 0 : i32
    %sign3A_1050 = arith.cmpi slt, %jit3A_1034, %sign3A_1049 : i32
    %sign3A_1051 = arith.extui %sign3A_1050 : i1 to i32
    %sign3A_1052 = arith.subi %sign3A_1048, %sign3A_1051 : i32
    %ne3A_1053 = vector.broadcast %sign3A_1052 : i32 to vector<16xi32>
    %ne3A_1054 = arith.cmpi ne, %sign3A_1045, %ne3A_1053 : vector<16xi32>
    %rem3A_1055 = vector.broadcast %jit3A_1034 : i32 to vector<16xi32>
    %rem3A_1056 = arith.remsi %select_n3A_301, %rem3A_1055 : vector<16xi32>
    %ne3A_1057 = arith.constant 0 : i32
    %ne3A_1058 = vector.broadcast %ne3A_1057 : i32 to vector<16xi32>
    %ne3A_1059 = arith.cmpi ne, %rem3A_1056, %ne3A_1058 : vector<16xi32>
    %and3A_1060 = arith.andi %ne3A_1054, %ne3A_1059 : vector<16xi1>
    %sub3A_1061 = arith.constant 1 : i32
    %sub3A_1062 = vector.broadcast %sub3A_1061 : i32 to vector<16xi32>
    %sub3A_1063 = arith.subi %div3A_1036, %sub3A_1062 : vector<16xi32>
    %select_n3A_1064 = arith.select %and3A_1060, %sub3A_1063, %div3A_1036 : vector<16xi1>, vector<16xi32>
    %mul3A_1065 = arith.constant 4096 : i32
    %mul3A_1066 = vector.broadcast %mul3A_1065 : i32 to vector<16xi32>
    %mul3A_1067 = arith.muli %select_n3A_1064, %mul3A_1066 : vector<16xi32>
    %jit3A_1068 = arith.constant 8 : i32
    %eq3A_1069 = arith.constant 0 : i32
    %eq3A_1070 = arith.cmpi eq, %jit3A_1068, %eq3A_1069 : i32
    %jit3A_1071 = arith.constant 1 : i32
    %select_n3A_1072 = arith.select %eq3A_1070, %jit3A_1071, %jit3A_1068 : i32
    %rem3A_1073 = vector.broadcast %select_n3A_1072 : i32 to vector<16xi32>
    %rem3A_1074 = arith.remsi %select_n3A_301, %rem3A_1073 : vector<16xi32>
    %ne3A_1075 = arith.constant 0 : i32
    %ne3A_1076 = vector.broadcast %ne3A_1075 : i32 to vector<16xi32>
    %ne3A_1077 = arith.cmpi ne, %rem3A_1074, %ne3A_1076 : vector<16xi32>
    %lt3A_1078 = arith.constant 0 : i32
    %lt3A_1079 = vector.broadcast %lt3A_1078 : i32 to vector<16xi32>
    %lt3A_1080 = arith.cmpi slt, %rem3A_1074, %lt3A_1079 : vector<16xi32>
    %lt3A_1081 = arith.constant 0 : i32
    %lt3A_1082 = arith.cmpi slt, %select_n3A_1072, %lt3A_1081 : i32
    %ne3A_1083 = vector.broadcast %lt3A_1082 : i1 to vector<16xi1>
    %ne3A_1084 = vector.broadcast %ne3A_1083 : vector<16xi1> to vector<16xi1>
    %ne3A_1085 = arith.xori %lt3A_1080, %ne3A_1084 : vector<16xi1>
    %and3A_1086 = arith.andi %ne3A_1085, %ne3A_1077 : vector<16xi1>
    %add3A_1087 = vector.broadcast %select_n3A_1072 : i32 to vector<16xi32>
    %add3A_1088 = arith.addi %rem3A_1074, %add3A_1087 : vector<16xi32>
    %select_n3A_1089 = arith.select %and3A_1086, %add3A_1088, %rem3A_1074 : vector<16xi1>, vector<16xi32>
    %mul3A_1090 = arith.constant 128 : i32
    %mul3A_1091 = vector.broadcast %mul3A_1090 : i32 to vector<16xi32>
    %mul3A_1092 = arith.muli %select_n3A_1089, %mul3A_1091 : vector<16xi32>
    %add3A_1093 = arith.addi %mul3A_1067, %mul3A_1092 : vector<16xi32>
    %add3A_1094 = arith.addi %add3A_1093, %iota3A : vector<16xi32>
    %jit3A_1095 = arith.constant 8 : i32
    %div3A_1096 = vector.broadcast %jit3A_1095 : i32 to vector<16xi32>
    %div3A_1097 = arith.divsi %select_n3A_326, %div3A_1096 : vector<16xi32>
    %sign3A_1098 = arith.constant 0 : i32
    %sign3A_1099 = vector.broadcast %sign3A_1098 : i32 to vector<16xi32>
    %sign3A_1100 = arith.cmpi sgt, %select_n3A_326, %sign3A_1099 : vector<16xi32>
    %sign3A_1101 = arith.extui %sign3A_1100 : vector<16xi1> to vector<16xi32>
    %sign3A_1102 = arith.constant 0 : i32
    %sign3A_1103 = vector.broadcast %sign3A_1102 : i32 to vector<16xi32>
    %sign3A_1104 = arith.cmpi slt, %select_n3A_326, %sign3A_1103 : vector<16xi32>
    %sign3A_1105 = arith.extui %sign3A_1104 : vector<16xi1> to vector<16xi32>
    %sign3A_1106 = arith.subi %sign3A_1101, %sign3A_1105 : vector<16xi32>
    %sign3A_1107 = arith.constant 0 : i32
    %sign3A_1108 = arith.cmpi sgt, %jit3A_1095, %sign3A_1107 : i32
    %sign3A_1109 = arith.extui %sign3A_1108 : i1 to i32
    %sign3A_1110 = arith.constant 0 : i32
    %sign3A_1111 = arith.cmpi slt, %jit3A_1095, %sign3A_1110 : i32
    %sign3A_1112 = arith.extui %sign3A_1111 : i1 to i32
    %sign3A_1113 = arith.subi %sign3A_1109, %sign3A_1112 : i32
    %ne3A_1114 = vector.broadcast %sign3A_1113 : i32 to vector<16xi32>
    %ne3A_1115 = arith.cmpi ne, %sign3A_1106, %ne3A_1114 : vector<16xi32>
    %rem3A_1116 = vector.broadcast %jit3A_1095 : i32 to vector<16xi32>
    %rem3A_1117 = arith.remsi %select_n3A_326, %rem3A_1116 : vector<16xi32>
    %ne3A_1118 = arith.constant 0 : i32
    %ne3A_1119 = vector.broadcast %ne3A_1118 : i32 to vector<16xi32>
    %ne3A_1120 = arith.cmpi ne, %rem3A_1117, %ne3A_1119 : vector<16xi32>
    %and3A_1121 = arith.andi %ne3A_1115, %ne3A_1120 : vector<16xi1>
    %sub3A_1122 = arith.constant 1 : i32
    %sub3A_1123 = vector.broadcast %sub3A_1122 : i32 to vector<16xi32>
    %sub3A_1124 = arith.subi %div3A_1097, %sub3A_1123 : vector<16xi32>
    %select_n3A_1125 = arith.select %and3A_1121, %sub3A_1124, %div3A_1097 : vector<16xi1>, vector<16xi32>
    %mul3A_1126 = arith.constant 4096 : i32
    %mul3A_1127 = vector.broadcast %mul3A_1126 : i32 to vector<16xi32>
    %mul3A_1128 = arith.muli %select_n3A_1125, %mul3A_1127 : vector<16xi32>
    %jit3A_1129 = arith.constant 8 : i32
    %eq3A_1130 = arith.constant 0 : i32
    %eq3A_1131 = arith.cmpi eq, %jit3A_1129, %eq3A_1130 : i32
    %jit3A_1132 = arith.constant 1 : i32
    %select_n3A_1133 = arith.select %eq3A_1131, %jit3A_1132, %jit3A_1129 : i32
    %rem3A_1134 = vector.broadcast %select_n3A_1133 : i32 to vector<16xi32>
    %rem3A_1135 = arith.remsi %select_n3A_326, %rem3A_1134 : vector<16xi32>
    %ne3A_1136 = arith.constant 0 : i32
    %ne3A_1137 = vector.broadcast %ne3A_1136 : i32 to vector<16xi32>
    %ne3A_1138 = arith.cmpi ne, %rem3A_1135, %ne3A_1137 : vector<16xi32>
    %lt3A_1139 = arith.constant 0 : i32
    %lt3A_1140 = vector.broadcast %lt3A_1139 : i32 to vector<16xi32>
    %lt3A_1141 = arith.cmpi slt, %rem3A_1135, %lt3A_1140 : vector<16xi32>
    %lt3A_1142 = arith.constant 0 : i32
    %lt3A_1143 = arith.cmpi slt, %select_n3A_1133, %lt3A_1142 : i32
    %ne3A_1144 = vector.broadcast %lt3A_1143 : i1 to vector<16xi1>
    %ne3A_1145 = vector.broadcast %ne3A_1144 : vector<16xi1> to vector<16xi1>
    %ne3A_1146 = arith.xori %lt3A_1141, %ne3A_1145 : vector<16xi1>
    %and3A_1147 = arith.andi %ne3A_1146, %ne3A_1138 : vector<16xi1>
    %add3A_1148 = vector.broadcast %select_n3A_1133 : i32 to vector<16xi32>
    %add3A_1149 = arith.addi %rem3A_1135, %add3A_1148 : vector<16xi32>
    %select_n3A_1150 = arith.select %and3A_1147, %add3A_1149, %rem3A_1135 : vector<16xi1>, vector<16xi32>
    %mul3A_1151 = arith.constant 128 : i32
    %mul3A_1152 = vector.broadcast %mul3A_1151 : i32 to vector<16xi32>
    %mul3A_1153 = arith.muli %select_n3A_1150, %mul3A_1152 : vector<16xi32>
    %add3A_1154 = arith.addi %mul3A_1128, %mul3A_1153 : vector<16xi32>
    %add3A_1155 = arith.addi %add3A_1154, %iota3A : vector<16xi32>
    %jit3A_1156 = arith.constant 8 : i32
    %div3A_1157 = vector.broadcast %jit3A_1156 : i32 to vector<16xi32>
    %div3A_1158 = arith.divsi %select_n3A_351, %div3A_1157 : vector<16xi32>
    %sign3A_1159 = arith.constant 0 : i32
    %sign3A_1160 = vector.broadcast %sign3A_1159 : i32 to vector<16xi32>
    %sign3A_1161 = arith.cmpi sgt, %select_n3A_351, %sign3A_1160 : vector<16xi32>
    %sign3A_1162 = arith.extui %sign3A_1161 : vector<16xi1> to vector<16xi32>
    %sign3A_1163 = arith.constant 0 : i32
    %sign3A_1164 = vector.broadcast %sign3A_1163 : i32 to vector<16xi32>
    %sign3A_1165 = arith.cmpi slt, %select_n3A_351, %sign3A_1164 : vector<16xi32>
    %sign3A_1166 = arith.extui %sign3A_1165 : vector<16xi1> to vector<16xi32>
    %sign3A_1167 = arith.subi %sign3A_1162, %sign3A_1166 : vector<16xi32>
    %sign3A_1168 = arith.constant 0 : i32
    %sign3A_1169 = arith.cmpi sgt, %jit3A_1156, %sign3A_1168 : i32
    %sign3A_1170 = arith.extui %sign3A_1169 : i1 to i32
    %sign3A_1171 = arith.constant 0 : i32
    %sign3A_1172 = arith.cmpi slt, %jit3A_1156, %sign3A_1171 : i32
    %sign3A_1173 = arith.extui %sign3A_1172 : i1 to i32
    %sign3A_1174 = arith.subi %sign3A_1170, %sign3A_1173 : i32
    %ne3A_1175 = vector.broadcast %sign3A_1174 : i32 to vector<16xi32>
    %ne3A_1176 = arith.cmpi ne, %sign3A_1167, %ne3A_1175 : vector<16xi32>
    %rem3A_1177 = vector.broadcast %jit3A_1156 : i32 to vector<16xi32>
    %rem3A_1178 = arith.remsi %select_n3A_351, %rem3A_1177 : vector<16xi32>
    %ne3A_1179 = arith.constant 0 : i32
    %ne3A_1180 = vector.broadcast %ne3A_1179 : i32 to vector<16xi32>
    %ne3A_1181 = arith.cmpi ne, %rem3A_1178, %ne3A_1180 : vector<16xi32>
    %and3A_1182 = arith.andi %ne3A_1176, %ne3A_1181 : vector<16xi1>
    %sub3A_1183 = arith.constant 1 : i32
    %sub3A_1184 = vector.broadcast %sub3A_1183 : i32 to vector<16xi32>
    %sub3A_1185 = arith.subi %div3A_1158, %sub3A_1184 : vector<16xi32>
    %select_n3A_1186 = arith.select %and3A_1182, %sub3A_1185, %div3A_1158 : vector<16xi1>, vector<16xi32>
    %mul3A_1187 = arith.constant 4096 : i32
    %mul3A_1188 = vector.broadcast %mul3A_1187 : i32 to vector<16xi32>
    %mul3A_1189 = arith.muli %select_n3A_1186, %mul3A_1188 : vector<16xi32>
    %jit3A_1190 = arith.constant 8 : i32
    %eq3A_1191 = arith.constant 0 : i32
    %eq3A_1192 = arith.cmpi eq, %jit3A_1190, %eq3A_1191 : i32
    %jit3A_1193 = arith.constant 1 : i32
    %select_n3A_1194 = arith.select %eq3A_1192, %jit3A_1193, %jit3A_1190 : i32
    %rem3A_1195 = vector.broadcast %select_n3A_1194 : i32 to vector<16xi32>
    %rem3A_1196 = arith.remsi %select_n3A_351, %rem3A_1195 : vector<16xi32>
    %ne3A_1197 = arith.constant 0 : i32
    %ne3A_1198 = vector.broadcast %ne3A_1197 : i32 to vector<16xi32>
    %ne3A_1199 = arith.cmpi ne, %rem3A_1196, %ne3A_1198 : vector<16xi32>
    %lt3A_1200 = arith.constant 0 : i32
    %lt3A_1201 = vector.broadcast %lt3A_1200 : i32 to vector<16xi32>
    %lt3A_1202 = arith.cmpi slt, %rem3A_1196, %lt3A_1201 : vector<16xi32>
    %lt3A_1203 = arith.constant 0 : i32
    %lt3A_1204 = arith.cmpi slt, %select_n3A_1194, %lt3A_1203 : i32
    %ne3A_1205 = vector.broadcast %lt3A_1204 : i1 to vector<16xi1>
    %ne3A_1206 = vector.broadcast %ne3A_1205 : vector<16xi1> to vector<16xi1>
    %ne3A_1207 = arith.xori %lt3A_1202, %ne3A_1206 : vector<16xi1>
    %and3A_1208 = arith.andi %ne3A_1207, %ne3A_1199 : vector<16xi1>
    %add3A_1209 = vector.broadcast %select_n3A_1194 : i32 to vector<16xi32>
    %add3A_1210 = arith.addi %rem3A_1196, %add3A_1209 : vector<16xi32>
    %select_n3A_1211 = arith.select %and3A_1208, %add3A_1210, %rem3A_1196 : vector<16xi1>, vector<16xi32>
    %mul3A_1212 = arith.constant 128 : i32
    %mul3A_1213 = vector.broadcast %mul3A_1212 : i32 to vector<16xi32>
    %mul3A_1214 = arith.muli %select_n3A_1211, %mul3A_1213 : vector<16xi32>
    %add3A_1215 = arith.addi %mul3A_1189, %mul3A_1214 : vector<16xi32>
    %add3A_1216 = arith.addi %add3A_1215, %iota3A : vector<16xi32>
    %jit3A_1217 = arith.constant 8 : i32
    %div3A_1218 = vector.broadcast %jit3A_1217 : i32 to vector<16xi32>
    %div3A_1219 = arith.divsi %select_n3A_376, %div3A_1218 : vector<16xi32>
    %sign3A_1220 = arith.constant 0 : i32
    %sign3A_1221 = vector.broadcast %sign3A_1220 : i32 to vector<16xi32>
    %sign3A_1222 = arith.cmpi sgt, %select_n3A_376, %sign3A_1221 : vector<16xi32>
    %sign3A_1223 = arith.extui %sign3A_1222 : vector<16xi1> to vector<16xi32>
    %sign3A_1224 = arith.constant 0 : i32
    %sign3A_1225 = vector.broadcast %sign3A_1224 : i32 to vector<16xi32>
    %sign3A_1226 = arith.cmpi slt, %select_n3A_376, %sign3A_1225 : vector<16xi32>
    %sign3A_1227 = arith.extui %sign3A_1226 : vector<16xi1> to vector<16xi32>
    %sign3A_1228 = arith.subi %sign3A_1223, %sign3A_1227 : vector<16xi32>
    %sign3A_1229 = arith.constant 0 : i32
    %sign3A_1230 = arith.cmpi sgt, %jit3A_1217, %sign3A_1229 : i32
    %sign3A_1231 = arith.extui %sign3A_1230 : i1 to i32
    %sign3A_1232 = arith.constant 0 : i32
    %sign3A_1233 = arith.cmpi slt, %jit3A_1217, %sign3A_1232 : i32
    %sign3A_1234 = arith.extui %sign3A_1233 : i1 to i32
    %sign3A_1235 = arith.subi %sign3A_1231, %sign3A_1234 : i32
    %ne3A_1236 = vector.broadcast %sign3A_1235 : i32 to vector<16xi32>
    %ne3A_1237 = arith.cmpi ne, %sign3A_1228, %ne3A_1236 : vector<16xi32>
    %rem3A_1238 = vector.broadcast %jit3A_1217 : i32 to vector<16xi32>
    %rem3A_1239 = arith.remsi %select_n3A_376, %rem3A_1238 : vector<16xi32>
    %ne3A_1240 = arith.constant 0 : i32
    %ne3A_1241 = vector.broadcast %ne3A_1240 : i32 to vector<16xi32>
    %ne3A_1242 = arith.cmpi ne, %rem3A_1239, %ne3A_1241 : vector<16xi32>
    %and3A_1243 = arith.andi %ne3A_1237, %ne3A_1242 : vector<16xi1>
    %sub3A_1244 = arith.constant 1 : i32
    %sub3A_1245 = vector.broadcast %sub3A_1244 : i32 to vector<16xi32>
    %sub3A_1246 = arith.subi %div3A_1219, %sub3A_1245 : vector<16xi32>
    %select_n3A_1247 = arith.select %and3A_1243, %sub3A_1246, %div3A_1219 : vector<16xi1>, vector<16xi32>
    %mul3A_1248 = arith.constant 4096 : i32
    %mul3A_1249 = vector.broadcast %mul3A_1248 : i32 to vector<16xi32>
    %mul3A_1250 = arith.muli %select_n3A_1247, %mul3A_1249 : vector<16xi32>
    %jit3A_1251 = arith.constant 8 : i32
    %eq3A_1252 = arith.constant 0 : i32
    %eq3A_1253 = arith.cmpi eq, %jit3A_1251, %eq3A_1252 : i32
    %jit3A_1254 = arith.constant 1 : i32
    %select_n3A_1255 = arith.select %eq3A_1253, %jit3A_1254, %jit3A_1251 : i32
    %rem3A_1256 = vector.broadcast %select_n3A_1255 : i32 to vector<16xi32>
    %rem3A_1257 = arith.remsi %select_n3A_376, %rem3A_1256 : vector<16xi32>
    %ne3A_1258 = arith.constant 0 : i32
    %ne3A_1259 = vector.broadcast %ne3A_1258 : i32 to vector<16xi32>
    %ne3A_1260 = arith.cmpi ne, %rem3A_1257, %ne3A_1259 : vector<16xi32>
    %lt3A_1261 = arith.constant 0 : i32
    %lt3A_1262 = vector.broadcast %lt3A_1261 : i32 to vector<16xi32>
    %lt3A_1263 = arith.cmpi slt, %rem3A_1257, %lt3A_1262 : vector<16xi32>
    %lt3A_1264 = arith.constant 0 : i32
    %lt3A_1265 = arith.cmpi slt, %select_n3A_1255, %lt3A_1264 : i32
    %ne3A_1266 = vector.broadcast %lt3A_1265 : i1 to vector<16xi1>
    %ne3A_1267 = vector.broadcast %ne3A_1266 : vector<16xi1> to vector<16xi1>
    %ne3A_1268 = arith.xori %lt3A_1263, %ne3A_1267 : vector<16xi1>
    %and3A_1269 = arith.andi %ne3A_1268, %ne3A_1260 : vector<16xi1>
    %add3A_1270 = vector.broadcast %select_n3A_1255 : i32 to vector<16xi32>
    %add3A_1271 = arith.addi %rem3A_1257, %add3A_1270 : vector<16xi32>
    %select_n3A_1272 = arith.select %and3A_1269, %add3A_1271, %rem3A_1257 : vector<16xi1>, vector<16xi32>
    %mul3A_1273 = arith.constant 128 : i32
    %mul3A_1274 = vector.broadcast %mul3A_1273 : i32 to vector<16xi32>
    %mul3A_1275 = arith.muli %select_n3A_1272, %mul3A_1274 : vector<16xi32>
    %add3A_1276 = arith.addi %mul3A_1250, %mul3A_1275 : vector<16xi32>
    %add3A_1277 = arith.addi %add3A_1276, %iota3A : vector<16xi32>
    %jit3A_1278 = arith.constant 8 : i32
    %div3A_1279 = vector.broadcast %jit3A_1278 : i32 to vector<16xi32>
    %div3A_1280 = arith.divsi %select_n3A_401, %div3A_1279 : vector<16xi32>
    %sign3A_1281 = arith.constant 0 : i32
    %sign3A_1282 = vector.broadcast %sign3A_1281 : i32 to vector<16xi32>
    %sign3A_1283 = arith.cmpi sgt, %select_n3A_401, %sign3A_1282 : vector<16xi32>
    %sign3A_1284 = arith.extui %sign3A_1283 : vector<16xi1> to vector<16xi32>
    %sign3A_1285 = arith.constant 0 : i32
    %sign3A_1286 = vector.broadcast %sign3A_1285 : i32 to vector<16xi32>
    %sign3A_1287 = arith.cmpi slt, %select_n3A_401, %sign3A_1286 : vector<16xi32>
    %sign3A_1288 = arith.extui %sign3A_1287 : vector<16xi1> to vector<16xi32>
    %sign3A_1289 = arith.subi %sign3A_1284, %sign3A_1288 : vector<16xi32>
    %sign3A_1290 = arith.constant 0 : i32
    %sign3A_1291 = arith.cmpi sgt, %jit3A_1278, %sign3A_1290 : i32
    %sign3A_1292 = arith.extui %sign3A_1291 : i1 to i32
    %sign3A_1293 = arith.constant 0 : i32
    %sign3A_1294 = arith.cmpi slt, %jit3A_1278, %sign3A_1293 : i32
    %sign3A_1295 = arith.extui %sign3A_1294 : i1 to i32
    %sign3A_1296 = arith.subi %sign3A_1292, %sign3A_1295 : i32
    %ne3A_1297 = vector.broadcast %sign3A_1296 : i32 to vector<16xi32>
    %ne3A_1298 = arith.cmpi ne, %sign3A_1289, %ne3A_1297 : vector<16xi32>
    %rem3A_1299 = vector.broadcast %jit3A_1278 : i32 to vector<16xi32>
    %rem3A_1300 = arith.remsi %select_n3A_401, %rem3A_1299 : vector<16xi32>
    %ne3A_1301 = arith.constant 0 : i32
    %ne3A_1302 = vector.broadcast %ne3A_1301 : i32 to vector<16xi32>
    %ne3A_1303 = arith.cmpi ne, %rem3A_1300, %ne3A_1302 : vector<16xi32>
    %and3A_1304 = arith.andi %ne3A_1298, %ne3A_1303 : vector<16xi1>
    %sub3A_1305 = arith.constant 1 : i32
    %sub3A_1306 = vector.broadcast %sub3A_1305 : i32 to vector<16xi32>
    %sub3A_1307 = arith.subi %div3A_1280, %sub3A_1306 : vector<16xi32>
    %select_n3A_1308 = arith.select %and3A_1304, %sub3A_1307, %div3A_1280 : vector<16xi1>, vector<16xi32>
    %mul3A_1309 = arith.constant 4096 : i32
    %mul3A_1310 = vector.broadcast %mul3A_1309 : i32 to vector<16xi32>
    %mul3A_1311 = arith.muli %select_n3A_1308, %mul3A_1310 : vector<16xi32>
    %jit3A_1312 = arith.constant 8 : i32
    %eq3A_1313 = arith.constant 0 : i32
    %eq3A_1314 = arith.cmpi eq, %jit3A_1312, %eq3A_1313 : i32
    %jit3A_1315 = arith.constant 1 : i32
    %select_n3A_1316 = arith.select %eq3A_1314, %jit3A_1315, %jit3A_1312 : i32
    %rem3A_1317 = vector.broadcast %select_n3A_1316 : i32 to vector<16xi32>
    %rem3A_1318 = arith.remsi %select_n3A_401, %rem3A_1317 : vector<16xi32>
    %ne3A_1319 = arith.constant 0 : i32
    %ne3A_1320 = vector.broadcast %ne3A_1319 : i32 to vector<16xi32>
    %ne3A_1321 = arith.cmpi ne, %rem3A_1318, %ne3A_1320 : vector<16xi32>
    %lt3A_1322 = arith.constant 0 : i32
    %lt3A_1323 = vector.broadcast %lt3A_1322 : i32 to vector<16xi32>
    %lt3A_1324 = arith.cmpi slt, %rem3A_1318, %lt3A_1323 : vector<16xi32>
    %lt3A_1325 = arith.constant 0 : i32
    %lt3A_1326 = arith.cmpi slt, %select_n3A_1316, %lt3A_1325 : i32
    %ne3A_1327 = vector.broadcast %lt3A_1326 : i1 to vector<16xi1>
    %ne3A_1328 = vector.broadcast %ne3A_1327 : vector<16xi1> to vector<16xi1>
    %ne3A_1329 = arith.xori %lt3A_1324, %ne3A_1328 : vector<16xi1>
    %and3A_1330 = arith.andi %ne3A_1329, %ne3A_1321 : vector<16xi1>
    %add3A_1331 = vector.broadcast %select_n3A_1316 : i32 to vector<16xi32>
    %add3A_1332 = arith.addi %rem3A_1318, %add3A_1331 : vector<16xi32>
    %select_n3A_1333 = arith.select %and3A_1330, %add3A_1332, %rem3A_1318 : vector<16xi1>, vector<16xi32>
    %mul3A_1334 = arith.constant 128 : i32
    %mul3A_1335 = vector.broadcast %mul3A_1334 : i32 to vector<16xi32>
    %mul3A_1336 = arith.muli %select_n3A_1333, %mul3A_1335 : vector<16xi32>
    %add3A_1337 = arith.addi %mul3A_1311, %mul3A_1336 : vector<16xi32>
    %add3A_1338 = arith.addi %add3A_1337, %iota3A : vector<16xi32>
    %jit3A_1339 = arith.constant 8 : i32
    %div3A_1340 = vector.broadcast %jit3A_1339 : i32 to vector<16xi32>
    %div3A_1341 = arith.divsi %select_n3A_426, %div3A_1340 : vector<16xi32>
    %sign3A_1342 = arith.constant 0 : i32
    %sign3A_1343 = vector.broadcast %sign3A_1342 : i32 to vector<16xi32>
    %sign3A_1344 = arith.cmpi sgt, %select_n3A_426, %sign3A_1343 : vector<16xi32>
    %sign3A_1345 = arith.extui %sign3A_1344 : vector<16xi1> to vector<16xi32>
    %sign3A_1346 = arith.constant 0 : i32
    %sign3A_1347 = vector.broadcast %sign3A_1346 : i32 to vector<16xi32>
    %sign3A_1348 = arith.cmpi slt, %select_n3A_426, %sign3A_1347 : vector<16xi32>
    %sign3A_1349 = arith.extui %sign3A_1348 : vector<16xi1> to vector<16xi32>
    %sign3A_1350 = arith.subi %sign3A_1345, %sign3A_1349 : vector<16xi32>
    %sign3A_1351 = arith.constant 0 : i32
    %sign3A_1352 = arith.cmpi sgt, %jit3A_1339, %sign3A_1351 : i32
    %sign3A_1353 = arith.extui %sign3A_1352 : i1 to i32
    %sign3A_1354 = arith.constant 0 : i32
    %sign3A_1355 = arith.cmpi slt, %jit3A_1339, %sign3A_1354 : i32
    %sign3A_1356 = arith.extui %sign3A_1355 : i1 to i32
    %sign3A_1357 = arith.subi %sign3A_1353, %sign3A_1356 : i32
    %ne3A_1358 = vector.broadcast %sign3A_1357 : i32 to vector<16xi32>
    %ne3A_1359 = arith.cmpi ne, %sign3A_1350, %ne3A_1358 : vector<16xi32>
    %rem3A_1360 = vector.broadcast %jit3A_1339 : i32 to vector<16xi32>
    %rem3A_1361 = arith.remsi %select_n3A_426, %rem3A_1360 : vector<16xi32>
    %ne3A_1362 = arith.constant 0 : i32
    %ne3A_1363 = vector.broadcast %ne3A_1362 : i32 to vector<16xi32>
    %ne3A_1364 = arith.cmpi ne, %rem3A_1361, %ne3A_1363 : vector<16xi32>
    %and3A_1365 = arith.andi %ne3A_1359, %ne3A_1364 : vector<16xi1>
    %sub3A_1366 = arith.constant 1 : i32
    %sub3A_1367 = vector.broadcast %sub3A_1366 : i32 to vector<16xi32>
    %sub3A_1368 = arith.subi %div3A_1341, %sub3A_1367 : vector<16xi32>
    %select_n3A_1369 = arith.select %and3A_1365, %sub3A_1368, %div3A_1341 : vector<16xi1>, vector<16xi32>
    %mul3A_1370 = arith.constant 4096 : i32
    %mul3A_1371 = vector.broadcast %mul3A_1370 : i32 to vector<16xi32>
    %mul3A_1372 = arith.muli %select_n3A_1369, %mul3A_1371 : vector<16xi32>
    %jit3A_1373 = arith.constant 8 : i32
    %eq3A_1374 = arith.constant 0 : i32
    %eq3A_1375 = arith.cmpi eq, %jit3A_1373, %eq3A_1374 : i32
    %jit3A_1376 = arith.constant 1 : i32
    %select_n3A_1377 = arith.select %eq3A_1375, %jit3A_1376, %jit3A_1373 : i32
    %rem3A_1378 = vector.broadcast %select_n3A_1377 : i32 to vector<16xi32>
    %rem3A_1379 = arith.remsi %select_n3A_426, %rem3A_1378 : vector<16xi32>
    %ne3A_1380 = arith.constant 0 : i32
    %ne3A_1381 = vector.broadcast %ne3A_1380 : i32 to vector<16xi32>
    %ne3A_1382 = arith.cmpi ne, %rem3A_1379, %ne3A_1381 : vector<16xi32>
    %lt3A_1383 = arith.constant 0 : i32
    %lt3A_1384 = vector.broadcast %lt3A_1383 : i32 to vector<16xi32>
    %lt3A_1385 = arith.cmpi slt, %rem3A_1379, %lt3A_1384 : vector<16xi32>
    %lt3A_1386 = arith.constant 0 : i32
    %lt3A_1387 = arith.cmpi slt, %select_n3A_1377, %lt3A_1386 : i32
    %ne3A_1388 = vector.broadcast %lt3A_1387 : i1 to vector<16xi1>
    %ne3A_1389 = vector.broadcast %ne3A_1388 : vector<16xi1> to vector<16xi1>
    %ne3A_1390 = arith.xori %lt3A_1385, %ne3A_1389 : vector<16xi1>
    %and3A_1391 = arith.andi %ne3A_1390, %ne3A_1382 : vector<16xi1>
    %add3A_1392 = vector.broadcast %select_n3A_1377 : i32 to vector<16xi32>
    %add3A_1393 = arith.addi %rem3A_1379, %add3A_1392 : vector<16xi32>
    %select_n3A_1394 = arith.select %and3A_1391, %add3A_1393, %rem3A_1379 : vector<16xi1>, vector<16xi32>
    %mul3A_1395 = arith.constant 128 : i32
    %mul3A_1396 = vector.broadcast %mul3A_1395 : i32 to vector<16xi32>
    %mul3A_1397 = arith.muli %select_n3A_1394, %mul3A_1396 : vector<16xi32>
    %add3A_1398 = arith.addi %mul3A_1372, %mul3A_1397 : vector<16xi32>
    %add3A_1399 = arith.addi %add3A_1398, %iota3A : vector<16xi32>
    %scan3A = arith.constant 0 : i32
    %scan3A_1400 = arith.constant 0 : i32
    %scan3A_1401 = arith.constant 32 : i32
    %scan3A_1402 = arith.addi %scan3A_1400, %scan3A_1401 : i32
    %scan3A_1403 = arith.constant 1 : i32
    %scan3A_1404 = scf.for %scan3A_1885 = %scan3A_1400 to %scan3A_1402 step %scan3A_1403 iter_args(%scan3A_1886 = %scan3A) -> (i32)  : i32 {
      %rem3A_1887 = arith.constant 8 : i32
      %rem3A_1888 = arith.remsi %scan3A_1885, %rem3A_1887 : i32
      %eq3A_1889 = arith.constant 0 : i32
      %eq3A_1890 = arith.cmpi eq, %rem3A_1888, %eq3A_1889 : i32
      %convert_element_type3A = arith.extui %eq3A_1890 : i1 to i32
      %cond3A = arith.constant 0 : i32
      %cond3A_1891 = arith.cmpi ne, %convert_element_type3A, %cond3A : i32
      scf.if %cond3A_1891 {
        %dma_wait3A_2315 = arith.constant 0 : i32
        %dma_wait3A_2316 = arith.constant 0 : i32
        %dma_wait3A_2317 = tpu.memref_slice %arg6[%dma_wait3A_2315, %dma_wait3A_2316] : memref<512x64xf32, #tpu.memory_space<vmem>> -> memref<128x64xf32, #tpu.memory_space<vmem>>
        %dma_wait3A_2318 = arith.constant 0 : i32
        %dma_wait3A_2319 = tpu.memref_slice %arg5[%dma_wait3A_2318] : memref<512xi32, #tpu.memory_space<vmem>> -> memref<128xi32, #tpu.memory_space<vmem>>
        %dma_wait3A_2320 = arith.constant 0 : i32
        %dma_wait3A_2321 = arith.constant 0 : i32
        %dma_wait3A_2322 = tpu.memref_slice %arg2[%dma_wait3A_2320, %dma_wait3A_2321] : memref<1000x64xf32, #tpu.memory_space<hbm>> -> memref<1000x64xf32, #tpu.memory_space<hbm>>
        tpu.wait_indirect_dma semaphore(%arg8 : memref<!tpu.dma_semaphore, #tpu.memory_space<semaphore_mem>>) src(%dma_wait3A_2322 : memref<1000x64xf32, #tpu.memory_space<hbm>>) dst(%dma_wait3A_2317 : memref<128x64xf32, #tpu.memory_space<vmem>>)
      } else {
      }
      %mul3A_1892 = arith.constant 16 : i32
      %mul3A_1893 = arith.muli %scan3A_1885, %mul3A_1892 : i32
      %add3A_1894 = vector.broadcast %mul3A_1893 : i32 to vector<16xi32>
      %add3A_1895 = arith.addi %add3A_1894, %iota3A : vector<16xi32>
      %div3A_1896 = arith.constant 8 : i32
      %div3A_1897 = arith.divsi %scan3A_1885, %div3A_1896 : i32
      %mul3A_1898 = arith.constant 1024 : i32
      %mul3A_1899 = arith.muli %div3A_1897, %mul3A_1898 : i32
      %mul3A_1900 = arith.constant 16 : i32
      %mul3A_1901 = arith.muli %rem3A_1888, %mul3A_1900 : i32
      %add3A_1902 = arith.addi %mul3A_1899, %mul3A_1901 : i32
      %add3A_1903 = arith.constant 0 : i32
      %add3A_1904 = arith.addi %add3A_1902, %add3A_1903 : i32
      %add3A_1905 = arith.constant 0 : i32
      %add3A_1906 = vector.broadcast %add3A_1905 : i32 to vector<16xi32>
      %add3A_1907 = arith.addi %select_n3A_51, %add3A_1906 : vector<16xi32>
      %gather3A = tpu.vector_load_idx %arg6[%add3A_1895, %add3A_1907] : memref<512x64xf32, #tpu.memory_space<vmem>>[vector<16xi32>, vector<16xi32>], vector<16xf32>,
      %add3A_1908 = vector.broadcast %add3A_1904 : i32 to vector<16xi32>
      %add3A_1909 = arith.addi %add3A_484, %add3A_1908 : vector<16xi32>
      tpu.vector_store_idx %arg7[%add3A_1909], %gather3A : memref<32768xf32, #tpu.memory_space<vmem>>[vector<16xi32>], vector<16xf32>,
      %add3A_1910 = arith.constant 0 : i32
      %add3A_1911 = vector.broadcast %add3A_1910 : i32 to vector<16xi32>
      %add3A_1912 = arith.addi %select_n3A_76, %add3A_1911 : vector<16xi32>
      %gather3A_1913 = tpu.vector_load_idx %arg6[%add3A_1895, %add3A_1912] : memref<512x64xf32, #tpu.memory_space<vmem>>[vector<16xi32>, vector<16xi32>], vector<16xf32>,
      %add3A_1914 = vector.broadcast %add3A_1904 : i32 to vector<16xi32>
      %add3A_1915 = arith.addi %add3A_545, %add3A_1914 : vector<16xi32>
      tpu.vector_store_idx %arg7[%add3A_1915], %gather3A_1913 : memref<32768xf32, #tpu.memory_space<vmem>>[vector<16xi32>], vector<16xf32>,
      %add3A_1916 = arith.constant 0 : i32
      %add3A_1917 = vector.broadcast %add3A_1916 : i32 to vector<16xi32>
      %add3A_1918 = arith.addi %select_n3A_101, %add3A_1917 : vector<16xi32>
      %gather3A_1919 = tpu.vector_load_idx %arg6[%add3A_1895, %add3A_1918] : memref<512x64xf32, #tpu.memory_space<vmem>>[vector<16xi32>, vector<16xi32>], vector<16xf32>,
      %add3A_1920 = vector.broadcast %add3A_1904 : i32 to vector<16xi32>
      %add3A_1921 = arith.addi %add3A_606, %add3A_1920 : vector<16xi32>
      tpu.vector_store_idx %arg7[%add3A_1921], %gather3A_1919 : memref<32768xf32, #tpu.memory_space<vmem>>[vector<16xi32>], vector<16xf32>,
      %add3A_1922 = arith.constant 0 : i32
      %add3A_1923 = vector.broadcast %add3A_1922 : i32 to vector<16xi32>
      %add3A_1924 = arith.addi %select_n3A_126, %add3A_1923 : vector<16xi32>
      %gather3A_1925 = tpu.vector_load_idx %arg6[%add3A_1895, %add3A_1924] : memref<512x64xf32, #tpu.memory_space<vmem>>[vector<16xi32>, vector<16xi32>], vector<16xf32>,
      %add3A_1926 = vector.broadcast %add3A_1904 : i32 to vector<16xi32>
      %add3A_1927 = arith.addi %add3A_667, %add3A_1926 : vector<16xi32>
      tpu.vector_store_idx %arg7[%add3A_1927], %gather3A_1925 : memref<32768xf32, #tpu.memory_space<vmem>>[vector<16xi32>], vector<16xf32>,
      %add3A_1928 = arith.constant 0 : i32
      %add3A_1929 = vector.broadcast %add3A_1928 : i32 to vector<16xi32>
      %add3A_1930 = arith.addi %select_n3A_151, %add3A_1929 : vector<16xi32>
      %gather3A_1931 = tpu.vector_load_idx %arg6[%add3A_1895, %add3A_1930] : memref<512x64xf32, #tpu.memory_space<vmem>>[vector<16xi32>, vector<16xi32>], vector<16xf32>,
      %add3A_1932 = vector.broadcast %add3A_1904 : i32 to vector<16xi32>
      %add3A_1933 = arith.addi %add3A_728, %add3A_1932 : vector<16xi32>
      tpu.vector_store_idx %arg7[%add3A_1933], %gather3A_1931 : memref<32768xf32, #tpu.memory_space<vmem>>[vector<16xi32>], vector<16xf32>,
      %add3A_1934 = arith.constant 0 : i32
      %add3A_1935 = vector.broadcast %add3A_1934 : i32 to vector<16xi32>
      %add3A_1936 = arith.addi %select_n3A_176, %add3A_1935 : vector<16xi32>
      %gather3A_1937 = tpu.vector_load_idx %arg6[%add3A_1895, %add3A_1936] : memref<512x64xf32, #tpu.memory_space<vmem>>[vector<16xi32>, vector<16xi32>], vector<16xf32>,
      %add3A_1938 = vector.broadcast %add3A_1904 : i32 to vector<16xi32>
      %add3A_1939 = arith.addi %add3A_789, %add3A_1938 : vector<16xi32>
      tpu.vector_store_idx %arg7[%add3A_1939], %gather3A_1937 : memref<32768xf32, #tpu.memory_space<vmem>>[vector<16xi32>], vector<16xf32>,
      %add3A_1940 = arith.constant 0 : i32
      %add3A_1941 = vector.broadcast %add3A_1940 : i32 to vector<16xi32>
      %add3A_1942 = arith.addi %select_n3A_201, %add3A_1941 : vector<16xi32>
      %gather3A_1943 = tpu.vector_load_idx %arg6[%add3A_1895, %add3A_1942] : memref<512x64xf32, #tpu.memory_space<vmem>>[vector<16xi32>, vector<16xi32>], vector<16xf32>,
      %add3A_1944 = vector.broadcast %add3A_1904 : i32 to vector<16xi32>
      %add3A_1945 = arith.addi %add3A_850, %add3A_1944 : vector<16xi32>
      tpu.vector_store_idx %arg7[%add3A_1945], %gather3A_1943 : memref<32768xf32, #tpu.memory_space<vmem>>[vector<16xi32>], vector<16xf32>,
      %add3A_1946 = arith.constant 0 : i32
      %add3A_1947 = vector.broadcast %add3A_1946 : i32 to vector<16xi32>
      %add3A_1948 = arith.addi %select_n3A_226, %add3A_1947 : vector<16xi32>
      %gather3A_1949 = tpu.vector_load_idx %arg6[%add3A_1895, %add3A_1948] : memref<512x64xf32, #tpu.memory_space<vmem>>[vector<16xi32>, vector<16xi32>], vector<16xf32>,
      %add3A_1950 = vector.broadcast %add3A_1904 : i32 to vector<16xi32>
      %add3A_1951 = arith.addi %add3A_911, %add3A_1950 : vector<16xi32>
      tpu.vector_store_idx %arg7[%add3A_1951], %gather3A_1949 : memref<32768xf32, #tpu.memory_space<vmem>>[vector<16xi32>], vector<16xf32>,
      %add3A_1952 = arith.constant 0 : i32
      %add3A_1953 = vector.broadcast %add3A_1952 : i32 to vector<16xi32>
      %add3A_1954 = arith.addi %select_n3A_251, %add3A_1953 : vector<16xi32>
      %gather3A_1955 = tpu.vector_load_idx %arg6[%add3A_1895, %add3A_1954] : memref<512x64xf32, #tpu.memory_space<vmem>>[vector<16xi32>, vector<16xi32>], vector<16xf32>,
      %add3A_1956 = vector.broadcast %add3A_1904 : i32 to vector<16xi32>
      %add3A_1957 = arith.addi %add3A_972, %add3A_1956 : vector<16xi32>
      tpu.vector_store_idx %arg7[%add3A_1957], %gather3A_1955 : memref<32768xf32, #tpu.memory_space<vmem>>[vector<16xi32>], vector<16xf32>,
      %add3A_1958 = arith.constant 0 : i32
      %add3A_1959 = vector.broadcast %add3A_1958 : i32 to vector<16xi32>
      %add3A_1960 = arith.addi %select_n3A_276, %add3A_1959 : vector<16xi32>
      %gather3A_1961 = tpu.vector_load_idx %arg6[%add3A_1895, %add3A_1960] : memref<512x64xf32, #tpu.memory_space<vmem>>[vector<16xi32>, vector<16xi32>], vector<16xf32>,
      %add3A_1962 = vector.broadcast %add3A_1904 : i32 to vector<16xi32>
      %add3A_1963 = arith.addi %add3A_1033, %add3A_1962 : vector<16xi32>
      tpu.vector_store_idx %arg7[%add3A_1963], %gather3A_1961 : memref<32768xf32, #tpu.memory_space<vmem>>[vector<16xi32>], vector<16xf32>,
      %add3A_1964 = arith.constant 0 : i32
      %add3A_1965 = vector.broadcast %add3A_1964 : i32 to vector<16xi32>
      %add3A_1966 = arith.addi %select_n3A_301, %add3A_1965 : vector<16xi32>
      %gather3A_1967 = tpu.vector_load_idx %arg6[%add3A_1895, %add3A_1966] : memref<512x64xf32, #tpu.memory_space<vmem>>[vector<16xi32>, vector<16xi32>], vector<16xf32>,
      %add3A_1968 = vector.broadcast %add3A_1904 : i32 to vector<16xi32>
      %add3A_1969 = arith.addi %add3A_1094, %add3A_1968 : vector<16xi32>
      tpu.vector_store_idx %arg7[%add3A_1969], %gather3A_1967 : memref<32768xf32, #tpu.memory_space<vmem>>[vector<16xi32>], vector<16xf32>,
      %add3A_1970 = arith.constant 0 : i32
      %add3A_1971 = vector.broadcast %add3A_1970 : i32 to vector<16xi32>
      %add3A_1972 = arith.addi %select_n3A_326, %add3A_1971 : vector<16xi32>
      %gather3A_1973 = tpu.vector_load_idx %arg6[%add3A_1895, %add3A_1972] : memref<512x64xf32, #tpu.memory_space<vmem>>[vector<16xi32>, vector<16xi32>], vector<16xf32>,
      %add3A_1974 = vector.broadcast %add3A_1904 : i32 to vector<16xi32>
      %add3A_1975 = arith.addi %add3A_1155, %add3A_1974 : vector<16xi32>
      tpu.vector_store_idx %arg7[%add3A_1975], %gather3A_1973 : memref<32768xf32, #tpu.memory_space<vmem>>[vector<16xi32>], vector<16xf32>,
      %add3A_1976 = arith.constant 0 : i32
      %add3A_1977 = vector.broadcast %add3A_1976 : i32 to vector<16xi32>
      %add3A_1978 = arith.addi %select_n3A_351, %add3A_1977 : vector<16xi32>
      %gather3A_1979 = tpu.vector_load_idx %arg6[%add3A_1895, %add3A_1978] : memref<512x64xf32, #tpu.memory_space<vmem>>[vector<16xi32>, vector<16xi32>], vector<16xf32>,
      %add3A_1980 = vector.broadcast %add3A_1904 : i32 to vector<16xi32>
      %add3A_1981 = arith.addi %add3A_1216, %add3A_1980 : vector<16xi32>
      tpu.vector_store_idx %arg7[%add3A_1981], %gather3A_1979 : memref<32768xf32, #tpu.memory_space<vmem>>[vector<16xi32>], vector<16xf32>,
      %add3A_1982 = arith.constant 0 : i32
      %add3A_1983 = vector.broadcast %add3A_1982 : i32 to vector<16xi32>
      %add3A_1984 = arith.addi %select_n3A_376, %add3A_1983 : vector<16xi32>
      %gather3A_1985 = tpu.vector_load_idx %arg6[%add3A_1895, %add3A_1984] : memref<512x64xf32, #tpu.memory_space<vmem>>[vector<16xi32>, vector<16xi32>], vector<16xf32>,
      %add3A_1986 = vector.broadcast %add3A_1904 : i32 to vector<16xi32>
      %add3A_1987 = arith.addi %add3A_1277, %add3A_1986 : vector<16xi32>
      tpu.vector_store_idx %arg7[%add3A_1987], %gather3A_1985 : memref<32768xf32, #tpu.memory_space<vmem>>[vector<16xi32>], vector<16xf32>,
      %add3A_1988 = arith.constant 0 : i32
      %add3A_1989 = vector.broadcast %add3A_1988 : i32 to vector<16xi32>
      %add3A_1990 = arith.addi %select_n3A_401, %add3A_1989 : vector<16xi32>
      %gather3A_1991 = tpu.vector_load_idx %arg6[%add3A_1895, %add3A_1990] : memref<512x64xf32, #tpu.memory_space<vmem>>[vector<16xi32>, vector<16xi32>], vector<16xf32>,
      %add3A_1992 = vector.broadcast %add3A_1904 : i32 to vector<16xi32>
      %add3A_1993 = arith.addi %add3A_1338, %add3A_1992 : vector<16xi32>
      tpu.vector_store_idx %arg7[%add3A_1993], %gather3A_1991 : memref<32768xf32, #tpu.memory_space<vmem>>[vector<16xi32>], vector<16xf32>,
      %add3A_1994 = arith.constant 0 : i32
      %add3A_1995 = vector.broadcast %add3A_1994 : i32 to vector<16xi32>
      %add3A_1996 = arith.addi %select_n3A_426, %add3A_1995 : vector<16xi32>
      %gather3A_1997 = tpu.vector_load_idx %arg6[%add3A_1895, %add3A_1996] : memref<512x64xf32, #tpu.memory_space<vmem>>[vector<16xi32>, vector<16xi32>], vector<16xf32>,
      %add3A_1998 = vector.broadcast %add3A_1904 : i32 to vector<16xi32>
      %add3A_1999 = arith.addi %add3A_1399, %add3A_1998 : vector<16xi32>
      tpu.vector_store_idx %arg7[%add3A_1999], %gather3A_1997 : memref<32768xf32, #tpu.memory_space<vmem>>[vector<16xi32>], vector<16xf32>,
      %add3A_2000 = arith.constant 8192 : i32
      %add3A_2001 = arith.addi %add3A_1902, %add3A_2000 : i32
      %add3A_2002 = arith.constant 16 : i32
      %add3A_2003 = vector.broadcast %add3A_2002 : i32 to vector<16xi32>
      %add3A_2004 = arith.addi %select_n3A_51, %add3A_2003 : vector<16xi32>
      %gather3A_2005 = tpu.vector_load_idx %arg6[%add3A_1895, %add3A_2004] : memref<512x64xf32, #tpu.memory_space<vmem>>[vector<16xi32>, vector<16xi32>], vector<16xf32>,
      %add3A_2006 = vector.broadcast %add3A_2001 : i32 to vector<16xi32>
      %add3A_2007 = arith.addi %add3A_484, %add3A_2006 : vector<16xi32>
      tpu.vector_store_idx %arg7[%add3A_2007], %gather3A_2005 : memref<32768xf32, #tpu.memory_space<vmem>>[vector<16xi32>], vector<16xf32>,
      %add3A_2008 = arith.constant 16 : i32
      %add3A_2009 = vector.broadcast %add3A_2008 : i32 to vector<16xi32>
      %add3A_2010 = arith.addi %select_n3A_76, %add3A_2009 : vector<16xi32>
      %gather3A_2011 = tpu.vector_load_idx %arg6[%add3A_1895, %add3A_2010] : memref<512x64xf32, #tpu.memory_space<vmem>>[vector<16xi32>, vector<16xi32>], vector<16xf32>,
      %add3A_2012 = vector.broadcast %add3A_2001 : i32 to vector<16xi32>
      %add3A_2013 = arith.addi %add3A_545, %add3A_2012 : vector<16xi32>
      tpu.vector_store_idx %arg7[%add3A_2013], %gather3A_2011 : memref<32768xf32, #tpu.memory_space<vmem>>[vector<16xi32>], vector<16xf32>,
      %add3A_2014 = arith.constant 16 : i32
      %add3A_2015 = vector.broadcast %add3A_2014 : i32 to vector<16xi32>
      %add3A_2016 = arith.addi %select_n3A_101, %add3A_2015 : vector<16xi32>
      %gather3A_2017 = tpu.vector_load_idx %arg6[%add3A_1895, %add3A_2016] : memref<512x64xf32, #tpu.memory_space<vmem>>[vector<16xi32>, vector<16xi32>], vector<16xf32>,
      %add3A_2018 = vector.broadcast %add3A_2001 : i32 to vector<16xi32>
      %add3A_2019 = arith.addi %add3A_606, %add3A_2018 : vector<16xi32>
      tpu.vector_store_idx %arg7[%add3A_2019], %gather3A_2017 : memref<32768xf32, #tpu.memory_space<vmem>>[vector<16xi32>], vector<16xf32>,
      %add3A_2020 = arith.constant 16 : i32
      %add3A_2021 = vector.broadcast %add3A_2020 : i32 to vector<16xi32>
      %add3A_2022 = arith.addi %select_n3A_126, %add3A_2021 : vector<16xi32>
      %gather3A_2023 = tpu.vector_load_idx %arg6[%add3A_1895, %add3A_2022] : memref<512x64xf32, #tpu.memory_space<vmem>>[vector<16xi32>, vector<16xi32>], vector<16xf32>,
      %add3A_2024 = vector.broadcast %add3A_2001 : i32 to vector<16xi32>
      %add3A_2025 = arith.addi %add3A_667, %add3A_2024 : vector<16xi32>
      tpu.vector_store_idx %arg7[%add3A_2025], %gather3A_2023 : memref<32768xf32, #tpu.memory_space<vmem>>[vector<16xi32>], vector<16xf32>,
      %add3A_2026 = arith.constant 16 : i32
      %add3A_2027 = vector.broadcast %add3A_2026 : i32 to vector<16xi32>
      %add3A_2028 = arith.addi %select_n3A_151, %add3A_2027 : vector<16xi32>
      %gather3A_2029 = tpu.vector_load_idx %arg6[%add3A_1895, %add3A_2028] : memref<512x64xf32, #tpu.memory_space<vmem>>[vector<16xi32>, vector<16xi32>], vector<16xf32>,
      %add3A_2030 = vector.broadcast %add3A_2001 : i32 to vector<16xi32>
      %add3A_2031 = arith.addi %add3A_728, %add3A_2030 : vector<16xi32>
      tpu.vector_store_idx %arg7[%add3A_2031], %gather3A_2029 : memref<32768xf32, #tpu.memory_space<vmem>>[vector<16xi32>], vector<16xf32>,
      %add3A_2032 = arith.constant 16 : i32
      %add3A_2033 = vector.broadcast %add3A_2032 : i32 to vector<16xi32>
      %add3A_2034 = arith.addi %select_n3A_176, %add3A_2033 : vector<16xi32>
      %gather3A_2035 = tpu.vector_load_idx %arg6[%add3A_1895, %add3A_2034] : memref<512x64xf32, #tpu.memory_space<vmem>>[vector<16xi32>, vector<16xi32>], vector<16xf32>,
      %add3A_2036 = vector.broadcast %add3A_2001 : i32 to vector<16xi32>
      %add3A_2037 = arith.addi %add3A_789, %add3A_2036 : vector<16xi32>
      tpu.vector_store_idx %arg7[%add3A_2037], %gather3A_2035 : memref<32768xf32, #tpu.memory_space<vmem>>[vector<16xi32>], vector<16xf32>,
      %add3A_2038 = arith.constant 16 : i32
      %add3A_2039 = vector.broadcast %add3A_2038 : i32 to vector<16xi32>
      %add3A_2040 = arith.addi %select_n3A_201, %add3A_2039 : vector<16xi32>
      %gather3A_2041 = tpu.vector_load_idx %arg6[%add3A_1895, %add3A_2040] : memref<512x64xf32, #tpu.memory_space<vmem>>[vector<16xi32>, vector<16xi32>], vector<16xf32>,
      %add3A_2042 = vector.broadcast %add3A_2001 : i32 to vector<16xi32>
      %add3A_2043 = arith.addi %add3A_850, %add3A_2042 : vector<16xi32>
      tpu.vector_store_idx %arg7[%add3A_2043], %gather3A_2041 : memref<32768xf32, #tpu.memory_space<vmem>>[vector<16xi32>], vector<16xf32>,
      %add3A_2044 = arith.constant 16 : i32
      %add3A_2045 = vector.broadcast %add3A_2044 : i32 to vector<16xi32>
      %add3A_2046 = arith.addi %select_n3A_226, %add3A_2045 : vector<16xi32>
      %gather3A_2047 = tpu.vector_load_idx %arg6[%add3A_1895, %add3A_2046] : memref<512x64xf32, #tpu.memory_space<vmem>>[vector<16xi32>, vector<16xi32>], vector<16xf32>,
      %add3A_2048 = vector.broadcast %add3A_2001 : i32 to vector<16xi32>
      %add3A_2049 = arith.addi %add3A_911, %add3A_2048 : vector<16xi32>
      tpu.vector_store_idx %arg7[%add3A_2049], %gather3A_2047 : memref<32768xf32, #tpu.memory_space<vmem>>[vector<16xi32>], vector<16xf32>,
      %add3A_2050 = arith.constant 16 : i32
      %add3A_2051 = vector.broadcast %add3A_2050 : i32 to vector<16xi32>
      %add3A_2052 = arith.addi %select_n3A_251, %add3A_2051 : vector<16xi32>
      %gather3A_2053 = tpu.vector_load_idx %arg6[%add3A_1895, %add3A_2052] : memref<512x64xf32, #tpu.memory_space<vmem>>[vector<16xi32>, vector<16xi32>], vector<16xf32>,
      %add3A_2054 = vector.broadcast %add3A_2001 : i32 to vector<16xi32>
      %add3A_2055 = arith.addi %add3A_972, %add3A_2054 : vector<16xi32>
      tpu.vector_store_idx %arg7[%add3A_2055], %gather3A_2053 : memref<32768xf32, #tpu.memory_space<vmem>>[vector<16xi32>], vector<16xf32>,
      %add3A_2056 = arith.constant 16 : i32
      %add3A_2057 = vector.broadcast %add3A_2056 : i32 to vector<16xi32>
      %add3A_2058 = arith.addi %select_n3A_276, %add3A_2057 : vector<16xi32>
      %gather3A_2059 = tpu.vector_load_idx %arg6[%add3A_1895, %add3A_2058] : memref<512x64xf32, #tpu.memory_space<vmem>>[vector<16xi32>, vector<16xi32>], vector<16xf32>,
      %add3A_2060 = vector.broadcast %add3A_2001 : i32 to vector<16xi32>
      %add3A_2061 = arith.addi %add3A_1033, %add3A_2060 : vector<16xi32>
      tpu.vector_store_idx %arg7[%add3A_2061], %gather3A_2059 : memref<32768xf32, #tpu.memory_space<vmem>>[vector<16xi32>], vector<16xf32>,
      %add3A_2062 = arith.constant 16 : i32
      %add3A_2063 = vector.broadcast %add3A_2062 : i32 to vector<16xi32>
      %add3A_2064 = arith.addi %select_n3A_301, %add3A_2063 : vector<16xi32>
      %gather3A_2065 = tpu.vector_load_idx %arg6[%add3A_1895, %add3A_2064] : memref<512x64xf32, #tpu.memory_space<vmem>>[vector<16xi32>, vector<16xi32>], vector<16xf32>,
      %add3A_2066 = vector.broadcast %add3A_2001 : i32 to vector<16xi32>
      %add3A_2067 = arith.addi %add3A_1094, %add3A_2066 : vector<16xi32>
      tpu.vector_store_idx %arg7[%add3A_2067], %gather3A_2065 : memref<32768xf32, #tpu.memory_space<vmem>>[vector<16xi32>], vector<16xf32>,
      %add3A_2068 = arith.constant 16 : i32
      %add3A_2069 = vector.broadcast %add3A_2068 : i32 to vector<16xi32>
      %add3A_2070 = arith.addi %select_n3A_326, %add3A_2069 : vector<16xi32>
      %gather3A_2071 = tpu.vector_load_idx %arg6[%add3A_1895, %add3A_2070] : memref<512x64xf32, #tpu.memory_space<vmem>>[vector<16xi32>, vector<16xi32>], vector<16xf32>,
      %add3A_2072 = vector.broadcast %add3A_2001 : i32 to vector<16xi32>
      %add3A_2073 = arith.addi %add3A_1155, %add3A_2072 : vector<16xi32>
      tpu.vector_store_idx %arg7[%add3A_2073], %gather3A_2071 : memref<32768xf32, #tpu.memory_space<vmem>>[vector<16xi32>], vector<16xf32>,
      %add3A_2074 = arith.constant 16 : i32
      %add3A_2075 = vector.broadcast %add3A_2074 : i32 to vector<16xi32>
      %add3A_2076 = arith.addi %select_n3A_351, %add3A_2075 : vector<16xi32>
      %gather3A_2077 = tpu.vector_load_idx %arg6[%add3A_1895, %add3A_2076] : memref<512x64xf32, #tpu.memory_space<vmem>>[vector<16xi32>, vector<16xi32>], vector<16xf32>,
      %add3A_2078 = vector.broadcast %add3A_2001 : i32 to vector<16xi32>
      %add3A_2079 = arith.addi %add3A_1216, %add3A_2078 : vector<16xi32>
      tpu.vector_store_idx %arg7[%add3A_2079], %gather3A_2077 : memref<32768xf32, #tpu.memory_space<vmem>>[vector<16xi32>], vector<16xf32>,
      %add3A_2080 = arith.constant 16 : i32
      %add3A_2081 = vector.broadcast %add3A_2080 : i32 to vector<16xi32>
      %add3A_2082 = arith.addi %select_n3A_376, %add3A_2081 : vector<16xi32>
      %gather3A_2083 = tpu.vector_load_idx %arg6[%add3A_1895, %add3A_2082] : memref<512x64xf32, #tpu.memory_space<vmem>>[vector<16xi32>, vector<16xi32>], vector<16xf32>,
      %add3A_2084 = vector.broadcast %add3A_2001 : i32 to vector<16xi32>
      %add3A_2085 = arith.addi %add3A_1277, %add3A_2084 : vector<16xi32>
      tpu.vector_store_idx %arg7[%add3A_2085], %gather3A_2083 : memref<32768xf32, #tpu.memory_space<vmem>>[vector<16xi32>], vector<16xf32>,
      %add3A_2086 = arith.constant 16 : i32
      %add3A_2087 = vector.broadcast %add3A_2086 : i32 to vector<16xi32>
      %add3A_2088 = arith.addi %select_n3A_401, %add3A_2087 : vector<16xi32>
      %gather3A_2089 = tpu.vector_load_idx %arg6[%add3A_1895, %add3A_2088] : memref<512x64xf32, #tpu.memory_space<vmem>>[vector<16xi32>, vector<16xi32>], vector<16xf32>,
      %add3A_2090 = vector.broadcast %add3A_2001 : i32 to vector<16xi32>
      %add3A_2091 = arith.addi %add3A_1338, %add3A_2090 : vector<16xi32>
      tpu.vector_store_idx %arg7[%add3A_2091], %gather3A_2089 : memref<32768xf32, #tpu.memory_space<vmem>>[vector<16xi32>], vector<16xf32>,
      %add3A_2092 = arith.constant 16 : i32
      %add3A_2093 = vector.broadcast %add3A_2092 : i32 to vector<16xi32>
      %add3A_2094 = arith.addi %select_n3A_426, %add3A_2093 : vector<16xi32>
      %gather3A_2095 = tpu.vector_load_idx %arg6[%add3A_1895, %add3A_2094] : memref<512x64xf32, #tpu.memory_space<vmem>>[vector<16xi32>, vector<16xi32>], vector<16xf32>,
      %add3A_2096 = vector.broadcast %add3A_2001 : i32 to vector<16xi32>
      %add3A_2097 = arith.addi %add3A_1399, %add3A_2096 : vector<16xi32>
      tpu.vector_store_idx %arg7[%add3A_2097], %gather3A_2095 : memref<32768xf32, #tpu.memory_space<vmem>>[vector<16xi32>], vector<16xf32>,
      %add3A_2098 = arith.constant 16384 : i32
      %add3A_2099 = arith.addi %add3A_1902, %add3A_2098 : i32
      %add3A_2100 = arith.constant 32 : i32
      %add3A_2101 = vector.broadcast %add3A_2100 : i32 to vector<16xi32>
      %add3A_2102 = arith.addi %select_n3A_51, %add3A_2101 : vector<16xi32>
      %gather3A_2103 = tpu.vector_load_idx %arg6[%add3A_1895, %add3A_2102] : memref<512x64xf32, #tpu.memory_space<vmem>>[vector<16xi32>, vector<16xi32>], vector<16xf32>,
      %add3A_2104 = vector.broadcast %add3A_2099 : i32 to vector<16xi32>
      %add3A_2105 = arith.addi %add3A_484, %add3A_2104 : vector<16xi32>
      tpu.vector_store_idx %arg7[%add3A_2105], %gather3A_2103 : memref<32768xf32, #tpu.memory_space<vmem>>[vector<16xi32>], vector<16xf32>,
      %add3A_2106 = arith.constant 32 : i32
      %add3A_2107 = vector.broadcast %add3A_2106 : i32 to vector<16xi32>
      %add3A_2108 = arith.addi %select_n3A_76, %add3A_2107 : vector<16xi32>
      %gather3A_2109 = tpu.vector_load_idx %arg6[%add3A_1895, %add3A_2108] : memref<512x64xf32, #tpu.memory_space<vmem>>[vector<16xi32>, vector<16xi32>], vector<16xf32>,
      %add3A_2110 = vector.broadcast %add3A_2099 : i32 to vector<16xi32>
      %add3A_2111 = arith.addi %add3A_545, %add3A_2110 : vector<16xi32>
      tpu.vector_store_idx %arg7[%add3A_2111], %gather3A_2109 : memref<32768xf32, #tpu.memory_space<vmem>>[vector<16xi32>], vector<16xf32>,
      %add3A_2112 = arith.constant 32 : i32
      %add3A_2113 = vector.broadcast %add3A_2112 : i32 to vector<16xi32>
      %add3A_2114 = arith.addi %select_n3A_101, %add3A_2113 : vector<16xi32>
      %gather3A_2115 = tpu.vector_load_idx %arg6[%add3A_1895, %add3A_2114] : memref<512x64xf32, #tpu.memory_space<vmem>>[vector<16xi32>, vector<16xi32>], vector<16xf32>,
      %add3A_2116 = vector.broadcast %add3A_2099 : i32 to vector<16xi32>
      %add3A_2117 = arith.addi %add3A_606, %add3A_2116 : vector<16xi32>
      tpu.vector_store_idx %arg7[%add3A_2117], %gather3A_2115 : memref<32768xf32, #tpu.memory_space<vmem>>[vector<16xi32>], vector<16xf32>,
      %add3A_2118 = arith.constant 32 : i32
      %add3A_2119 = vector.broadcast %add3A_2118 : i32 to vector<16xi32>
      %add3A_2120 = arith.addi %select_n3A_126, %add3A_2119 : vector<16xi32>
      %gather3A_2121 = tpu.vector_load_idx %arg6[%add3A_1895, %add3A_2120] : memref<512x64xf32, #tpu.memory_space<vmem>>[vector<16xi32>, vector<16xi32>], vector<16xf32>,
      %add3A_2122 = vector.broadcast %add3A_2099 : i32 to vector<16xi32>
      %add3A_2123 = arith.addi %add3A_667, %add3A_2122 : vector<16xi32>
      tpu.vector_store_idx %arg7[%add3A_2123], %gather3A_2121 : memref<32768xf32, #tpu.memory_space<vmem>>[vector<16xi32>], vector<16xf32>,
      %add3A_2124 = arith.constant 32 : i32
      %add3A_2125 = vector.broadcast %add3A_2124 : i32 to vector<16xi32>
      %add3A_2126 = arith.addi %select_n3A_151, %add3A_2125 : vector<16xi32>
      %gather3A_2127 = tpu.vector_load_idx %arg6[%add3A_1895, %add3A_2126] : memref<512x64xf32, #tpu.memory_space<vmem>>[vector<16xi32>, vector<16xi32>], vector<16xf32>,
      %add3A_2128 = vector.broadcast %add3A_2099 : i32 to vector<16xi32>
      %add3A_2129 = arith.addi %add3A_728, %add3A_2128 : vector<16xi32>
      tpu.vector_store_idx %arg7[%add3A_2129], %gather3A_2127 : memref<32768xf32, #tpu.memory_space<vmem>>[vector<16xi32>], vector<16xf32>,
      %add3A_2130 = arith.constant 32 : i32
      %add3A_2131 = vector.broadcast %add3A_2130 : i32 to vector<16xi32>
      %add3A_2132 = arith.addi %select_n3A_176, %add3A_2131 : vector<16xi32>
      %gather3A_2133 = tpu.vector_load_idx %arg6[%add3A_1895, %add3A_2132] : memref<512x64xf32, #tpu.memory_space<vmem>>[vector<16xi32>, vector<16xi32>], vector<16xf32>,
      %add3A_2134 = vector.broadcast %add3A_2099 : i32 to vector<16xi32>
      %add3A_2135 = arith.addi %add3A_789, %add3A_2134 : vector<16xi32>
      tpu.vector_store_idx %arg7[%add3A_2135], %gather3A_2133 : memref<32768xf32, #tpu.memory_space<vmem>>[vector<16xi32>], vector<16xf32>,
      %add3A_2136 = arith.constant 32 : i32
      %add3A_2137 = vector.broadcast %add3A_2136 : i32 to vector<16xi32>
      %add3A_2138 = arith.addi %select_n3A_201, %add3A_2137 : vector<16xi32>
      %gather3A_2139 = tpu.vector_load_idx %arg6[%add3A_1895, %add3A_2138] : memref<512x64xf32, #tpu.memory_space<vmem>>[vector<16xi32>, vector<16xi32>], vector<16xf32>,
      %add3A_2140 = vector.broadcast %add3A_2099 : i32 to vector<16xi32>
      %add3A_2141 = arith.addi %add3A_850, %add3A_2140 : vector<16xi32>
      tpu.vector_store_idx %arg7[%add3A_2141], %gather3A_2139 : memref<32768xf32, #tpu.memory_space<vmem>>[vector<16xi32>], vector<16xf32>,
      %add3A_2142 = arith.constant 32 : i32
      %add3A_2143 = vector.broadcast %add3A_2142 : i32 to vector<16xi32>
      %add3A_2144 = arith.addi %select_n3A_226, %add3A_2143 : vector<16xi32>
      %gather3A_2145 = tpu.vector_load_idx %arg6[%add3A_1895, %add3A_2144] : memref<512x64xf32, #tpu.memory_space<vmem>>[vector<16xi32>, vector<16xi32>], vector<16xf32>,
      %add3A_2146 = vector.broadcast %add3A_2099 : i32 to vector<16xi32>
      %add3A_2147 = arith.addi %add3A_911, %add3A_2146 : vector<16xi32>
      tpu.vector_store_idx %arg7[%add3A_2147], %gather3A_2145 : memref<32768xf32, #tpu.memory_space<vmem>>[vector<16xi32>], vector<16xf32>,
      %add3A_2148 = arith.constant 32 : i32
      %add3A_2149 = vector.broadcast %add3A_2148 : i32 to vector<16xi32>
      %add3A_2150 = arith.addi %select_n3A_251, %add3A_2149 : vector<16xi32>
      %gather3A_2151 = tpu.vector_load_idx %arg6[%add3A_1895, %add3A_2150] : memref<512x64xf32, #tpu.memory_space<vmem>>[vector<16xi32>, vector<16xi32>], vector<16xf32>,
      %add3A_2152 = vector.broadcast %add3A_2099 : i32 to vector<16xi32>
      %add3A_2153 = arith.addi %add3A_972, %add3A_2152 : vector<16xi32>
      tpu.vector_store_idx %arg7[%add3A_2153], %gather3A_2151 : memref<32768xf32, #tpu.memory_space<vmem>>[vector<16xi32>], vector<16xf32>,
      %add3A_2154 = arith.constant 32 : i32
      %add3A_2155 = vector.broadcast %add3A_2154 : i32 to vector<16xi32>
      %add3A_2156 = arith.addi %select_n3A_276, %add3A_2155 : vector<16xi32>
      %gather3A_2157 = tpu.vector_load_idx %arg6[%add3A_1895, %add3A_2156] : memref<512x64xf32, #tpu.memory_space<vmem>>[vector<16xi32>, vector<16xi32>], vector<16xf32>,
      %add3A_2158 = vector.broadcast %add3A_2099 : i32 to vector<16xi32>
      %add3A_2159 = arith.addi %add3A_1033, %add3A_2158 : vector<16xi32>
      tpu.vector_store_idx %arg7[%add3A_2159], %gather3A_2157 : memref<32768xf32, #tpu.memory_space<vmem>>[vector<16xi32>], vector<16xf32>,
      %add3A_2160 = arith.constant 32 : i32
      %add3A_2161 = vector.broadcast %add3A_2160 : i32 to vector<16xi32>
      %add3A_2162 = arith.addi %select_n3A_301, %add3A_2161 : vector<16xi32>
      %gather3A_2163 = tpu.vector_load_idx %arg6[%add3A_1895, %add3A_2162] : memref<512x64xf32, #tpu.memory_space<vmem>>[vector<16xi32>, vector<16xi32>], vector<16xf32>,
      %add3A_2164 = vector.broadcast %add3A_2099 : i32 to vector<16xi32>
      %add3A_2165 = arith.addi %add3A_1094, %add3A_2164 : vector<16xi32>
      tpu.vector_store_idx %arg7[%add3A_2165], %gather3A_2163 : memref<32768xf32, #tpu.memory_space<vmem>>[vector<16xi32>], vector<16xf32>,
      %add3A_2166 = arith.constant 32 : i32
      %add3A_2167 = vector.broadcast %add3A_2166 : i32 to vector<16xi32>
      %add3A_2168 = arith.addi %select_n3A_326, %add3A_2167 : vector<16xi32>
      %gather3A_2169 = tpu.vector_load_idx %arg6[%add3A_1895, %add3A_2168] : memref<512x64xf32, #tpu.memory_space<vmem>>[vector<16xi32>, vector<16xi32>], vector<16xf32>,
      %add3A_2170 = vector.broadcast %add3A_2099 : i32 to vector<16xi32>
      %add3A_2171 = arith.addi %add3A_1155, %add3A_2170 : vector<16xi32>
      tpu.vector_store_idx %arg7[%add3A_2171], %gather3A_2169 : memref<32768xf32, #tpu.memory_space<vmem>>[vector<16xi32>], vector<16xf32>,
      %add3A_2172 = arith.constant 32 : i32
      %add3A_2173 = vector.broadcast %add3A_2172 : i32 to vector<16xi32>
      %add3A_2174 = arith.addi %select_n3A_351, %add3A_2173 : vector<16xi32>
      %gather3A_2175 = tpu.vector_load_idx %arg6[%add3A_1895, %add3A_2174] : memref<512x64xf32, #tpu.memory_space<vmem>>[vector<16xi32>, vector<16xi32>], vector<16xf32>,
      %add3A_2176 = vector.broadcast %add3A_2099 : i32 to vector<16xi32>
      %add3A_2177 = arith.addi %add3A_1216, %add3A_2176 : vector<16xi32>
      tpu.vector_store_idx %arg7[%add3A_2177], %gather3A_2175 : memref<32768xf32, #tpu.memory_space<vmem>>[vector<16xi32>], vector<16xf32>,
      %add3A_2178 = arith.constant 32 : i32
      %add3A_2179 = vector.broadcast %add3A_2178 : i32 to vector<16xi32>
      %add3A_2180 = arith.addi %select_n3A_376, %add3A_2179 : vector<16xi32>
      %gather3A_2181 = tpu.vector_load_idx %arg6[%add3A_1895, %add3A_2180] : memref<512x64xf32, #tpu.memory_space<vmem>>[vector<16xi32>, vector<16xi32>], vector<16xf32>,
      %add3A_2182 = vector.broadcast %add3A_2099 : i32 to vector<16xi32>
      %add3A_2183 = arith.addi %add3A_1277, %add3A_2182 : vector<16xi32>
      tpu.vector_store_idx %arg7[%add3A_2183], %gather3A_2181 : memref<32768xf32, #tpu.memory_space<vmem>>[vector<16xi32>], vector<16xf32>,
      %add3A_2184 = arith.constant 32 : i32
      %add3A_2185 = vector.broadcast %add3A_2184 : i32 to vector<16xi32>
      %add3A_2186 = arith.addi %select_n3A_401, %add3A_2185 : vector<16xi32>
      %gather3A_2187 = tpu.vector_load_idx %arg6[%add3A_1895, %add3A_2186] : memref<512x64xf32, #tpu.memory_space<vmem>>[vector<16xi32>, vector<16xi32>], vector<16xf32>,
      %add3A_2188 = vector.broadcast %add3A_2099 : i32 to vector<16xi32>
      %add3A_2189 = arith.addi %add3A_1338, %add3A_2188 : vector<16xi32>
      tpu.vector_store_idx %arg7[%add3A_2189], %gather3A_2187 : memref<32768xf32, #tpu.memory_space<vmem>>[vector<16xi32>], vector<16xf32>,
      %add3A_2190 = arith.constant 32 : i32
      %add3A_2191 = vector.broadcast %add3A_2190 : i32 to vector<16xi32>
      %add3A_2192 = arith.addi %select_n3A_426, %add3A_2191 : vector<16xi32>
      %gather3A_2193 = tpu.vector_load_idx %arg6[%add3A_1895, %add3A_2192] : memref<512x64xf32, #tpu.memory_space<vmem>>[vector<16xi32>, vector<16xi32>], vector<16xf32>,
      %add3A_2194 = vector.broadcast %add3A_2099 : i32 to vector<16xi32>
      %add3A_2195 = arith.addi %add3A_1399, %add3A_2194 : vector<16xi32>
      tpu.vector_store_idx %arg7[%add3A_2195], %gather3A_2193 : memref<32768xf32, #tpu.memory_space<vmem>>[vector<16xi32>], vector<16xf32>,
      %add3A_2196 = arith.constant 24576 : i32
      %add3A_2197 = arith.addi %add3A_1902, %add3A_2196 : i32
      %add3A_2198 = arith.constant 48 : i32
      %add3A_2199 = vector.broadcast %add3A_2198 : i32 to vector<16xi32>
      %add3A_2200 = arith.addi %select_n3A_51, %add3A_2199 : vector<16xi32>
      %gather3A_2201 = tpu.vector_load_idx %arg6[%add3A_1895, %add3A_2200] : memref<512x64xf32, #tpu.memory_space<vmem>>[vector<16xi32>, vector<16xi32>], vector<16xf32>,
      %add3A_2202 = vector.broadcast %add3A_2197 : i32 to vector<16xi32>
      %add3A_2203 = arith.addi %add3A_484, %add3A_2202 : vector<16xi32>
      tpu.vector_store_idx %arg7[%add3A_2203], %gather3A_2201 : memref<32768xf32, #tpu.memory_space<vmem>>[vector<16xi32>], vector<16xf32>,
      %add3A_2204 = arith.constant 48 : i32
      %add3A_2205 = vector.broadcast %add3A_2204 : i32 to vector<16xi32>
      %add3A_2206 = arith.addi %select_n3A_76, %add3A_2205 : vector<16xi32>
      %gather3A_2207 = tpu.vector_load_idx %arg6[%add3A_1895, %add3A_2206] : memref<512x64xf32, #tpu.memory_space<vmem>>[vector<16xi32>, vector<16xi32>], vector<16xf32>,
      %add3A_2208 = vector.broadcast %add3A_2197 : i32 to vector<16xi32>
      %add3A_2209 = arith.addi %add3A_545, %add3A_2208 : vector<16xi32>
      tpu.vector_store_idx %arg7[%add3A_2209], %gather3A_2207 : memref<32768xf32, #tpu.memory_space<vmem>>[vector<16xi32>], vector<16xf32>,
      %add3A_2210 = arith.constant 48 : i32
      %add3A_2211 = vector.broadcast %add3A_2210 : i32 to vector<16xi32>
      %add3A_2212 = arith.addi %select_n3A_101, %add3A_2211 : vector<16xi32>
      %gather3A_2213 = tpu.vector_load_idx %arg6[%add3A_1895, %add3A_2212] : memref<512x64xf32, #tpu.memory_space<vmem>>[vector<16xi32>, vector<16xi32>], vector<16xf32>,
      %add3A_2214 = vector.broadcast %add3A_2197 : i32 to vector<16xi32>
      %add3A_2215 = arith.addi %add3A_606, %add3A_2214 : vector<16xi32>
      tpu.vector_store_idx %arg7[%add3A_2215], %gather3A_2213 : memref<32768xf32, #tpu.memory_space<vmem>>[vector<16xi32>], vector<16xf32>,
      %add3A_2216 = arith.constant 48 : i32
      %add3A_2217 = vector.broadcast %add3A_2216 : i32 to vector<16xi32>
      %add3A_2218 = arith.addi %select_n3A_126, %add3A_2217 : vector<16xi32>
      %gather3A_2219 = tpu.vector_load_idx %arg6[%add3A_1895, %add3A_2218] : memref<512x64xf32, #tpu.memory_space<vmem>>[vector<16xi32>, vector<16xi32>], vector<16xf32>,
      %add3A_2220 = vector.broadcast %add3A_2197 : i32 to vector<16xi32>
      %add3A_2221 = arith.addi %add3A_667, %add3A_2220 : vector<16xi32>
      tpu.vector_store_idx %arg7[%add3A_2221], %gather3A_2219 : memref<32768xf32, #tpu.memory_space<vmem>>[vector<16xi32>], vector<16xf32>,
      %add3A_2222 = arith.constant 48 : i32
      %add3A_2223 = vector.broadcast %add3A_2222 : i32 to vector<16xi32>
      %add3A_2224 = arith.addi %select_n3A_151, %add3A_2223 : vector<16xi32>
      %gather3A_2225 = tpu.vector_load_idx %arg6[%add3A_1895, %add3A_2224] : memref<512x64xf32, #tpu.memory_space<vmem>>[vector<16xi32>, vector<16xi32>], vector<16xf32>,
      %add3A_2226 = vector.broadcast %add3A_2197 : i32 to vector<16xi32>
      %add3A_2227 = arith.addi %add3A_728, %add3A_2226 : vector<16xi32>
      tpu.vector_store_idx %arg7[%add3A_2227], %gather3A_2225 : memref<32768xf32, #tpu.memory_space<vmem>>[vector<16xi32>], vector<16xf32>,
      %add3A_2228 = arith.constant 48 : i32
      %add3A_2229 = vector.broadcast %add3A_2228 : i32 to vector<16xi32>
      %add3A_2230 = arith.addi %select_n3A_176, %add3A_2229 : vector<16xi32>
      %gather3A_2231 = tpu.vector_load_idx %arg6[%add3A_1895, %add3A_2230] : memref<512x64xf32, #tpu.memory_space<vmem>>[vector<16xi32>, vector<16xi32>], vector<16xf32>,
      %add3A_2232 = vector.broadcast %add3A_2197 : i32 to vector<16xi32>
      %add3A_2233 = arith.addi %add3A_789, %add3A_2232 : vector<16xi32>
      tpu.vector_store_idx %arg7[%add3A_2233], %gather3A_2231 : memref<32768xf32, #tpu.memory_space<vmem>>[vector<16xi32>], vector<16xf32>,
      %add3A_2234 = arith.constant 48 : i32
      %add3A_2235 = vector.broadcast %add3A_2234 : i32 to vector<16xi32>
      %add3A_2236 = arith.addi %select_n3A_201, %add3A_2235 : vector<16xi32>
      %gather3A_2237 = tpu.vector_load_idx %arg6[%add3A_1895, %add3A_2236] : memref<512x64xf32, #tpu.memory_space<vmem>>[vector<16xi32>, vector<16xi32>], vector<16xf32>,
      %add3A_2238 = vector.broadcast %add3A_2197 : i32 to vector<16xi32>
      %add3A_2239 = arith.addi %add3A_850, %add3A_2238 : vector<16xi32>
      tpu.vector_store_idx %arg7[%add3A_2239], %gather3A_2237 : memref<32768xf32, #tpu.memory_space<vmem>>[vector<16xi32>], vector<16xf32>,
      %add3A_2240 = arith.constant 48 : i32
      %add3A_2241 = vector.broadcast %add3A_2240 : i32 to vector<16xi32>
      %add3A_2242 = arith.addi %select_n3A_226, %add3A_2241 : vector<16xi32>
      %gather3A_2243 = tpu.vector_load_idx %arg6[%add3A_1895, %add3A_2242] : memref<512x64xf32, #tpu.memory_space<vmem>>[vector<16xi32>, vector<16xi32>], vector<16xf32>,
      %add3A_2244 = vector.broadcast %add3A_2197 : i32 to vector<16xi32>
      %add3A_2245 = arith.addi %add3A_911, %add3A_2244 : vector<16xi32>
      tpu.vector_store_idx %arg7[%add3A_2245], %gather3A_2243 : memref<32768xf32, #tpu.memory_space<vmem>>[vector<16xi32>], vector<16xf32>,
      %add3A_2246 = arith.constant 48 : i32
      %add3A_2247 = vector.broadcast %add3A_2246 : i32 to vector<16xi32>
      %add3A_2248 = arith.addi %select_n3A_251, %add3A_2247 : vector<16xi32>
      %gather3A_2249 = tpu.vector_load_idx %arg6[%add3A_1895, %add3A_2248] : memref<512x64xf32, #tpu.memory_space<vmem>>[vector<16xi32>, vector<16xi32>], vector<16xf32>,
      %add3A_2250 = vector.broadcast %add3A_2197 : i32 to vector<16xi32>
      %add3A_2251 = arith.addi %add3A_972, %add3A_2250 : vector<16xi32>
      tpu.vector_store_idx %arg7[%add3A_2251], %gather3A_2249 : memref<32768xf32, #tpu.memory_space<vmem>>[vector<16xi32>], vector<16xf32>,
      %add3A_2252 = arith.constant 48 : i32
      %add3A_2253 = vector.broadcast %add3A_2252 : i32 to vector<16xi32>
      %add3A_2254 = arith.addi %select_n3A_276, %add3A_2253 : vector<16xi32>
      %gather3A_2255 = tpu.vector_load_idx %arg6[%add3A_1895, %add3A_2254] : memref<512x64xf32, #tpu.memory_space<vmem>>[vector<16xi32>, vector<16xi32>], vector<16xf32>,
      %add3A_2256 = vector.broadcast %add3A_2197 : i32 to vector<16xi32>
      %add3A_2257 = arith.addi %add3A_1033, %add3A_2256 : vector<16xi32>
      tpu.vector_store_idx %arg7[%add3A_2257], %gather3A_2255 : memref<32768xf32, #tpu.memory_space<vmem>>[vector<16xi32>], vector<16xf32>,
      %add3A_2258 = arith.constant 48 : i32
      %add3A_2259 = vector.broadcast %add3A_2258 : i32 to vector<16xi32>
      %add3A_2260 = arith.addi %select_n3A_301, %add3A_2259 : vector<16xi32>
      %gather3A_2261 = tpu.vector_load_idx %arg6[%add3A_1895, %add3A_2260] : memref<512x64xf32, #tpu.memory_space<vmem>>[vector<16xi32>, vector<16xi32>], vector<16xf32>,
      %add3A_2262 = vector.broadcast %add3A_2197 : i32 to vector<16xi32>
      %add3A_2263 = arith.addi %add3A_1094, %add3A_2262 : vector<16xi32>
      tpu.vector_store_idx %arg7[%add3A_2263], %gather3A_2261 : memref<32768xf32, #tpu.memory_space<vmem>>[vector<16xi32>], vector<16xf32>,
      %add3A_2264 = arith.constant 48 : i32
      %add3A_2265 = vector.broadcast %add3A_2264 : i32 to vector<16xi32>
      %add3A_2266 = arith.addi %select_n3A_326, %add3A_2265 : vector<16xi32>
      %gather3A_2267 = tpu.vector_load_idx %arg6[%add3A_1895, %add3A_2266] : memref<512x64xf32, #tpu.memory_space<vmem>>[vector<16xi32>, vector<16xi32>], vector<16xf32>,
      %add3A_2268 = vector.broadcast %add3A_2197 : i32 to vector<16xi32>
      %add3A_2269 = arith.addi %add3A_1155, %add3A_2268 : vector<16xi32>
      tpu.vector_store_idx %arg7[%add3A_2269], %gather3A_2267 : memref<32768xf32, #tpu.memory_space<vmem>>[vector<16xi32>], vector<16xf32>,
      %add3A_2270 = arith.constant 48 : i32
      %add3A_2271 = vector.broadcast %add3A_2270 : i32 to vector<16xi32>
      %add3A_2272 = arith.addi %select_n3A_351, %add3A_2271 : vector<16xi32>
      %gather3A_2273 = tpu.vector_load_idx %arg6[%add3A_1895, %add3A_2272] : memref<512x64xf32, #tpu.memory_space<vmem>>[vector<16xi32>, vector<16xi32>], vector<16xf32>,
      %add3A_2274 = vector.broadcast %add3A_2197 : i32 to vector<16xi32>
      %add3A_2275 = arith.addi %add3A_1216, %add3A_2274 : vector<16xi32>
      tpu.vector_store_idx %arg7[%add3A_2275], %gather3A_2273 : memref<32768xf32, #tpu.memory_space<vmem>>[vector<16xi32>], vector<16xf32>,
      %add3A_2276 = arith.constant 48 : i32
      %add3A_2277 = vector.broadcast %add3A_2276 : i32 to vector<16xi32>
      %add3A_2278 = arith.addi %select_n3A_376, %add3A_2277 : vector<16xi32>
      %gather3A_2279 = tpu.vector_load_idx %arg6[%add3A_1895, %add3A_2278] : memref<512x64xf32, #tpu.memory_space<vmem>>[vector<16xi32>, vector<16xi32>], vector<16xf32>,
      %add3A_2280 = vector.broadcast %add3A_2197 : i32 to vector<16xi32>
      %add3A_2281 = arith.addi %add3A_1277, %add3A_2280 : vector<16xi32>
      tpu.vector_store_idx %arg7[%add3A_2281], %gather3A_2279 : memref<32768xf32, #tpu.memory_space<vmem>>[vector<16xi32>], vector<16xf32>,
      %add3A_2282 = arith.constant 48 : i32
      %add3A_2283 = vector.broadcast %add3A_2282 : i32 to vector<16xi32>
      %add3A_2284 = arith.addi %select_n3A_401, %add3A_2283 : vector<16xi32>
      %gather3A_2285 = tpu.vector_load_idx %arg6[%add3A_1895, %add3A_2284] : memref<512x64xf32, #tpu.memory_space<vmem>>[vector<16xi32>, vector<16xi32>], vector<16xf32>,
      %add3A_2286 = vector.broadcast %add3A_2197 : i32 to vector<16xi32>
      %add3A_2287 = arith.addi %add3A_1338, %add3A_2286 : vector<16xi32>
      tpu.vector_store_idx %arg7[%add3A_2287], %gather3A_2285 : memref<32768xf32, #tpu.memory_space<vmem>>[vector<16xi32>], vector<16xf32>,
      %add3A_2288 = arith.constant 48 : i32
      %add3A_2289 = vector.broadcast %add3A_2288 : i32 to vector<16xi32>
      %add3A_2290 = arith.addi %select_n3A_426, %add3A_2289 : vector<16xi32>
      %gather3A_2291 = tpu.vector_load_idx %arg6[%add3A_1895, %add3A_2290] : memref<512x64xf32, #tpu.memory_space<vmem>>[vector<16xi32>, vector<16xi32>], vector<16xf32>,
      %add3A_2292 = vector.broadcast %add3A_2197 : i32 to vector<16xi32>
      %add3A_2293 = arith.addi %add3A_1399, %add3A_2292 : vector<16xi32>
      tpu.vector_store_idx %arg7[%add3A_2293], %gather3A_2291 : memref<32768xf32, #tpu.memory_space<vmem>>[vector<16xi32>], vector<16xf32>,
      %eq3A_2294 = arith.constant 7 : i32
      %eq3A_2295 = arith.cmpi eq, %scan3A_1885, %eq3A_2294 : i32
      %convert_element_type3A_2296 = arith.extui %eq3A_2295 : i1 to i32
      %cond3A_2297 = arith.constant 0 : i32
      %cond3A_2298 = arith.cmpi ne, %convert_element_type3A_2296, %cond3A_2297 : i32
      scf.if %cond3A_2298 {
        %mul3A_2315 = arith.constant 4 : i32
        %mul3A_2316 = arith.muli %add3A, %mul3A_2315 : i32
        %add3A_2317 = arith.constant 0 : i32
        %add3A_2318 = arith.addi %mul3A_2316, %add3A_2317 : i32
        %dma_start3A_2319 = arith.constant 0 : i32
        %dma_start3A_2320 = arith.constant 0 : i32
        %dma_start3A_2321 = tpu.memref_slice %arg7[%dma_start3A_2320] : memref<32768xf32, #tpu.memory_space<vmem>> -> memref<1024xf32, #tpu.memory_space<vmem>>
        %dma_start3A_2322 = arith.constant 0 : i32
        %dma_start3A_2323 = tpu.memref_slice %arg4[%dma_start3A_2319, %add3A_2318, %dma_start3A_2322] : memref<8x128x1024xf32, #tpu.memory_space<hbm>> -> memref<1x1x1024xf32, #tpu.memory_space<hbm>>
        %dma_start3A_2324 = tpu.memref_squeeze %dma_start3A_2323 : memref<1x1x1024xf32, #tpu.memory_space<hbm>> -> memref<1024xf32, #tpu.memory_space<hbm>>
        %dma_start3A_2325 = arith.constant 0 : i32
        %dma_start3A_2326 = tpu.memref_slice %arg4[%dma_start3A_2319, %add3A_2318, %dma_start3A_2325] : memref<8x128x1024xf32, #tpu.memory_space<hbm>> -> memref<1x1x1024xf32, #tpu.memory_space<hbm>>
        %dma_start3A_2327 = tpu.memref_squeeze %dma_start3A_2326 : memref<1x1x1024xf32, #tpu.memory_space<hbm>> -> memref<1024xf32, #tpu.memory_space<hbm>>
        %dma_start3A_2328 = arith.constant 0 : i32
        %dma_start3A_2329 = tpu.memref_slice %arg7[%dma_start3A_2328] : memref<32768xf32, #tpu.memory_space<vmem>> -> memref<1024xf32, #tpu.memory_space<vmem>>
        tpu.enqueue_dma source(%dma_start3A_2329 : memref<1024xf32, #tpu.memory_space<vmem>>) target(%dma_start3A_2327 : memref<1024xf32, #tpu.memory_space<hbm>>) target_semaphore(%arg9 : memref<!tpu.dma_semaphore, #tpu.memory_space<semaphore_mem>>)
        %mul3A_2330 = arith.constant 4 : i32
        %mul3A_2331 = arith.muli %add3A, %mul3A_2330 : i32
        %add3A_2332 = arith.constant 0 : i32
        %add3A_2333 = arith.addi %mul3A_2331, %add3A_2332 : i32
        %dma_start3A_2334 = arith.constant 1 : i32
        %dma_start3A_2335 = arith.constant 4096 : i32
        %dma_start3A_2336 = tpu.memref_slice %arg7[%dma_start3A_2335] : memref<32768xf32, #tpu.memory_space<vmem>> -> memref<1024xf32, #tpu.memory_space<vmem>>
        %dma_start3A_2337 = arith.constant 0 : i32
        %dma_start3A_2338 = tpu.memref_slice %arg4[%dma_start3A_2334, %add3A_2333, %dma_start3A_2337] : memref<8x128x1024xf32, #tpu.memory_space<hbm>> -> memref<1x1x1024xf32, #tpu.memory_space<hbm>>
        %dma_start3A_2339 = tpu.memref_squeeze %dma_start3A_2338 : memref<1x1x1024xf32, #tpu.memory_space<hbm>> -> memref<1024xf32, #tpu.memory_space<hbm>>
        %dma_start3A_2340 = arith.constant 0 : i32
        %dma_start3A_2341 = tpu.memref_slice %arg4[%dma_start3A_2334, %add3A_2333, %dma_start3A_2340] : memref<8x128x1024xf32, #tpu.memory_space<hbm>> -> memref<1x1x1024xf32, #tpu.memory_space<hbm>>
        %dma_start3A_2342 = tpu.memref_squeeze %dma_start3A_2341 : memref<1x1x1024xf32, #tpu.memory_space<hbm>> -> memref<1024xf32, #tpu.memory_space<hbm>>
        %dma_start3A_2343 = arith.constant 4096 : i32
        %dma_start3A_2344 = tpu.memref_slice %arg7[%dma_start3A_2343] : memref<32768xf32, #tpu.memory_space<vmem>> -> memref<1024xf32, #tpu.memory_space<vmem>>
        tpu.enqueue_dma source(%dma_start3A_2344 : memref<1024xf32, #tpu.memory_space<vmem>>) target(%dma_start3A_2342 : memref<1024xf32, #tpu.memory_space<hbm>>) target_semaphore(%arg9 : memref<!tpu.dma_semaphore, #tpu.memory_space<semaphore_mem>>)
        %mul3A_2345 = arith.constant 4 : i32
        %mul3A_2346 = arith.muli %add3A, %mul3A_2345 : i32
        %add3A_2347 = arith.constant 0 : i32
        %add3A_2348 = arith.addi %mul3A_2346, %add3A_2347 : i32
        %dma_start3A_2349 = arith.constant 2 : i32
        %dma_start3A_2350 = arith.constant 8192 : i32
        %dma_start3A_2351 = tpu.memref_slice %arg7[%dma_start3A_2350] : memref<32768xf32, #tpu.memory_space<vmem>> -> memref<1024xf32, #tpu.memory_space<vmem>>
        %dma_start3A_2352 = arith.constant 0 : i32
        %dma_start3A_2353 = tpu.memref_slice %arg4[%dma_start3A_2349, %add3A_2348, %dma_start3A_2352] : memref<8x128x1024xf32, #tpu.memory_space<hbm>> -> memref<1x1x1024xf32, #tpu.memory_space<hbm>>
        %dma_start3A_2354 = tpu.memref_squeeze %dma_start3A_2353 : memref<1x1x1024xf32, #tpu.memory_space<hbm>> -> memref<1024xf32, #tpu.memory_space<hbm>>
        %dma_start3A_2355 = arith.constant 0 : i32
        %dma_start3A_2356 = tpu.memref_slice %arg4[%dma_start3A_2349, %add3A_2348, %dma_start3A_2355] : memref<8x128x1024xf32, #tpu.memory_space<hbm>> -> memref<1x1x1024xf32, #tpu.memory_space<hbm>>
        %dma_start3A_2357 = tpu.memref_squeeze %dma_start3A_2356 : memref<1x1x1024xf32, #tpu.memory_space<hbm>> -> memref<1024xf32, #tpu.memory_space<hbm>>
        %dma_start3A_2358 = arith.constant 8192 : i32
        %dma_start3A_2359 = tpu.memref_slice %arg7[%dma_start3A_2358] : memref<32768xf32, #tpu.memory_space<vmem>> -> memref<1024xf32, #tpu.memory_space<vmem>>
        tpu.enqueue_dma source(%dma_start3A_2359 : memref<1024xf32, #tpu.memory_space<vmem>>) target(%dma_start3A_2357 : memref<1024xf32, #tpu.memory_space<hbm>>) target_semaphore(%arg9 : memref<!tpu.dma_semaphore, #tpu.memory_space<semaphore_mem>>)
        %mul3A_2360 = arith.constant 4 : i32
        %mul3A_2361 = arith.muli %add3A, %mul3A_2360 : i32
        %add3A_2362 = arith.constant 0 : i32
        %add3A_2363 = arith.addi %mul3A_2361, %add3A_2362 : i32
        %dma_start3A_2364 = arith.constant 3 : i32
        %dma_start3A_2365 = arith.constant 12288 : i32
        %dma_start3A_2366 = tpu.memref_slice %arg7[%dma_start3A_2365] : memref<32768xf32, #tpu.memory_space<vmem>> -> memref<1024xf32, #tpu.memory_space<vmem>>
        %dma_start3A_2367 = arith.constant 0 : i32
        %dma_start3A_2368 = tpu.memref_slice %arg4[%dma_start3A_2364, %add3A_2363, %dma_start3A_2367] : memref<8x128x1024xf32, #tpu.memory_space<hbm>> -> memref<1x1x1024xf32, #tpu.memory_space<hbm>>
        %dma_start3A_2369 = tpu.memref_squeeze %dma_start3A_2368 : memref<1x1x1024xf32, #tpu.memory_space<hbm>> -> memref<1024xf32, #tpu.memory_space<hbm>>
        %dma_start3A_2370 = arith.constant 0 : i32
        %dma_start3A_2371 = tpu.memref_slice %arg4[%dma_start3A_2364, %add3A_2363, %dma_start3A_2370] : memref<8x128x1024xf32, #tpu.memory_space<hbm>> -> memref<1x1x1024xf32, #tpu.memory_space<hbm>>
        %dma_start3A_2372 = tpu.memref_squeeze %dma_start3A_2371 : memref<1x1x1024xf32, #tpu.memory_space<hbm>> -> memref<1024xf32, #tpu.memory_space<hbm>>
        %dma_start3A_2373 = arith.constant 12288 : i32
        %dma_start3A_2374 = tpu.memref_slice %arg7[%dma_start3A_2373] : memref<32768xf32, #tpu.memory_space<vmem>> -> memref<1024xf32, #tpu.memory_space<vmem>>
        tpu.enqueue_dma source(%dma_start3A_2374 : memref<1024xf32, #tpu.memory_space<vmem>>) target(%dma_start3A_2372 : memref<1024xf32, #tpu.memory_space<hbm>>) target_semaphore(%arg9 : memref<!tpu.dma_semaphore, #tpu.memory_space<semaphore_mem>>)
        %mul3A_2375 = arith.constant 4 : i32
        %mul3A_2376 = arith.muli %add3A, %mul3A_2375 : i32
        %add3A_2377 = arith.constant 0 : i32
        %add3A_2378 = arith.addi %mul3A_2376, %add3A_2377 : i32
        %dma_start3A_2379 = arith.constant 4 : i32
        %dma_start3A_2380 = arith.constant 16384 : i32
        %dma_start3A_2381 = tpu.memref_slice %arg7[%dma_start3A_2380] : memref<32768xf32, #tpu.memory_space<vmem>> -> memref<1024xf32, #tpu.memory_space<vmem>>
        %dma_start3A_2382 = arith.constant 0 : i32
        %dma_start3A_2383 = tpu.memref_slice %arg4[%dma_start3A_2379, %add3A_2378, %dma_start3A_2382] : memref<8x128x1024xf32, #tpu.memory_space<hbm>> -> memref<1x1x1024xf32, #tpu.memory_space<hbm>>
        %dma_start3A_2384 = tpu.memref_squeeze %dma_start3A_2383 : memref<1x1x1024xf32, #tpu.memory_space<hbm>> -> memref<1024xf32, #tpu.memory_space<hbm>>
        %dma_start3A_2385 = arith.constant 0 : i32
        %dma_start3A_2386 = tpu.memref_slice %arg4[%dma_start3A_2379, %add3A_2378, %dma_start3A_2385] : memref<8x128x1024xf32, #tpu.memory_space<hbm>> -> memref<1x1x1024xf32, #tpu.memory_space<hbm>>
        %dma_start3A_2387 = tpu.memref_squeeze %dma_start3A_2386 : memref<1x1x1024xf32, #tpu.memory_space<hbm>> -> memref<1024xf32, #tpu.memory_space<hbm>>
        %dma_start3A_2388 = arith.constant 16384 : i32
        %dma_start3A_2389 = tpu.memref_slice %arg7[%dma_start3A_2388] : memref<32768xf32, #tpu.memory_space<vmem>> -> memref<1024xf32, #tpu.memory_space<vmem>>
        tpu.enqueue_dma source(%dma_start3A_2389 : memref<1024xf32, #tpu.memory_space<vmem>>) target(%dma_start3A_2387 : memref<1024xf32, #tpu.memory_space<hbm>>) target_semaphore(%arg9 : memref<!tpu.dma_semaphore, #tpu.memory_space<semaphore_mem>>)
        %mul3A_2390 = arith.constant 4 : i32
        %mul3A_2391 = arith.muli %add3A, %mul3A_2390 : i32
        %add3A_2392 = arith.constant 0 : i32
        %add3A_2393 = arith.addi %mul3A_2391, %add3A_2392 : i32
        %dma_start3A_2394 = arith.constant 5 : i32
        %dma_start3A_2395 = arith.constant 20480 : i32
        %dma_start3A_2396 = tpu.memref_slice %arg7[%dma_start3A_2395] : memref<32768xf32, #tpu.memory_space<vmem>> -> memref<1024xf32, #tpu.memory_space<vmem>>
        %dma_start3A_2397 = arith.constant 0 : i32
        %dma_start3A_2398 = tpu.memref_slice %arg4[%dma_start3A_2394, %add3A_2393, %dma_start3A_2397] : memref<8x128x1024xf32, #tpu.memory_space<hbm>> -> memref<1x1x1024xf32, #tpu.memory_space<hbm>>
        %dma_start3A_2399 = tpu.memref_squeeze %dma_start3A_2398 : memref<1x1x1024xf32, #tpu.memory_space<hbm>> -> memref<1024xf32, #tpu.memory_space<hbm>>
        %dma_start3A_2400 = arith.constant 0 : i32
        %dma_start3A_2401 = tpu.memref_slice %arg4[%dma_start3A_2394, %add3A_2393, %dma_start3A_2400] : memref<8x128x1024xf32, #tpu.memory_space<hbm>> -> memref<1x1x1024xf32, #tpu.memory_space<hbm>>
        %dma_start3A_2402 = tpu.memref_squeeze %dma_start3A_2401 : memref<1x1x1024xf32, #tpu.memory_space<hbm>> -> memref<1024xf32, #tpu.memory_space<hbm>>
        %dma_start3A_2403 = arith.constant 20480 : i32
        %dma_start3A_2404 = tpu.memref_slice %arg7[%dma_start3A_2403] : memref<32768xf32, #tpu.memory_space<vmem>> -> memref<1024xf32, #tpu.memory_space<vmem>>
        tpu.enqueue_dma source(%dma_start3A_2404 : memref<1024xf32, #tpu.memory_space<vmem>>) target(%dma_start3A_2402 : memref<1024xf32, #tpu.memory_space<hbm>>) target_semaphore(%arg9 : memref<!tpu.dma_semaphore, #tpu.memory_space<semaphore_mem>>)
        %mul3A_2405 = arith.constant 4 : i32
        %mul3A_2406 = arith.muli %add3A, %mul3A_2405 : i32
        %add3A_2407 = arith.constant 0 : i32
        %add3A_2408 = arith.addi %mul3A_2406, %add3A_2407 : i32
        %dma_start3A_2409 = arith.constant 6 : i32
        %dma_start3A_2410 = arith.constant 24576 : i32
        %dma_start3A_2411 = tpu.memref_slice %arg7[%dma_start3A_2410] : memref<32768xf32, #tpu.memory_space<vmem>> -> memref<1024xf32, #tpu.memory_space<vmem>>
        %dma_start3A_2412 = arith.constant 0 : i32
        %dma_start3A_2413 = tpu.memref_slice %arg4[%dma_start3A_2409, %add3A_2408, %dma_start3A_2412] : memref<8x128x1024xf32, #tpu.memory_space<hbm>> -> memref<1x1x1024xf32, #tpu.memory_space<hbm>>
        %dma_start3A_2414 = tpu.memref_squeeze %dma_start3A_2413 : memref<1x1x1024xf32, #tpu.memory_space<hbm>> -> memref<1024xf32, #tpu.memory_space<hbm>>
        %dma_start3A_2415 = arith.constant 0 : i32
        %dma_start3A_2416 = tpu.memref_slice %arg4[%dma_start3A_2409, %add3A_2408, %dma_start3A_2415] : memref<8x128x1024xf32, #tpu.memory_space<hbm>> -> memref<1x1x1024xf32, #tpu.memory_space<hbm>>
        %dma_start3A_2417 = tpu.memref_squeeze %dma_start3A_2416 : memref<1x1x1024xf32, #tpu.memory_space<hbm>> -> memref<1024xf32, #tpu.memory_space<hbm>>
        %dma_start3A_2418 = arith.constant 24576 : i32
        %dma_start3A_2419 = tpu.memref_slice %arg7[%dma_start3A_2418] : memref<32768xf32, #tpu.memory_space<vmem>> -> memref<1024xf32, #tpu.memory_space<vmem>>
        tpu.enqueue_dma source(%dma_start3A_2419 : memref<1024xf32, #tpu.memory_space<vmem>>) target(%dma_start3A_2417 : memref<1024xf32, #tpu.memory_space<hbm>>) target_semaphore(%arg9 : memref<!tpu.dma_semaphore, #tpu.memory_space<semaphore_mem>>)
        %mul3A_2420 = arith.constant 4 : i32
        %mul3A_2421 = arith.muli %add3A, %mul3A_2420 : i32
        %add3A_2422 = arith.constant 0 : i32
        %add3A_2423 = arith.addi %mul3A_2421, %add3A_2422 : i32
        %dma_start3A_2424 = arith.constant 7 : i32
        %dma_start3A_2425 = arith.constant 28672 : i32
        %dma_start3A_2426 = tpu.memref_slice %arg7[%dma_start3A_2425] : memref<32768xf32, #tpu.memory_space<vmem>> -> memref<1024xf32, #tpu.memory_space<vmem>>
        %dma_start3A_2427 = arith.constant 0 : i32
        %dma_start3A_2428 = tpu.memref_slice %arg4[%dma_start3A_2424, %add3A_2423, %dma_start3A_2427] : memref<8x128x1024xf32, #tpu.memory_space<hbm>> -> memref<1x1x1024xf32, #tpu.memory_space<hbm>>
        %dma_start3A_2429 = tpu.memref_squeeze %dma_start3A_2428 : memref<1x1x1024xf32, #tpu.memory_space<hbm>> -> memref<1024xf32, #tpu.memory_space<hbm>>
        %dma_start3A_2430 = arith.constant 0 : i32
        %dma_start3A_2431 = tpu.memref_slice %arg4[%dma_start3A_2424, %add3A_2423, %dma_start3A_2430] : memref<8x128x1024xf32, #tpu.memory_space<hbm>> -> memref<1x1x1024xf32, #tpu.memory_space<hbm>>
        %dma_start3A_2432 = tpu.memref_squeeze %dma_start3A_2431 : memref<1x1x1024xf32, #tpu.memory_space<hbm>> -> memref<1024xf32, #tpu.memory_space<hbm>>
        %dma_start3A_2433 = arith.constant 28672 : i32
        %dma_start3A_2434 = tpu.memref_slice %arg7[%dma_start3A_2433] : memref<32768xf32, #tpu.memory_space<vmem>> -> memref<1024xf32, #tpu.memory_space<vmem>>
        tpu.enqueue_dma source(%dma_start3A_2434 : memref<1024xf32, #tpu.memory_space<vmem>>) target(%dma_start3A_2432 : memref<1024xf32, #tpu.memory_space<hbm>>) target_semaphore(%arg9 : memref<!tpu.dma_semaphore, #tpu.memory_space<semaphore_mem>>)
      } else {
      }
      %eq3A_2299 = arith.constant 15 : i32
      %eq3A_2300 = arith.cmpi eq, %scan3A_1885, %eq3A_2299 : i32
      %convert_element_type3A_2301 = arith.extui %eq3A_2300 : i1 to i32
      %cond3A_2302 = arith.constant 0 : i32
      %cond3A_2303 = arith.cmpi ne, %convert_element_type3A_2301, %cond3A_2302 : i32
      scf.if %cond3A_2303 {
        %mul3A_2315 = arith.constant 4 : i32
        %mul3A_2316 = arith.muli %add3A, %mul3A_2315 : i32
        %add3A_2317 = arith.constant 1 : i32
        %add3A_2318 = arith.addi %mul3A_2316, %add3A_2317 : i32
        %dma_start3A_2319 = arith.constant 0 : i32
        %dma_start3A_2320 = arith.constant 1024 : i32
        %dma_start3A_2321 = tpu.memref_slice %arg7[%dma_start3A_2320] : memref<32768xf32, #tpu.memory_space<vmem>> -> memref<1024xf32, #tpu.memory_space<vmem>>
        %dma_start3A_2322 = arith.constant 0 : i32
        %dma_start3A_2323 = tpu.memref_slice %arg4[%dma_start3A_2319, %add3A_2318, %dma_start3A_2322] : memref<8x128x1024xf32, #tpu.memory_space<hbm>> -> memref<1x1x1024xf32, #tpu.memory_space<hbm>>
        %dma_start3A_2324 = tpu.memref_squeeze %dma_start3A_2323 : memref<1x1x1024xf32, #tpu.memory_space<hbm>> -> memref<1024xf32, #tpu.memory_space<hbm>>
        %dma_start3A_2325 = arith.constant 0 : i32
        %dma_start3A_2326 = tpu.memref_slice %arg4[%dma_start3A_2319, %add3A_2318, %dma_start3A_2325] : memref<8x128x1024xf32, #tpu.memory_space<hbm>> -> memref<1x1x1024xf32, #tpu.memory_space<hbm>>
        %dma_start3A_2327 = tpu.memref_squeeze %dma_start3A_2326 : memref<1x1x1024xf32, #tpu.memory_space<hbm>> -> memref<1024xf32, #tpu.memory_space<hbm>>
        %dma_start3A_2328 = arith.constant 1024 : i32
        %dma_start3A_2329 = tpu.memref_slice %arg7[%dma_start3A_2328] : memref<32768xf32, #tpu.memory_space<vmem>> -> memref<1024xf32, #tpu.memory_space<vmem>>
        tpu.enqueue_dma source(%dma_start3A_2329 : memref<1024xf32, #tpu.memory_space<vmem>>) target(%dma_start3A_2327 : memref<1024xf32, #tpu.memory_space<hbm>>) target_semaphore(%arg9 : memref<!tpu.dma_semaphore, #tpu.memory_space<semaphore_mem>>)
        %mul3A_2330 = arith.constant 4 : i32
        %mul3A_2331 = arith.muli %add3A, %mul3A_2330 : i32
        %add3A_2332 = arith.constant 1 : i32
        %add3A_2333 = arith.addi %mul3A_2331, %add3A_2332 : i32
        %dma_start3A_2334 = arith.constant 1 : i32
        %dma_start3A_2335 = arith.constant 5120 : i32
        %dma_start3A_2336 = tpu.memref_slice %arg7[%dma_start3A_2335] : memref<32768xf32, #tpu.memory_space<vmem>> -> memref<1024xf32, #tpu.memory_space<vmem>>
        %dma_start3A_2337 = arith.constant 0 : i32
        %dma_start3A_2338 = tpu.memref_slice %arg4[%dma_start3A_2334, %add3A_2333, %dma_start3A_2337] : memref<8x128x1024xf32, #tpu.memory_space<hbm>> -> memref<1x1x1024xf32, #tpu.memory_space<hbm>>
        %dma_start3A_2339 = tpu.memref_squeeze %dma_start3A_2338 : memref<1x1x1024xf32, #tpu.memory_space<hbm>> -> memref<1024xf32, #tpu.memory_space<hbm>>
        %dma_start3A_2340 = arith.constant 0 : i32
        %dma_start3A_2341 = tpu.memref_slice %arg4[%dma_start3A_2334, %add3A_2333, %dma_start3A_2340] : memref<8x128x1024xf32, #tpu.memory_space<hbm>> -> memref<1x1x1024xf32, #tpu.memory_space<hbm>>
        %dma_start3A_2342 = tpu.memref_squeeze %dma_start3A_2341 : memref<1x1x1024xf32, #tpu.memory_space<hbm>> -> memref<1024xf32, #tpu.memory_space<hbm>>
        %dma_start3A_2343 = arith.constant 5120 : i32
        %dma_start3A_2344 = tpu.memref_slice %arg7[%dma_start3A_2343] : memref<32768xf32, #tpu.memory_space<vmem>> -> memref<1024xf32, #tpu.memory_space<vmem>>
        tpu.enqueue_dma source(%dma_start3A_2344 : memref<1024xf32, #tpu.memory_space<vmem>>) target(%dma_start3A_2342 : memref<1024xf32, #tpu.memory_space<hbm>>) target_semaphore(%arg9 : memref<!tpu.dma_semaphore, #tpu.memory_space<semaphore_mem>>)
        %mul3A_2345 = arith.constant 4 : i32
        %mul3A_2346 = arith.muli %add3A, %mul3A_2345 : i32
        %add3A_2347 = arith.constant 1 : i32
        %add3A_2348 = arith.addi %mul3A_2346, %add3A_2347 : i32
        %dma_start3A_2349 = arith.constant 2 : i32
        %dma_start3A_2350 = arith.constant 9216 : i32
        %dma_start3A_2351 = tpu.memref_slice %arg7[%dma_start3A_2350] : memref<32768xf32, #tpu.memory_space<vmem>> -> memref<1024xf32, #tpu.memory_space<vmem>>
        %dma_start3A_2352 = arith.constant 0 : i32
        %dma_start3A_2353 = tpu.memref_slice %arg4[%dma_start3A_2349, %add3A_2348, %dma_start3A_2352] : memref<8x128x1024xf32, #tpu.memory_space<hbm>> -> memref<1x1x1024xf32, #tpu.memory_space<hbm>>
        %dma_start3A_2354 = tpu.memref_squeeze %dma_start3A_2353 : memref<1x1x1024xf32, #tpu.memory_space<hbm>> -> memref<1024xf32, #tpu.memory_space<hbm>>
        %dma_start3A_2355 = arith.constant 0 : i32
        %dma_start3A_2356 = tpu.memref_slice %arg4[%dma_start3A_2349, %add3A_2348, %dma_start3A_2355] : memref<8x128x1024xf32, #tpu.memory_space<hbm>> -> memref<1x1x1024xf32, #tpu.memory_space<hbm>>
        %dma_start3A_2357 = tpu.memref_squeeze %dma_start3A_2356 : memref<1x1x1024xf32, #tpu.memory_space<hbm>> -> memref<1024xf32, #tpu.memory_space<hbm>>
        %dma_start3A_2358 = arith.constant 9216 : i32
        %dma_start3A_2359 = tpu.memref_slice %arg7[%dma_start3A_2358] : memref<32768xf32, #tpu.memory_space<vmem>> -> memref<1024xf32, #tpu.memory_space<vmem>>
        tpu.enqueue_dma source(%dma_start3A_2359 : memref<1024xf32, #tpu.memory_space<vmem>>) target(%dma_start3A_2357 : memref<1024xf32, #tpu.memory_space<hbm>>) target_semaphore(%arg9 : memref<!tpu.dma_semaphore, #tpu.memory_space<semaphore_mem>>)
        %mul3A_2360 = arith.constant 4 : i32
        %mul3A_2361 = arith.muli %add3A, %mul3A_2360 : i32
        %add3A_2362 = arith.constant 1 : i32
        %add3A_2363 = arith.addi %mul3A_2361, %add3A_2362 : i32
        %dma_start3A_2364 = arith.constant 3 : i32
        %dma_start3A_2365 = arith.constant 13312 : i32
        %dma_start3A_2366 = tpu.memref_slice %arg7[%dma_start3A_2365] : memref<32768xf32, #tpu.memory_space<vmem>> -> memref<1024xf32, #tpu.memory_space<vmem>>
        %dma_start3A_2367 = arith.constant 0 : i32
        %dma_start3A_2368 = tpu.memref_slice %arg4[%dma_start3A_2364, %add3A_2363, %dma_start3A_2367] : memref<8x128x1024xf32, #tpu.memory_space<hbm>> -> memref<1x1x1024xf32, #tpu.memory_space<hbm>>
        %dma_start3A_2369 = tpu.memref_squeeze %dma_start3A_2368 : memref<1x1x1024xf32, #tpu.memory_space<hbm>> -> memref<1024xf32, #tpu.memory_space<hbm>>
        %dma_start3A_2370 = arith.constant 0 : i32
        %dma_start3A_2371 = tpu.memref_slice %arg4[%dma_start3A_2364, %add3A_2363, %dma_start3A_2370] : memref<8x128x1024xf32, #tpu.memory_space<hbm>> -> memref<1x1x1024xf32, #tpu.memory_space<hbm>>
        %dma_start3A_2372 = tpu.memref_squeeze %dma_start3A_2371 : memref<1x1x1024xf32, #tpu.memory_space<hbm>> -> memref<1024xf32, #tpu.memory_space<hbm>>
        %dma_start3A_2373 = arith.constant 13312 : i32
        %dma_start3A_2374 = tpu.memref_slice %arg7[%dma_start3A_2373] : memref<32768xf32, #tpu.memory_space<vmem>> -> memref<1024xf32, #tpu.memory_space<vmem>>
        tpu.enqueue_dma source(%dma_start3A_2374 : memref<1024xf32, #tpu.memory_space<vmem>>) target(%dma_start3A_2372 : memref<1024xf32, #tpu.memory_space<hbm>>) target_semaphore(%arg9 : memref<!tpu.dma_semaphore, #tpu.memory_space<semaphore_mem>>)
        %mul3A_2375 = arith.constant 4 : i32
        %mul3A_2376 = arith.muli %add3A, %mul3A_2375 : i32
        %add3A_2377 = arith.constant 1 : i32
        %add3A_2378 = arith.addi %mul3A_2376, %add3A_2377 : i32
        %dma_start3A_2379 = arith.constant 4 : i32
        %dma_start3A_2380 = arith.constant 17408 : i32
        %dma_start3A_2381 = tpu.memref_slice %arg7[%dma_start3A_2380] : memref<32768xf32, #tpu.memory_space<vmem>> -> memref<1024xf32, #tpu.memory_space<vmem>>
        %dma_start3A_2382 = arith.constant 0 : i32
        %dma_start3A_2383 = tpu.memref_slice %arg4[%dma_start3A_2379, %add3A_2378, %dma_start3A_2382] : memref<8x128x1024xf32, #tpu.memory_space<hbm>> -> memref<1x1x1024xf32, #tpu.memory_space<hbm>>
        %dma_start3A_2384 = tpu.memref_squeeze %dma_start3A_2383 : memref<1x1x1024xf32, #tpu.memory_space<hbm>> -> memref<1024xf32, #tpu.memory_space<hbm>>
        %dma_start3A_2385 = arith.constant 0 : i32
        %dma_start3A_2386 = tpu.memref_slice %arg4[%dma_start3A_2379, %add3A_2378, %dma_start3A_2385] : memref<8x128x1024xf32, #tpu.memory_space<hbm>> -> memref<1x1x1024xf32, #tpu.memory_space<hbm>>
        %dma_start3A_2387 = tpu.memref_squeeze %dma_start3A_2386 : memref<1x1x1024xf32, #tpu.memory_space<hbm>> -> memref<1024xf32, #tpu.memory_space<hbm>>
        %dma_start3A_2388 = arith.constant 17408 : i32
        %dma_start3A_2389 = tpu.memref_slice %arg7[%dma_start3A_2388] : memref<32768xf32, #tpu.memory_space<vmem>> -> memref<1024xf32, #tpu.memory_space<vmem>>
        tpu.enqueue_dma source(%dma_start3A_2389 : memref<1024xf32, #tpu.memory_space<vmem>>) target(%dma_start3A_2387 : memref<1024xf32, #tpu.memory_space<hbm>>) target_semaphore(%arg9 : memref<!tpu.dma_semaphore, #tpu.memory_space<semaphore_mem>>)
        %mul3A_2390 = arith.constant 4 : i32
        %mul3A_2391 = arith.muli %add3A, %mul3A_2390 : i32
        %add3A_2392 = arith.constant 1 : i32
        %add3A_2393 = arith.addi %mul3A_2391, %add3A_2392 : i32
        %dma_start3A_2394 = arith.constant 5 : i32
        %dma_start3A_2395 = arith.constant 21504 : i32
        %dma_start3A_2396 = tpu.memref_slice %arg7[%dma_start3A_2395] : memref<32768xf32, #tpu.memory_space<vmem>> -> memref<1024xf32, #tpu.memory_space<vmem>>
        %dma_start3A_2397 = arith.constant 0 : i32
        %dma_start3A_2398 = tpu.memref_slice %arg4[%dma_start3A_2394, %add3A_2393, %dma_start3A_2397] : memref<8x128x1024xf32, #tpu.memory_space<hbm>> -> memref<1x1x1024xf32, #tpu.memory_space<hbm>>
        %dma_start3A_2399 = tpu.memref_squeeze %dma_start3A_2398 : memref<1x1x1024xf32, #tpu.memory_space<hbm>> -> memref<1024xf32, #tpu.memory_space<hbm>>
        %dma_start3A_2400 = arith.constant 0 : i32
        %dma_start3A_2401 = tpu.memref_slice %arg4[%dma_start3A_2394, %add3A_2393, %dma_start3A_2400] : memref<8x128x1024xf32, #tpu.memory_space<hbm>> -> memref<1x1x1024xf32, #tpu.memory_space<hbm>>
        %dma_start3A_2402 = tpu.memref_squeeze %dma_start3A_2401 : memref<1x1x1024xf32, #tpu.memory_space<hbm>> -> memref<1024xf32, #tpu.memory_space<hbm>>
        %dma_start3A_2403 = arith.constant 21504 : i32
        %dma_start3A_2404 = tpu.memref_slice %arg7[%dma_start3A_2403] : memref<32768xf32, #tpu.memory_space<vmem>> -> memref<1024xf32, #tpu.memory_space<vmem>>
        tpu.enqueue_dma source(%dma_start3A_2404 : memref<1024xf32, #tpu.memory_space<vmem>>) target(%dma_start3A_2402 : memref<1024xf32, #tpu.memory_space<hbm>>) target_semaphore(%arg9 : memref<!tpu.dma_semaphore, #tpu.memory_space<semaphore_mem>>)
        %mul3A_2405 = arith.constant 4 : i32
        %mul3A_2406 = arith.muli %add3A, %mul3A_2405 : i32
        %add3A_2407 = arith.constant 1 : i32
        %add3A_2408 = arith.addi %mul3A_2406, %add3A_2407 : i32
        %dma_start3A_2409 = arith.constant 6 : i32
        %dma_start3A_2410 = arith.constant 25600 : i32
        %dma_start3A_2411 = tpu.memref_slice %arg7[%dma_start3A_2410] : memref<32768xf32, #tpu.memory_space<vmem>> -> memref<1024xf32, #tpu.memory_space<vmem>>
        %dma_start3A_2412 = arith.constant 0 : i32
        %dma_start3A_2413 = tpu.memref_slice %arg4[%dma_start3A_2409, %add3A_2408, %dma_start3A_2412] : memref<8x128x1024xf32, #tpu.memory_space<hbm>> -> memref<1x1x1024xf32, #tpu.memory_space<hbm>>
        %dma_start3A_2414 = tpu.memref_squeeze %dma_start3A_2413 : memref<1x1x1024xf32, #tpu.memory_space<hbm>> -> memref<1024xf32, #tpu.memory_space<hbm>>
        %dma_start3A_2415 = arith.constant 0 : i32
        %dma_start3A_2416 = tpu.memref_slice %arg4[%dma_start3A_2409, %add3A_2408, %dma_start3A_2415] : memref<8x128x1024xf32, #tpu.memory_space<hbm>> -> memref<1x1x1024xf32, #tpu.memory_space<hbm>>
        %dma_start3A_2417 = tpu.memref_squeeze %dma_start3A_2416 : memref<1x1x1024xf32, #tpu.memory_space<hbm>> -> memref<1024xf32, #tpu.memory_space<hbm>>
        %dma_start3A_2418 = arith.constant 25600 : i32
        %dma_start3A_2419 = tpu.memref_slice %arg7[%dma_start3A_2418] : memref<32768xf32, #tpu.memory_space<vmem>> -> memref<1024xf32, #tpu.memory_space<vmem>>
        tpu.enqueue_dma source(%dma_start3A_2419 : memref<1024xf32, #tpu.memory_space<vmem>>) target(%dma_start3A_2417 : memref<1024xf32, #tpu.memory_space<hbm>>) target_semaphore(%arg9 : memref<!tpu.dma_semaphore, #tpu.memory_space<semaphore_mem>>)
        %mul3A_2420 = arith.constant 4 : i32
        %mul3A_2421 = arith.muli %add3A, %mul3A_2420 : i32
        %add3A_2422 = arith.constant 1 : i32
        %add3A_2423 = arith.addi %mul3A_2421, %add3A_2422 : i32
        %dma_start3A_2424 = arith.constant 7 : i32
        %dma_start3A_2425 = arith.constant 29696 : i32
        %dma_start3A_2426 = tpu.memref_slice %arg7[%dma_start3A_2425] : memref<32768xf32, #tpu.memory_space<vmem>> -> memref<1024xf32, #tpu.memory_space<vmem>>
        %dma_start3A_2427 = arith.constant 0 : i32
        %dma_start3A_2428 = tpu.memref_slice %arg4[%dma_start3A_2424, %add3A_2423, %dma_start3A_2427] : memref<8x128x1024xf32, #tpu.memory_space<hbm>> -> memref<1x1x1024xf32, #tpu.memory_space<hbm>>
        %dma_start3A_2429 = tpu.memref_squeeze %dma_start3A_2428 : memref<1x1x1024xf32, #tpu.memory_space<hbm>> -> memref<1024xf32, #tpu.memory_space<hbm>>
        %dma_start3A_2430 = arith.constant 0 : i32
        %dma_start3A_2431 = tpu.memref_slice %arg4[%dma_start3A_2424, %add3A_2423, %dma_start3A_2430] : memref<8x128x1024xf32, #tpu.memory_space<hbm>> -> memref<1x1x1024xf32, #tpu.memory_space<hbm>>
        %dma_start3A_2432 = tpu.memref_squeeze %dma_start3A_2431 : memref<1x1x1024xf32, #tpu.memory_space<hbm>> -> memref<1024xf32, #tpu.memory_space<hbm>>
        %dma_start3A_2433 = arith.constant 29696 : i32
        %dma_start3A_2434 = tpu.memref_slice %arg7[%dma_start3A_2433] : memref<32768xf32, #tpu.memory_space<vmem>> -> memref<1024xf32, #tpu.memory_space<vmem>>
        tpu.enqueue_dma source(%dma_start3A_2434 : memref<1024xf32, #tpu.memory_space<vmem>>) target(%dma_start3A_2432 : memref<1024xf32, #tpu.memory_space<hbm>>) target_semaphore(%arg9 : memref<!tpu.dma_semaphore, #tpu.memory_space<semaphore_mem>>)
      } else {
      }
      %eq3A_2304 = arith.constant 23 : i32
      %eq3A_2305 = arith.cmpi eq, %scan3A_1885, %eq3A_2304 : i32
      %convert_element_type3A_2306 = arith.extui %eq3A_2305 : i1 to i32
      %cond3A_2307 = arith.constant 0 : i32
      %cond3A_2308 = arith.cmpi ne, %convert_element_type3A_2306, %cond3A_2307 : i32
      scf.if %cond3A_2308 {
        %mul3A_2315 = arith.constant 4 : i32
        %mul3A_2316 = arith.muli %add3A, %mul3A_2315 : i32
        %add3A_2317 = arith.constant 2 : i32
        %add3A_2318 = arith.addi %mul3A_2316, %add3A_2317 : i32
        %dma_start3A_2319 = arith.constant 0 : i32
        %dma_start3A_2320 = arith.constant 2048 : i32
        %dma_start3A_2321 = tpu.memref_slice %arg7[%dma_start3A_2320] : memref<32768xf32, #tpu.memory_space<vmem>> -> memref<1024xf32, #tpu.memory_space<vmem>>
        %dma_start3A_2322 = arith.constant 0 : i32
        %dma_start3A_2323 = tpu.memref_slice %arg4[%dma_start3A_2319, %add3A_2318, %dma_start3A_2322] : memref<8x128x1024xf32, #tpu.memory_space<hbm>> -> memref<1x1x1024xf32, #tpu.memory_space<hbm>>
        %dma_start3A_2324 = tpu.memref_squeeze %dma_start3A_2323 : memref<1x1x1024xf32, #tpu.memory_space<hbm>> -> memref<1024xf32, #tpu.memory_space<hbm>>
        %dma_start3A_2325 = arith.constant 0 : i32
        %dma_start3A_2326 = tpu.memref_slice %arg4[%dma_start3A_2319, %add3A_2318, %dma_start3A_2325] : memref<8x128x1024xf32, #tpu.memory_space<hbm>> -> memref<1x1x1024xf32, #tpu.memory_space<hbm>>
        %dma_start3A_2327 = tpu.memref_squeeze %dma_start3A_2326 : memref<1x1x1024xf32, #tpu.memory_space<hbm>> -> memref<1024xf32, #tpu.memory_space<hbm>>
        %dma_start3A_2328 = arith.constant 2048 : i32
        %dma_start3A_2329 = tpu.memref_slice %arg7[%dma_start3A_2328] : memref<32768xf32, #tpu.memory_space<vmem>> -> memref<1024xf32, #tpu.memory_space<vmem>>
        tpu.enqueue_dma source(%dma_start3A_2329 : memref<1024xf32, #tpu.memory_space<vmem>>) target(%dma_start3A_2327 : memref<1024xf32, #tpu.memory_space<hbm>>) target_semaphore(%arg9 : memref<!tpu.dma_semaphore, #tpu.memory_space<semaphore_mem>>)
        %mul3A_2330 = arith.constant 4 : i32
        %mul3A_2331 = arith.muli %add3A, %mul3A_2330 : i32
        %add3A_2332 = arith.constant 2 : i32
        %add3A_2333 = arith.addi %mul3A_2331, %add3A_2332 : i32
        %dma_start3A_2334 = arith.constant 1 : i32
        %dma_start3A_2335 = arith.constant 6144 : i32
        %dma_start3A_2336 = tpu.memref_slice %arg7[%dma_start3A_2335] : memref<32768xf32, #tpu.memory_space<vmem>> -> memref<1024xf32, #tpu.memory_space<vmem>>
        %dma_start3A_2337 = arith.constant 0 : i32
        %dma_start3A_2338 = tpu.memref_slice %arg4[%dma_start3A_2334, %add3A_2333, %dma_start3A_2337] : memref<8x128x1024xf32, #tpu.memory_space<hbm>> -> memref<1x1x1024xf32, #tpu.memory_space<hbm>>
        %dma_start3A_2339 = tpu.memref_squeeze %dma_start3A_2338 : memref<1x1x1024xf32, #tpu.memory_space<hbm>> -> memref<1024xf32, #tpu.memory_space<hbm>>
        %dma_start3A_2340 = arith.constant 0 : i32
        %dma_start3A_2341 = tpu.memref_slice %arg4[%dma_start3A_2334, %add3A_2333, %dma_start3A_2340] : memref<8x128x1024xf32, #tpu.memory_space<hbm>> -> memref<1x1x1024xf32, #tpu.memory_space<hbm>>
        %dma_start3A_2342 = tpu.memref_squeeze %dma_start3A_2341 : memref<1x1x1024xf32, #tpu.memory_space<hbm>> -> memref<1024xf32, #tpu.memory_space<hbm>>
        %dma_start3A_2343 = arith.constant 6144 : i32
        %dma_start3A_2344 = tpu.memref_slice %arg7[%dma_start3A_2343] : memref<32768xf32, #tpu.memory_space<vmem>> -> memref<1024xf32, #tpu.memory_space<vmem>>
        tpu.enqueue_dma source(%dma_start3A_2344 : memref<1024xf32, #tpu.memory_space<vmem>>) target(%dma_start3A_2342 : memref<1024xf32, #tpu.memory_space<hbm>>) target_semaphore(%arg9 : memref<!tpu.dma_semaphore, #tpu.memory_space<semaphore_mem>>)
        %mul3A_2345 = arith.constant 4 : i32
        %mul3A_2346 = arith.muli %add3A, %mul3A_2345 : i32
        %add3A_2347 = arith.constant 2 : i32
        %add3A_2348 = arith.addi %mul3A_2346, %add3A_2347 : i32
        %dma_start3A_2349 = arith.constant 2 : i32
        %dma_start3A_2350 = arith.constant 10240 : i32
        %dma_start3A_2351 = tpu.memref_slice %arg7[%dma_start3A_2350] : memref<32768xf32, #tpu.memory_space<vmem>> -> memref<1024xf32, #tpu.memory_space<vmem>>
        %dma_start3A_2352 = arith.constant 0 : i32
        %dma_start3A_2353 = tpu.memref_slice %arg4[%dma_start3A_2349, %add3A_2348, %dma_start3A_2352] : memref<8x128x1024xf32, #tpu.memory_space<hbm>> -> memref<1x1x1024xf32, #tpu.memory_space<hbm>>
        %dma_start3A_2354 = tpu.memref_squeeze %dma_start3A_2353 : memref<1x1x1024xf32, #tpu.memory_space<hbm>> -> memref<1024xf32, #tpu.memory_space<hbm>>
        %dma_start3A_2355 = arith.constant 0 : i32
        %dma_start3A_2356 = tpu.memref_slice %arg4[%dma_start3A_2349, %add3A_2348, %dma_start3A_2355] : memref<8x128x1024xf32, #tpu.memory_space<hbm>> -> memref<1x1x1024xf32, #tpu.memory_space<hbm>>
        %dma_start3A_2357 = tpu.memref_squeeze %dma_start3A_2356 : memref<1x1x1024xf32, #tpu.memory_space<hbm>> -> memref<1024xf32, #tpu.memory_space<hbm>>
        %dma_start3A_2358 = arith.constant 10240 : i32
        %dma_start3A_2359 = tpu.memref_slice %arg7[%dma_start3A_2358] : memref<32768xf32, #tpu.memory_space<vmem>> -> memref<1024xf32, #tpu.memory_space<vmem>>
        tpu.enqueue_dma source(%dma_start3A_2359 : memref<1024xf32, #tpu.memory_space<vmem>>) target(%dma_start3A_2357 : memref<1024xf32, #tpu.memory_space<hbm>>) target_semaphore(%arg9 : memref<!tpu.dma_semaphore, #tpu.memory_space<semaphore_mem>>)
        %mul3A_2360 = arith.constant 4 : i32
        %mul3A_2361 = arith.muli %add3A, %mul3A_2360 : i32
        %add3A_2362 = arith.constant 2 : i32
        %add3A_2363 = arith.addi %mul3A_2361, %add3A_2362 : i32
        %dma_start3A_2364 = arith.constant 3 : i32
        %dma_start3A_2365 = arith.constant 14336 : i32
        %dma_start3A_2366 = tpu.memref_slice %arg7[%dma_start3A_2365] : memref<32768xf32, #tpu.memory_space<vmem>> -> memref<1024xf32, #tpu.memory_space<vmem>>
        %dma_start3A_2367 = arith.constant 0 : i32
        %dma_start3A_2368 = tpu.memref_slice %arg4[%dma_start3A_2364, %add3A_2363, %dma_start3A_2367] : memref<8x128x1024xf32, #tpu.memory_space<hbm>> -> memref<1x1x1024xf32, #tpu.memory_space<hbm>>
        %dma_start3A_2369 = tpu.memref_squeeze %dma_start3A_2368 : memref<1x1x1024xf32, #tpu.memory_space<hbm>> -> memref<1024xf32, #tpu.memory_space<hbm>>
        %dma_start3A_2370 = arith.constant 0 : i32
        %dma_start3A_2371 = tpu.memref_slice %arg4[%dma_start3A_2364, %add3A_2363, %dma_start3A_2370] : memref<8x128x1024xf32, #tpu.memory_space<hbm>> -> memref<1x1x1024xf32, #tpu.memory_space<hbm>>
        %dma_start3A_2372 = tpu.memref_squeeze %dma_start3A_2371 : memref<1x1x1024xf32, #tpu.memory_space<hbm>> -> memref<1024xf32, #tpu.memory_space<hbm>>
        %dma_start3A_2373 = arith.constant 14336 : i32
        %dma_start3A_2374 = tpu.memref_slice %arg7[%dma_start3A_2373] : memref<32768xf32, #tpu.memory_space<vmem>> -> memref<1024xf32, #tpu.memory_space<vmem>>
        tpu.enqueue_dma source(%dma_start3A_2374 : memref<1024xf32, #tpu.memory_space<vmem>>) target(%dma_start3A_2372 : memref<1024xf32, #tpu.memory_space<hbm>>) target_semaphore(%arg9 : memref<!tpu.dma_semaphore, #tpu.memory_space<semaphore_mem>>)
        %mul3A_2375 = arith.constant 4 : i32
        %mul3A_2376 = arith.muli %add3A, %mul3A_2375 : i32
        %add3A_2377 = arith.constant 2 : i32
        %add3A_2378 = arith.addi %mul3A_2376, %add3A_2377 : i32
        %dma_start3A_2379 = arith.constant 4 : i32
        %dma_start3A_2380 = arith.constant 18432 : i32
        %dma_start3A_2381 = tpu.memref_slice %arg7[%dma_start3A_2380] : memref<32768xf32, #tpu.memory_space<vmem>> -> memref<1024xf32, #tpu.memory_space<vmem>>
        %dma_start3A_2382 = arith.constant 0 : i32
        %dma_start3A_2383 = tpu.memref_slice %arg4[%dma_start3A_2379, %add3A_2378, %dma_start3A_2382] : memref<8x128x1024xf32, #tpu.memory_space<hbm>> -> memref<1x1x1024xf32, #tpu.memory_space<hbm>>
        %dma_start3A_2384 = tpu.memref_squeeze %dma_start3A_2383 : memref<1x1x1024xf32, #tpu.memory_space<hbm>> -> memref<1024xf32, #tpu.memory_space<hbm>>
        %dma_start3A_2385 = arith.constant 0 : i32
        %dma_start3A_2386 = tpu.memref_slice %arg4[%dma_start3A_2379, %add3A_2378, %dma_start3A_2385] : memref<8x128x1024xf32, #tpu.memory_space<hbm>> -> memref<1x1x1024xf32, #tpu.memory_space<hbm>>
        %dma_start3A_2387 = tpu.memref_squeeze %dma_start3A_2386 : memref<1x1x1024xf32, #tpu.memory_space<hbm>> -> memref<1024xf32, #tpu.memory_space<hbm>>
        %dma_start3A_2388 = arith.constant 18432 : i32
        %dma_start3A_2389 = tpu.memref_slice %arg7[%dma_start3A_2388] : memref<32768xf32, #tpu.memory_space<vmem>> -> memref<1024xf32, #tpu.memory_space<vmem>>
        tpu.enqueue_dma source(%dma_start3A_2389 : memref<1024xf32, #tpu.memory_space<vmem>>) target(%dma_start3A_2387 : memref<1024xf32, #tpu.memory_space<hbm>>) target_semaphore(%arg9 : memref<!tpu.dma_semaphore, #tpu.memory_space<semaphore_mem>>)
        %mul3A_2390 = arith.constant 4 : i32
        %mul3A_2391 = arith.muli %add3A, %mul3A_2390 : i32
        %add3A_2392 = arith.constant 2 : i32
        %add3A_2393 = arith.addi %mul3A_2391, %add3A_2392 : i32
        %dma_start3A_2394 = arith.constant 5 : i32
        %dma_start3A_2395 = arith.constant 22528 : i32
        %dma_start3A_2396 = tpu.memref_slice %arg7[%dma_start3A_2395] : memref<32768xf32, #tpu.memory_space<vmem>> -> memref<1024xf32, #tpu.memory_space<vmem>>
        %dma_start3A_2397 = arith.constant 0 : i32
        %dma_start3A_2398 = tpu.memref_slice %arg4[%dma_start3A_2394, %add3A_2393, %dma_start3A_2397] : memref<8x128x1024xf32, #tpu.memory_space<hbm>> -> memref<1x1x1024xf32, #tpu.memory_space<hbm>>
        %dma_start3A_2399 = tpu.memref_squeeze %dma_start3A_2398 : memref<1x1x1024xf32, #tpu.memory_space<hbm>> -> memref<1024xf32, #tpu.memory_space<hbm>>
        %dma_start3A_2400 = arith.constant 0 : i32
        %dma_start3A_2401 = tpu.memref_slice %arg4[%dma_start3A_2394, %add3A_2393, %dma_start3A_2400] : memref<8x128x1024xf32, #tpu.memory_space<hbm>> -> memref<1x1x1024xf32, #tpu.memory_space<hbm>>
        %dma_start3A_2402 = tpu.memref_squeeze %dma_start3A_2401 : memref<1x1x1024xf32, #tpu.memory_space<hbm>> -> memref<1024xf32, #tpu.memory_space<hbm>>
        %dma_start3A_2403 = arith.constant 22528 : i32
        %dma_start3A_2404 = tpu.memref_slice %arg7[%dma_start3A_2403] : memref<32768xf32, #tpu.memory_space<vmem>> -> memref<1024xf32, #tpu.memory_space<vmem>>
        tpu.enqueue_dma source(%dma_start3A_2404 : memref<1024xf32, #tpu.memory_space<vmem>>) target(%dma_start3A_2402 : memref<1024xf32, #tpu.memory_space<hbm>>) target_semaphore(%arg9 : memref<!tpu.dma_semaphore, #tpu.memory_space<semaphore_mem>>)
        %mul3A_2405 = arith.constant 4 : i32
        %mul3A_2406 = arith.muli %add3A, %mul3A_2405 : i32
        %add3A_2407 = arith.constant 2 : i32
        %add3A_2408 = arith.addi %mul3A_2406, %add3A_2407 : i32
        %dma_start3A_2409 = arith.constant 6 : i32
        %dma_start3A_2410 = arith.constant 26624 : i32
        %dma_start3A_2411 = tpu.memref_slice %arg7[%dma_start3A_2410] : memref<32768xf32, #tpu.memory_space<vmem>> -> memref<1024xf32, #tpu.memory_space<vmem>>
        %dma_start3A_2412 = arith.constant 0 : i32
        %dma_start3A_2413 = tpu.memref_slice %arg4[%dma_start3A_2409, %add3A_2408, %dma_start3A_2412] : memref<8x128x1024xf32, #tpu.memory_space<hbm>> -> memref<1x1x1024xf32, #tpu.memory_space<hbm>>
        %dma_start3A_2414 = tpu.memref_squeeze %dma_start3A_2413 : memref<1x1x1024xf32, #tpu.memory_space<hbm>> -> memref<1024xf32, #tpu.memory_space<hbm>>
        %dma_start3A_2415 = arith.constant 0 : i32
        %dma_start3A_2416 = tpu.memref_slice %arg4[%dma_start3A_2409, %add3A_2408, %dma_start3A_2415] : memref<8x128x1024xf32, #tpu.memory_space<hbm>> -> memref<1x1x1024xf32, #tpu.memory_space<hbm>>
        %dma_start3A_2417 = tpu.memref_squeeze %dma_start3A_2416 : memref<1x1x1024xf32, #tpu.memory_space<hbm>> -> memref<1024xf32, #tpu.memory_space<hbm>>
        %dma_start3A_2418 = arith.constant 26624 : i32
        %dma_start3A_2419 = tpu.memref_slice %arg7[%dma_start3A_2418] : memref<32768xf32, #tpu.memory_space<vmem>> -> memref<1024xf32, #tpu.memory_space<vmem>>
        tpu.enqueue_dma source(%dma_start3A_2419 : memref<1024xf32, #tpu.memory_space<vmem>>) target(%dma_start3A_2417 : memref<1024xf32, #tpu.memory_space<hbm>>) target_semaphore(%arg9 : memref<!tpu.dma_semaphore, #tpu.memory_space<semaphore_mem>>)
        %mul3A_2420 = arith.constant 4 : i32
        %mul3A_2421 = arith.muli %add3A, %mul3A_2420 : i32
        %add3A_2422 = arith.constant 2 : i32
        %add3A_2423 = arith.addi %mul3A_2421, %add3A_2422 : i32
        %dma_start3A_2424 = arith.constant 7 : i32
        %dma_start3A_2425 = arith.constant 30720 : i32
        %dma_start3A_2426 = tpu.memref_slice %arg7[%dma_start3A_2425] : memref<32768xf32, #tpu.memory_space<vmem>> -> memref<1024xf32, #tpu.memory_space<vmem>>
        %dma_start3A_2427 = arith.constant 0 : i32
        %dma_start3A_2428 = tpu.memref_slice %arg4[%dma_start3A_2424, %add3A_2423, %dma_start3A_2427] : memref<8x128x1024xf32, #tpu.memory_space<hbm>> -> memref<1x1x1024xf32, #tpu.memory_space<hbm>>
        %dma_start3A_2429 = tpu.memref_squeeze %dma_start3A_2428 : memref<1x1x1024xf32, #tpu.memory_space<hbm>> -> memref<1024xf32, #tpu.memory_space<hbm>>
        %dma_start3A_2430 = arith.constant 0 : i32
        %dma_start3A_2431 = tpu.memref_slice %arg4[%dma_start3A_2424, %add3A_2423, %dma_start3A_2430] : memref<8x128x1024xf32, #tpu.memory_space<hbm>> -> memref<1x1x1024xf32, #tpu.memory_space<hbm>>
        %dma_start3A_2432 = tpu.memref_squeeze %dma_start3A_2431 : memref<1x1x1024xf32, #tpu.memory_space<hbm>> -> memref<1024xf32, #tpu.memory_space<hbm>>
        %dma_start3A_2433 = arith.constant 30720 : i32
        %dma_start3A_2434 = tpu.memref_slice %arg7[%dma_start3A_2433] : memref<32768xf32, #tpu.memory_space<vmem>> -> memref<1024xf32, #tpu.memory_space<vmem>>
        tpu.enqueue_dma source(%dma_start3A_2434 : memref<1024xf32, #tpu.memory_space<vmem>>) target(%dma_start3A_2432 : memref<1024xf32, #tpu.memory_space<hbm>>) target_semaphore(%arg9 : memref<!tpu.dma_semaphore, #tpu.memory_space<semaphore_mem>>)
      } else {
      }
      %eq3A_2309 = arith.constant 31 : i32
      %eq3A_2310 = arith.cmpi eq, %scan3A_1885, %eq3A_2309 : i32
      %convert_element_type3A_2311 = arith.extui %eq3A_2310 : i1 to i32
      %cond3A_2312 = arith.constant 0 : i32
      %cond3A_2313 = arith.cmpi ne, %convert_element_type3A_2311, %cond3A_2312 : i32
      scf.if %cond3A_2313 {
        %mul3A_2315 = arith.constant 4 : i32
        %mul3A_2316 = arith.muli %add3A, %mul3A_2315 : i32
        %add3A_2317 = arith.constant 3 : i32
        %add3A_2318 = arith.addi %mul3A_2316, %add3A_2317 : i32
        %dma_start3A_2319 = arith.constant 0 : i32
        %dma_start3A_2320 = arith.constant 3072 : i32
        %dma_start3A_2321 = tpu.memref_slice %arg7[%dma_start3A_2320] : memref<32768xf32, #tpu.memory_space<vmem>> -> memref<1024xf32, #tpu.memory_space<vmem>>
        %dma_start3A_2322 = arith.constant 0 : i32
        %dma_start3A_2323 = tpu.memref_slice %arg4[%dma_start3A_2319, %add3A_2318, %dma_start3A_2322] : memref<8x128x1024xf32, #tpu.memory_space<hbm>> -> memref<1x1x1024xf32, #tpu.memory_space<hbm>>
        %dma_start3A_2324 = tpu.memref_squeeze %dma_start3A_2323 : memref<1x1x1024xf32, #tpu.memory_space<hbm>> -> memref<1024xf32, #tpu.memory_space<hbm>>
        %dma_start3A_2325 = arith.constant 0 : i32
        %dma_start3A_2326 = tpu.memref_slice %arg4[%dma_start3A_2319, %add3A_2318, %dma_start3A_2325] : memref<8x128x1024xf32, #tpu.memory_space<hbm>> -> memref<1x1x1024xf32, #tpu.memory_space<hbm>>
        %dma_start3A_2327 = tpu.memref_squeeze %dma_start3A_2326 : memref<1x1x1024xf32, #tpu.memory_space<hbm>> -> memref<1024xf32, #tpu.memory_space<hbm>>
        %dma_start3A_2328 = arith.constant 3072 : i32
        %dma_start3A_2329 = tpu.memref_slice %arg7[%dma_start3A_2328] : memref<32768xf32, #tpu.memory_space<vmem>> -> memref<1024xf32, #tpu.memory_space<vmem>>
        tpu.enqueue_dma source(%dma_start3A_2329 : memref<1024xf32, #tpu.memory_space<vmem>>) target(%dma_start3A_2327 : memref<1024xf32, #tpu.memory_space<hbm>>) target_semaphore(%arg9 : memref<!tpu.dma_semaphore, #tpu.memory_space<semaphore_mem>>)
        %mul3A_2330 = arith.constant 4 : i32
        %mul3A_2331 = arith.muli %add3A, %mul3A_2330 : i32
        %add3A_2332 = arith.constant 3 : i32
        %add3A_2333 = arith.addi %mul3A_2331, %add3A_2332 : i32
        %dma_start3A_2334 = arith.constant 1 : i32
        %dma_start3A_2335 = arith.constant 7168 : i32
        %dma_start3A_2336 = tpu.memref_slice %arg7[%dma_start3A_2335] : memref<32768xf32, #tpu.memory_space<vmem>> -> memref<1024xf32, #tpu.memory_space<vmem>>
        %dma_start3A_2337 = arith.constant 0 : i32
        %dma_start3A_2338 = tpu.memref_slice %arg4[%dma_start3A_2334, %add3A_2333, %dma_start3A_2337] : memref<8x128x1024xf32, #tpu.memory_space<hbm>> -> memref<1x1x1024xf32, #tpu.memory_space<hbm>>
        %dma_start3A_2339 = tpu.memref_squeeze %dma_start3A_2338 : memref<1x1x1024xf32, #tpu.memory_space<hbm>> -> memref<1024xf32, #tpu.memory_space<hbm>>
        %dma_start3A_2340 = arith.constant 0 : i32
        %dma_start3A_2341 = tpu.memref_slice %arg4[%dma_start3A_2334, %add3A_2333, %dma_start3A_2340] : memref<8x128x1024xf32, #tpu.memory_space<hbm>> -> memref<1x1x1024xf32, #tpu.memory_space<hbm>>
        %dma_start3A_2342 = tpu.memref_squeeze %dma_start3A_2341 : memref<1x1x1024xf32, #tpu.memory_space<hbm>> -> memref<1024xf32, #tpu.memory_space<hbm>>
        %dma_start3A_2343 = arith.constant 7168 : i32
        %dma_start3A_2344 = tpu.memref_slice %arg7[%dma_start3A_2343] : memref<32768xf32, #tpu.memory_space<vmem>> -> memref<1024xf32, #tpu.memory_space<vmem>>
        tpu.enqueue_dma source(%dma_start3A_2344 : memref<1024xf32, #tpu.memory_space<vmem>>) target(%dma_start3A_2342 : memref<1024xf32, #tpu.memory_space<hbm>>) target_semaphore(%arg9 : memref<!tpu.dma_semaphore, #tpu.memory_space<semaphore_mem>>)
        %mul3A_2345 = arith.constant 4 : i32
        %mul3A_2346 = arith.muli %add3A, %mul3A_2345 : i32
        %add3A_2347 = arith.constant 3 : i32
        %add3A_2348 = arith.addi %mul3A_2346, %add3A_2347 : i32
        %dma_start3A_2349 = arith.constant 2 : i32
        %dma_start3A_2350 = arith.constant 11264 : i32
        %dma_start3A_2351 = tpu.memref_slice %arg7[%dma_start3A_2350] : memref<32768xf32, #tpu.memory_space<vmem>> -> memref<1024xf32, #tpu.memory_space<vmem>>
        %dma_start3A_2352 = arith.constant 0 : i32
        %dma_start3A_2353 = tpu.memref_slice %arg4[%dma_start3A_2349, %add3A_2348, %dma_start3A_2352] : memref<8x128x1024xf32, #tpu.memory_space<hbm>> -> memref<1x1x1024xf32, #tpu.memory_space<hbm>>
        %dma_start3A_2354 = tpu.memref_squeeze %dma_start3A_2353 : memref<1x1x1024xf32, #tpu.memory_space<hbm>> -> memref<1024xf32, #tpu.memory_space<hbm>>
        %dma_start3A_2355 = arith.constant 0 : i32
        %dma_start3A_2356 = tpu.memref_slice %arg4[%dma_start3A_2349, %add3A_2348, %dma_start3A_2355] : memref<8x128x1024xf32, #tpu.memory_space<hbm>> -> memref<1x1x1024xf32, #tpu.memory_space<hbm>>
        %dma_start3A_2357 = tpu.memref_squeeze %dma_start3A_2356 : memref<1x1x1024xf32, #tpu.memory_space<hbm>> -> memref<1024xf32, #tpu.memory_space<hbm>>
        %dma_start3A_2358 = arith.constant 11264 : i32
        %dma_start3A_2359 = tpu.memref_slice %arg7[%dma_start3A_2358] : memref<32768xf32, #tpu.memory_space<vmem>> -> memref<1024xf32, #tpu.memory_space<vmem>>
        tpu.enqueue_dma source(%dma_start3A_2359 : memref<1024xf32, #tpu.memory_space<vmem>>) target(%dma_start3A_2357 : memref<1024xf32, #tpu.memory_space<hbm>>) target_semaphore(%arg9 : memref<!tpu.dma_semaphore, #tpu.memory_space<semaphore_mem>>)
        %mul3A_2360 = arith.constant 4 : i32
        %mul3A_2361 = arith.muli %add3A, %mul3A_2360 : i32
        %add3A_2362 = arith.constant 3 : i32
        %add3A_2363 = arith.addi %mul3A_2361, %add3A_2362 : i32
        %dma_start3A_2364 = arith.constant 3 : i32
        %dma_start3A_2365 = arith.constant 15360 : i32
        %dma_start3A_2366 = tpu.memref_slice %arg7[%dma_start3A_2365] : memref<32768xf32, #tpu.memory_space<vmem>> -> memref<1024xf32, #tpu.memory_space<vmem>>
        %dma_start3A_2367 = arith.constant 0 : i32
        %dma_start3A_2368 = tpu.memref_slice %arg4[%dma_start3A_2364, %add3A_2363, %dma_start3A_2367] : memref<8x128x1024xf32, #tpu.memory_space<hbm>> -> memref<1x1x1024xf32, #tpu.memory_space<hbm>>
        %dma_start3A_2369 = tpu.memref_squeeze %dma_start3A_2368 : memref<1x1x1024xf32, #tpu.memory_space<hbm>> -> memref<1024xf32, #tpu.memory_space<hbm>>
        %dma_start3A_2370 = arith.constant 0 : i32
        %dma_start3A_2371 = tpu.memref_slice %arg4[%dma_start3A_2364, %add3A_2363, %dma_start3A_2370] : memref<8x128x1024xf32, #tpu.memory_space<hbm>> -> memref<1x1x1024xf32, #tpu.memory_space<hbm>>
        %dma_start3A_2372 = tpu.memref_squeeze %dma_start3A_2371 : memref<1x1x1024xf32, #tpu.memory_space<hbm>> -> memref<1024xf32, #tpu.memory_space<hbm>>
        %dma_start3A_2373 = arith.constant 15360 : i32
        %dma_start3A_2374 = tpu.memref_slice %arg7[%dma_start3A_2373] : memref<32768xf32, #tpu.memory_space<vmem>> -> memref<1024xf32, #tpu.memory_space<vmem>>
        tpu.enqueue_dma source(%dma_start3A_2374 : memref<1024xf32, #tpu.memory_space<vmem>>) target(%dma_start3A_2372 : memref<1024xf32, #tpu.memory_space<hbm>>) target_semaphore(%arg9 : memref<!tpu.dma_semaphore, #tpu.memory_space<semaphore_mem>>)
        %mul3A_2375 = arith.constant 4 : i32
        %mul3A_2376 = arith.muli %add3A, %mul3A_2375 : i32
        %add3A_2377 = arith.constant 3 : i32
        %add3A_2378 = arith.addi %mul3A_2376, %add3A_2377 : i32
        %dma_start3A_2379 = arith.constant 4 : i32
        %dma_start3A_2380 = arith.constant 19456 : i32
        %dma_start3A_2381 = tpu.memref_slice %arg7[%dma_start3A_2380] : memref<32768xf32, #tpu.memory_space<vmem>> -> memref<1024xf32, #tpu.memory_space<vmem>>
        %dma_start3A_2382 = arith.constant 0 : i32
        %dma_start3A_2383 = tpu.memref_slice %arg4[%dma_start3A_2379, %add3A_2378, %dma_start3A_2382] : memref<8x128x1024xf32, #tpu.memory_space<hbm>> -> memref<1x1x1024xf32, #tpu.memory_space<hbm>>
        %dma_start3A_2384 = tpu.memref_squeeze %dma_start3A_2383 : memref<1x1x1024xf32, #tpu.memory_space<hbm>> -> memref<1024xf32, #tpu.memory_space<hbm>>
        %dma_start3A_2385 = arith.constant 0 : i32
        %dma_start3A_2386 = tpu.memref_slice %arg4[%dma_start3A_2379, %add3A_2378, %dma_start3A_2385] : memref<8x128x1024xf32, #tpu.memory_space<hbm>> -> memref<1x1x1024xf32, #tpu.memory_space<hbm>>
        %dma_start3A_2387 = tpu.memref_squeeze %dma_start3A_2386 : memref<1x1x1024xf32, #tpu.memory_space<hbm>> -> memref<1024xf32, #tpu.memory_space<hbm>>
        %dma_start3A_2388 = arith.constant 19456 : i32
        %dma_start3A_2389 = tpu.memref_slice %arg7[%dma_start3A_2388] : memref<32768xf32, #tpu.memory_space<vmem>> -> memref<1024xf32, #tpu.memory_space<vmem>>
        tpu.enqueue_dma source(%dma_start3A_2389 : memref<1024xf32, #tpu.memory_space<vmem>>) target(%dma_start3A_2387 : memref<1024xf32, #tpu.memory_space<hbm>>) target_semaphore(%arg9 : memref<!tpu.dma_semaphore, #tpu.memory_space<semaphore_mem>>)
        %mul3A_2390 = arith.constant 4 : i32
        %mul3A_2391 = arith.muli %add3A, %mul3A_2390 : i32
        %add3A_2392 = arith.constant 3 : i32
        %add3A_2393 = arith.addi %mul3A_2391, %add3A_2392 : i32
        %dma_start3A_2394 = arith.constant 5 : i32
        %dma_start3A_2395 = arith.constant 23552 : i32
        %dma_start3A_2396 = tpu.memref_slice %arg7[%dma_start3A_2395] : memref<32768xf32, #tpu.memory_space<vmem>> -> memref<1024xf32, #tpu.memory_space<vmem>>
        %dma_start3A_2397 = arith.constant 0 : i32
        %dma_start3A_2398 = tpu.memref_slice %arg4[%dma_start3A_2394, %add3A_2393, %dma_start3A_2397] : memref<8x128x1024xf32, #tpu.memory_space<hbm>> -> memref<1x1x1024xf32, #tpu.memory_space<hbm>>
        %dma_start3A_2399 = tpu.memref_squeeze %dma_start3A_2398 : memref<1x1x1024xf32, #tpu.memory_space<hbm>> -> memref<1024xf32, #tpu.memory_space<hbm>>
        %dma_start3A_2400 = arith.constant 0 : i32
        %dma_start3A_2401 = tpu.memref_slice %arg4[%dma_start3A_2394, %add3A_2393, %dma_start3A_2400] : memref<8x128x1024xf32, #tpu.memory_space<hbm>> -> memref<1x1x1024xf32, #tpu.memory_space<hbm>>
        %dma_start3A_2402 = tpu.memref_squeeze %dma_start3A_2401 : memref<1x1x1024xf32, #tpu.memory_space<hbm>> -> memref<1024xf32, #tpu.memory_space<hbm>>
        %dma_start3A_2403 = arith.constant 23552 : i32
        %dma_start3A_2404 = tpu.memref_slice %arg7[%dma_start3A_2403] : memref<32768xf32, #tpu.memory_space<vmem>> -> memref<1024xf32, #tpu.memory_space<vmem>>
        tpu.enqueue_dma source(%dma_start3A_2404 : memref<1024xf32, #tpu.memory_space<vmem>>) target(%dma_start3A_2402 : memref<1024xf32, #tpu.memory_space<hbm>>) target_semaphore(%arg9 : memref<!tpu.dma_semaphore, #tpu.memory_space<semaphore_mem>>)
        %mul3A_2405 = arith.constant 4 : i32
        %mul3A_2406 = arith.muli %add3A, %mul3A_2405 : i32
        %add3A_2407 = arith.constant 3 : i32
        %add3A_2408 = arith.addi %mul3A_2406, %add3A_2407 : i32
        %dma_start3A_2409 = arith.constant 6 : i32
        %dma_start3A_2410 = arith.constant 27648 : i32
        %dma_start3A_2411 = tpu.memref_slice %arg7[%dma_start3A_2410] : memref<32768xf32, #tpu.memory_space<vmem>> -> memref<1024xf32, #tpu.memory_space<vmem>>
        %dma_start3A_2412 = arith.constant 0 : i32
        %dma_start3A_2413 = tpu.memref_slice %arg4[%dma_start3A_2409, %add3A_2408, %dma_start3A_2412] : memref<8x128x1024xf32, #tpu.memory_space<hbm>> -> memref<1x1x1024xf32, #tpu.memory_space<hbm>>
        %dma_start3A_2414 = tpu.memref_squeeze %dma_start3A_2413 : memref<1x1x1024xf32, #tpu.memory_space<hbm>> -> memref<1024xf32, #tpu.memory_space<hbm>>
        %dma_start3A_2415 = arith.constant 0 : i32
        %dma_start3A_2416 = tpu.memref_slice %arg4[%dma_start3A_2409, %add3A_2408, %dma_start3A_2415] : memref<8x128x1024xf32, #tpu.memory_space<hbm>> -> memref<1x1x1024xf32, #tpu.memory_space<hbm>>
        %dma_start3A_2417 = tpu.memref_squeeze %dma_start3A_2416 : memref<1x1x1024xf32, #tpu.memory_space<hbm>> -> memref<1024xf32, #tpu.memory_space<hbm>>
        %dma_start3A_2418 = arith.constant 27648 : i32
        %dma_start3A_2419 = tpu.memref_slice %arg7[%dma_start3A_2418] : memref<32768xf32, #tpu.memory_space<vmem>> -> memref<1024xf32, #tpu.memory_space<vmem>>
        tpu.enqueue_dma source(%dma_start3A_2419 : memref<1024xf32, #tpu.memory_space<vmem>>) target(%dma_start3A_2417 : memref<1024xf32, #tpu.memory_space<hbm>>) target_semaphore(%arg9 : memref<!tpu.dma_semaphore, #tpu.memory_space<semaphore_mem>>)
        %mul3A_2420 = arith.constant 4 : i32
        %mul3A_2421 = arith.muli %add3A, %mul3A_2420 : i32
        %add3A_2422 = arith.constant 3 : i32
        %add3A_2423 = arith.addi %mul3A_2421, %add3A_2422 : i32
        %dma_start3A_2424 = arith.constant 7 : i32
        %dma_start3A_2425 = arith.constant 31744 : i32
        %dma_start3A_2426 = tpu.memref_slice %arg7[%dma_start3A_2425] : memref<32768xf32, #tpu.memory_space<vmem>> -> memref<1024xf32, #tpu.memory_space<vmem>>
        %dma_start3A_2427 = arith.constant 0 : i32
        %dma_start3A_2428 = tpu.memref_slice %arg4[%dma_start3A_2424, %add3A_2423, %dma_start3A_2427] : memref<8x128x1024xf32, #tpu.memory_space<hbm>> -> memref<1x1x1024xf32, #tpu.memory_space<hbm>>
        %dma_start3A_2429 = tpu.memref_squeeze %dma_start3A_2428 : memref<1x1x1024xf32, #tpu.memory_space<hbm>> -> memref<1024xf32, #tpu.memory_space<hbm>>
        %dma_start3A_2430 = arith.constant 0 : i32
        %dma_start3A_2431 = tpu.memref_slice %arg4[%dma_start3A_2424, %add3A_2423, %dma_start3A_2430] : memref<8x128x1024xf32, #tpu.memory_space<hbm>> -> memref<1x1x1024xf32, #tpu.memory_space<hbm>>
        %dma_start3A_2432 = tpu.memref_squeeze %dma_start3A_2431 : memref<1x1x1024xf32, #tpu.memory_space<hbm>> -> memref<1024xf32, #tpu.memory_space<hbm>>
        %dma_start3A_2433 = arith.constant 31744 : i32
        %dma_start3A_2434 = tpu.memref_slice %arg7[%dma_start3A_2433] : memref<32768xf32, #tpu.memory_space<vmem>> -> memref<1024xf32, #tpu.memory_space<vmem>>
        tpu.enqueue_dma source(%dma_start3A_2434 : memref<1024xf32, #tpu.memory_space<vmem>>) target(%dma_start3A_2432 : memref<1024xf32, #tpu.memory_space<hbm>>) target_semaphore(%arg9 : memref<!tpu.dma_semaphore, #tpu.memory_space<semaphore_mem>>)
      } else {
      }
      %scan3A_2314 = arith.constant 0 : i32
      scf.yield %scan3A_2314 : i32
    }
    %scan3A_1405 = arith.constant 32 : i32
    %mul3A_1406 = arith.constant 4 : i32
    %mul3A_1407 = arith.muli %add3A, %mul3A_1406 : i32
    %add3A_1408 = arith.constant 0 : i32
    %add3A_1409 = arith.addi %mul3A_1407, %add3A_1408 : i32
    %dma_wait3A = arith.constant 0 : i32
    %dma_wait3A_1410 = arith.constant 0 : i32
    %dma_wait3A_1411 = tpu.memref_slice %arg7[%dma_wait3A_1410] : memref<32768xf32, #tpu.memory_space<vmem>> -> memref<1024xf32, #tpu.memory_space<vmem>>
    %dma_wait3A_1412 = arith.constant 0 : i32
    %dma_wait3A_1413 = tpu.memref_slice %arg4[%dma_wait3A, %add3A_1409, %dma_wait3A_1412] : memref<8x128x1024xf32, #tpu.memory_space<hbm>> -> memref<1x1x1024xf32, #tpu.memory_space<hbm>>
    %dma_wait3A_1414 = tpu.memref_squeeze %dma_wait3A_1413 : memref<1x1x1024xf32, #tpu.memory_space<hbm>> -> memref<1024xf32, #tpu.memory_space<hbm>>
    %dma_wait3A_1415 = arith.constant 0 : i32
    %dma_wait3A_1416 = tpu.memref_slice %arg4[%dma_wait3A, %add3A_1409, %dma_wait3A_1415] : memref<8x128x1024xf32, #tpu.memory_space<hbm>> -> memref<1x1x1024xf32, #tpu.memory_space<hbm>>
    %dma_wait3A_1417 = tpu.memref_squeeze %dma_wait3A_1416 : memref<1x1x1024xf32, #tpu.memory_space<hbm>> -> memref<1024xf32, #tpu.memory_space<hbm>>
    %dma_wait3A_1418 = arith.constant 0 : i32
    %dma_wait3A_1419 = tpu.memref_slice %arg7[%dma_wait3A_1418] : memref<32768xf32, #tpu.memory_space<vmem>> -> memref<1024xf32, #tpu.memory_space<vmem>>
    tpu.wait_dma2 semaphore(%arg9 : memref<!tpu.dma_semaphore, #tpu.memory_space<semaphore_mem>>) src(%dma_wait3A_1419 : memref<1024xf32, #tpu.memory_space<vmem>>) dst(%dma_wait3A_1417 : memref<1024xf32, #tpu.memory_space<hbm>>)
    %mul3A_1420 = arith.constant 4 : i32
    %mul3A_1421 = arith.muli %add3A, %mul3A_1420 : i32
    %add3A_1422 = arith.constant 0 : i32
    %add3A_1423 = arith.addi %mul3A_1421, %add3A_1422 : i32
    %dma_wait3A_1424 = arith.constant 1 : i32
    %dma_wait3A_1425 = arith.constant 4096 : i32
    %dma_wait3A_1426 = tpu.memref_slice %arg7[%dma_wait3A_1425] : memref<32768xf32, #tpu.memory_space<vmem>> -> memref<1024xf32, #tpu.memory_space<vmem>>
    %dma_wait3A_1427 = arith.constant 0 : i32
    %dma_wait3A_1428 = tpu.memref_slice %arg4[%dma_wait3A_1424, %add3A_1423, %dma_wait3A_1427] : memref<8x128x1024xf32, #tpu.memory_space<hbm>> -> memref<1x1x1024xf32, #tpu.memory_space<hbm>>
    %dma_wait3A_1429 = tpu.memref_squeeze %dma_wait3A_1428 : memref<1x1x1024xf32, #tpu.memory_space<hbm>> -> memref<1024xf32, #tpu.memory_space<hbm>>
    %dma_wait3A_1430 = arith.constant 0 : i32
    %dma_wait3A_1431 = tpu.memref_slice %arg4[%dma_wait3A_1424, %add3A_1423, %dma_wait3A_1430] : memref<8x128x1024xf32, #tpu.memory_space<hbm>> -> memref<1x1x1024xf32, #tpu.memory_space<hbm>>
    %dma_wait3A_1432 = tpu.memref_squeeze %dma_wait3A_1431 : memref<1x1x1024xf32, #tpu.memory_space<hbm>> -> memref<1024xf32, #tpu.memory_space<hbm>>
    %dma_wait3A_1433 = arith.constant 4096 : i32
    %dma_wait3A_1434 = tpu.memref_slice %arg7[%dma_wait3A_1433] : memref<32768xf32, #tpu.memory_space<vmem>> -> memref<1024xf32, #tpu.memory_space<vmem>>
    tpu.wait_dma2 semaphore(%arg9 : memref<!tpu.dma_semaphore, #tpu.memory_space<semaphore_mem>>) src(%dma_wait3A_1434 : memref<1024xf32, #tpu.memory_space<vmem>>) dst(%dma_wait3A_1432 : memref<1024xf32, #tpu.memory_space<hbm>>)
    %mul3A_1435 = arith.constant 4 : i32
    %mul3A_1436 = arith.muli %add3A, %mul3A_1435 : i32
    %add3A_1437 = arith.constant 0 : i32
    %add3A_1438 = arith.addi %mul3A_1436, %add3A_1437 : i32
    %dma_wait3A_1439 = arith.constant 2 : i32
    %dma_wait3A_1440 = arith.constant 8192 : i32
    %dma_wait3A_1441 = tpu.memref_slice %arg7[%dma_wait3A_1440] : memref<32768xf32, #tpu.memory_space<vmem>> -> memref<1024xf32, #tpu.memory_space<vmem>>
    %dma_wait3A_1442 = arith.constant 0 : i32
    %dma_wait3A_1443 = tpu.memref_slice %arg4[%dma_wait3A_1439, %add3A_1438, %dma_wait3A_1442] : memref<8x128x1024xf32, #tpu.memory_space<hbm>> -> memref<1x1x1024xf32, #tpu.memory_space<hbm>>
    %dma_wait3A_1444 = tpu.memref_squeeze %dma_wait3A_1443 : memref<1x1x1024xf32, #tpu.memory_space<hbm>> -> memref<1024xf32, #tpu.memory_space<hbm>>
    %dma_wait3A_1445 = arith.constant 0 : i32
    %dma_wait3A_1446 = tpu.memref_slice %arg4[%dma_wait3A_1439, %add3A_1438, %dma_wait3A_1445] : memref<8x128x1024xf32, #tpu.memory_space<hbm>> -> memref<1x1x1024xf32, #tpu.memory_space<hbm>>
    %dma_wait3A_1447 = tpu.memref_squeeze %dma_wait3A_1446 : memref<1x1x1024xf32, #tpu.memory_space<hbm>> -> memref<1024xf32, #tpu.memory_space<hbm>>
    %dma_wait3A_1448 = arith.constant 8192 : i32
    %dma_wait3A_1449 = tpu.memref_slice %arg7[%dma_wait3A_1448] : memref<32768xf32, #tpu.memory_space<vmem>> -> memref<1024xf32, #tpu.memory_space<vmem>>
    tpu.wait_dma2 semaphore(%arg9 : memref<!tpu.dma_semaphore, #tpu.memory_space<semaphore_mem>>) src(%dma_wait3A_1449 : memref<1024xf32, #tpu.memory_space<vmem>>) dst(%dma_wait3A_1447 : memref<1024xf32, #tpu.memory_space<hbm>>)
    %mul3A_1450 = arith.constant 4 : i32
    %mul3A_1451 = arith.muli %add3A, %mul3A_1450 : i32
    %add3A_1452 = arith.constant 0 : i32
    %add3A_1453 = arith.addi %mul3A_1451, %add3A_1452 : i32
    %dma_wait3A_1454 = arith.constant 3 : i32
    %dma_wait3A_1455 = arith.constant 12288 : i32
    %dma_wait3A_1456 = tpu.memref_slice %arg7[%dma_wait3A_1455] : memref<32768xf32, #tpu.memory_space<vmem>> -> memref<1024xf32, #tpu.memory_space<vmem>>
    %dma_wait3A_1457 = arith.constant 0 : i32
    %dma_wait3A_1458 = tpu.memref_slice %arg4[%dma_wait3A_1454, %add3A_1453, %dma_wait3A_1457] : memref<8x128x1024xf32, #tpu.memory_space<hbm>> -> memref<1x1x1024xf32, #tpu.memory_space<hbm>>
    %dma_wait3A_1459 = tpu.memref_squeeze %dma_wait3A_1458 : memref<1x1x1024xf32, #tpu.memory_space<hbm>> -> memref<1024xf32, #tpu.memory_space<hbm>>
    %dma_wait3A_1460 = arith.constant 0 : i32
    %dma_wait3A_1461 = tpu.memref_slice %arg4[%dma_wait3A_1454, %add3A_1453, %dma_wait3A_1460] : memref<8x128x1024xf32, #tpu.memory_space<hbm>> -> memref<1x1x1024xf32, #tpu.memory_space<hbm>>
    %dma_wait3A_1462 = tpu.memref_squeeze %dma_wait3A_1461 : memref<1x1x1024xf32, #tpu.memory_space<hbm>> -> memref<1024xf32, #tpu.memory_space<hbm>>
    %dma_wait3A_1463 = arith.constant 12288 : i32
    %dma_wait3A_1464 = tpu.memref_slice %arg7[%dma_wait3A_1463] : memref<32768xf32, #tpu.memory_space<vmem>> -> memref<1024xf32, #tpu.memory_space<vmem>>
    tpu.wait_dma2 semaphore(%arg9 : memref<!tpu.dma_semaphore, #tpu.memory_space<semaphore_mem>>) src(%dma_wait3A_1464 : memref<1024xf32, #tpu.memory_space<vmem>>) dst(%dma_wait3A_1462 : memref<1024xf32, #tpu.memory_space<hbm>>)
    %mul3A_1465 = arith.constant 4 : i32
    %mul3A_1466 = arith.muli %add3A, %mul3A_1465 : i32
    %add3A_1467 = arith.constant 0 : i32
    %add3A_1468 = arith.addi %mul3A_1466, %add3A_1467 : i32
    %dma_wait3A_1469 = arith.constant 4 : i32
    %dma_wait3A_1470 = arith.constant 16384 : i32
    %dma_wait3A_1471 = tpu.memref_slice %arg7[%dma_wait3A_1470] : memref<32768xf32, #tpu.memory_space<vmem>> -> memref<1024xf32, #tpu.memory_space<vmem>>
    %dma_wait3A_1472 = arith.constant 0 : i32
    %dma_wait3A_1473 = tpu.memref_slice %arg4[%dma_wait3A_1469, %add3A_1468, %dma_wait3A_1472] : memref<8x128x1024xf32, #tpu.memory_space<hbm>> -> memref<1x1x1024xf32, #tpu.memory_space<hbm>>
    %dma_wait3A_1474 = tpu.memref_squeeze %dma_wait3A_1473 : memref<1x1x1024xf32, #tpu.memory_space<hbm>> -> memref<1024xf32, #tpu.memory_space<hbm>>
    %dma_wait3A_1475 = arith.constant 0 : i32
    %dma_wait3A_1476 = tpu.memref_slice %arg4[%dma_wait3A_1469, %add3A_1468, %dma_wait3A_1475] : memref<8x128x1024xf32, #tpu.memory_space<hbm>> -> memref<1x1x1024xf32, #tpu.memory_space<hbm>>
    %dma_wait3A_1477 = tpu.memref_squeeze %dma_wait3A_1476 : memref<1x1x1024xf32, #tpu.memory_space<hbm>> -> memref<1024xf32, #tpu.memory_space<hbm>>
    %dma_wait3A_1478 = arith.constant 16384 : i32
    %dma_wait3A_1479 = tpu.memref_slice %arg7[%dma_wait3A_1478] : memref<32768xf32, #tpu.memory_space<vmem>> -> memref<1024xf32, #tpu.memory_space<vmem>>
    tpu.wait_dma2 semaphore(%arg9 : memref<!tpu.dma_semaphore, #tpu.memory_space<semaphore_mem>>) src(%dma_wait3A_1479 : memref<1024xf32, #tpu.memory_space<vmem>>) dst(%dma_wait3A_1477 : memref<1024xf32, #tpu.memory_space<hbm>>)
    %mul3A_1480 = arith.constant 4 : i32
    %mul3A_1481 = arith.muli %add3A, %mul3A_1480 : i32
    %add3A_1482 = arith.constant 0 : i32
    %add3A_1483 = arith.addi %mul3A_1481, %add3A_1482 : i32
    %dma_wait3A_1484 = arith.constant 5 : i32
    %dma_wait3A_1485 = arith.constant 20480 : i32
    %dma_wait3A_1486 = tpu.memref_slice %arg7[%dma_wait3A_1485] : memref<32768xf32, #tpu.memory_space<vmem>> -> memref<1024xf32, #tpu.memory_space<vmem>>
    %dma_wait3A_1487 = arith.constant 0 : i32
    %dma_wait3A_1488 = tpu.memref_slice %arg4[%dma_wait3A_1484, %add3A_1483, %dma_wait3A_1487] : memref<8x128x1024xf32, #tpu.memory_space<hbm>> -> memref<1x1x1024xf32, #tpu.memory_space<hbm>>
    %dma_wait3A_1489 = tpu.memref_squeeze %dma_wait3A_1488 : memref<1x1x1024xf32, #tpu.memory_space<hbm>> -> memref<1024xf32, #tpu.memory_space<hbm>>
    %dma_wait3A_1490 = arith.constant 0 : i32
    %dma_wait3A_1491 = tpu.memref_slice %arg4[%dma_wait3A_1484, %add3A_1483, %dma_wait3A_1490] : memref<8x128x1024xf32, #tpu.memory_space<hbm>> -> memref<1x1x1024xf32, #tpu.memory_space<hbm>>
    %dma_wait3A_1492 = tpu.memref_squeeze %dma_wait3A_1491 : memref<1x1x1024xf32, #tpu.memory_space<hbm>> -> memref<1024xf32, #tpu.memory_space<hbm>>
    %dma_wait3A_1493 = arith.constant 20480 : i32
    %dma_wait3A_1494 = tpu.memref_slice %arg7[%dma_wait3A_1493] : memref<32768xf32, #tpu.memory_space<vmem>> -> memref<1024xf32, #tpu.memory_space<vmem>>
    tpu.wait_dma2 semaphore(%arg9 : memref<!tpu.dma_semaphore, #tpu.memory_space<semaphore_mem>>) src(%dma_wait3A_1494 : memref<1024xf32, #tpu.memory_space<vmem>>) dst(%dma_wait3A_1492 : memref<1024xf32, #tpu.memory_space<hbm>>)
    %mul3A_1495 = arith.constant 4 : i32
    %mul3A_1496 = arith.muli %add3A, %mul3A_1495 : i32
    %add3A_1497 = arith.constant 0 : i32
    %add3A_1498 = arith.addi %mul3A_1496, %add3A_1497 : i32
    %dma_wait3A_1499 = arith.constant 6 : i32
    %dma_wait3A_1500 = arith.constant 24576 : i32
    %dma_wait3A_1501 = tpu.memref_slice %arg7[%dma_wait3A_1500] : memref<32768xf32, #tpu.memory_space<vmem>> -> memref<1024xf32, #tpu.memory_space<vmem>>
    %dma_wait3A_1502 = arith.constant 0 : i32
    %dma_wait3A_1503 = tpu.memref_slice %arg4[%dma_wait3A_1499, %add3A_1498, %dma_wait3A_1502] : memref<8x128x1024xf32, #tpu.memory_space<hbm>> -> memref<1x1x1024xf32, #tpu.memory_space<hbm>>
    %dma_wait3A_1504 = tpu.memref_squeeze %dma_wait3A_1503 : memref<1x1x1024xf32, #tpu.memory_space<hbm>> -> memref<1024xf32, #tpu.memory_space<hbm>>
    %dma_wait3A_1505 = arith.constant 0 : i32
    %dma_wait3A_1506 = tpu.memref_slice %arg4[%dma_wait3A_1499, %add3A_1498, %dma_wait3A_1505] : memref<8x128x1024xf32, #tpu.memory_space<hbm>> -> memref<1x1x1024xf32, #tpu.memory_space<hbm>>
    %dma_wait3A_1507 = tpu.memref_squeeze %dma_wait3A_1506 : memref<1x1x1024xf32, #tpu.memory_space<hbm>> -> memref<1024xf32, #tpu.memory_space<hbm>>
    %dma_wait3A_1508 = arith.constant 24576 : i32
    %dma_wait3A_1509 = tpu.memref_slice %arg7[%dma_wait3A_1508] : memref<32768xf32, #tpu.memory_space<vmem>> -> memref<1024xf32, #tpu.memory_space<vmem>>
    tpu.wait_dma2 semaphore(%arg9 : memref<!tpu.dma_semaphore, #tpu.memory_space<semaphore_mem>>) src(%dma_wait3A_1509 : memref<1024xf32, #tpu.memory_space<vmem>>) dst(%dma_wait3A_1507 : memref<1024xf32, #tpu.memory_space<hbm>>)
    %mul3A_1510 = arith.constant 4 : i32
    %mul3A_1511 = arith.muli %add3A, %mul3A_1510 : i32
    %add3A_1512 = arith.constant 0 : i32
    %add3A_1513 = arith.addi %mul3A_1511, %add3A_1512 : i32
    %dma_wait3A_1514 = arith.constant 7 : i32
    %dma_wait3A_1515 = arith.constant 28672 : i32
    %dma_wait3A_1516 = tpu.memref_slice %arg7[%dma_wait3A_1515] : memref<32768xf32, #tpu.memory_space<vmem>> -> memref<1024xf32, #tpu.memory_space<vmem>>
    %dma_wait3A_1517 = arith.constant 0 : i32
    %dma_wait3A_1518 = tpu.memref_slice %arg4[%dma_wait3A_1514, %add3A_1513, %dma_wait3A_1517] : memref<8x128x1024xf32, #tpu.memory_space<hbm>> -> memref<1x1x1024xf32, #tpu.memory_space<hbm>>
    %dma_wait3A_1519 = tpu.memref_squeeze %dma_wait3A_1518 : memref<1x1x1024xf32, #tpu.memory_space<hbm>> -> memref<1024xf32, #tpu.memory_space<hbm>>
    %dma_wait3A_1520 = arith.constant 0 : i32
    %dma_wait3A_1521 = tpu.memref_slice %arg4[%dma_wait3A_1514, %add3A_1513, %dma_wait3A_1520] : memref<8x128x1024xf32, #tpu.memory_space<hbm>> -> memref<1x1x1024xf32, #tpu.memory_space<hbm>>
    %dma_wait3A_1522 = tpu.memref_squeeze %dma_wait3A_1521 : memref<1x1x1024xf32, #tpu.memory_space<hbm>> -> memref<1024xf32, #tpu.memory_space<hbm>>
    %dma_wait3A_1523 = arith.constant 28672 : i32
    %dma_wait3A_1524 = tpu.memref_slice %arg7[%dma_wait3A_1523] : memref<32768xf32, #tpu.memory_space<vmem>> -> memref<1024xf32, #tpu.memory_space<vmem>>
    tpu.wait_dma2 semaphore(%arg9 : memref<!tpu.dma_semaphore, #tpu.memory_space<semaphore_mem>>) src(%dma_wait3A_1524 : memref<1024xf32, #tpu.memory_space<vmem>>) dst(%dma_wait3A_1522 : memref<1024xf32, #tpu.memory_space<hbm>>)
    %mul3A_1525 = arith.constant 4 : i32
    %mul3A_1526 = arith.muli %add3A, %mul3A_1525 : i32
    %add3A_1527 = arith.constant 1 : i32
    %add3A_1528 = arith.addi %mul3A_1526, %add3A_1527 : i32
    %dma_wait3A_1529 = arith.constant 0 : i32
    %dma_wait3A_1530 = arith.constant 1024 : i32
    %dma_wait3A_1531 = tpu.memref_slice %arg7[%dma_wait3A_1530] : memref<32768xf32, #tpu.memory_space<vmem>> -> memref<1024xf32, #tpu.memory_space<vmem>>
    %dma_wait3A_1532 = arith.constant 0 : i32
    %dma_wait3A_1533 = tpu.memref_slice %arg4[%dma_wait3A_1529, %add3A_1528, %dma_wait3A_1532] : memref<8x128x1024xf32, #tpu.memory_space<hbm>> -> memref<1x1x1024xf32, #tpu.memory_space<hbm>>
    %dma_wait3A_1534 = tpu.memref_squeeze %dma_wait3A_1533 : memref<1x1x1024xf32, #tpu.memory_space<hbm>> -> memref<1024xf32, #tpu.memory_space<hbm>>
    %dma_wait3A_1535 = arith.constant 0 : i32
    %dma_wait3A_1536 = tpu.memref_slice %arg4[%dma_wait3A_1529, %add3A_1528, %dma_wait3A_1535] : memref<8x128x1024xf32, #tpu.memory_space<hbm>> -> memref<1x1x1024xf32, #tpu.memory_space<hbm>>
    %dma_wait3A_1537 = tpu.memref_squeeze %dma_wait3A_1536 : memref<1x1x1024xf32, #tpu.memory_space<hbm>> -> memref<1024xf32, #tpu.memory_space<hbm>>
    %dma_wait3A_1538 = arith.constant 1024 : i32
    %dma_wait3A_1539 = tpu.memref_slice %arg7[%dma_wait3A_1538] : memref<32768xf32, #tpu.memory_space<vmem>> -> memref<1024xf32, #tpu.memory_space<vmem>>
    tpu.wait_dma2 semaphore(%arg9 : memref<!tpu.dma_semaphore, #tpu.memory_space<semaphore_mem>>) src(%dma_wait3A_1539 : memref<1024xf32, #tpu.memory_space<vmem>>) dst(%dma_wait3A_1537 : memref<1024xf32, #tpu.memory_space<hbm>>)
    %mul3A_1540 = arith.constant 4 : i32
    %mul3A_1541 = arith.muli %add3A, %mul3A_1540 : i32
    %add3A_1542 = arith.constant 1 : i32
    %add3A_1543 = arith.addi %mul3A_1541, %add3A_1542 : i32
    %dma_wait3A_1544 = arith.constant 1 : i32
    %dma_wait3A_1545 = arith.constant 5120 : i32
    %dma_wait3A_1546 = tpu.memref_slice %arg7[%dma_wait3A_1545] : memref<32768xf32, #tpu.memory_space<vmem>> -> memref<1024xf32, #tpu.memory_space<vmem>>
    %dma_wait3A_1547 = arith.constant 0 : i32
    %dma_wait3A_1548 = tpu.memref_slice %arg4[%dma_wait3A_1544, %add3A_1543, %dma_wait3A_1547] : memref<8x128x1024xf32, #tpu.memory_space<hbm>> -> memref<1x1x1024xf32, #tpu.memory_space<hbm>>
    %dma_wait3A_1549 = tpu.memref_squeeze %dma_wait3A_1548 : memref<1x1x1024xf32, #tpu.memory_space<hbm>> -> memref<1024xf32, #tpu.memory_space<hbm>>
    %dma_wait3A_1550 = arith.constant 0 : i32
    %dma_wait3A_1551 = tpu.memref_slice %arg4[%dma_wait3A_1544, %add3A_1543, %dma_wait3A_1550] : memref<8x128x1024xf32, #tpu.memory_space<hbm>> -> memref<1x1x1024xf32, #tpu.memory_space<hbm>>
    %dma_wait3A_1552 = tpu.memref_squeeze %dma_wait3A_1551 : memref<1x1x1024xf32, #tpu.memory_space<hbm>> -> memref<1024xf32, #tpu.memory_space<hbm>>
    %dma_wait3A_1553 = arith.constant 5120 : i32
    %dma_wait3A_1554 = tpu.memref_slice %arg7[%dma_wait3A_1553] : memref<32768xf32, #tpu.memory_space<vmem>> -> memref<1024xf32, #tpu.memory_space<vmem>>
    tpu.wait_dma2 semaphore(%arg9 : memref<!tpu.dma_semaphore, #tpu.memory_space<semaphore_mem>>) src(%dma_wait3A_1554 : memref<1024xf32, #tpu.memory_space<vmem>>) dst(%dma_wait3A_1552 : memref<1024xf32, #tpu.memory_space<hbm>>)
    %mul3A_1555 = arith.constant 4 : i32
    %mul3A_1556 = arith.muli %add3A, %mul3A_1555 : i32
    %add3A_1557 = arith.constant 1 : i32
    %add3A_1558 = arith.addi %mul3A_1556, %add3A_1557 : i32
    %dma_wait3A_1559 = arith.constant 2 : i32
    %dma_wait3A_1560 = arith.constant 9216 : i32
    %dma_wait3A_1561 = tpu.memref_slice %arg7[%dma_wait3A_1560] : memref<32768xf32, #tpu.memory_space<vmem>> -> memref<1024xf32, #tpu.memory_space<vmem>>
    %dma_wait3A_1562 = arith.constant 0 : i32
    %dma_wait3A_1563 = tpu.memref_slice %arg4[%dma_wait3A_1559, %add3A_1558, %dma_wait3A_1562] : memref<8x128x1024xf32, #tpu.memory_space<hbm>> -> memref<1x1x1024xf32, #tpu.memory_space<hbm>>
    %dma_wait3A_1564 = tpu.memref_squeeze %dma_wait3A_1563 : memref<1x1x1024xf32, #tpu.memory_space<hbm>> -> memref<1024xf32, #tpu.memory_space<hbm>>
    %dma_wait3A_1565 = arith.constant 0 : i32
    %dma_wait3A_1566 = tpu.memref_slice %arg4[%dma_wait3A_1559, %add3A_1558, %dma_wait3A_1565] : memref<8x128x1024xf32, #tpu.memory_space<hbm>> -> memref<1x1x1024xf32, #tpu.memory_space<hbm>>
    %dma_wait3A_1567 = tpu.memref_squeeze %dma_wait3A_1566 : memref<1x1x1024xf32, #tpu.memory_space<hbm>> -> memref<1024xf32, #tpu.memory_space<hbm>>
    %dma_wait3A_1568 = arith.constant 9216 : i32
    %dma_wait3A_1569 = tpu.memref_slice %arg7[%dma_wait3A_1568] : memref<32768xf32, #tpu.memory_space<vmem>> -> memref<1024xf32, #tpu.memory_space<vmem>>
    tpu.wait_dma2 semaphore(%arg9 : memref<!tpu.dma_semaphore, #tpu.memory_space<semaphore_mem>>) src(%dma_wait3A_1569 : memref<1024xf32, #tpu.memory_space<vmem>>) dst(%dma_wait3A_1567 : memref<1024xf32, #tpu.memory_space<hbm>>)
    %mul3A_1570 = arith.constant 4 : i32
    %mul3A_1571 = arith.muli %add3A, %mul3A_1570 : i32
    %add3A_1572 = arith.constant 1 : i32
    %add3A_1573 = arith.addi %mul3A_1571, %add3A_1572 : i32
    %dma_wait3A_1574 = arith.constant 3 : i32
    %dma_wait3A_1575 = arith.constant 13312 : i32
    %dma_wait3A_1576 = tpu.memref_slice %arg7[%dma_wait3A_1575] : memref<32768xf32, #tpu.memory_space<vmem>> -> memref<1024xf32, #tpu.memory_space<vmem>>
    %dma_wait3A_1577 = arith.constant 0 : i32
    %dma_wait3A_1578 = tpu.memref_slice %arg4[%dma_wait3A_1574, %add3A_1573, %dma_wait3A_1577] : memref<8x128x1024xf32, #tpu.memory_space<hbm>> -> memref<1x1x1024xf32, #tpu.memory_space<hbm>>
    %dma_wait3A_1579 = tpu.memref_squeeze %dma_wait3A_1578 : memref<1x1x1024xf32, #tpu.memory_space<hbm>> -> memref<1024xf32, #tpu.memory_space<hbm>>
    %dma_wait3A_1580 = arith.constant 0 : i32
    %dma_wait3A_1581 = tpu.memref_slice %arg4[%dma_wait3A_1574, %add3A_1573, %dma_wait3A_1580] : memref<8x128x1024xf32, #tpu.memory_space<hbm>> -> memref<1x1x1024xf32, #tpu.memory_space<hbm>>
    %dma_wait3A_1582 = tpu.memref_squeeze %dma_wait3A_1581 : memref<1x1x1024xf32, #tpu.memory_space<hbm>> -> memref<1024xf32, #tpu.memory_space<hbm>>
    %dma_wait3A_1583 = arith.constant 13312 : i32
    %dma_wait3A_1584 = tpu.memref_slice %arg7[%dma_wait3A_1583] : memref<32768xf32, #tpu.memory_space<vmem>> -> memref<1024xf32, #tpu.memory_space<vmem>>
    tpu.wait_dma2 semaphore(%arg9 : memref<!tpu.dma_semaphore, #tpu.memory_space<semaphore_mem>>) src(%dma_wait3A_1584 : memref<1024xf32, #tpu.memory_space<vmem>>) dst(%dma_wait3A_1582 : memref<1024xf32, #tpu.memory_space<hbm>>)
    %mul3A_1585 = arith.constant 4 : i32
    %mul3A_1586 = arith.muli %add3A, %mul3A_1585 : i32
    %add3A_1587 = arith.constant 1 : i32
    %add3A_1588 = arith.addi %mul3A_1586, %add3A_1587 : i32
    %dma_wait3A_1589 = arith.constant 4 : i32
    %dma_wait3A_1590 = arith.constant 17408 : i32
    %dma_wait3A_1591 = tpu.memref_slice %arg7[%dma_wait3A_1590] : memref<32768xf32, #tpu.memory_space<vmem>> -> memref<1024xf32, #tpu.memory_space<vmem>>
    %dma_wait3A_1592 = arith.constant 0 : i32
    %dma_wait3A_1593 = tpu.memref_slice %arg4[%dma_wait3A_1589, %add3A_1588, %dma_wait3A_1592] : memref<8x128x1024xf32, #tpu.memory_space<hbm>> -> memref<1x1x1024xf32, #tpu.memory_space<hbm>>
    %dma_wait3A_1594 = tpu.memref_squeeze %dma_wait3A_1593 : memref<1x1x1024xf32, #tpu.memory_space<hbm>> -> memref<1024xf32, #tpu.memory_space<hbm>>
    %dma_wait3A_1595 = arith.constant 0 : i32
    %dma_wait3A_1596 = tpu.memref_slice %arg4[%dma_wait3A_1589, %add3A_1588, %dma_wait3A_1595] : memref<8x128x1024xf32, #tpu.memory_space<hbm>> -> memref<1x1x1024xf32, #tpu.memory_space<hbm>>
    %dma_wait3A_1597 = tpu.memref_squeeze %dma_wait3A_1596 : memref<1x1x1024xf32, #tpu.memory_space<hbm>> -> memref<1024xf32, #tpu.memory_space<hbm>>
    %dma_wait3A_1598 = arith.constant 17408 : i32
    %dma_wait3A_1599 = tpu.memref_slice %arg7[%dma_wait3A_1598] : memref<32768xf32, #tpu.memory_space<vmem>> -> memref<1024xf32, #tpu.memory_space<vmem>>
    tpu.wait_dma2 semaphore(%arg9 : memref<!tpu.dma_semaphore, #tpu.memory_space<semaphore_mem>>) src(%dma_wait3A_1599 : memref<1024xf32, #tpu.memory_space<vmem>>) dst(%dma_wait3A_1597 : memref<1024xf32, #tpu.memory_space<hbm>>)
    %mul3A_1600 = arith.constant 4 : i32
    %mul3A_1601 = arith.muli %add3A, %mul3A_1600 : i32
    %add3A_1602 = arith.constant 1 : i32
    %add3A_1603 = arith.addi %mul3A_1601, %add3A_1602 : i32
    %dma_wait3A_1604 = arith.constant 5 : i32
    %dma_wait3A_1605 = arith.constant 21504 : i32
    %dma_wait3A_1606 = tpu.memref_slice %arg7[%dma_wait3A_1605] : memref<32768xf32, #tpu.memory_space<vmem>> -> memref<1024xf32, #tpu.memory_space<vmem>>
    %dma_wait3A_1607 = arith.constant 0 : i32
    %dma_wait3A_1608 = tpu.memref_slice %arg4[%dma_wait3A_1604, %add3A_1603, %dma_wait3A_1607] : memref<8x128x1024xf32, #tpu.memory_space<hbm>> -> memref<1x1x1024xf32, #tpu.memory_space<hbm>>
    %dma_wait3A_1609 = tpu.memref_squeeze %dma_wait3A_1608 : memref<1x1x1024xf32, #tpu.memory_space<hbm>> -> memref<1024xf32, #tpu.memory_space<hbm>>
    %dma_wait3A_1610 = arith.constant 0 : i32
    %dma_wait3A_1611 = tpu.memref_slice %arg4[%dma_wait3A_1604, %add3A_1603, %dma_wait3A_1610] : memref<8x128x1024xf32, #tpu.memory_space<hbm>> -> memref<1x1x1024xf32, #tpu.memory_space<hbm>>
    %dma_wait3A_1612 = tpu.memref_squeeze %dma_wait3A_1611 : memref<1x1x1024xf32, #tpu.memory_space<hbm>> -> memref<1024xf32, #tpu.memory_space<hbm>>
    %dma_wait3A_1613 = arith.constant 21504 : i32
    %dma_wait3A_1614 = tpu.memref_slice %arg7[%dma_wait3A_1613] : memref<32768xf32, #tpu.memory_space<vmem>> -> memref<1024xf32, #tpu.memory_space<vmem>>
    tpu.wait_dma2 semaphore(%arg9 : memref<!tpu.dma_semaphore, #tpu.memory_space<semaphore_mem>>) src(%dma_wait3A_1614 : memref<1024xf32, #tpu.memory_space<vmem>>) dst(%dma_wait3A_1612 : memref<1024xf32, #tpu.memory_space<hbm>>)
    %mul3A_1615 = arith.constant 4 : i32
    %mul3A_1616 = arith.muli %add3A, %mul3A_1615 : i32
    %add3A_1617 = arith.constant 1 : i32
    %add3A_1618 = arith.addi %mul3A_1616, %add3A_1617 : i32
    %dma_wait3A_1619 = arith.constant 6 : i32
    %dma_wait3A_1620 = arith.constant 25600 : i32
    %dma_wait3A_1621 = tpu.memref_slice %arg7[%dma_wait3A_1620] : memref<32768xf32, #tpu.memory_space<vmem>> -> memref<1024xf32, #tpu.memory_space<vmem>>
    %dma_wait3A_1622 = arith.constant 0 : i32
    %dma_wait3A_1623 = tpu.memref_slice %arg4[%dma_wait3A_1619, %add3A_1618, %dma_wait3A_1622] : memref<8x128x1024xf32, #tpu.memory_space<hbm>> -> memref<1x1x1024xf32, #tpu.memory_space<hbm>>
    %dma_wait3A_1624 = tpu.memref_squeeze %dma_wait3A_1623 : memref<1x1x1024xf32, #tpu.memory_space<hbm>> -> memref<1024xf32, #tpu.memory_space<hbm>>
    %dma_wait3A_1625 = arith.constant 0 : i32
    %dma_wait3A_1626 = tpu.memref_slice %arg4[%dma_wait3A_1619, %add3A_1618, %dma_wait3A_1625] : memref<8x128x1024xf32, #tpu.memory_space<hbm>> -> memref<1x1x1024xf32, #tpu.memory_space<hbm>>
    %dma_wait3A_1627 = tpu.memref_squeeze %dma_wait3A_1626 : memref<1x1x1024xf32, #tpu.memory_space<hbm>> -> memref<1024xf32, #tpu.memory_space<hbm>>
    %dma_wait3A_1628 = arith.constant 25600 : i32
    %dma_wait3A_1629 = tpu.memref_slice %arg7[%dma_wait3A_1628] : memref<32768xf32, #tpu.memory_space<vmem>> -> memref<1024xf32, #tpu.memory_space<vmem>>
    tpu.wait_dma2 semaphore(%arg9 : memref<!tpu.dma_semaphore, #tpu.memory_space<semaphore_mem>>) src(%dma_wait3A_1629 : memref<1024xf32, #tpu.memory_space<vmem>>) dst(%dma_wait3A_1627 : memref<1024xf32, #tpu.memory_space<hbm>>)
    %mul3A_1630 = arith.constant 4 : i32
    %mul3A_1631 = arith.muli %add3A, %mul3A_1630 : i32
    %add3A_1632 = arith.constant 1 : i32
    %add3A_1633 = arith.addi %mul3A_1631, %add3A_1632 : i32
    %dma_wait3A_1634 = arith.constant 7 : i32
    %dma_wait3A_1635 = arith.constant 29696 : i32
    %dma_wait3A_1636 = tpu.memref_slice %arg7[%dma_wait3A_1635] : memref<32768xf32, #tpu.memory_space<vmem>> -> memref<1024xf32, #tpu.memory_space<vmem>>
    %dma_wait3A_1637 = arith.constant 0 : i32
    %dma_wait3A_1638 = tpu.memref_slice %arg4[%dma_wait3A_1634, %add3A_1633, %dma_wait3A_1637] : memref<8x128x1024xf32, #tpu.memory_space<hbm>> -> memref<1x1x1024xf32, #tpu.memory_space<hbm>>
    %dma_wait3A_1639 = tpu.memref_squeeze %dma_wait3A_1638 : memref<1x1x1024xf32, #tpu.memory_space<hbm>> -> memref<1024xf32, #tpu.memory_space<hbm>>
    %dma_wait3A_1640 = arith.constant 0 : i32
    %dma_wait3A_1641 = tpu.memref_slice %arg4[%dma_wait3A_1634, %add3A_1633, %dma_wait3A_1640] : memref<8x128x1024xf32, #tpu.memory_space<hbm>> -> memref<1x1x1024xf32, #tpu.memory_space<hbm>>
    %dma_wait3A_1642 = tpu.memref_squeeze %dma_wait3A_1641 : memref<1x1x1024xf32, #tpu.memory_space<hbm>> -> memref<1024xf32, #tpu.memory_space<hbm>>
    %dma_wait3A_1643 = arith.constant 29696 : i32
    %dma_wait3A_1644 = tpu.memref_slice %arg7[%dma_wait3A_1643] : memref<32768xf32, #tpu.memory_space<vmem>> -> memref<1024xf32, #tpu.memory_space<vmem>>
    tpu.wait_dma2 semaphore(%arg9 : memref<!tpu.dma_semaphore, #tpu.memory_space<semaphore_mem>>) src(%dma_wait3A_1644 : memref<1024xf32, #tpu.memory_space<vmem>>) dst(%dma_wait3A_1642 : memref<1024xf32, #tpu.memory_space<hbm>>)
    %mul3A_1645 = arith.constant 4 : i32
    %mul3A_1646 = arith.muli %add3A, %mul3A_1645 : i32
    %add3A_1647 = arith.constant 2 : i32
    %add3A_1648 = arith.addi %mul3A_1646, %add3A_1647 : i32
    %dma_wait3A_1649 = arith.constant 0 : i32
    %dma_wait3A_1650 = arith.constant 2048 : i32
    %dma_wait3A_1651 = tpu.memref_slice %arg7[%dma_wait3A_1650] : memref<32768xf32, #tpu.memory_space<vmem>> -> memref<1024xf32, #tpu.memory_space<vmem>>
    %dma_wait3A_1652 = arith.constant 0 : i32
    %dma_wait3A_1653 = tpu.memref_slice %arg4[%dma_wait3A_1649, %add3A_1648, %dma_wait3A_1652] : memref<8x128x1024xf32, #tpu.memory_space<hbm>> -> memref<1x1x1024xf32, #tpu.memory_space<hbm>>
    %dma_wait3A_1654 = tpu.memref_squeeze %dma_wait3A_1653 : memref<1x1x1024xf32, #tpu.memory_space<hbm>> -> memref<1024xf32, #tpu.memory_space<hbm>>
    %dma_wait3A_1655 = arith.constant 0 : i32
    %dma_wait3A_1656 = tpu.memref_slice %arg4[%dma_wait3A_1649, %add3A_1648, %dma_wait3A_1655] : memref<8x128x1024xf32, #tpu.memory_space<hbm>> -> memref<1x1x1024xf32, #tpu.memory_space<hbm>>
    %dma_wait3A_1657 = tpu.memref_squeeze %dma_wait3A_1656 : memref<1x1x1024xf32, #tpu.memory_space<hbm>> -> memref<1024xf32, #tpu.memory_space<hbm>>
    %dma_wait3A_1658 = arith.constant 2048 : i32
    %dma_wait3A_1659 = tpu.memref_slice %arg7[%dma_wait3A_1658] : memref<32768xf32, #tpu.memory_space<vmem>> -> memref<1024xf32, #tpu.memory_space<vmem>>
    tpu.wait_dma2 semaphore(%arg9 : memref<!tpu.dma_semaphore, #tpu.memory_space<semaphore_mem>>) src(%dma_wait3A_1659 : memref<1024xf32, #tpu.memory_space<vmem>>) dst(%dma_wait3A_1657 : memref<1024xf32, #tpu.memory_space<hbm>>)
    %mul3A_1660 = arith.constant 4 : i32
    %mul3A_1661 = arith.muli %add3A, %mul3A_1660 : i32
    %add3A_1662 = arith.constant 2 : i32
    %add3A_1663 = arith.addi %mul3A_1661, %add3A_1662 : i32
    %dma_wait3A_1664 = arith.constant 1 : i32
    %dma_wait3A_1665 = arith.constant 6144 : i32
    %dma_wait3A_1666 = tpu.memref_slice %arg7[%dma_wait3A_1665] : memref<32768xf32, #tpu.memory_space<vmem>> -> memref<1024xf32, #tpu.memory_space<vmem>>
    %dma_wait3A_1667 = arith.constant 0 : i32
    %dma_wait3A_1668 = tpu.memref_slice %arg4[%dma_wait3A_1664, %add3A_1663, %dma_wait3A_1667] : memref<8x128x1024xf32, #tpu.memory_space<hbm>> -> memref<1x1x1024xf32, #tpu.memory_space<hbm>>
    %dma_wait3A_1669 = tpu.memref_squeeze %dma_wait3A_1668 : memref<1x1x1024xf32, #tpu.memory_space<hbm>> -> memref<1024xf32, #tpu.memory_space<hbm>>
    %dma_wait3A_1670 = arith.constant 0 : i32
    %dma_wait3A_1671 = tpu.memref_slice %arg4[%dma_wait3A_1664, %add3A_1663, %dma_wait3A_1670] : memref<8x128x1024xf32, #tpu.memory_space<hbm>> -> memref<1x1x1024xf32, #tpu.memory_space<hbm>>
    %dma_wait3A_1672 = tpu.memref_squeeze %dma_wait3A_1671 : memref<1x1x1024xf32, #tpu.memory_space<hbm>> -> memref<1024xf32, #tpu.memory_space<hbm>>
    %dma_wait3A_1673 = arith.constant 6144 : i32
    %dma_wait3A_1674 = tpu.memref_slice %arg7[%dma_wait3A_1673] : memref<32768xf32, #tpu.memory_space<vmem>> -> memref<1024xf32, #tpu.memory_space<vmem>>
    tpu.wait_dma2 semaphore(%arg9 : memref<!tpu.dma_semaphore, #tpu.memory_space<semaphore_mem>>) src(%dma_wait3A_1674 : memref<1024xf32, #tpu.memory_space<vmem>>) dst(%dma_wait3A_1672 : memref<1024xf32, #tpu.memory_space<hbm>>)
    %mul3A_1675 = arith.constant 4 : i32
    %mul3A_1676 = arith.muli %add3A, %mul3A_1675 : i32
    %add3A_1677 = arith.constant 2 : i32
    %add3A_1678 = arith.addi %mul3A_1676, %add3A_1677 : i32
    %dma_wait3A_1679 = arith.constant 2 : i32
    %dma_wait3A_1680 = arith.constant 10240 : i32
    %dma_wait3A_1681 = tpu.memref_slice %arg7[%dma_wait3A_1680] : memref<32768xf32, #tpu.memory_space<vmem>> -> memref<1024xf32, #tpu.memory_space<vmem>>
    %dma_wait3A_1682 = arith.constant 0 : i32
    %dma_wait3A_1683 = tpu.memref_slice %arg4[%dma_wait3A_1679, %add3A_1678, %dma_wait3A_1682] : memref<8x128x1024xf32, #tpu.memory_space<hbm>> -> memref<1x1x1024xf32, #tpu.memory_space<hbm>>
    %dma_wait3A_1684 = tpu.memref_squeeze %dma_wait3A_1683 : memref<1x1x1024xf32, #tpu.memory_space<hbm>> -> memref<1024xf32, #tpu.memory_space<hbm>>
    %dma_wait3A_1685 = arith.constant 0 : i32
    %dma_wait3A_1686 = tpu.memref_slice %arg4[%dma_wait3A_1679, %add3A_1678, %dma_wait3A_1685] : memref<8x128x1024xf32, #tpu.memory_space<hbm>> -> memref<1x1x1024xf32, #tpu.memory_space<hbm>>
    %dma_wait3A_1687 = tpu.memref_squeeze %dma_wait3A_1686 : memref<1x1x1024xf32, #tpu.memory_space<hbm>> -> memref<1024xf32, #tpu.memory_space<hbm>>
    %dma_wait3A_1688 = arith.constant 10240 : i32
    %dma_wait3A_1689 = tpu.memref_slice %arg7[%dma_wait3A_1688] : memref<32768xf32, #tpu.memory_space<vmem>> -> memref<1024xf32, #tpu.memory_space<vmem>>
    tpu.wait_dma2 semaphore(%arg9 : memref<!tpu.dma_semaphore, #tpu.memory_space<semaphore_mem>>) src(%dma_wait3A_1689 : memref<1024xf32, #tpu.memory_space<vmem>>) dst(%dma_wait3A_1687 : memref<1024xf32, #tpu.memory_space<hbm>>)
    %mul3A_1690 = arith.constant 4 : i32
    %mul3A_1691 = arith.muli %add3A, %mul3A_1690 : i32
    %add3A_1692 = arith.constant 2 : i32
    %add3A_1693 = arith.addi %mul3A_1691, %add3A_1692 : i32
    %dma_wait3A_1694 = arith.constant 3 : i32
    %dma_wait3A_1695 = arith.constant 14336 : i32
    %dma_wait3A_1696 = tpu.memref_slice %arg7[%dma_wait3A_1695] : memref<32768xf32, #tpu.memory_space<vmem>> -> memref<1024xf32, #tpu.memory_space<vmem>>
    %dma_wait3A_1697 = arith.constant 0 : i32
    %dma_wait3A_1698 = tpu.memref_slice %arg4[%dma_wait3A_1694, %add3A_1693, %dma_wait3A_1697] : memref<8x128x1024xf32, #tpu.memory_space<hbm>> -> memref<1x1x1024xf32, #tpu.memory_space<hbm>>
    %dma_wait3A_1699 = tpu.memref_squeeze %dma_wait3A_1698 : memref<1x1x1024xf32, #tpu.memory_space<hbm>> -> memref<1024xf32, #tpu.memory_space<hbm>>
    %dma_wait3A_1700 = arith.constant 0 : i32
    %dma_wait3A_1701 = tpu.memref_slice %arg4[%dma_wait3A_1694, %add3A_1693, %dma_wait3A_1700] : memref<8x128x1024xf32, #tpu.memory_space<hbm>> -> memref<1x1x1024xf32, #tpu.memory_space<hbm>>
    %dma_wait3A_1702 = tpu.memref_squeeze %dma_wait3A_1701 : memref<1x1x1024xf32, #tpu.memory_space<hbm>> -> memref<1024xf32, #tpu.memory_space<hbm>>
    %dma_wait3A_1703 = arith.constant 14336 : i32
    %dma_wait3A_1704 = tpu.memref_slice %arg7[%dma_wait3A_1703] : memref<32768xf32, #tpu.memory_space<vmem>> -> memref<1024xf32, #tpu.memory_space<vmem>>
    tpu.wait_dma2 semaphore(%arg9 : memref<!tpu.dma_semaphore, #tpu.memory_space<semaphore_mem>>) src(%dma_wait3A_1704 : memref<1024xf32, #tpu.memory_space<vmem>>) dst(%dma_wait3A_1702 : memref<1024xf32, #tpu.memory_space<hbm>>)
    %mul3A_1705 = arith.constant 4 : i32
    %mul3A_1706 = arith.muli %add3A, %mul3A_1705 : i32
    %add3A_1707 = arith.constant 2 : i32
    %add3A_1708 = arith.addi %mul3A_1706, %add3A_1707 : i32
    %dma_wait3A_1709 = arith.constant 4 : i32
    %dma_wait3A_1710 = arith.constant 18432 : i32
    %dma_wait3A_1711 = tpu.memref_slice %arg7[%dma_wait3A_1710] : memref<32768xf32, #tpu.memory_space<vmem>> -> memref<1024xf32, #tpu.memory_space<vmem>>
    %dma_wait3A_1712 = arith.constant 0 : i32
    %dma_wait3A_1713 = tpu.memref_slice %arg4[%dma_wait3A_1709, %add3A_1708, %dma_wait3A_1712] : memref<8x128x1024xf32, #tpu.memory_space<hbm>> -> memref<1x1x1024xf32, #tpu.memory_space<hbm>>
    %dma_wait3A_1714 = tpu.memref_squeeze %dma_wait3A_1713 : memref<1x1x1024xf32, #tpu.memory_space<hbm>> -> memref<1024xf32, #tpu.memory_space<hbm>>
    %dma_wait3A_1715 = arith.constant 0 : i32
    %dma_wait3A_1716 = tpu.memref_slice %arg4[%dma_wait3A_1709, %add3A_1708, %dma_wait3A_1715] : memref<8x128x1024xf32, #tpu.memory_space<hbm>> -> memref<1x1x1024xf32, #tpu.memory_space<hbm>>
    %dma_wait3A_1717 = tpu.memref_squeeze %dma_wait3A_1716 : memref<1x1x1024xf32, #tpu.memory_space<hbm>> -> memref<1024xf32, #tpu.memory_space<hbm>>
    %dma_wait3A_1718 = arith.constant 18432 : i32
    %dma_wait3A_1719 = tpu.memref_slice %arg7[%dma_wait3A_1718] : memref<32768xf32, #tpu.memory_space<vmem>> -> memref<1024xf32, #tpu.memory_space<vmem>>
    tpu.wait_dma2 semaphore(%arg9 : memref<!tpu.dma_semaphore, #tpu.memory_space<semaphore_mem>>) src(%dma_wait3A_1719 : memref<1024xf32, #tpu.memory_space<vmem>>) dst(%dma_wait3A_1717 : memref<1024xf32, #tpu.memory_space<hbm>>)
    %mul3A_1720 = arith.constant 4 : i32
    %mul3A_1721 = arith.muli %add3A, %mul3A_1720 : i32
    %add3A_1722 = arith.constant 2 : i32
    %add3A_1723 = arith.addi %mul3A_1721, %add3A_1722 : i32
    %dma_wait3A_1724 = arith.constant 5 : i32
    %dma_wait3A_1725 = arith.constant 22528 : i32
    %dma_wait3A_1726 = tpu.memref_slice %arg7[%dma_wait3A_1725] : memref<32768xf32, #tpu.memory_space<vmem>> -> memref<1024xf32, #tpu.memory_space<vmem>>
    %dma_wait3A_1727 = arith.constant 0 : i32
    %dma_wait3A_1728 = tpu.memref_slice %arg4[%dma_wait3A_1724, %add3A_1723, %dma_wait3A_1727] : memref<8x128x1024xf32, #tpu.memory_space<hbm>> -> memref<1x1x1024xf32, #tpu.memory_space<hbm>>
    %dma_wait3A_1729 = tpu.memref_squeeze %dma_wait3A_1728 : memref<1x1x1024xf32, #tpu.memory_space<hbm>> -> memref<1024xf32, #tpu.memory_space<hbm>>
    %dma_wait3A_1730 = arith.constant 0 : i32
    %dma_wait3A_1731 = tpu.memref_slice %arg4[%dma_wait3A_1724, %add3A_1723, %dma_wait3A_1730] : memref<8x128x1024xf32, #tpu.memory_space<hbm>> -> memref<1x1x1024xf32, #tpu.memory_space<hbm>>
    %dma_wait3A_1732 = tpu.memref_squeeze %dma_wait3A_1731 : memref<1x1x1024xf32, #tpu.memory_space<hbm>> -> memref<1024xf32, #tpu.memory_space<hbm>>
    %dma_wait3A_1733 = arith.constant 22528 : i32
    %dma_wait3A_1734 = tpu.memref_slice %arg7[%dma_wait3A_1733] : memref<32768xf32, #tpu.memory_space<vmem>> -> memref<1024xf32, #tpu.memory_space<vmem>>
    tpu.wait_dma2 semaphore(%arg9 : memref<!tpu.dma_semaphore, #tpu.memory_space<semaphore_mem>>) src(%dma_wait3A_1734 : memref<1024xf32, #tpu.memory_space<vmem>>) dst(%dma_wait3A_1732 : memref<1024xf32, #tpu.memory_space<hbm>>)
    %mul3A_1735 = arith.constant 4 : i32
    %mul3A_1736 = arith.muli %add3A, %mul3A_1735 : i32
    %add3A_1737 = arith.constant 2 : i32
    %add3A_1738 = arith.addi %mul3A_1736, %add3A_1737 : i32
    %dma_wait3A_1739 = arith.constant 6 : i32
    %dma_wait3A_1740 = arith.constant 26624 : i32
    %dma_wait3A_1741 = tpu.memref_slice %arg7[%dma_wait3A_1740] : memref<32768xf32, #tpu.memory_space<vmem>> -> memref<1024xf32, #tpu.memory_space<vmem>>
    %dma_wait3A_1742 = arith.constant 0 : i32
    %dma_wait3A_1743 = tpu.memref_slice %arg4[%dma_wait3A_1739, %add3A_1738, %dma_wait3A_1742] : memref<8x128x1024xf32, #tpu.memory_space<hbm>> -> memref<1x1x1024xf32, #tpu.memory_space<hbm>>
    %dma_wait3A_1744 = tpu.memref_squeeze %dma_wait3A_1743 : memref<1x1x1024xf32, #tpu.memory_space<hbm>> -> memref<1024xf32, #tpu.memory_space<hbm>>
    %dma_wait3A_1745 = arith.constant 0 : i32
    %dma_wait3A_1746 = tpu.memref_slice %arg4[%dma_wait3A_1739, %add3A_1738, %dma_wait3A_1745] : memref<8x128x1024xf32, #tpu.memory_space<hbm>> -> memref<1x1x1024xf32, #tpu.memory_space<hbm>>
    %dma_wait3A_1747 = tpu.memref_squeeze %dma_wait3A_1746 : memref<1x1x1024xf32, #tpu.memory_space<hbm>> -> memref<1024xf32, #tpu.memory_space<hbm>>
    %dma_wait3A_1748 = arith.constant 26624 : i32
    %dma_wait3A_1749 = tpu.memref_slice %arg7[%dma_wait3A_1748] : memref<32768xf32, #tpu.memory_space<vmem>> -> memref<1024xf32, #tpu.memory_space<vmem>>
    tpu.wait_dma2 semaphore(%arg9 : memref<!tpu.dma_semaphore, #tpu.memory_space<semaphore_mem>>) src(%dma_wait3A_1749 : memref<1024xf32, #tpu.memory_space<vmem>>) dst(%dma_wait3A_1747 : memref<1024xf32, #tpu.memory_space<hbm>>)
    %mul3A_1750 = arith.constant 4 : i32
    %mul3A_1751 = arith.muli %add3A, %mul3A_1750 : i32
    %add3A_1752 = arith.constant 2 : i32
    %add3A_1753 = arith.addi %mul3A_1751, %add3A_1752 : i32
    %dma_wait3A_1754 = arith.constant 7 : i32
    %dma_wait3A_1755 = arith.constant 30720 : i32
    %dma_wait3A_1756 = tpu.memref_slice %arg7[%dma_wait3A_1755] : memref<32768xf32, #tpu.memory_space<vmem>> -> memref<1024xf32, #tpu.memory_space<vmem>>
    %dma_wait3A_1757 = arith.constant 0 : i32
    %dma_wait3A_1758 = tpu.memref_slice %arg4[%dma_wait3A_1754, %add3A_1753, %dma_wait3A_1757] : memref<8x128x1024xf32, #tpu.memory_space<hbm>> -> memref<1x1x1024xf32, #tpu.memory_space<hbm>>
    %dma_wait3A_1759 = tpu.memref_squeeze %dma_wait3A_1758 : memref<1x1x1024xf32, #tpu.memory_space<hbm>> -> memref<1024xf32, #tpu.memory_space<hbm>>
    %dma_wait3A_1760 = arith.constant 0 : i32
    %dma_wait3A_1761 = tpu.memref_slice %arg4[%dma_wait3A_1754, %add3A_1753, %dma_wait3A_1760] : memref<8x128x1024xf32, #tpu.memory_space<hbm>> -> memref<1x1x1024xf32, #tpu.memory_space<hbm>>
    %dma_wait3A_1762 = tpu.memref_squeeze %dma_wait3A_1761 : memref<1x1x1024xf32, #tpu.memory_space<hbm>> -> memref<1024xf32, #tpu.memory_space<hbm>>
    %dma_wait3A_1763 = arith.constant 30720 : i32
    %dma_wait3A_1764 = tpu.memref_slice %arg7[%dma_wait3A_1763] : memref<32768xf32, #tpu.memory_space<vmem>> -> memref<1024xf32, #tpu.memory_space<vmem>>
    tpu.wait_dma2 semaphore(%arg9 : memref<!tpu.dma_semaphore, #tpu.memory_space<semaphore_mem>>) src(%dma_wait3A_1764 : memref<1024xf32, #tpu.memory_space<vmem>>) dst(%dma_wait3A_1762 : memref<1024xf32, #tpu.memory_space<hbm>>)
    %mul3A_1765 = arith.constant 4 : i32
    %mul3A_1766 = arith.muli %add3A, %mul3A_1765 : i32
    %add3A_1767 = arith.constant 3 : i32
    %add3A_1768 = arith.addi %mul3A_1766, %add3A_1767 : i32
    %dma_wait3A_1769 = arith.constant 0 : i32
    %dma_wait3A_1770 = arith.constant 3072 : i32
    %dma_wait3A_1771 = tpu.memref_slice %arg7[%dma_wait3A_1770] : memref<32768xf32, #tpu.memory_space<vmem>> -> memref<1024xf32, #tpu.memory_space<vmem>>
    %dma_wait3A_1772 = arith.constant 0 : i32
    %dma_wait3A_1773 = tpu.memref_slice %arg4[%dma_wait3A_1769, %add3A_1768, %dma_wait3A_1772] : memref<8x128x1024xf32, #tpu.memory_space<hbm>> -> memref<1x1x1024xf32, #tpu.memory_space<hbm>>
    %dma_wait3A_1774 = tpu.memref_squeeze %dma_wait3A_1773 : memref<1x1x1024xf32, #tpu.memory_space<hbm>> -> memref<1024xf32, #tpu.memory_space<hbm>>
    %dma_wait3A_1775 = arith.constant 0 : i32
    %dma_wait3A_1776 = tpu.memref_slice %arg4[%dma_wait3A_1769, %add3A_1768, %dma_wait3A_1775] : memref<8x128x1024xf32, #tpu.memory_space<hbm>> -> memref<1x1x1024xf32, #tpu.memory_space<hbm>>
    %dma_wait3A_1777 = tpu.memref_squeeze %dma_wait3A_1776 : memref<1x1x1024xf32, #tpu.memory_space<hbm>> -> memref<1024xf32, #tpu.memory_space<hbm>>
    %dma_wait3A_1778 = arith.constant 3072 : i32
    %dma_wait3A_1779 = tpu.memref_slice %arg7[%dma_wait3A_1778] : memref<32768xf32, #tpu.memory_space<vmem>> -> memref<1024xf32, #tpu.memory_space<vmem>>
    tpu.wait_dma2 semaphore(%arg9 : memref<!tpu.dma_semaphore, #tpu.memory_space<semaphore_mem>>) src(%dma_wait3A_1779 : memref<1024xf32, #tpu.memory_space<vmem>>) dst(%dma_wait3A_1777 : memref<1024xf32, #tpu.memory_space<hbm>>)
    %mul3A_1780 = arith.constant 4 : i32
    %mul3A_1781 = arith.muli %add3A, %mul3A_1780 : i32
    %add3A_1782 = arith.constant 3 : i32
    %add3A_1783 = arith.addi %mul3A_1781, %add3A_1782 : i32
    %dma_wait3A_1784 = arith.constant 1 : i32
    %dma_wait3A_1785 = arith.constant 7168 : i32
    %dma_wait3A_1786 = tpu.memref_slice %arg7[%dma_wait3A_1785] : memref<32768xf32, #tpu.memory_space<vmem>> -> memref<1024xf32, #tpu.memory_space<vmem>>
    %dma_wait3A_1787 = arith.constant 0 : i32
    %dma_wait3A_1788 = tpu.memref_slice %arg4[%dma_wait3A_1784, %add3A_1783, %dma_wait3A_1787] : memref<8x128x1024xf32, #tpu.memory_space<hbm>> -> memref<1x1x1024xf32, #tpu.memory_space<hbm>>
    %dma_wait3A_1789 = tpu.memref_squeeze %dma_wait3A_1788 : memref<1x1x1024xf32, #tpu.memory_space<hbm>> -> memref<1024xf32, #tpu.memory_space<hbm>>
    %dma_wait3A_1790 = arith.constant 0 : i32
    %dma_wait3A_1791 = tpu.memref_slice %arg4[%dma_wait3A_1784, %add3A_1783, %dma_wait3A_1790] : memref<8x128x1024xf32, #tpu.memory_space<hbm>> -> memref<1x1x1024xf32, #tpu.memory_space<hbm>>
    %dma_wait3A_1792 = tpu.memref_squeeze %dma_wait3A_1791 : memref<1x1x1024xf32, #tpu.memory_space<hbm>> -> memref<1024xf32, #tpu.memory_space<hbm>>
    %dma_wait3A_1793 = arith.constant 7168 : i32
    %dma_wait3A_1794 = tpu.memref_slice %arg7[%dma_wait3A_1793] : memref<32768xf32, #tpu.memory_space<vmem>> -> memref<1024xf32, #tpu.memory_space<vmem>>
    tpu.wait_dma2 semaphore(%arg9 : memref<!tpu.dma_semaphore, #tpu.memory_space<semaphore_mem>>) src(%dma_wait3A_1794 : memref<1024xf32, #tpu.memory_space<vmem>>) dst(%dma_wait3A_1792 : memref<1024xf32, #tpu.memory_space<hbm>>)
    %mul3A_1795 = arith.constant 4 : i32
    %mul3A_1796 = arith.muli %add3A, %mul3A_1795 : i32
    %add3A_1797 = arith.constant 3 : i32
    %add3A_1798 = arith.addi %mul3A_1796, %add3A_1797 : i32
    %dma_wait3A_1799 = arith.constant 2 : i32
    %dma_wait3A_1800 = arith.constant 11264 : i32
    %dma_wait3A_1801 = tpu.memref_slice %arg7[%dma_wait3A_1800] : memref<32768xf32, #tpu.memory_space<vmem>> -> memref<1024xf32, #tpu.memory_space<vmem>>
    %dma_wait3A_1802 = arith.constant 0 : i32
    %dma_wait3A_1803 = tpu.memref_slice %arg4[%dma_wait3A_1799, %add3A_1798, %dma_wait3A_1802] : memref<8x128x1024xf32, #tpu.memory_space<hbm>> -> memref<1x1x1024xf32, #tpu.memory_space<hbm>>
    %dma_wait3A_1804 = tpu.memref_squeeze %dma_wait3A_1803 : memref<1x1x1024xf32, #tpu.memory_space<hbm>> -> memref<1024xf32, #tpu.memory_space<hbm>>
    %dma_wait3A_1805 = arith.constant 0 : i32
    %dma_wait3A_1806 = tpu.memref_slice %arg4[%dma_wait3A_1799, %add3A_1798, %dma_wait3A_1805] : memref<8x128x1024xf32, #tpu.memory_space<hbm>> -> memref<1x1x1024xf32, #tpu.memory_space<hbm>>
    %dma_wait3A_1807 = tpu.memref_squeeze %dma_wait3A_1806 : memref<1x1x1024xf32, #tpu.memory_space<hbm>> -> memref<1024xf32, #tpu.memory_space<hbm>>
    %dma_wait3A_1808 = arith.constant 11264 : i32
    %dma_wait3A_1809 = tpu.memref_slice %arg7[%dma_wait3A_1808] : memref<32768xf32, #tpu.memory_space<vmem>> -> memref<1024xf32, #tpu.memory_space<vmem>>
    tpu.wait_dma2 semaphore(%arg9 : memref<!tpu.dma_semaphore, #tpu.memory_space<semaphore_mem>>) src(%dma_wait3A_1809 : memref<1024xf32, #tpu.memory_space<vmem>>) dst(%dma_wait3A_1807 : memref<1024xf32, #tpu.memory_space<hbm>>)
    %mul3A_1810 = arith.constant 4 : i32
    %mul3A_1811 = arith.muli %add3A, %mul3A_1810 : i32
    %add3A_1812 = arith.constant 3 : i32
    %add3A_1813 = arith.addi %mul3A_1811, %add3A_1812 : i32
    %dma_wait3A_1814 = arith.constant 3 : i32
    %dma_wait3A_1815 = arith.constant 15360 : i32
    %dma_wait3A_1816 = tpu.memref_slice %arg7[%dma_wait3A_1815] : memref<32768xf32, #tpu.memory_space<vmem>> -> memref<1024xf32, #tpu.memory_space<vmem>>
    %dma_wait3A_1817 = arith.constant 0 : i32
    %dma_wait3A_1818 = tpu.memref_slice %arg4[%dma_wait3A_1814, %add3A_1813, %dma_wait3A_1817] : memref<8x128x1024xf32, #tpu.memory_space<hbm>> -> memref<1x1x1024xf32, #tpu.memory_space<hbm>>
    %dma_wait3A_1819 = tpu.memref_squeeze %dma_wait3A_1818 : memref<1x1x1024xf32, #tpu.memory_space<hbm>> -> memref<1024xf32, #tpu.memory_space<hbm>>
    %dma_wait3A_1820 = arith.constant 0 : i32
    %dma_wait3A_1821 = tpu.memref_slice %arg4[%dma_wait3A_1814, %add3A_1813, %dma_wait3A_1820] : memref<8x128x1024xf32, #tpu.memory_space<hbm>> -> memref<1x1x1024xf32, #tpu.memory_space<hbm>>
    %dma_wait3A_1822 = tpu.memref_squeeze %dma_wait3A_1821 : memref<1x1x1024xf32, #tpu.memory_space<hbm>> -> memref<1024xf32, #tpu.memory_space<hbm>>
    %dma_wait3A_1823 = arith.constant 15360 : i32
    %dma_wait3A_1824 = tpu.memref_slice %arg7[%dma_wait3A_1823] : memref<32768xf32, #tpu.memory_space<vmem>> -> memref<1024xf32, #tpu.memory_space<vmem>>
    tpu.wait_dma2 semaphore(%arg9 : memref<!tpu.dma_semaphore, #tpu.memory_space<semaphore_mem>>) src(%dma_wait3A_1824 : memref<1024xf32, #tpu.memory_space<vmem>>) dst(%dma_wait3A_1822 : memref<1024xf32, #tpu.memory_space<hbm>>)
    %mul3A_1825 = arith.constant 4 : i32
    %mul3A_1826 = arith.muli %add3A, %mul3A_1825 : i32
    %add3A_1827 = arith.constant 3 : i32
    %add3A_1828 = arith.addi %mul3A_1826, %add3A_1827 : i32
    %dma_wait3A_1829 = arith.constant 4 : i32
    %dma_wait3A_1830 = arith.constant 19456 : i32
    %dma_wait3A_1831 = tpu.memref_slice %arg7[%dma_wait3A_1830] : memref<32768xf32, #tpu.memory_space<vmem>> -> memref<1024xf32, #tpu.memory_space<vmem>>
    %dma_wait3A_1832 = arith.constant 0 : i32
    %dma_wait3A_1833 = tpu.memref_slice %arg4[%dma_wait3A_1829, %add3A_1828, %dma_wait3A_1832] : memref<8x128x1024xf32, #tpu.memory_space<hbm>> -> memref<1x1x1024xf32, #tpu.memory_space<hbm>>
    %dma_wait3A_1834 = tpu.memref_squeeze %dma_wait3A_1833 : memref<1x1x1024xf32, #tpu.memory_space<hbm>> -> memref<1024xf32, #tpu.memory_space<hbm>>
    %dma_wait3A_1835 = arith.constant 0 : i32
    %dma_wait3A_1836 = tpu.memref_slice %arg4[%dma_wait3A_1829, %add3A_1828, %dma_wait3A_1835] : memref<8x128x1024xf32, #tpu.memory_space<hbm>> -> memref<1x1x1024xf32, #tpu.memory_space<hbm>>
    %dma_wait3A_1837 = tpu.memref_squeeze %dma_wait3A_1836 : memref<1x1x1024xf32, #tpu.memory_space<hbm>> -> memref<1024xf32, #tpu.memory_space<hbm>>
    %dma_wait3A_1838 = arith.constant 19456 : i32
    %dma_wait3A_1839 = tpu.memref_slice %arg7[%dma_wait3A_1838] : memref<32768xf32, #tpu.memory_space<vmem>> -> memref<1024xf32, #tpu.memory_space<vmem>>
    tpu.wait_dma2 semaphore(%arg9 : memref<!tpu.dma_semaphore, #tpu.memory_space<semaphore_mem>>) src(%dma_wait3A_1839 : memref<1024xf32, #tpu.memory_space<vmem>>) dst(%dma_wait3A_1837 : memref<1024xf32, #tpu.memory_space<hbm>>)
    %mul3A_1840 = arith.constant 4 : i32
    %mul3A_1841 = arith.muli %add3A, %mul3A_1840 : i32
    %add3A_1842 = arith.constant 3 : i32
    %add3A_1843 = arith.addi %mul3A_1841, %add3A_1842 : i32
    %dma_wait3A_1844 = arith.constant 5 : i32
    %dma_wait3A_1845 = arith.constant 23552 : i32
    %dma_wait3A_1846 = tpu.memref_slice %arg7[%dma_wait3A_1845] : memref<32768xf32, #tpu.memory_space<vmem>> -> memref<1024xf32, #tpu.memory_space<vmem>>
    %dma_wait3A_1847 = arith.constant 0 : i32
    %dma_wait3A_1848 = tpu.memref_slice %arg4[%dma_wait3A_1844, %add3A_1843, %dma_wait3A_1847] : memref<8x128x1024xf32, #tpu.memory_space<hbm>> -> memref<1x1x1024xf32, #tpu.memory_space<hbm>>
    %dma_wait3A_1849 = tpu.memref_squeeze %dma_wait3A_1848 : memref<1x1x1024xf32, #tpu.memory_space<hbm>> -> memref<1024xf32, #tpu.memory_space<hbm>>
    %dma_wait3A_1850 = arith.constant 0 : i32
    %dma_wait3A_1851 = tpu.memref_slice %arg4[%dma_wait3A_1844, %add3A_1843, %dma_wait3A_1850] : memref<8x128x1024xf32, #tpu.memory_space<hbm>> -> memref<1x1x1024xf32, #tpu.memory_space<hbm>>
    %dma_wait3A_1852 = tpu.memref_squeeze %dma_wait3A_1851 : memref<1x1x1024xf32, #tpu.memory_space<hbm>> -> memref<1024xf32, #tpu.memory_space<hbm>>
    %dma_wait3A_1853 = arith.constant 23552 : i32
    %dma_wait3A_1854 = tpu.memref_slice %arg7[%dma_wait3A_1853] : memref<32768xf32, #tpu.memory_space<vmem>> -> memref<1024xf32, #tpu.memory_space<vmem>>
    tpu.wait_dma2 semaphore(%arg9 : memref<!tpu.dma_semaphore, #tpu.memory_space<semaphore_mem>>) src(%dma_wait3A_1854 : memref<1024xf32, #tpu.memory_space<vmem>>) dst(%dma_wait3A_1852 : memref<1024xf32, #tpu.memory_space<hbm>>)
    %mul3A_1855 = arith.constant 4 : i32
    %mul3A_1856 = arith.muli %add3A, %mul3A_1855 : i32
    %add3A_1857 = arith.constant 3 : i32
    %add3A_1858 = arith.addi %mul3A_1856, %add3A_1857 : i32
    %dma_wait3A_1859 = arith.constant 6 : i32
    %dma_wait3A_1860 = arith.constant 27648 : i32
    %dma_wait3A_1861 = tpu.memref_slice %arg7[%dma_wait3A_1860] : memref<32768xf32, #tpu.memory_space<vmem>> -> memref<1024xf32, #tpu.memory_space<vmem>>
    %dma_wait3A_1862 = arith.constant 0 : i32
    %dma_wait3A_1863 = tpu.memref_slice %arg4[%dma_wait3A_1859, %add3A_1858, %dma_wait3A_1862] : memref<8x128x1024xf32, #tpu.memory_space<hbm>> -> memref<1x1x1024xf32, #tpu.memory_space<hbm>>
    %dma_wait3A_1864 = tpu.memref_squeeze %dma_wait3A_1863 : memref<1x1x1024xf32, #tpu.memory_space<hbm>> -> memref<1024xf32, #tpu.memory_space<hbm>>
    %dma_wait3A_1865 = arith.constant 0 : i32
    %dma_wait3A_1866 = tpu.memref_slice %arg4[%dma_wait3A_1859, %add3A_1858, %dma_wait3A_1865] : memref<8x128x1024xf32, #tpu.memory_space<hbm>> -> memref<1x1x1024xf32, #tpu.memory_space<hbm>>
    %dma_wait3A_1867 = tpu.memref_squeeze %dma_wait3A_1866 : memref<1x1x1024xf32, #tpu.memory_space<hbm>> -> memref<1024xf32, #tpu.memory_space<hbm>>
    %dma_wait3A_1868 = arith.constant 27648 : i32
    %dma_wait3A_1869 = tpu.memref_slice %arg7[%dma_wait3A_1868] : memref<32768xf32, #tpu.memory_space<vmem>> -> memref<1024xf32, #tpu.memory_space<vmem>>
    tpu.wait_dma2 semaphore(%arg9 : memref<!tpu.dma_semaphore, #tpu.memory_space<semaphore_mem>>) src(%dma_wait3A_1869 : memref<1024xf32, #tpu.memory_space<vmem>>) dst(%dma_wait3A_1867 : memref<1024xf32, #tpu.memory_space<hbm>>)
    %mul3A_1870 = arith.constant 4 : i32
    %mul3A_1871 = arith.muli %add3A, %mul3A_1870 : i32
    %add3A_1872 = arith.constant 3 : i32
    %add3A_1873 = arith.addi %mul3A_1871, %add3A_1872 : i32
    %dma_wait3A_1874 = arith.constant 7 : i32
    %dma_wait3A_1875 = arith.constant 31744 : i32
    %dma_wait3A_1876 = tpu.memref_slice %arg7[%dma_wait3A_1875] : memref<32768xf32, #tpu.memory_space<vmem>> -> memref<1024xf32, #tpu.memory_space<vmem>>
    %dma_wait3A_1877 = arith.constant 0 : i32
    %dma_wait3A_1878 = tpu.memref_slice %arg4[%dma_wait3A_1874, %add3A_1873, %dma_wait3A_1877] : memref<8x128x1024xf32, #tpu.memory_space<hbm>> -> memref<1x1x1024xf32, #tpu.memory_space<hbm>>
    %dma_wait3A_1879 = tpu.memref_squeeze %dma_wait3A_1878 : memref<1x1x1024xf32, #tpu.memory_space<hbm>> -> memref<1024xf32, #tpu.memory_space<hbm>>
    %dma_wait3A_1880 = arith.constant 0 : i32
    %dma_wait3A_1881 = tpu.memref_slice %arg4[%dma_wait3A_1874, %add3A_1873, %dma_wait3A_1880] : memref<8x128x1024xf32, #tpu.memory_space<hbm>> -> memref<1x1x1024xf32, #tpu.memory_space<hbm>>
    %dma_wait3A_1882 = tpu.memref_squeeze %dma_wait3A_1881 : memref<1x1x1024xf32, #tpu.memory_space<hbm>> -> memref<1024xf32, #tpu.memory_space<hbm>>
    %dma_wait3A_1883 = arith.constant 31744 : i32
    %dma_wait3A_1884 = tpu.memref_slice %arg7[%dma_wait3A_1883] : memref<32768xf32, #tpu.memory_space<vmem>> -> memref<1024xf32, #tpu.memory_space<vmem>>
    tpu.wait_dma2 semaphore(%arg9 : memref<!tpu.dma_semaphore, #tpu.memory_space<semaphore_mem>>) src(%dma_wait3A_1884 : memref<1024xf32, #tpu.memory_space<vmem>>) dst(%dma_wait3A_1882 : memref<1024xf32, #tpu.memory_space<hbm>>)
    return
  }
}

</mosaic_0001>

<sc_bundles>
// kernel: kernel.3.cloned.1.call-start
scs
__scs_entry_jumppad:
0x0: {  	(pc) =	sbr.rel $0x88, $3  }
0x1: {  	(tag) =	ssettag $0x0;
	lr =	simm.s32 $0x1  }
0x2: {  	[smem:$0x3F9F] =	sst lr;
	_ =	strace $0xD0000000  }
0x3: {  	_ = 	snop  }
0x4: {  	_ = 	snop  }
0x5: {  	_ = 	snop  }
0x6: {  	_ = 	snop  }
0x7: {  	_ = 	snop  }
__scs_overlays_trampoline_lowered:
0x8: {  	[smem:$0x3FAE] =	sst s0  }
0x9: {  	[smem:$0x3FAF] =	sst s1  }
0xa: {  	[smem:$0x3FB0] =	sst s2  }
0xb: {  	[smem:$0x3FB1] =	sst s3  }
0xc: {  	[smem:$0x3FB2] =	sst s4  }
0xd: {  	[smem:$0x3FB3] =	sst s5  }
0xe: {  	[smem:$0x3FB4] =	sst s6  }
0xf: {  	[smem:$0x3FB5] =	sst s7  }
0x10: {  	[smem:$0x3FB6] =	sst s8  }
0x11: {  	[smem:$0x3FB7] =	sst s9;
	s0 =	simm.s32 @!p0 $0x0  }
0x12: {  	s1 =	sld [smem:$0x3F9D];
	s0 =	simm.s32 @p0 $0x1  }
0x13: {  	[smem:$0x3FB8] =	sst s0;
	s0 =	simm.s32 @!p1 $0x0  }
0x14: {  	s2 =	sld [smem:$0x3F9C];
	s0 =	simm.s32 @p1 $0x1  }
0x15: {  	[smem:$0x3FB9] =	sst s0;
	s0 =	simm.s32 @!p2 $0x0  }
0x16: {  	s3 =	sld [smem:$0x3FDB];
	s0 =	simm.s32 @p2 $0x1  }
0x17: {  	s4 =	simm.s32 $0x1BF5;
	[smem:$0x3FBB] =	sst s0  }
0x18: {  	s0 =	sld [smem:$0x3F9E];
	_ =	swait.ge [sflag:s4], $0x0  }
0x19: {  	s7 =	sld [smem:$0x3F9F]  }
0x1a: {  	s8 =	sadd.s32 $0xFFFFE003, lr  }
0x1b: {  	s9 =	sadd.s32 $0xFFFFFEF7, lr;
	s5 =	simm.s32 $0xFFFFFFFF;
	p2 =	slt.u32 s8, $0xFFFFF086  }
0x1c: {  	p1 =	slt.u32 s9, $0xF7A;
	s5 =	simm.s32 @!p2 $0x0  }
0x1d: {  	s5 =	simm.s32 @p1 $0x1;
	p0 =	seq.s32 s7, s2  }
0x1e: {  	s7 =	smul.u32 @!p0 $0xF7A, s2;
	p2 =	seq.s32 @!p0 s5, $0x0  }
0x1f: {  	s9 =	smul.u32 $0xF7A, s1;
	s8 =	simm.s32 @!p0 $0x1BF5;
	p2 =	por !p2, p0  }
0x20: {  	[sflag:s8] =	ssyncset.s32 @!p0 $0xFFFFF086;
	s6 =	sadd.s32 @!p0 s3, s7;
	s7 =	simm.s32 @!p0 $0x108  }
0x21: {  	s3 =	sadd.s32 s3, s9;
	s6 =	sadd.s32 @!p0 $0x88, s6;
	s7 =	simm.s32 @p2 $0x1082  }
0x22: {  	[simem:s7], [sflag:s8] =	dma.local @!p0 [hbm:s6], $0xF7A  }
0x23: {  	s9 =	sor.u32 $0xD0000000, s2;
	s6 =	simm.s32 $0x108;
	_ =	swait.ge @!p0 [sflag:s8], $0x0  }
0x24: {  	s3 =	sadd.s32 $0x88, s3;
	s6 =	simm.s32 @!p1 $0x1082;
	[sflag:s4] =	ssyncset.s32 $0xFFFFF086  }
0x25: {  	[simem:s6], [sflag:s4] =	dma.local [hbm:s3], $0xF7A  }
0x26: {  	[smem:$0x3F9F] =	sst s1;
	(tag) =	ssettag s2;
	_ =	strace s9  }
0x27: {  	s1 =	sld [smem:$0x3FAF]  }
0x28: {  	s2 =	sld [smem:$0x3FB0]  }
0x29: {  	s4 =	sld [smem:$0x3FB2]  }
0x2a: {  	p0 =	seq.s32 s5, $0x0;
	s5 =	sld [smem:$0x3FB3]  }
0x2b: {  	s6 =	sld [smem:$0x3FB4]  }
0x2c: {  	s7 =	sld [smem:$0x3FB5]  }
0x2d: {  	s3 =	simm.s32 $0x108;
	s8 =	sld [smem:$0x3FB6]  }
0x2e: {  	s3 =	simm.s32 @!p0 $0x1082;
	s9 =	sld [smem:$0x3FB7]  }
0x2f: {  	lr =	sadd.s32 s0, s3;
	s0 =	sld [smem:$0x3FAE]  }
0x30: {  	s3 =	sld [smem:$0x3FB1]  }
0x31: {  	[smem:$0x3FBA] =	sst s10  }
0x32: {  	s10 =	sld [smem:$0x3FB8];
	_ =	sdelay $0x3  }
0x33: {  	p0 =	seq.s32 s10, $0x1;
	s10 =	sld [smem:$0x3FBA];
	_ =	sdelay $0x3  }
0x34: {  	[smem:$0x3FBA] =	sst s10  }
0x35: {  	s10 =	sld [smem:$0x3FB9];
	_ =	sdelay $0x3  }
0x36: {  	p1 =	seq.s32 s10, $0x1;
	s10 =	sld [smem:$0x3FBA];
	_ =	sdelay $0x3  }
0x37: {  	[smem:$0x3FBA] =	sst s10  }
0x38: {  	s10 =	sld [smem:$0x3FBB]  }
0x39: {  	_ = 	snop;
	(pc) =	sbr.ind lr, $3  }
0x3a: {  	_ = 	snop  }
0x3b: {  	_ = 	snop  }
0x3c: {  	p2 =	seq.s32 s10, $0x1;
	s10 =	sld [smem:$0x3FBA]  }
0x3d: {  	_ =	shalt  }
0x3e: {  	_ =	shalt  }
0x3f: {  	_ =	shalt  }
0x40: {  	_ =	shalt  }
0x41: {  	_ =	shalt  }
0x42: {  	_ =	shalt  }
0x43: {  	_ =	shalt  }
0x44: {  	_ =	shalt  }
0x45: {  	_ =	shalt  }
0x46: {  	_ =	shalt  }
0x47: {  	_ =	shalt  }
0x48: {  	_ =	shalt  }
0x49: {  	_ =	shalt  }
0x4a: {  	_ =	shalt  }
0x4b: {  	_ =	shalt  }
0x4c: {  	_ =	shalt  }
0x4d: {  	_ =	shalt  }
0x4e: {  	_ =	shalt  }
0x4f: {  	_ =	shalt  }
0x50: {  	_ =	shalt  }
0x51: {  	_ =	shalt  }
0x52: {  	_ =	shalt  }
0x53: {  	_ =	shalt  }
0x54: {  	_ =	shalt  }
0x55: {  	_ =	shalt  }
0x56: {  	_ =	shalt  }
0x57: {  	_ =	shalt  }
0x58: {  	_ =	shalt  }
0x59: {  	_ =	shalt  }
0x5a: {  	_ =	shalt  }
0x5b: {  	_ =	shalt  }
0x5c: {  	_ =	shalt  }
0x5d: {  	_ =	shalt  }
0x5e: {  	_ =	shalt  }
0x5f: {  	_ =	shalt  }
0x60: {  	_ =	shalt  }
0x61: {  	_ =	shalt  }
0x62: {  	_ =	shalt  }
0x63: {  	_ =	shalt  }
0x64: {  	_ =	shalt  }
0x65: {  	_ =	shalt  }
0x66: {  	_ =	shalt  }
0x67: {  	_ =	shalt  }
0x68: {  	_ =	shalt  }
0x69: {  	_ =	shalt  }
0x6a: {  	_ =	shalt  }
0x6b: {  	_ =	shalt  }
0x6c: {  	_ =	shalt  }
0x6d: {  	_ =	shalt  }
0x6e: {  	_ =	shalt  }
0x6f: {  	_ =	shalt  }
0x70: {  	_ =	shalt  }
0x71: {  	_ =	shalt  }
0x72: {  	_ =	shalt  }
0x73: {  	_ =	shalt  }
0x74: {  	_ =	shalt  }
0x75: {  	_ =	shalt  }
0x76: {  	_ =	shalt  }
0x77: {  	_ =	shalt  }
0x78: {  	_ =	shalt  }
0x79: {  	_ =	shalt  }
0x7a: {  	_ =	shalt  }
0x7b: {  	_ =	shalt  }
0x7c: {  	_ =	shalt  }
0x7d: {  	_ =	shalt  }
0x7e: {  	_ =	shalt  }
0x7f: {  	_ =	shalt  }
0x80: {  	_ =	shalt  }
0x81: {  	_ =	shalt  }
0x82: {  	_ =	shalt  }
0x83: {  	_ =	shalt  }
0x84: {  	_ =	shalt  }
0x85: {  	_ =	shalt  }
0x86: {  	_ =	shalt  }
0x87: {  	_ =	shalt  }
.Lfunc_end0:
.L_simem_size_0:
called_computation_lowered:
.L_overlay_start_0:
0x88: {  	s2 =	sld [smem:$0x3FD9]  }
0x89: {  	s3 =	sld [smem:$0x3FFE];
	_ =	sdelay $0x1  }
0x8a: {  	s1 =	srdreg.scid  }
0x8b: {  	s0 =	sand.u32 $0x1, s1  }
0x8c: {  	s17 =	sshll.u32 s0, $0xA;
	s2 =	sadd.s32 s3, s2  }
0x8d: {  	s2 =	sadd.s32 s2, s17  }
0x8e: {  	[smem:$0x3FC6] =	sst s2  }
0x8f: {  	_ = 	snop  }
0x90: {  	s2 =	sld [smem:$0x3FC9]  }
0x91: {  	s18 =	sld [smem:$0x3FD0];
	(tm) =	ssettm $0x1  }
0x92: {  	s4 =	sld [smem:$0x3FFB];
	_ =	sdelay $0x3  }
0x93: {  	_ =	strace s4  }
0x94: {  	s4 =	sld [smem:$0x3FFC];
	_ =	sdelay $0x3  }
0x95: {  	_ =	strace s4  }
0x96: {  	s4 =	sld [smem:$0x3FFD];
	_ =	sdelay $0x3  }
0x97: {  	_ =	strace s4  }
0x98: {  	_ =	strace $0x8FFFFFFF  }
0x99: {  	s19 =	sld [smem:$0x3FDB];
	_ =	sdelay $0x1  }
0x9a: {  	s5 =	simm.s32 $_scs_section_size  }
0x9b: {  	s6 =	simm.s32 $_size__tile_overlayer_lowered;
	s7 =	simm.s32 $_tile_overlayer_lowered  }
0x9c: {  	s22 =	simm.s32 $0x1BFF;
	s21 =	sshll.u32 s7, $0x1;
	s4 =	sadd.s32 s5, s19  }
0x9d: {  	s8 =	simm.s32 $0x0;
	s20 =	sshll.u32 s6, $0x1;
	s6 =	sadd.s32 s21, s4  }
0x9e: {  	[timem:s8], [sflag:s22] =	dma.local [hbm:s6], s20  }
0x9f: {  	_ =	swait.ge [sflag:s22], s20  }
0xa0: {  	s5 =	ssub.s32 $0x0, s20;
	[sflag:s22] =	ssyncset.done $0x0  }
0xa1: {  	[sflag:s22] =	ssyncadd.s32 s5;
	_ =	sdelay $0x1  }
0xa2: {  	s23 =	simm.s32 $0x1B8B  }
0xa3: {  	_ =	swait.ge [sflag:s23], $0x1  }
0xa4: {  	[sflag:s23] =	ssyncset.done $0x0  }
0xa5: {  	s25 =	simm.s32 $0x1B8E;
	s24 =	sld [smem:$0x3FFE];
	[sflag:s23] =	ssyncadd.s32 $0xFFFFFFFF  }
0xa6: {  	s26 =	simm.s32 $execute0_lowered;
	[smem:$0x3FD2] =	sst s25  }
0xa7: {  	s6 =	sshll.u32 s26, $0x1;
	_ =	strace $0x80000046;
	[dreg:$0x1] =	wrdreg $0xFFFFFFFF  }
0xa8: {  	s28 =	simm.s32 $_size_execute0_lowered;
	s4 =	sadd.s32 s4, s6;
	[dreg:$0x0] =	wrdreg $0x0  }
0xa9: {  	s6 =	sshll.u32 s28, $0x1;
	[dreg:$0x2] =	wrdreg s4  }
0xaa: {  	[dreg:$0x3] =	wrdreg s6  }
0xab: {  	[dreg:$0x4] =	wrdreg $0xC0  }
0xac: {  	_ =	task [dreg:s8], $0x5FFFF  }
0xad: {  	[dreg:$0x1] =	wrdreg $0xFFFFFFFF  }
0xae: {  	[dreg:$0x0] =	wrdreg $0x60  }
0xaf: {  	[dreg:$0x2] =	wrdreg s24  }
0xb0: {  	[dreg:$0x3] =	wrdreg s2  }
0xb1: {  	[dreg:$0x4] =	wrdreg s18  }
0xb2: {  	[dreg:$0x5] =	wrdreg $0x9  }
0xb3: {  	_ =	task.clear_ibuf [dreg:s8], $0x6FFFF;
	_ =	strace $0x90000046  }
0xb4: {  	s29 =	simm.s32 $0x9;
	_ =	strace $0x80000048  }
0xb5: {  	_ =	swait.ge [sflag:s29], $0x1  }
0xb6: {  	[sflag:s29] =	ssyncadd.s32 $0xFFFFFFFF  }
0xb7: {  	_ =	strace $0x90000048  }
0xb8: {  	_ =	sfence  }
0xb9: {  	s30 =	sld [smem:$0x0];
	_ =	sdelay $0x2  }
0xba: {  	s31 =	sshll.u32 s1, $0xD;
	s1 =	sshrl.u32 s1, $0x2  }
0xbb: {  	s3 =	sand.u32 $0x4000, s31;
	s1 =	sadd.s32 s1, s30  }
0xbc: {  	s0 =	sor.u32 s3, s0;
	s1 =	sshll.u32 s1, $0x11  }
0xbd: {  	s0 =	sor.u32 s1, s0  }
0xbe: {  	s0 =	sadd.s32 $0x8F2B, s0  }
0xbf: {  	[sflag:s0] =	ssyncadd.remote.s32 $0x1  }
0xc0: {  	_ =	sfence.sel $0xFFFF  }
0xc1: {  	[dreg:$0x0] =	wrdreg $0xFFFFFFFF;
	(pc) =	sbr.abs _section_cstart, $3  }
0xc2: {  	[dreg:$0x1] =	wrdreg $0xFFFFFFFF  }
0xc3: {  	_ =	task.clear_ibuf [dreg:s8], $0x2FFFF;
	_ =	strace $0x9FFFFFFF  }
0xc4: {  	(tm) =	ssettm $0x7FFFFFFF  }
0xc5: {  	_ =	shalt  }
tec
execute0_lowered:
.L_overlay_start_1:
0x0: {  	(tag) =	ssettag $0x1  }
0x1: {  	vm13 =	vcmask $0x300;
	vm12 =	vcmask $0x704;
	vm11 =	vcmask $0xB08  }
0x2: {  	vm10 =	vcmask $0xF0C;
	vm9 =	vcmask $0x1310;
	v1 =	vimm.s32 $0xF  }
0x3: {  	vm8 =	vcmask $0x1714;
	vm7 =	vcmask $0x1B18;
	v1 =	vsel vm13, $0x80, v1  }
0x4: {  	vm6 =	vcmask $0x1F1C;
	vm4 =	vcmask $0x2320;
	v1 =	vsel vm12, $0x101, v1  }
0x5: {  	vm0 =	vcmask $0x2724;
	vm1 =	vcmask $0x2B28;
	v1 =	vsel vm11, $0x182, v1  }
0x6: {  	vm2 =	vcmask $0x2F2C;
	vm3 =	vcmask $0x3330;
	v1 =	vsel vm10, $0x203, v1  }
0x7: {  	vm5 =	vcmask $0x3734;
	v2 =	vimm.s32 $0xFEDCBA9;
	v1 =	vsel vm9, $0x284, v1  }
0x8: {  	v3 =	vimm.s32 $0x87654321;
	v2 =	vunpack.c.l.s4.s8 v2;
	v1 =	vsel vm8, $0x305, v1  }
0x9: {  	v4 =	vimm.s32 $0x8F;
	v3 =	vunpack.c.l.s4.s8 v3;
	v1 =	vsel vm7, $0x386, v1  }
0xa: {  	v4 =	vsel vm13, $0x100, v4;
	v5 =	vunpack.c.0.s8.s32 v2;
	v1 =	vsel vm6, $0x1007, v1  }
0xb: {  	v2 =	vsel vm12, $0x181, v4;
	v7 =	vunpack.c.0.s8.s32 v3;
	v1 =	vsel vm4, $0x1088, v1  }
0xc: {  	vm14 =	vcmask $0x3B38;
	v2 =	vsel vm11, $0x202, v2;
	v1 =	vsel vm0, $0x1109, v1  }
0xd: {  	v2 =	vsel vm10, $0x283, v2;
	v3 =	vcombine.low v7, v5;
	v1 =	vsel vm1, $0x118A, v1  }
0xe: {  	v4 =	vimm.s32 $0x98765432;
	v2 =	vsel vm9, $0x304, v2;
	v1 =	vsel vm2, $0x120B, v1  }
0xf: {  	v2 =	vsel vm8, $0x385, v2;
	v3 =	vand.u32 $0xF, v3;
	v1 =	vsel vm3, $0x128C, v1  }
0x10: {  	v4 =	vunpack.c.l.s4.s8 v4;
	[tilespmem:$0x1FD30] =	vst v3;
	v3 =	vsel vm7, $0x1006, v2;
	v1 =	vsel vm5, $0x130D, v1  }
0x11: {  	v3 =	vsel vm6, $0x1087, v3;
	v2 =	vsel vm14, $0x138E, v1;
	v1 =	vimm.s32 $0x10FEDCBA  }
0x12: {  	v6 =	vimm.s32 $0x10F;
	v3 =	vsel vm4, $0x1108, v3;
	v1 =	vunpack.c.l.s4.s8 v1  }
0x13: {  	v17 =	vunpack.c.0.s8.s32 v4;
	v4 =	vimm.s32 $0x210FEDCB;
	v3 =	vsel vm0, $0x1189, v3  }
0x14: {  	v13 =	vunpack.c.0.s8.s32 v1;
	v1 =	vsel vm1, $0x120A, v3;
	v3 =	vsel vm13, $0x180, v6  }
0x15: {  	v4 =	vunpack.c.l.s4.s8 v4;
	v6 =	vimm.s32 $0xA9876543;
	v3 =	vsel vm12, $0x201, v3  }
0x16: {  	v1 =	vsel vm2, $0x128B, v1;
	v6 =	vunpack.c.l.s4.s8 v6;
	v3 =	vsel vm11, $0x282, v3  }
0x17: {  	v8 =	vcombine.low v17, v13;
	v9 =	vsel vm3, $0x130C, v1;
	v3 =	vsel vm10, $0x303, v3  }
0x18: {  	v1 =	vunpack.c.0.s8.s32 v4;
	v10 =	vsel vm9, $0x384, v3;
	v3 =	vunpack.c.0.s8.s32 v6  }
0x19: {  	v6 =	vand.u32 $0xF, v8;
	v4 =	vsel vm8, $0x1005, v10  }
0x1a: {  	[tilespmem:$0x1FD40] =	vst v6;
	v6 =	vsel vm5, $0x138D, v9;
	v4 =	vsel vm7, $0x1086, v4;
	v8 =	vcombine.low v3, v1  }
0x1b: {  	v10 =	vimm.s32 $0x18F;
	v9 =	vsel vm6, $0x1107, v4;
	v4 =	vsel vm14, $0xE, v6  }
0x1c: {  	v6 =	vsel vm4, $0x1188, v9;
	v9 =	vsel vm13, $0x200, v10;
	v8 =	vand.u32 $0xF, v8  }
0x1d: {  	v10 =	vimm.s32 $0xBA987654;
	[tilespmem:$0x1FD50] =	vst v8;
	v8 =	vsel vm12, $0x281, v9;
	v9 =	vimm.s32 $0x3210FEDC  }
0x1e: {  	v10 =	vunpack.c.l.s4.s8 v10;
	v9 =	vunpack.c.l.s4.s8 v9;
	_ =	sdelay $0x1  }
0x1f: {  	v11 =	vunpack.c.0.s8.s32 v10;
	v9 =	vunpack.c.0.s8.s32 v9;
	_ =	sdelay $0x1  }
0x20: {  	v12 =	vcombine.low v11, v9;
	_ =	sdelay $0x1  }
0x21: {  	v12 =	vand.u32 $0xF, v12  }
0x22: {  	v14 =	vimm.s32 $0xCBA98765;
	[tilespmem:$0x1FD60] =	vst v12;
	v12 =	vimm.s32 $0x43210FED  }
0x23: {  	v14 =	vunpack.c.l.s4.s8 v14;
	v12 =	vunpack.c.l.s4.s8 v12;
	_ =	sdelay $0x1  }
0x24: {  	v25 =	vunpack.c.0.s8.s32 v14;
	v24 =	vunpack.c.0.s8.s32 v12;
	_ =	sdelay $0x1  }
0x25: {  	v14 =	vcombine.low v25, v24;
	_ =	sdelay $0x1  }
0x26: {  	v15 =	vimm.s32 $0xDCBA9876;
	v14 =	vand.u32 $0xF, v14  }
0x27: {  	v18 =	vunpack.c.l.s4.s8 v15;
	[tilespmem:$0x1FD70] =	vst v14;
	v14 =	vimm.s32 $0x543210FE  }
0x28: {  	v16 =	vimm.s32 $0x30F;
	v14 =	vunpack.c.l.s4.s8 v14  }
0x29: {  	v16 =	vsel vm13, $0x380, v16;
	v19 =	vunpack.c.0.s8.s32 v18;
	v18 =	vimm.s32 $0xEDCBA987  }
0x2a: {  	v15 =	vunpack.c.0.s8.s32 v14;
	v14 =	vsel vm12, $0x1001, v16;
	v16 =	vimm.s32 $0x6543210F  }
0x2b: {  	v18 =	vunpack.c.l.s4.s8 v18;
	v16 =	vunpack.c.l.s4.s8 v16  }
0x2c: {  	v20 =	vcombine.low v19, v15  }
0x2d: {  	v23 =	vunpack.c.0.s8.s32 v18;
	v21 =	vunpack.c.0.s8.s32 v16  }
0x2e: {  	v16 =	vand.u32 $0xF, v20  }
0x2f: {  	[tilespmem:$0x1FD80] =	vst v16;
	v16 =	vcombine.low v23, v21;
	_ =	sdelay $0x1  }
0x30: {  	v18 =	vimm.s32 $0x38F;
	v16 =	vand.u32 $0xF, v16  }
0x31: {  	[tilespmem:$0x1FD90] =	vst v16;
	v16 =	vsel vm13, $0x1000, v18;
	v18 =	vimm.s32 $0x100F  }
0x32: {  	v18 =	vsel vm13, $0x1080, v18  }
0x33: {  	v18 =	vsel vm12, $0x1101, v18  }
0x34: {  	v18 =	vsel vm11, $0x1182, v18  }
0x35: {  	v18 =	vsel vm10, $0x1203, v18  }
0x36: {  	v18 =	vsel vm9, $0x1284, v18  }
0x37: {  	v22 =	vimm.s32 $0xFEDCBA98;
	v18 =	vsel vm8, $0x1305, v18  }
0x38: {  	v0 =	vimm.s32 $0x138F;
	v22 =	vunpack.c.l.s4.s8 v22;
	v18 =	vsel vm7, $0x1386, v18  }
0x39: {  	v27 =	vimm.s32 $0x37363534;
	v39 =	vlaneseq.u32;
	v18 =	vsel vm6, $0x7, v18  }
0x3a: {  	v22 =	vunpack.c.0.s8.s32 v22;
	v5 =	vcombine.low v5, v7;
	v18 =	vsel vm4, $0x88, v18  }
0x3b: {  	v0 =	vsel vm13, $0x0, v0;
	v13 =	vcombine.low v13, v17;
	v18 =	vsel vm0, $0x109, v18  }
0x3c: {  	v22 =	vand.u32 $0xF, v22;
	v5 =	vand.u32 $0xF, v5;
	v18 =	vsel vm1, $0x18A, v18  }
0x3d: {  	v17 =	vimm.s32 $0x110F;
	v13 =	vand.u32 $0xF, v13;
	v7 =	vsel vm2, $0x20B, v18  }
0x3e: {  	[tilespmem:$0x1FDC0] =	vst v13;
	v13 =	vimm.s32 $0x118F;
	v18 =	vimm.s32 $0x108F;
	v7 =	vsel vm3, $0x28C, v7  }
0x3f: {  	[tilespmem:$0x1FDB0] =	vst v5;
	v13 =	vsel vm13, $0x1200, v13;
	v5 =	vsel vm5, $0x30D, v7;
	v7 =	vsel vm13, $0x1100, v18  }
0x40: {  	v1 =	vcombine.low v1, v3;
	v13 =	vsel vm12, $0x1281, v13;
	v7 =	vsel vm12, $0x1181, v7  }
0x41: {  	v18 =	vsel vm14, $0x38E, v5;
	v5 =	vsel vm11, $0x1202, v7;
	v7 =	vsel vm13, $0x1180, v17  }
0x42: {  	v13 =	vsel vm11, $0x1302, v13;
	v1 =	vand.u32 $0xF, v1;
	v7 =	vsel vm12, $0x1201, v7  }
0x43: {  	v13 =	vsel vm10, $0x1383, v13;
	v5 =	vsel vm10, $0x1283, v5;
	v7 =	vsel vm11, $0x1282, v7  }
0x44: {  	v13 =	vsel vm9, $0x4, v13;
	v5 =	vsel vm9, $0x1304, v5;
	v7 =	vsel vm10, $0x1303, v7  }
0x45: {  	v13 =	vsel vm8, $0x85, v13;
	v5 =	vsel vm8, $0x1385, v5;
	v7 =	vsel vm9, $0x1384, v7  }
0x46: {  	v13 =	vsel vm7, $0x106, v13;
	v5 =	vsel vm7, $0x6, v5;
	v7 =	vsel vm8, $0x5, v7  }
0x47: {  	v20 =	vimm.s32 $0x76543210;
	v5 =	vsel vm6, $0x87, v5;
	v7 =	vsel vm7, $0x86, v7  }
0x48: {  	v20 =	vunpack.c.l.s4.s8 v20;
	v5 =	vsel vm4, $0x108, v5;
	v7 =	vsel vm6, $0x107, v7  }
0x49: {  	v13 =	vsel vm6, $0x187, v13;
	v5 =	vsel vm0, $0x189, v5;
	v7 =	vsel vm4, $0x188, v7  }
0x4a: {  	v20 =	vunpack.c.0.s8.s32 v20;
	v5 =	vsel vm1, $0x20A, v5;
	v7 =	vsel vm0, $0x209, v7  }
0x4b: {  	v13 =	vsel vm4, $0x208, v13;
	v5 =	vsel vm2, $0x28B, v5;
	v7 =	vsel vm1, $0x28A, v7  }
0x4c: {  	v20 =	vcombine.low v22, v20;
	v5 =	vsel vm3, $0x30C, v5;
	v7 =	vsel vm2, $0x30B, v7  }
0x4d: {  	v5 =	vsel vm5, $0x38D, v5;
	v3 =	vsel vm3, $0x38C, v7;
	v7 =	vsel vm0, $0x289, v13  }
0x4e: {  	[tilespmem:$0x1FDA0] =	vst v20;
	v20 =	vsel vm14, $0x100E, v5;
	v3 =	vsel vm5, $0x100D, v3;
	v5 =	vsel vm1, $0x30A, v7  }
0x4f: {  	[tilespmem:$0x1FDD0] =	vst v1;
	v22 =	vsel vm14, $0x108E, v3;
	v1 =	vsel vm2, $0x38B, v5;
	v3 =	vcombine.low v9, v11  }
0x50: {  	v7 =	vcombine.low v24, v25;
	v5 =	vimm.s32 $0x120F;
	v1 =	vsel vm3, $0x100C, v1  }
0x51: {  	v5 =	vsel vm13, $0x1280, v5;
	v1 =	vsel vm5, $0x108D, v1;
	v3 =	vand.u32 $0xF, v3  }
0x52: {  	[tilespmem:$0x1FDE0] =	vst v3;
	v24 =	vsel vm14, $0x110E, v1;
	v1 =	vsel vm12, $0x1301, v5;
	v3 =	vand.u32 $0xF, v7  }
0x53: {  	v0 =	vsel vm12, $0x81, v0;
	[tilespmem:$0x1FDF0] =	vst v3;
	v1 =	vsel vm11, $0x1382, v1;
	v3 =	vimm.s32 $0x128F  }
0x54: {  	v5 =	vimm.s32 $0x130F;
	v1 =	vsel vm10, $0x3, v1;
	v3 =	vsel vm13, $0x1300, v3  }
0x55: {  	v5 =	vsel vm13, $0x1380, v5;
	v1 =	vsel vm9, $0x84, v1;
	v3 =	vsel vm12, $0x1381, v3  }
0x56: {  	v5 =	vsel vm12, $0x1, v5;
	v1 =	vsel vm8, $0x105, v1;
	v3 =	vsel vm11, $0x2, v3  }
0x57: {  	v5 =	vsel vm11, $0x82, v5;
	v1 =	vsel vm7, $0x186, v1;
	v3 =	vsel vm10, $0x83, v3  }
0x58: {  	v5 =	vsel vm10, $0x103, v5;
	v1 =	vsel vm6, $0x207, v1;
	v3 =	vsel vm9, $0x104, v3  }
0x59: {  	v5 =	vsel vm9, $0x184, v5;
	v1 =	vsel vm4, $0x288, v1;
	v3 =	vsel vm8, $0x185, v3  }
0x5a: {  	v5 =	vsel vm8, $0x205, v5;
	v1 =	vsel vm0, $0x309, v1;
	v3 =	vsel vm7, $0x206, v3  }
0x5b: {  	v5 =	vsel vm7, $0x286, v5;
	v1 =	vsel vm1, $0x38A, v1;
	v3 =	vsel vm6, $0x287, v3  }
0x5c: {  	v5 =	vsel vm6, $0x307, v5;
	v1 =	vsel vm2, $0x100B, v1;
	v3 =	vsel vm4, $0x308, v3  }
0x5d: {  	v5 =	vsel vm4, $0x388, v5;
	v1 =	vsel vm3, $0x108C, v1;
	v3 =	vsel vm0, $0x389, v3  }
0x5e: {  	v5 =	vsel vm0, $0x1009, v5;
	v1 =	vsel vm5, $0x110D, v1;
	v3 =	vsel vm1, $0x100A, v3  }
0x5f: {  	v26 =	vsel vm14, $0x118E, v1;
	v1 =	vsel vm2, $0x108B, v3;
	v3 =	vsel vm1, $0x108A, v5  }
0x60: {  	v0 =	vsel vm11, $0x102, v0;
	v1 =	vsel vm3, $0x110C, v1;
	v3 =	vsel vm2, $0x110B, v3  }
0x61: {  	v0 =	vsel vm10, $0x183, v0;
	v1 =	vsel vm5, $0x118D, v1;
	v3 =	vsel vm3, $0x118C, v3  }
0x62: {  	v0 =	vsel vm9, $0x204, v0;
	v28 =	vsel vm14, $0x120E, v1;
	v1 =	vsel vm5, $0x120D, v3  }
0x63: {  	v0 =	vsel vm8, $0x285, v0;
	v30 =	vsel vm14, $0x128E, v1;
	v1 =	vimm.s32 $0x1C1B1A19  }
0x64: {  	v0 =	vsel vm7, $0x306, v0;
	v29 =	vunpack.c.0.s8.s32 v1;
	v1 =	vimm.s32 $0x101F1E1D  }
0x65: {  	v0 =	vsel vm6, $0x387, v0;
	v32 =	vunpack.c.0.s8.s32 v1;
	v1 =	vimm.s32 $0x14131211  }
0x66: {  	v7 =	vcombine.low v21, v23;
	v33 =	vunpack.c.0.s8.s32 v1;
	v1 =	vimm.s32 $0x1D1C1B1A  }
0x67: {  	v0 =	vsel vm4, $0x1008, v0;
	v35 =	vunpack.c.0.s8.s32 v1;
	v1 =	vimm.s32 $0x11101F1E  }
0x68: {  	v3 =	vand.u32 $0xF, v7;
	v36 =	vunpack.c.0.s8.s32 v1;
	v1 =	vimm.s32 $0x19181716  }
0x69: {  	[tilespmem:$0x1FE10] =	vst v3;
	v3 =	vimm.s32 $0x18171615;
	v38 =	vunpack.c.0.s8.s32 v1;
	v1 =	vimm.s32 $0x1E1D1C1B  }
0x6a: {  	v34 =	vunpack.c.0.s8.s32 v3;
	v3 =	vimm.s32 $0x15141312;
	v1 =	vunpack.c.0.s8.s32 v1  }
0x6b: {  	v0 =	vsel vm0, $0x1089, v0;
	v37 =	vunpack.c.0.s8.s32 v3;
	v3 =	vimm.s32 $0x1211101F  }
0x6c: {  	v31 =	vimm.s32 $0x3B3A3938;
	v0 =	vsel vm1, $0x110A, v0;
	[tilespmem:$0x1FE20] =	vst v1;
	v1 =	vunpack.c.0.s8.s32 v3  }
0x6d: {  	v27 =	vunpack.c.0.s8.s32 v27;
	v31 =	vunpack.c.0.s8.s32 v31;
	v0 =	vsel vm2, $0x118B, v0  }
0x6e: {  	v40 =	vmul.u32 $0x40, v39;
	v0 =	vsel vm3, $0x120C, v0;
	[tilespmem:$0x1FE30] =	vst v1;
	v1 =	vimm.s32 $0x16151413  }
0x6f: {  	v52 =	vor.u32 $0x10, v39;
	v0 =	vsel vm5, $0x128D, v0;
	v1 =	vunpack.c.0.s8.s32 v1  }
0x70: {  	v0 =	vsel vm14, $0x130E, v0;
	v6 =	vsel vm0, $0x1209, v6;
	v8 =	vsel vm11, $0x302, v8  }
0x71: {  	v6 =	vsel vm1, $0x128A, v6;
	v8 =	vsel vm10, $0x383, v8;
	[tilespmem:$0x1FE40] =	vst v1;
	v1 =	vimm.s32 $0x1A191817  }
0x72: {  	v6 =	vsel vm2, $0x130B, v6;
	v10 =	vimm.s32 $0x20F;
	v1 =	vunpack.c.0.s8.s32 v1  }
0x73: {  	v8 =	vsel vm9, $0x1004, v8;
	v6 =	vsel vm3, $0x138C, v6;
	v3 =	vimm.s32 $0x1F1E1D1C  }
0x74: {  	v10 =	vsel vm13, $0x280, v10;
	v8 =	vsel vm8, $0x1085, v8;
	[tilespmem:$0x1FE50] =	vst v1;
	v1 =	vunpack.c.0.s8.s32 v3  }
0x75: {  	v6 =	vsel vm5, $0xD, v6;
	v10 =	vsel vm12, $0x301, v10;
	v8 =	vsel vm7, $0x1106, v8  }
0x76: {  	v10 =	vsel vm11, $0x382, v10;
	v8 =	vsel vm6, $0x1187, v8;
	[tilespmem:$0x1FE60] =	vst v1;
	v1 =	vimm.s32 $0x13121110  }
0x77: {  	v10 =	vsel vm10, $0x1003, v10;
	v8 =	vsel vm4, $0x1208, v8;
	v1 =	vunpack.c.0.s8.s32 v1  }
0x78: {  	v6 =	vsel vm14, $0x8E, v6;
	v10 =	vsel vm9, $0x1084, v10;
	v8 =	vsel vm0, $0x1289, v8  }
0x79: {  	v10 =	vsel vm8, $0x1105, v10;
	v8 =	vsel vm1, $0x130A, v8;
	[tilespmem:$0x1FE70] =	vst v1;
	v1 =	vimm.s32 $0x17161514  }
0x7a: {  	v10 =	vsel vm7, $0x1186, v10;
	v8 =	vsel vm2, $0x138B, v8;
	v1 =	vunpack.c.0.s8.s32 v1  }
0x7b: {  	v10 =	vsel vm6, $0x1207, v10;
	v8 =	vsel vm3, $0xC, v8;
	v3 =	vimm.s32 $0x1B1A1918  }
0x7c: {  	v12 =	vimm.s32 $0x28F;
	v10 =	vsel vm4, $0x1288, v10;
	[tilespmem:$0x1FE80] =	vst v1;
	v1 =	vunpack.c.0.s8.s32 v3  }
0x7d: {  	v12 =	vsel vm13, $0x300, v12;
	v8 =	vsel vm5, $0x8D, v8;
	v10 =	vsel vm0, $0x1309, v10  }
0x7e: {  	v12 =	vsel vm12, $0x381, v12;
	v10 =	vsel vm1, $0x138A, v10;
	[tilespmem:$0x1FE90] =	vst v1;
	v1 =	vimm.s32 $0x2C2B2A29  }
0x7f: {  	v12 =	vsel vm11, $0x1002, v12;
	v10 =	vsel vm2, $0xB, v10;
	v1 =	vunpack.c.0.s8.s32 v1  }
0x80: {  	v8 =	vsel vm14, $0x10E, v8;
	v12 =	vsel vm10, $0x1083, v12;
	v10 =	vsel vm3, $0x8C, v10  }
0x81: {  	v12 =	vsel vm9, $0x1104, v12;
	v10 =	vsel vm5, $0x10D, v10;
	[tilespmem:$0x1FEA0] =	vst v1;
	v1 =	vimm.s32 $0x202F2E2D  }
0x82: {  	v12 =	vsel vm8, $0x1185, v12;
	v10 =	vsel vm14, $0x18E, v10;
	v1 =	vunpack.c.0.s8.s32 v1  }
0x83: {  	v12 =	vsel vm7, $0x1206, v12;
	v14 =	vsel vm11, $0x1082, v14;
	v3 =	vimm.s32 $0x24232221  }
0x84: {  	v14 =	vsel vm10, $0x1103, v14;
	v16 =	vsel vm12, $0x1081, v16;
	[tilespmem:$0x1FEB0] =	vst v1;
	v1 =	vunpack.c.0.s8.s32 v3  }
0x85: {  	v14 =	vsel vm9, $0x1184, v14;
	v16 =	vsel vm11, $0x1102, v16;
	v5 =	vcombine.low v15, v19  }
0x86: {  	s3 =	rddreg [dreg:$0x0];
	v14 =	vsel vm8, $0x1205, v14;
	v16 =	vsel vm10, $0x1183, v16;
	[tilespmem:$0x1FEC0] =	vst v1;
	v1 =	vimm.s32 $0x28272625  }
0x87: {  	s2 =	rddreg [dreg:$0x1];
	v16 =	vsel vm9, $0x1204, v16;
	v5 =	vand.u32 $0xF, v5;
	v1 =	vunpack.c.0.s8.s32 v1  }
0x88: {  	s0 =	rddreg [dreg:$0x2];
	s1 =	simm.s32 $0x0;
	v12 =	vsel vm6, $0x1287, v12;
	v14 =	vsel vm7, $0x1286, v14;
	v16 =	vsel vm8, $0x1285, v16;
	[tilespmem:$0x1FE00] =	vst v5  }
0x89: {  	[smem:$0x7FF] =	sst s1;
	s3 =	sadd.s32 $0x400, s3;
	v12 =	vsel vm4, $0x1308, v12;
	v14 =	vsel vm6, $0x1307, v14;
	v16 =	vsel vm7, $0x1306, v16;
	[tilespmem:$0x1FED0] =	vst v1  }
0x8a: {  	s25 =	sadd.s32 $0x4100, s0;
	v12 =	vsel vm0, $0x1389, v12;
	v14 =	vsel vm4, $0x1388, v14;
	v16 =	vsel vm6, $0x1387, v16;
	_ =	strace $0x80000047;
	[dreg:$0x4] =	wrdreg s3  }
0x8b: {  	s26 =	sadd.s32 $0x8100, s0;
	v12 =	vsel vm1, $0xA, v12;
	v14 =	vsel vm0, $0x9, v14;
	v16 =	vsel vm4, $0x8, v16;
	[dreg:$0x5] =	wrdreg s25  }
0x8c: {  	s28 =	sadd.s32 $0xC100, s0;
	v12 =	vsel vm2, $0x8B, v12;
	v14 =	vsel vm1, $0x8A, v14;
	v16 =	vsel vm0, $0x89, v16;
	[dreg:$0x6] =	wrdreg s26  }
0x8d: {  	s29 =	sadd.s32 $0x10100, s0;
	v12 =	vsel vm3, $0x10C, v12;
	v14 =	vsel vm2, $0x10B, v14;
	v16 =	vsel vm1, $0x10A, v16;
	[dreg:$0x7] =	wrdreg s28  }
0x8e: {  	s4 =	srdreg.scid;
	s7 =	sadd.s32 $0x14100, s0;
	v12 =	vsel vm5, $0x18D, v12;
	v14 =	vsel vm3, $0x18C, v14;
	v16 =	vsel vm2, $0x18B, v16;
	[dreg:$0x8] =	wrdreg s29  }
0x8f: {  	s6 =	stileid.u32;
	s8 =	sadd.s32 $0x18100, s0;
	v12 =	vsel vm14, $0x20E, v12;
	v14 =	vsel vm5, $0x20D, v14;
	v16 =	vsel vm3, $0x20C, v16;
	[dreg:$0x9] =	wrdreg s7  }
0x90: {  	s30 =	simm.s32 $0x200;
	s9 =	sadd.s32 $0x1C100, s0;
	v14 =	vsel vm14, $0x28E, v14;
	v16 =	vsel vm5, $0x28D, v16;
	v17 =	vimm.s32 $0x3231303F;
	[dreg:$0xa] =	wrdreg s8  }
0x91: {  	s11 =	sadd.s32 $0x8080, s0;
	s12 =	sadd.s32 $0xC080, s0;
	v16 =	vsel vm14, $0x30E, v16;
	v17 =	vunpack.c.0.s8.s32 v17;
	v13 =	vimm.s32 $0x39383736;
	[dreg:$0xb] =	wrdreg s9  }
0x92: {  	s13 =	sadd.s32 $0x10080, s0;
	s14 =	sadd.s32 $0x14080, s0;
	v13 =	vunpack.c.0.s8.s32 v13;
	v25 =	vimm.s32 $0x33323130;
	v9 =	vimm.s32 $0x31303F3E;
	[dreg:$0xd] =	wrdreg s11  }
0x93: {  	s15 =	sadd.s32 $0x18080, s0;
	s16 =	sadd.s32 $0x1C080, s0;
	v11 =	vimm.s32 $0x35343332;
	v25 =	vunpack.c.0.s8.s32 v25;
	v9 =	vunpack.c.0.s8.s32 v9;
	[dreg:$0xe] =	wrdreg s12;
	[tilespmem:$0x1FF00] =	vst v40  }
0x94: {  	s5 =	sand.u32 $0x1, s4;
	s23 =	sshll.u32 s6, $0x1;
	v11 =	vunpack.c.0.s8.s32 v11;
	v21 =	vimm.s32 $0x3A393837;
	v23 =	vimm.s32 $0x3F3E3D3C;
	[dreg:$0xf] =	wrdreg s13;
	[tilespmem:$0x1FF10] =	vst v29  }
0x95: {  	s17 =	sadd.s32 $0x4000, s0;
	s18 =	sadd.s32 $0x8000, s0;
	v21 =	vunpack.c.0.s8.s32 v21;
	v23 =	vunpack.c.0.s8.s32 v23;
	v15 =	vimm.s32 $0x3E3D3C3B;
	[dreg:$0x10] =	wrdreg s14;
	[tilespmem:$0x1FF20] =	vst v32  }
0x96: {  	s24 =	sor.u32 s5, s23;
	s5 =	ssub.s32 $0x2, s5;
	vm0 =	vcmask $0x1F10;
	v19 =	vimm.s32 $0x36353433;
	v1 =	vimm.s32 $0x2D2C2B2A;
	[dreg:$0x11] =	wrdreg s15;
	[tilespmem:$0x1FF30] =	vst v33  }
0x97: {  	s4 =	sshll.u32 s24, $0x9;
	s10 =	sshrl.u32 s5, $0x1;
	v15 =	vunpack.c.0.s8.s32 v15;
	v5 =	vimm.s32 $0x38373635;
	v1 =	vunpack.c.0.s8.s32 v1;
	[dreg:$0x12] =	wrdreg s16;
	[tilespmem:$0x1FF40] =	vst v34  }
0x98: {  	s5 =	ssub.s32 s5, s10;
	v19 =	vunpack.c.0.s8.s32 v19;
	v7 =	vimm.s32 $0x3D3C3B3A;
	v3 =	vimm.s32 $0x21202F2E;
	[dreg:$0x13] =	wrdreg s17;
	[tilespmem:$0x1FF50] =	vst v35  }
0x99: {  	s23 =	sadd.s32 s0, s4;
	s19 =	smax.u32 s5, $0x1;
	v5 =	vunpack.c.0.s8.s32 v5;
	[dreg:$0x14] =	wrdreg s18;
	v29 =	vsel vm0, v32, v29;
	[tilespmem:$0x1FEE0] =	vst v1;
	v1 =	vunpack.c.0.s8.s32 v3  }
0x9a: {  	s20 =	sadd.s32 $0x180, s23;
	s21 =	sadd.s32 $0x4180, s23;
	v49 =	vsel vm0, v34, v33;
	v50 =	vsel vm0, v36, v35;
	v51 =	vsel vm0, v38, v37;
	[dreg:$0x16] =	wrdreg s19;
	[tilespmem:$0x1FFA0] =	vst v29  }
0x9b: {  	s22 =	sadd.s32 $0x8180, s23;
	[dreg:$0x17] =	wrdreg s20;
	v29 =	vcombine.low v49, v29;
	v3 =	vimm.s32 $0x2E2D2C2B;
	[tilespmem:$0x1FEF0] =	vst v1;
	v1 =	vimm.s32 $0x25242322  }
0x9c: {  	s7 =	sadd.s32 $0x4080, s0;
	s16 =	sadd.s32 $0xC000, s0;
	[dreg:$0x18] =	wrdreg s21;
	[tilespmem:$0x1FF60] =	vst v36;
	v55 =	vunpack.c.0.s8.s32 v3;
	v53 =	vunpack.c.0.s8.s32 v1;
	v1 =	vimm.s32 $0x29282726  }
0x9d: {  	s3 =	sshll.u32 s24, $0x6;
	s17 =	sadd.s32 $0x10000, s0;
	[dreg:$0x19] =	wrdreg s22;
	[tilespmem:$0x1FF70] =	vst v37;
	v3 =	vimm.s32 $0x2A292827;
	v54 =	vunpack.c.0.s8.s32 v1;
	v1 =	vimm.s32 $0x2221202F  }
0x9e: {  	s18 =	sadd.s32 $0x14000, s0;
	s24 =	sadd.s32 $0xC180, s23;
	[dreg:$0xc] =	wrdreg s7;
	[tilespmem:$0x1FFC0] =	vst v29;
	v29 =	vcombine.low v51, v50;
	v56 =	vunpack.c.0.s8.s32 v1;
	v1 =	vimm.s32 $0x26252423  }
0x9f: {  	s14 =	sadd.s32 $0x18000, s0;
	s25 =	sadd.s32 $0x10180, s23;
	[tilespmem:$0x1FF80] =	vst v38;
	[dreg:$0x1a] =	wrdreg s24;
	v58 =	vunpack.c.0.s8.s32 v3;
	v57 =	vunpack.c.0.s8.s32 v1;
	v1 =	vimm.s32 $0x2F2E2D2C  }
0xa0: {  	s26 =	sadd.s32 $0x14180, s23;
	[tilespmem:$0x1FF90] =	vst v52;
	[dreg:$0x1b] =	wrdreg s25;
	v3 =	vimm.s32 $0x27262524;
	v59 =	vunpack.c.0.s8.s32 v1;
	v1 =	vimm.s32 $0x23222120  }
0xa1: {  	s15 =	sadd.s32 $0x1C000, s0;
	s28 =	sadd.s32 $0x18180, s23;
	[tilespmem:$0x1FFB0] =	vst v49;
	[dreg:$0x1c] =	wrdreg s26;
	v61 =	vunpack.c.0.s8.s32 v3;
	v60 =	vunpack.c.0.s8.s32 v1;
	v1 =	vimm.s32 $0x2B2A2928  }
0xa2: {  	s31 =	simm.s32 $0x2;
	s29 =	sadd.s32 $0x1C180, s23;
	[tilespmem:$0x1FFD0] =	vst v50;
	[dreg:$0x1d] =	wrdreg s28;
	v3 =	vimm.s32 $0x303F3E3D;
	v62 =	vunpack.c.0.s8.s32 v1;
	v1 =	vimm.s32 $0x3C3B3A39  }
0xa3: {  	s13 =	sadd.s32 $0x100, s23;
	[tilespmem:$0x1FFE0] =	vst v51;
	s2 =	sadd.s32 s2, s3;
	[dreg:$0x1e] =	wrdreg s29;
	v63 =	vunpack.c.0.s8.s32 v1;
	v1 =	vunpack.c.0.s8.s32 v3;
	v3 =	vimm.s32 $0x34333231  }
0xa4: {  	v7 =	vunpack.c.0.s8.s32 v7;
	v52 =	vlaneseq.u32;
	s3 =	simm.s32 $0x0;
	[dreg:$0x15] =	wrdreg s2;
	s2 =	sadd.s32 $0x80, s23;
	[tilespmem:$0x1FFF0] =	vst v29;
	v3 =	vunpack.c.0.s8.s32 v3  }
.LBB2_1:
0xa5: {  	[dreg:$0x1f] =	wrdreg s3  }
0xa6: {  	s0 =	rddreg [dreg:$0x15];
	s21 =	simm.s32 $0x3  }
0xa7: {  	[tilespmem:s1], [sflag:$0x3] =	stream.linear.gather [hbm4b:s0+s1], $0x200, $0x38;
	[tilespmem:$0x10200] =	vst v63  }
0xa8: {  	_ =	swait.ge [sflag:s21], $0x200  }
0xa9: {  	[sflag:s21] =	ssyncset.done $0x0  }
0xaa: {  	s24 =	simm.s32 $0x80;
	s22 =	rddreg [dreg:$0x4];
	[sflag:s21] =	ssyncadd.s32 $0xFFFFFE00  }
0xab: {  	[tilespmem:s30], [sflag:$0x1] =	stream.indirect.gather [hbm4b:s22+s24], $0x40, s1, s24, $0xb8;
	[tilespmem:$0x10200] =	vst v63  }
0xac: {  	s5 =	simm.s32 $0x2200  }
0xad: {  	[tilespmem:s5], [sflag:$0x1] =	stream.indirect.gather [hbm4b:s22+s24], $0x40, s24, s24, $0xb8;
	[tilespmem:$0x10200] =	vst v63  }
.Ltmp0:
0xae: {  	s25 =	simm.s32 $0x100;
	s6 =	simm.s32 $0x4200;
	(pc) =	sbr.rel .LBB2_2-.Ltmp0, $4  }
0xaf: {  	[tilespmem:s6], [sflag:$0x1] =	stream.indirect.gather [hbm4b:s22+s24], $0x40, s25, s24, $0xb8;
	[tilespmem:$0x10200] =	vst v63  }
0xb0: {  	s26 =	simm.s32 $0x180;
	s28 =	simm.s32 $0x6200  }
0xb1: {  	[tilespmem:s28], [sflag:$0x1] =	stream.indirect.gather [hbm4b:s22+s24], $0x40, s26, s24, $0xb8;
	[tilespmem:$0x10200] =	vst v63  }
0xb2: {  	s29 =	simm.s32 $0x0;
	s3 =	simm.s32 $0x0;
	s22 =	simm.s32 $0x0  }
.LBB2_4:
0xb3: {  	s6 =	simm.s32 $0xF200;
	s7 =	simm.s32 $0xE200;
	s8 =	simm.s32 $0xD200  }
0xb4: {  	s9 =	simm.s32 $0xC200;
	s10 =	simm.s32 $0xB200;
	s11 =	simm.s32 $0xA200  }
0xb5: {  	s12 =	simm.s32 $0x9200;
	s0 =	smov.u32 s23;
	s19 =	rddreg [dreg:$0x13]  }
0xb6: {  	s20 =	rddreg [dreg:$0x14];
	s21 =	smov.u32 s16;
	s24 =	smov.u32 s17  }
0xb7: {  	s25 =	smov.u32 s18;
	s26 =	smov.u32 s14;
	s28 =	smov.u32 s15  }
.LBB2_12:
0xb8: {  	[hbm4b:s0+s1] =	stream.linear.scatter [tilespmem:s5], [sflag:$0x2], $0x400, $0x38;
	[tilespmem:$0x10200] =	vst v63  }
0xb9: {  	s19 =	sadd.s32 s4, s19  }
0xba: {  	[hbm4b:s19+s1] =	stream.linear.scatter [tilespmem:s12], [sflag:$0x2], $0x400, $0x38;
	[tilespmem:$0x10200] =	vst v63  }
0xbb: {  	s20 =	sadd.s32 s4, s20  }
0xbc: {  	[hbm4b:s20+s1] =	stream.linear.scatter [tilespmem:s11], [sflag:$0x2], $0x400, $0x38;
	[tilespmem:$0x10200] =	vst v63  }
0xbd: {  	s21 =	sadd.s32 s4, s21  }
0xbe: {  	[hbm4b:s21+s1] =	stream.linear.scatter [tilespmem:s10], [sflag:$0x2], $0x400, $0x38;
	[tilespmem:$0x10200] =	vst v63  }
0xbf: {  	s24 =	sadd.s32 s4, s24  }
0xc0: {  	[hbm4b:s24+s1] =	stream.linear.scatter [tilespmem:s9], [sflag:$0x2], $0x400, $0x38;
	[tilespmem:$0x10200] =	vst v63  }
0xc1: {  	s25 =	sadd.s32 s4, s25  }
0xc2: {  	[hbm4b:s25+s1] =	stream.linear.scatter [tilespmem:s8], [sflag:$0x2], $0x400, $0x38;
	[tilespmem:$0x10200] =	vst v63  }
0xc3: {  	s26 =	sadd.s32 s4, s26  }
0xc4: {  	[hbm4b:s26+s1] =	stream.linear.scatter [tilespmem:s7], [sflag:$0x2], $0x400, $0x38;
	[tilespmem:$0x10200] =	vst v63  }
0xc5: {  	s28 =	sadd.s32 s4, s28  }
0xc6: {  	[hbm4b:s28+s1] =	stream.linear.scatter [tilespmem:s6], [sflag:$0x2], $0x400, $0x38;
	[tilespmem:$0x10200] =	vst v63  }
.LBB2_13:
0xc7: {  	s22 =	sadd.s32 $0x1, s22;
	s3 =	sadd.s32 $0x10, s3;
	s29 =	sadd.s32 $0x80, s29  }
.LBB2_2:
0xc8: {  	v29 =	vld [tilespmem:$0x1FF00];
	_ =	sdelay $0x2  }
0xc9: {  	v33 =	vmov s3;
	s0 =	sand.u32 $0x7, s22  }
0xca: {  	v33 =	vshll.u32 v33, $0x6;
	p0 =	sne.s32 s0, $0x0  }
0xcb: {  	s5 =	simm.s32 @!p0 $0x1;
	v33 =	vor.u32 v29, v33  }
0xcc: {  	_ =	swait.ge @!p0 [sflag:s5], $0x2000;
	v34 =	vor.u32 v52, v33  }
0xcd: {  	v29 =	vld [tilespmem:$0x1FD30];
	_ =	sdelay $0x1  }
0xce: {  	s6 =	sand.u32 $0xC00, s29;
	s0 =	sshll.u32 s0, $0x4;
	[sflag:s5] =	ssyncset.done @!p0 $0x0  }
0xcf: {  	s6 =	sor.u32 s0, s6;
	[sflag:s5] =	ssyncadd.s32 @!p0 $0xFFFFE000  }
0xd0: {  	v35 =	vor.u32 s6, v0;
	v34 =	vld.idx.msk [tilespmem:v34+s30+$0x0], $0xffff  }
0xd1: {  	v36 =	vor.u32 v29, v33  }
0xd2: {  	v29 =	vld [tilespmem:$0x1FD40];
	_ =	sdelay $0x1  }
0xd3: {  	s5 =	simm.s32 $0x8200  }
0xd4: {  	[tilespmem:v35+s5+$0x0] =	vst.idx.msk $0xffff, v34  }
0xd5: {  	v41 =	vor.u32 s6, v2;
	v34 =	vld.idx.msk [tilespmem:v36+s30+$0x0], $0xffff  }
0xd6: {  	v42 =	vor.u32 v29, v33  }
0xd7: {  	v29 =	vld [tilespmem:$0x1FD50];
	_ =	sdelay $0x2  }
0xd8: {  	[tilespmem:v41+s5+$0x0] =	vst.idx.msk $0xffff, v34  }
0xd9: {  	v43 =	vor.u32 s6, v4;
	v34 =	vld.idx.msk [tilespmem:v42+s30+$0x0], $0xffff  }
0xda: {  	v44 =	vor.u32 v29, v33  }
0xdb: {  	v29 =	vld [tilespmem:$0x1FD60];
	_ =	sdelay $0x2  }
0xdc: {  	[tilespmem:v43+s5+$0x0] =	vst.idx.msk $0xffff, v34  }
0xdd: {  	v45 =	vor.u32 s6, v6;
	v34 =	vld.idx.msk [tilespmem:v44+s30+$0x0], $0xffff  }
0xde: {  	v46 =	vor.u32 v29, v33  }
0xdf: {  	v29 =	vld [tilespmem:$0x1FD70];
	_ =	sdelay $0x2  }
0xe0: {  	[tilespmem:v45+s5+$0x0] =	vst.idx.msk $0xffff, v34  }
0xe1: {  	v47 =	vor.u32 s6, v8;
	v34 =	vld.idx.msk [tilespmem:v46+s30+$0x0], $0xffff  }
0xe2: {  	v48 =	vor.u32 v29, v33  }
0xe3: {  	v29 =	vld [tilespmem:$0x1FD80];
	_ =	sdelay $0x2  }
0xe4: {  	[tilespmem:v47+s5+$0x0] =	vst.idx.msk $0xffff, v34  }
0xe5: {  	v49 =	vor.u32 s6, v10;
	v34 =	vld.idx.msk [tilespmem:v48+s30+$0x0], $0xffff  }
0xe6: {  	v50 =	vor.u32 v29, v33  }
0xe7: {  	v29 =	vld [tilespmem:$0x1FD90];
	_ =	sdelay $0x2  }
0xe8: {  	[tilespmem:v49+s5+$0x0] =	vst.idx.msk $0xffff, v34  }
0xe9: {  	v51 =	vor.u32 s6, v12;
	v34 =	vld.idx.msk [tilespmem:v50+s30+$0x0], $0xffff  }
0xea: {  	v40 =	vor.u32 v29, v33  }
0xeb: {  	v29 =	vld [tilespmem:$0x1FDA0];
	_ =	sdelay $0x2  }
0xec: {  	[tilespmem:v51+s5+$0x0] =	vst.idx.msk $0xffff, v34  }
0xed: {  	v41 =	vor.u32 s6, v14;
	v34 =	vld.idx.msk [tilespmem:v40+s30+$0x0], $0xffff  }
0xee: {  	v42 =	vor.u32 v29, v33  }
0xef: {  	v29 =	vld [tilespmem:$0x1FDB0];
	_ =	sdelay $0x2  }
0xf0: {  	[tilespmem:v41+s5+$0x0] =	vst.idx.msk $0xffff, v34  }
0xf1: {  	v43 =	vor.u32 s6, v16;
	v34 =	vld.idx.msk [tilespmem:v42+s30+$0x0], $0xffff  }
0xf2: {  	v44 =	vor.u32 v29, v33  }
0xf3: {  	v29 =	vld [tilespmem:$0x1FDC0];
	_ =	sdelay $0x2  }
0xf4: {  	[tilespmem:v43+s5+$0x0] =	vst.idx.msk $0xffff, v34  }
0xf5: {  	v45 =	vor.u32 s6, v18;
	v34 =	vld.idx.msk [tilespmem:v44+s30+$0x0], $0xffff  }
0xf6: {  	v46 =	vor.u32 v29, v33  }
0xf7: {  	v29 =	vld [tilespmem:$0x1FDD0];
	_ =	sdelay $0x2  }
0xf8: {  	[tilespmem:v45+s5+$0x0] =	vst.idx.msk $0xffff, v34  }
0xf9: {  	v47 =	vor.u32 s6, v20;
	v34 =	vld.idx.msk [tilespmem:v46+s30+$0x0], $0xffff  }
0xfa: {  	v48 =	vor.u32 v29, v33  }
0xfb: {  	v29 =	vld [tilespmem:$0x1FDE0];
	_ =	sdelay $0x2  }
0xfc: {  	[tilespmem:v47+s5+$0x0] =	vst.idx.msk $0xffff, v34  }
0xfd: {  	v49 =	vor.u32 s6, v22;
	v34 =	vld.idx.msk [tilespmem:v48+s30+$0x0], $0xffff  }
0xfe: {  	v50 =	vor.u32 v29, v33  }
0xff: {  	v29 =	vld [tilespmem:$0x1FDF0];
	_ =	sdelay $0x2  }
0x100: {  	[tilespmem:v49+s5+$0x0] =	vst.idx.msk $0xffff, v34  }
0x101: {  	v51 =	vor.u32 s6, v24;
	v34 =	vld.idx.msk [tilespmem:v50+s30+$0x0], $0xffff  }
0x102: {  	v40 =	vor.u32 v29, v33  }
0x103: {  	v29 =	vld [tilespmem:$0x1FE00];
	_ =	sdelay $0x2  }
0x104: {  	[tilespmem:v51+s5+$0x0] =	vst.idx.msk $0xffff, v34  }
0x105: {  	v41 =	vor.u32 s6, v26;
	v34 =	vld.idx.msk [tilespmem:v40+s30+$0x0], $0xffff  }
0x106: {  	v42 =	vor.u32 v29, v33  }
0x107: {  	v29 =	vld [tilespmem:$0x1FE10];
	_ =	sdelay $0x2  }
0x108: {  	[tilespmem:v41+s5+$0x0] =	vst.idx.msk $0xffff, v34  }
0x109: {  	v43 =	vor.u32 s6, v28;
	v34 =	vld.idx.msk [tilespmem:v42+s30+$0x0], $0xffff  }
0x10a: {  	v44 =	vor.u32 v29, v33  }
0x10b: {  	v29 =	vld [tilespmem:$0x1FF90];
	_ =	sdelay $0x2  }
0x10c: {  	[tilespmem:v43+s5+$0x0] =	vst.idx.msk $0xffff, v34  }
0x10d: {  	v45 =	vor.u32 s6, v30;
	v34 =	vld.idx.msk [tilespmem:v44+s30+$0x0], $0xffff  }
0x10e: {  	v46 =	vor.u32 v29, v33  }
0x10f: {  	v29 =	vld [tilespmem:$0x1FFC0];
	_ =	sdelay $0x2  }
0x110: {  	s7 =	sor.u32 $0x2000, s6;
	[tilespmem:v45+s5+$0x0] =	vst.idx.msk $0xffff, v34  }
0x111: {  	v47 =	vor.u32 s7, v0;
	v34 =	vld.idx.msk [tilespmem:v46+s30+$0x0], $0xffff  }
0x112: {  	v48 =	vor.u32 v29, v33;
	v29 =	vld [tilespmem:$0x1FFF0]  }
0x113: {  	v44 =	vld [tilespmem:$0x1FE20]  }
0x114: {  	v45 =	vld [tilespmem:$0x1FE30]  }
0x115: {  	v46 =	vld [tilespmem:$0x1FE40]  }
0x116: {  	[tilespmem:v47+s5+$0x0] =	vst.idx.msk $0xffff, v34;
	v47 =	vld [tilespmem:$0x1FE50]  }
0x117: {  	v49 =	vor.u32 s7, v2;
	v34 =	vld.idx.msk [tilespmem:v48+s30+$0x0], $0xffff  }
0x118: {  	v50 =	vor.u32 v29, v33;
	_ =	sdelay $0x2  }
0x119: {  	v48 =	vld [tilespmem:$0x1FE60]  }
0x11a: {  	v37 =	vsel vm0, v45, v44;
	v38 =	vsel vm0, v47, v46;
	[tilespmem:v49+s5+$0x0] =	vst.idx.msk $0xffff, v34;
	v49 =	vld [tilespmem:$0x1FE70]  }
0x11b: {  	v51 =	vcombine.low v38, v37;
	v35 =	vld.idx.msk [tilespmem:v50+s30+$0x0], $0xffff  }
0x11c: {  	v40 =	vor.u32 s7, v4;
	v50 =	vld [tilespmem:$0x1FE80]  }
0x11d: {  	v34 =	vor.u32 v51, v33;
	v51 =	vld [tilespmem:$0x1FE90];
	_ =	sdelay $0x2  }
0x11e: {  	v39 =	vld [tilespmem:$0x1FF20]  }
0x11f: {  	[tilespmem:v40+s5+$0x0] =	vst.idx.msk $0xffff, v35;
	v40 =	vld [tilespmem:$0x1FF30]  }
0x120: {  	v32 =	vsel vm0, v49, v48;
	v29 =	vsel vm0, v51, v50  }
0x121: {  	v41 =	vcombine.low v29, v32;
	_ =	sdelay $0x1  }
0x122: {  	v35 =	vor.u32 v41, v33;
	v41 =	vld [tilespmem:$0x1FF40]  }
0x123: {  	v39 =	vsel vm0, v40, v39;
	v40 =	vld [tilespmem:$0x1FF10];
	_ =	sdelay $0x2  }
0x124: {  	v36 =	vor.u32 s7, v6;
	v34 =	vld.idx.msk [tilespmem:v34+s30+$0x0], $0xffff;
	_ =	sdelay $0x1  }
0x125: {  	v40 =	vsel vm0, v40, v41  }
0x126: {  	v42 =	vcombine.low v40, v39  }
0x127: {  	v41 =	vld [tilespmem:$0x1FF60]  }
0x128: {  	[tilespmem:v36+s5+$0x0] =	vst.idx.msk $0xffff, v34;
	v34 =	vor.u32 v42, v33;
	v42 =	vld [tilespmem:$0x1FF70];
	_ =	sdelay $0x3  }
0x129: {  	v43 =	vld [tilespmem:$0x1FF80]  }
0x12a: {  	v41 =	vsel vm0, v42, v41;
	v42 =	vld [tilespmem:$0x1FF50]  }
0x12b: {  	v36 =	vor.u32 s7, v8;
	v35 =	vld.idx.msk [tilespmem:v35+s30+$0x0], $0xffff;
	_ =	sdelay $0x3  }
0x12c: {  	v42 =	vsel vm0, v42, v43  }
0x12d: {  	[tilespmem:v36+s5+$0x0] =	vst.idx.msk $0xffff, v35;
	v43 =	vcombine.low v42, v41  }
0x12e: {  	v36 =	vor.u32 s7, v10;
	v34 =	vld.idx.msk [tilespmem:v34+s30+$0x0], $0xffff  }
0x12f: {  	v35 =	vor.u32 v43, v33;
	_ =	sdelay $0x2  }
0x130: {  	v44 =	vsel vm0, v44, v47;
	v43 =	vsel vm0, v46, v45  }
0x131: {  	[tilespmem:v36+s5+$0x0] =	vst.idx.msk $0xffff, v34;
	v47 =	vcombine.low v44, v43  }
0x132: {  	v36 =	vor.u32 s7, v12;
	v35 =	vld.idx.msk [tilespmem:v35+s30+$0x0], $0xffff  }
0x133: {  	v34 =	vor.u32 v47, v33;
	_ =	sdelay $0x2  }
0x134: {  	v50 =	vsel vm0, v50, v49;
	v48 =	vsel vm0, v48, v51;
	v51 =	vld [tilespmem:$0x1FFA0]  }
0x135: {  	v49 =	vcombine.low v48, v50;
	v45 =	vld [tilespmem:$0x1FFB0];
	[tilespmem:v36+s5+$0x0] =	vst.idx.msk $0xffff, v35  }
0x136: {  	v50 =	vor.u32 s7, v14;
	v34 =	vld.idx.msk [tilespmem:v34+s30+$0x0], $0xffff  }
0x137: {  	v35 =	vor.u32 v49, v33;
	_ =	sdelay $0x2  }
0x138: {  	v48 =	vld [tilespmem:$0x1FFE0]  }
0x139: {  	v47 =	vld [tilespmem:$0x1FFD0];
	[tilespmem:v50+s5+$0x0] =	vst.idx.msk $0xffff, v34;
	v34 =	vcombine.low v51, v45  }
0x13a: {  	v46 =	vor.u32 s7, v16;
	v35 =	vld.idx.msk [tilespmem:v35+s30+$0x0], $0xffff  }
0x13b: {  	v34 =	vor.u32 v34, v33;
	_ =	sdelay $0x3  }
0x13c: {  	[tilespmem:v46+s5+$0x0] =	vst.idx.msk $0xffff, v35;
	v35 =	vcombine.low v47, v48  }
0x13d: {  	v49 =	vor.u32 s7, v18;
	v34 =	vld.idx.msk [tilespmem:v34+s30+$0x0], $0xffff  }
0x13e: {  	v35 =	vor.u32 v35, v33;
	_ =	sdelay $0x3  }
0x13f: {  	v50 =	vcombine.low v37, v38;
	[tilespmem:v49+s5+$0x0] =	vst.idx.msk $0xffff, v34  }
0x140: {  	v51 =	vor.u32 s7, v20;
	v35 =	vld.idx.msk [tilespmem:v35+s30+$0x0], $0xffff  }
0x141: {  	v34 =	vor.u32 v50, v33;
	_ =	sdelay $0x3  }
0x142: {  	v29 =	vcombine.low v32, v29;
	[tilespmem:v51+s5+$0x0] =	vst.idx.msk $0xffff, v35  }
0x143: {  	v45 =	vor.u32 s7, v22;
	v38 =	vld.idx.msk [tilespmem:v34+s30+$0x0], $0xffff  }
0x144: {  	v29 =	vor.u32 v29, v33;
	_ =	sdelay $0x3  }
0x145: {  	v46 =	vcombine.low v39, v40;
	[tilespmem:v45+s5+$0x0] =	vst.idx.msk $0xffff, v38  }
0x146: {  	v47 =	vor.u32 s7, v24;
	v29 =	vld.idx.msk [tilespmem:v29+s30+$0x0], $0xffff  }
0x147: {  	v32 =	vor.u32 v46, v33;
	_ =	sdelay $0x3  }
0x148: {  	[tilespmem:v47+s5+$0x0] =	vst.idx.msk $0xffff, v29;
	v29 =	vcombine.low v41, v42  }
0x149: {  	v48 =	vor.u32 s7, v26;
	v32 =	vld.idx.msk [tilespmem:v32+s30+$0x0], $0xffff  }
0x14a: {  	v29 =	vor.u32 v29, v33;
	_ =	sdelay $0x3  }
0x14b: {  	v49 =	vcombine.low v43, v44;
	[tilespmem:v48+s5+$0x0] =	vst.idx.msk $0xffff, v32  }
0x14c: {  	v50 =	vor.u32 s7, v28;
	v29 =	vld.idx.msk [tilespmem:v29+s30+$0x0], $0xffff  }
0x14d: {  	v32 =	vor.u32 v49, v33  }
0x14e: {  	v46 =	vld [tilespmem:$0x1FED0]  }
0x14f: {  	v44 =	vld [tilespmem:$0x1FEA0]  }
0x150: {  	v43 =	vld [tilespmem:$0x1FEB0]  }
0x151: {  	v45 =	vld [tilespmem:$0x1FEC0];
	[tilespmem:v50+s5+$0x0] =	vst.idx.msk $0xffff, v29  }
0x152: {  	v51 =	vor.u32 s7, v30;
	v41 =	vor.u32 $0x20, v52;
	v29 =	vld.idx.msk [tilespmem:v32+s30+$0x0], $0xffff  }
0x153: {  	v34 =	vor.u32 v41, v33;
	_ =	sdelay $0x2  }
0x154: {  	v35 =	vsel vm0, v43, v44;
	v36 =	vsel vm0, v46, v45;
	v47 =	vld [tilespmem:$0x1FEE0]  }
0x155: {  	s28 =	sor.u32 $0x4000, s6;
	v48 =	vld [tilespmem:$0x1FEF0];
	[tilespmem:v51+s5+$0x0] =	vst.idx.msk $0xffff, v29;
	v29 =	vcombine.low v36, v35  }
0x156: {  	v42 =	vor.u32 s28, v0;
	v32 =	vld.idx.msk [tilespmem:v34+s30+$0x0], $0xffff  }
0x157: {  	v29 =	vor.u32 v29, v33;
	_ =	sdelay $0x2  }
0x158: {  	v38 =	vsel vm0, v54, v53;
	v37 =	vsel vm0, v48, v47  }
0x159: {  	v50 =	vcombine.low v38, v37;
	[tilespmem:v42+s5+$0x0] =	vst.idx.msk $0xffff, v32  }
0x15a: {  	v51 =	vor.u32 s28, v2;
	v29 =	vld.idx.msk [tilespmem:v29+s30+$0x0], $0xffff  }
0x15b: {  	v32 =	vor.u32 v50, v33;
	_ =	sdelay $0x2  }
0x15c: {  	v39 =	vsel vm0, v56, v55;
	v40 =	vsel vm0, v58, v57  }
0x15d: {  	[tilespmem:v51+s5+$0x0] =	vst.idx.msk $0xffff, v29;
	v29 =	vcombine.low v40, v39  }
0x15e: {  	v49 =	vor.u32 s28, v4;
	v32 =	vld.idx.msk [tilespmem:v32+s30+$0x0], $0xffff  }
0x15f: {  	v29 =	vor.u32 v29, v33;
	_ =	sdelay $0x2  }
0x160: {  	v41 =	vsel vm0, v60, v59;
	v42 =	vsel vm0, v62, v61  }
0x161: {  	v50 =	vcombine.low v42, v41;
	[tilespmem:v49+s5+$0x0] =	vst.idx.msk $0xffff, v32  }
0x162: {  	v51 =	vor.u32 s28, v6;
	v29 =	vld.idx.msk [tilespmem:v29+s30+$0x0], $0xffff  }
0x163: {  	v32 =	vor.u32 v50, v33;
	_ =	sdelay $0x2  }
0x164: {  	v44 =	vsel vm0, v44, v46;
	v43 =	vsel vm0, v45, v43  }
0x165: {  	[tilespmem:v51+s5+$0x0] =	vst.idx.msk $0xffff, v29;
	v29 =	vcombine.low v44, v43  }
0x166: {  	v49 =	vor.u32 s28, v8;
	v32 =	vld.idx.msk [tilespmem:v32+s30+$0x0], $0xffff  }
0x167: {  	v29 =	vor.u32 v29, v33;
	_ =	sdelay $0x2  }
0x168: {  	v46 =	vsel vm0, v47, v54;
	v45 =	vsel vm0, v53, v48  }
0x169: {  	v50 =	vcombine.low v46, v45;
	[tilespmem:v49+s5+$0x0] =	vst.idx.msk $0xffff, v32  }
0x16a: {  	v34 =	vor.u32 s28, v10;
	v29 =	vld.idx.msk [tilespmem:v29+s30+$0x0], $0xffff  }
0x16b: {  	v32 =	vor.u32 v50, v33;
	_ =	sdelay $0x2  }
0x16c: {  	v47 =	vsel vm0, v57, v56;
	v48 =	vsel vm0, v55, v58  }
0x16d: {  	[tilespmem:v34+s5+$0x0] =	vst.idx.msk $0xffff, v29;
	v29 =	vcombine.low v48, v47  }
0x16e: {  	v34 =	vor.u32 s28, v12;
	v32 =	vld.idx.msk [tilespmem:v32+s30+$0x0], $0xffff  }
0x16f: {  	v29 =	vor.u32 v29, v33;
	_ =	sdelay $0x2  }
0x170: {  	v49 =	vsel vm0, v61, v60;
	v50 =	vsel vm0, v59, v62  }
0x171: {  	v51 =	vcombine.low v50, v49;
	[tilespmem:v34+s5+$0x0] =	vst.idx.msk $0xffff, v32  }
0x172: {  	v49 =	vor.u32 s28, v14;
	v29 =	vld.idx.msk [tilespmem:v29+s30+$0x0], $0xffff  }
0x173: {  	v32 =	vor.u32 v51, v33;
	_ =	sdelay $0x3  }
0x174: {  	[tilespmem:v49+s5+$0x0] =	vst.idx.msk $0xffff, v29;
	v29 =	vcombine.low v35, v36  }
0x175: {  	v50 =	vor.u32 s28, v16;
	v32 =	vld.idx.msk [tilespmem:v32+s30+$0x0], $0xffff  }
0x176: {  	v29 =	vor.u32 v29, v33;
	_ =	sdelay $0x3  }
0x177: {  	v51 =	vcombine.low v37, v38;
	[tilespmem:v50+s5+$0x0] =	vst.idx.msk $0xffff, v32  }
0x178: {  	v36 =	vor.u32 s28, v18;
	v29 =	vld.idx.msk [tilespmem:v29+s30+$0x0], $0xffff  }
0x179: {  	v32 =	vor.u32 v51, v33;
	_ =	sdelay $0x3  }
0x17a: {  	[tilespmem:v36+s5+$0x0] =	vst.idx.msk $0xffff, v29;
	v29 =	vcombine.low v39, v40  }
0x17b: {  	v37 =	vor.u32 s28, v20;
	v32 =	vld.idx.msk [tilespmem:v32+s30+$0x0], $0xffff  }
0x17c: {  	v29 =	vor.u32 v29, v33;
	_ =	sdelay $0x3  }
0x17d: {  	v38 =	vcombine.low v41, v42;
	[tilespmem:v37+s5+$0x0] =	vst.idx.msk $0xffff, v32  }
0x17e: {  	v39 =	vor.u32 s28, v22;
	v29 =	vld.idx.msk [tilespmem:v29+s30+$0x0], $0xffff  }
0x17f: {  	v32 =	vor.u32 v38, v33;
	_ =	sdelay $0x3  }
0x180: {  	[tilespmem:v39+s5+$0x0] =	vst.idx.msk $0xffff, v29;
	v29 =	vcombine.low v43, v44  }
0x181: {  	v40 =	vor.u32 s28, v24;
	v32 =	vld.idx.msk [tilespmem:v32+s30+$0x0], $0xffff  }
0x182: {  	v29 =	vor.u32 v29, v33;
	_ =	sdelay $0x3  }
0x183: {  	v41 =	vcombine.low v45, v46;
	[tilespmem:v40+s5+$0x0] =	vst.idx.msk $0xffff, v32  }
0x184: {  	v42 =	vor.u32 s28, v26;
	v29 =	vld.idx.msk [tilespmem:v29+s30+$0x0], $0xffff  }
0x185: {  	v32 =	vor.u32 v41, v33;
	_ =	sdelay $0x3  }
0x186: {  	[tilespmem:v42+s5+$0x0] =	vst.idx.msk $0xffff, v29;
	v29 =	vcombine.low v47, v48  }
0x187: {  	v43 =	vor.u32 s28, v28;
	v32 =	vld.idx.msk [tilespmem:v32+s30+$0x0], $0xffff  }
0x188: {  	v29 =	vor.u32 v29, v33;
	_ =	sdelay $0x3  }
0x189: {  	[tilespmem:v43+s5+$0x0] =	vst.idx.msk $0xffff, v32  }
0x18a: {  	v45 =	vor.u32 $0x30, v52;
	v44 =	vor.u32 s28, v30;
	v29 =	vld.idx.msk [tilespmem:v29+s30+$0x0], $0xffff  }
0x18b: {  	v34 =	vor.u32 v45, v33;
	_ =	sdelay $0x2  }
0x18c: {  	v35 =	vsel vm0, v1, v63;
	v36 =	vsel vm0, v5, v3  }
0x18d: {  	s6 =	sor.u32 $0x6000, s6;
	[tilespmem:v44+s5+$0x0] =	vst.idx.msk $0xffff, v29;
	v29 =	vcombine.low v36, v35  }
0x18e: {  	v46 =	vor.u32 s6, v0;
	v32 =	vld.idx.msk [tilespmem:v34+s30+$0x0], $0xffff  }
0x18f: {  	v29 =	vor.u32 v29, v33;
	_ =	sdelay $0x2  }
0x190: {  	v37 =	vsel vm0, v9, v7;
	v38 =	vsel vm0, v13, v11  }
0x191: {  	v47 =	vcombine.low v38, v37;
	[tilespmem:v46+s5+$0x0] =	vst.idx.msk $0xffff, v32  }
0x192: {  	v48 =	vor.u32 s6, v2;
	v29 =	vld.idx.msk [tilespmem:v29+s30+$0x0], $0xffff  }
0x193: {  	v32 =	vor.u32 v47, v33;
	_ =	sdelay $0x2  }
0x194: {  	v39 =	vsel vm0, v17, v15;
	v40 =	vsel vm0, v21, v19  }
0x195: {  	[tilespmem:v48+s5+$0x0] =	vst.idx.msk $0xffff, v29;
	v29 =	vcombine.low v40, v39  }
0x196: {  	v49 =	vor.u32 s6, v4;
	v32 =	vld.idx.msk [tilespmem:v32+s30+$0x0], $0xffff  }
0x197: {  	v29 =	vor.u32 v29, v33;
	_ =	sdelay $0x2  }
0x198: {  	v41 =	vsel vm0, v25, v23;
	v42 =	vsel vm0, v31, v27  }
0x199: {  	v50 =	vcombine.low v42, v41;
	[tilespmem:v49+s5+$0x0] =	vst.idx.msk $0xffff, v32  }
0x19a: {  	v51 =	vor.u32 s6, v6;
	v29 =	vld.idx.msk [tilespmem:v29+s30+$0x0], $0xffff  }
0x19b: {  	v32 =	vor.u32 v50, v33;
	_ =	sdelay $0x2  }
0x19c: {  	v43 =	vsel vm0, v3, v1;
	v44 =	vsel vm0, v63, v5  }
0x19d: {  	[tilespmem:v51+s5+$0x0] =	vst.idx.msk $0xffff, v29;
	v29 =	vcombine.low v44, v43  }
0x19e: {  	v48 =	vor.u32 s6, v8;
	v32 =	vld.idx.msk [tilespmem:v32+s30+$0x0], $0xffff  }
0x19f: {  	v29 =	vor.u32 v29, v33;
	_ =	sdelay $0x2  }
0x1a0: {  	v45 =	vsel vm0, v11, v9;
	v46 =	vsel vm0, v7, v13  }
0x1a1: {  	v49 =	vcombine.low v46, v45;
	[tilespmem:v48+s5+$0x0] =	vst.idx.msk $0xffff, v32  }
0x1a2: {  	v34 =	vor.u32 s6, v10;
	v29 =	vld.idx.msk [tilespmem:v29+s30+$0x0], $0xffff  }
0x1a3: {  	v32 =	vor.u32 v49, v33;
	_ =	sdelay $0x2  }
0x1a4: {  	v47 =	vsel vm0, v19, v17;
	v48 =	vsel vm0, v15, v21  }
0x1a5: {  	[tilespmem:v34+s5+$0x0] =	vst.idx.msk $0xffff, v29;
	v29 =	vcombine.low v48, v47  }
0x1a6: {  	v34 =	vor.u32 s6, v12;
	v32 =	vld.idx.msk [tilespmem:v32+s30+$0x0], $0xffff  }
0x1a7: {  	v29 =	vor.u32 v29, v33;
	_ =	sdelay $0x2  }
0x1a8: {  	v50 =	vsel vm0, v23, v31;
	v49 =	vsel vm0, v27, v25  }
0x1a9: {  	v50 =	vcombine.low v50, v49;
	[tilespmem:v34+s5+$0x0] =	vst.idx.msk $0xffff, v32  }
0x1aa: {  	v51 =	vor.u32 s6, v14;
	v29 =	vld.idx.msk [tilespmem:v29+s30+$0x0], $0xffff  }
0x1ab: {  	v32 =	vor.u32 v50, v33;
	_ =	sdelay $0x3  }
0x1ac: {  	[tilespmem:v51+s5+$0x0] =	vst.idx.msk $0xffff, v29;
	v29 =	vcombine.low v35, v36  }
0x1ad: {  	v36 =	vor.u32 s6, v16;
	v32 =	vld.idx.msk [tilespmem:v32+s30+$0x0], $0xffff  }
0x1ae: {  	v29 =	vor.u32 v29, v33;
	_ =	sdelay $0x3  }
0x1af: {  	v37 =	vcombine.low v37, v38;
	[tilespmem:v36+s5+$0x0] =	vst.idx.msk $0xffff, v32  }
0x1b0: {  	v38 =	vor.u32 s6, v18;
	v29 =	vld.idx.msk [tilespmem:v29+s30+$0x0], $0xffff  }
0x1b1: {  	v32 =	vor.u32 v37, v33;
	_ =	sdelay $0x3  }
0x1b2: {  	[tilespmem:v38+s5+$0x0] =	vst.idx.msk $0xffff, v29;
	v29 =	vcombine.low v39, v40  }
0x1b3: {  	v40 =	vor.u32 s6, v20;
	v32 =	vld.idx.msk [tilespmem:v32+s30+$0x0], $0xffff  }
0x1b4: {  	v29 =	vor.u32 v29, v33;
	_ =	sdelay $0x3  }
0x1b5: {  	v41 =	vcombine.low v41, v42;
	[tilespmem:v40+s5+$0x0] =	vst.idx.msk $0xffff, v32  }
0x1b6: {  	v42 =	vor.u32 s6, v22;
	v29 =	vld.idx.msk [tilespmem:v29+s30+$0x0], $0xffff  }
0x1b7: {  	v32 =	vor.u32 v41, v33;
	_ =	sdelay $0x3  }
0x1b8: {  	[tilespmem:v42+s5+$0x0] =	vst.idx.msk $0xffff, v29;
	v29 =	vcombine.low v43, v44  }
0x1b9: {  	v44 =	vor.u32 s6, v24;
	v32 =	vld.idx.msk [tilespmem:v32+s30+$0x0], $0xffff  }
0x1ba: {  	v29 =	vor.u32 v29, v33;
	_ =	sdelay $0x3  }
0x1bb: {  	v46 =	vcombine.low v45, v46;
	[tilespmem:v44+s5+$0x0] =	vst.idx.msk $0xffff, v32  }
0x1bc: {  	v49 =	vor.u32 s6, v26;
	v29 =	vld.idx.msk [tilespmem:v29+s30+$0x0], $0xffff  }
0x1bd: {  	v32 =	vor.u32 v46, v33;
	_ =	sdelay $0x3  }
0x1be: {  	[tilespmem:v49+s5+$0x0] =	vst.idx.msk $0xffff, v29;
	v29 =	vcombine.low v47, v48  }
0x1bf: {  	v50 =	vor.u32 s6, v28;
	v32 =	vld.idx.msk [tilespmem:v32+s30+$0x0], $0xffff  }
0x1c0: {  	v29 =	vor.u32 v29, v33;
	_ =	sdelay $0x3  }
0x1c1: {  	[tilespmem:v50+s5+$0x0] =	vst.idx.msk $0xffff, v32  }
0x1c2: {  	p0 =	sgt.s32 s22, $0x16;
	v51 =	vor.u32 s6, v30;
	v29 =	vld.idx.msk [tilespmem:v29+s30+$0x0], $0xffff  }
.Ltmp1:
0x1c3: {  	_ = 	snop;
	(pc) =	sbr.rel @p0 .LBB2_5-.Ltmp1, $2  }
0x1c4: {  	_ =	sdelay $0x2  }
0x1c5: {  	[tilespmem:v51+s5+$0x0] =	vst.idx.msk $0xffff, v29  }
0x1c6: {  	p0 =	seq.s32 s22, $0x7  }
.Ltmp2:
0x1c7: {  	_ = 	snop;
	(pc) =	sbr.rel @p0 .LBB2_4-.Ltmp2, $1  }
0x1c8: {  	_ =	sdelay $0x3  }
0x1c9: {  	p0 =	seq.s32 s22, $0xF  }
.Ltmp3:
0x1ca: {  	_ = 	snop;
	(pc) =	sbr.rel @!p0 .LBB2_13-.Ltmp3, $1  }
0x1cb: {  	_ =	sdelay $0x3  }
0x1cc: {  	s19 =	rddreg [dreg:$0xc]  }
0x1cd: {  	s20 =	rddreg [dreg:$0xd]  }
.Ltmp4:
0x1ce: {  	s6 =	simm.s32 $0xF600;
	s21 =	rddreg [dreg:$0xe];
	(pc) =	sbr.rel .LBB2_12-.Ltmp4, $4  }
0x1cf: {  	s7 =	simm.s32 $0xE600;
	s8 =	simm.s32 $0xD600;
	s24 =	rddreg [dreg:$0xf]  }
0x1d0: {  	s9 =	simm.s32 $0xC600;
	s10 =	simm.s32 $0xB600;
	s25 =	rddreg [dreg:$0x10]  }
0x1d1: {  	s11 =	simm.s32 $0xA600;
	s12 =	simm.s32 $0x9600;
	s26 =	rddreg [dreg:$0x11]  }
0x1d2: {  	s5 =	simm.s32 $0x8600;
	s0 =	smov.u32 s2;
	s28 =	rddreg [dreg:$0x12]  }
.LBB2_5:
0x1d3: {  	p0 =	seq.s32 s22, $0x17  }
.Ltmp5:
0x1d4: {  	_ = 	snop;
	(pc) =	sbr.rel @!p0 .LBB2_6-.Ltmp5, $1  }
0x1d5: {  	_ =	sdelay $0x3  }
0x1d6: {  	s19 =	rddreg [dreg:$0x5]  }
0x1d7: {  	s20 =	rddreg [dreg:$0x6]  }
.Ltmp6:
0x1d8: {  	s6 =	simm.s32 $0xFA00;
	s21 =	rddreg [dreg:$0x7];
	(pc) =	sbr.rel .LBB2_12-.Ltmp6, $4  }
0x1d9: {  	s7 =	simm.s32 $0xEA00;
	s8 =	simm.s32 $0xDA00;
	s24 =	rddreg [dreg:$0x8]  }
0x1da: {  	s9 =	simm.s32 $0xCA00;
	s10 =	simm.s32 $0xBA00;
	s25 =	rddreg [dreg:$0x9]  }
0x1db: {  	s11 =	simm.s32 $0xAA00;
	s12 =	simm.s32 $0x9A00;
	s26 =	rddreg [dreg:$0xa]  }
0x1dc: {  	s5 =	simm.s32 $0x8A00;
	s0 =	smov.u32 s13;
	s28 =	rddreg [dreg:$0xb]  }
.LBB2_6:
0x1dd: {  	p0 =	seq.s32 s22, $0x1F  }
.Ltmp7:
0x1de: {  	_ = 	snop;
	(pc) =	sbr.rel @!p0 .LBB2_13-.Ltmp7, $1  }
0x1df: {  	_ =	sdelay $0x3  }
0x1e0: {  	s0 =	rddreg [dreg:$0x17];
	s3 =	simm.s32 $0x8E00  }
0x1e1: {  	[hbm4b:s0+s1] =	stream.linear.scatter [tilespmem:s3], [sflag:$0x2], $0x400, $0x38;
	[tilespmem:$0x10200] =	vst v63  }
0x1e2: {  	s6 =	rddreg [dreg:$0x18];
	s7 =	simm.s32 $0x9E00  }
0x1e3: {  	[hbm4b:s6+s1] =	stream.linear.scatter [tilespmem:s7], [sflag:$0x2], $0x400, $0x38;
	[tilespmem:$0x10200] =	vst v63  }
0x1e4: {  	s8 =	rddreg [dreg:$0x19];
	s9 =	simm.s32 $0xAE00  }
0x1e5: {  	[hbm4b:s8+s1] =	stream.linear.scatter [tilespmem:s9], [sflag:$0x2], $0x400, $0x38;
	[tilespmem:$0x10200] =	vst v63  }
0x1e6: {  	s10 =	rddreg [dreg:$0x1a];
	s11 =	simm.s32 $0xBE00  }
0x1e7: {  	[hbm4b:s10+s1] =	stream.linear.scatter [tilespmem:s11], [sflag:$0x2], $0x400, $0x38;
	[tilespmem:$0x10200] =	vst v63  }
0x1e8: {  	s12 =	rddreg [dreg:$0x1b];
	s19 =	simm.s32 $0xCE00  }
0x1e9: {  	[hbm4b:s12+s1] =	stream.linear.scatter [tilespmem:s19], [sflag:$0x2], $0x400, $0x38;
	[tilespmem:$0x10200] =	vst v63  }
0x1ea: {  	s20 =	rddreg [dreg:$0x1c];
	s21 =	simm.s32 $0xDE00  }
0x1eb: {  	[hbm4b:s20+s1] =	stream.linear.scatter [tilespmem:s21], [sflag:$0x2], $0x400, $0x38;
	[tilespmem:$0x10200] =	vst v63  }
0x1ec: {  	s22 =	rddreg [dreg:$0x1d];
	s24 =	simm.s32 $0xEE00  }
0x1ed: {  	[hbm4b:s22+s1] =	stream.linear.scatter [tilespmem:s24], [sflag:$0x2], $0x400, $0x38;
	[tilespmem:$0x10200] =	vst v63  }
0x1ee: {  	s25 =	rddreg [dreg:$0x1e];
	s26 =	simm.s32 $0xFE00  }
0x1ef: {  	[hbm4b:s25+s1] =	stream.linear.scatter [tilespmem:s26], [sflag:$0x2], $0x400, $0x38;
	[tilespmem:$0x10200] =	vst v63  }
0x1f0: {  	_ =	swait.ge [sflag:s31], $0x400  }
0x1f1: {  	[sflag:s31] =	ssyncset.done $0x0  }
0x1f2: {  	[sflag:s31] =	ssyncadd.s32 $0xFFFFFC00  }
0x1f3: {  	_ =	swait.ge [sflag:s31], $0x400  }
0x1f4: {  	[sflag:s31] =	ssyncset.done $0x0  }
0x1f5: {  	[sflag:s31] =	ssyncadd.s32 $0xFFFFFC00  }
0x1f6: {  	_ =	swait.ge [sflag:s31], $0x400  }
0x1f7: {  	[sflag:s31] =	ssyncset.done $0x0  }
0x1f8: {  	[sflag:s31] =	ssyncadd.s32 $0xFFFFFC00  }
0x1f9: {  	_ =	swait.ge [sflag:s31], $0x400  }
0x1fa: {  	[sflag:s31] =	ssyncset.done $0x0  }
0x1fb: {  	[sflag:s31] =	ssyncadd.s32 $0xFFFFFC00  }
0x1fc: {  	_ =	swait.ge [sflag:s31], $0x400  }
0x1fd: {  	[sflag:s31] =	ssyncset.done $0x0  }
0x1fe: {  	[sflag:s31] =	ssyncadd.s32 $0xFFFFFC00  }
0x1ff: {  	_ =	swait.ge [sflag:s31], $0x400  }
0x200: {  	[sflag:s31] =	ssyncset.done $0x0  }
0x201: {  	[sflag:s31] =	ssyncadd.s32 $0xFFFFFC00  }
0x202: {  	_ =	swait.ge [sflag:s31], $0x400  }
0x203: {  	[sflag:s31] =	ssyncset.done $0x0  }
0x204: {  	[sflag:s31] =	ssyncadd.s32 $0xFFFFFC00  }
0x205: {  	_ =	swait.ge [sflag:s31], $0x400  }
0x206: {  	[sflag:s31] =	ssyncset.done $0x0  }
0x207: {  	[sflag:s31] =	ssyncadd.s32 $0xFFFFFC00  }
0x208: {  	_ =	swait.ge [sflag:s31], $0x400  }
0x209: {  	[sflag:s31] =	ssyncset.done $0x0  }
0x20a: {  	[sflag:s31] =	ssyncadd.s32 $0xFFFFFC00  }
0x20b: {  	_ =	swait.ge [sflag:s31], $0x400  }
0x20c: {  	[sflag:s31] =	ssyncset.done $0x0  }
0x20d: {  	[sflag:s31] =	ssyncadd.s32 $0xFFFFFC00  }
0x20e: {  	_ =	swait.ge [sflag:s31], $0x400  }
0x20f: {  	[sflag:s31] =	ssyncset.done $0x0  }
0x210: {  	[sflag:s31] =	ssyncadd.s32 $0xFFFFFC00  }
0x211: {  	_ =	swait.ge [sflag:s31], $0x400  }
0x212: {  	[sflag:s31] =	ssyncset.done $0x0  }
0x213: {  	[sflag:s31] =	ssyncadd.s32 $0xFFFFFC00  }
0x214: {  	_ =	swait.ge [sflag:s31], $0x400  }
0x215: {  	[sflag:s31] =	ssyncset.done $0x0  }
0x216: {  	[sflag:s31] =	ssyncadd.s32 $0xFFFFFC00  }
0x217: {  	_ =	swait.ge [sflag:s31], $0x400  }
0x218: {  	[sflag:s31] =	ssyncset.done $0x0  }
0x219: {  	[sflag:s31] =	ssyncadd.s32 $0xFFFFFC00  }
0x21a: {  	_ =	swait.ge [sflag:s31], $0x400  }
0x21b: {  	[sflag:s31] =	ssyncset.done $0x0  }
0x21c: {  	[sflag:s31] =	ssyncadd.s32 $0xFFFFFC00  }
0x21d: {  	_ =	swait.ge [sflag:s31], $0x400  }
0x21e: {  	[sflag:s31] =	ssyncset.done $0x0  }
0x21f: {  	[sflag:s31] =	ssyncadd.s32 $0xFFFFFC00  }
0x220: {  	_ =	swait.ge [sflag:s31], $0x400  }
0x221: {  	[sflag:s31] =	ssyncset.done $0x0  }
0x222: {  	[sflag:s31] =	ssyncadd.s32 $0xFFFFFC00  }
0x223: {  	_ =	swait.ge [sflag:s31], $0x400  }
0x224: {  	[sflag:s31] =	ssyncset.done $0x0  }
0x225: {  	[sflag:s31] =	ssyncadd.s32 $0xFFFFFC00  }
0x226: {  	_ =	swait.ge [sflag:s31], $0x400  }
0x227: {  	[sflag:s31] =	ssyncset.done $0x0  }
0x228: {  	[sflag:s31] =	ssyncadd.s32 $0xFFFFFC00  }
0x229: {  	_ =	swait.ge [sflag:s31], $0x400  }
0x22a: {  	[sflag:s31] =	ssyncset.done $0x0  }
0x22b: {  	[sflag:s31] =	ssyncadd.s32 $0xFFFFFC00  }
0x22c: {  	_ =	swait.ge [sflag:s31], $0x400  }
0x22d: {  	[sflag:s31] =	ssyncset.done $0x0  }
0x22e: {  	[sflag:s31] =	ssyncadd.s32 $0xFFFFFC00  }
0x22f: {  	_ =	swait.ge [sflag:s31], $0x400  }
0x230: {  	[sflag:s31] =	ssyncset.done $0x0  }
0x231: {  	[sflag:s31] =	ssyncadd.s32 $0xFFFFFC00  }
0x232: {  	_ =	swait.ge [sflag:s31], $0x400  }
0x233: {  	[sflag:s31] =	ssyncset.done $0x0  }
0x234: {  	[sflag:s31] =	ssyncadd.s32 $0xFFFFFC00  }
0x235: {  	_ =	swait.ge [sflag:s31], $0x400  }
0x236: {  	[sflag:s31] =	ssyncset.done $0x0  }
0x237: {  	[sflag:s31] =	ssyncadd.s32 $0xFFFFFC00  }
0x238: {  	_ =	swait.ge [sflag:s31], $0x400  }
0x239: {  	[sflag:s31] =	ssyncset.done $0x0  }
0x23a: {  	[sflag:s31] =	ssyncadd.s32 $0xFFFFFC00  }
0x23b: {  	_ =	swait.ge [sflag:s31], $0x400  }
0x23c: {  	[sflag:s31] =	ssyncset.done $0x0  }
0x23d: {  	[sflag:s31] =	ssyncadd.s32 $0xFFFFFC00  }
0x23e: {  	_ =	swait.ge [sflag:s31], $0x400  }
0x23f: {  	[sflag:s31] =	ssyncset.done $0x0  }
0x240: {  	[sflag:s31] =	ssyncadd.s32 $0xFFFFFC00  }
0x241: {  	_ =	swait.ge [sflag:s31], $0x400  }
0x242: {  	[sflag:s31] =	ssyncset.done $0x0  }
0x243: {  	[sflag:s31] =	ssyncadd.s32 $0xFFFFFC00  }
0x244: {  	_ =	swait.ge [sflag:s31], $0x400  }
0x245: {  	[sflag:s31] =	ssyncset.done $0x0  }
0x246: {  	[sflag:s31] =	ssyncadd.s32 $0xFFFFFC00  }
0x247: {  	_ =	swait.ge [sflag:s31], $0x400  }
0x248: {  	[sflag:s31] =	ssyncset.done $0x0  }
0x249: {  	[sflag:s31] =	ssyncadd.s32 $0xFFFFFC00  }
0x24a: {  	_ =	swait.ge [sflag:s31], $0x400  }
0x24b: {  	[sflag:s31] =	ssyncset.done $0x0  }
0x24c: {  	[sflag:s31] =	ssyncadd.s32 $0xFFFFFC00  }
0x24d: {  	_ =	swait.ge [sflag:s31], $0x400  }
0x24e: {  	s28 =	rddreg [dreg:$0x1f]  }
0x24f: {  	s29 =	rddreg [dreg:$0x16];
	s3 =	sadd.s32 $0x1, s28  }
0x250: {  	p0 =	sne.s32 s3, s29  }
.Ltmp8:
0x251: {  	_ = 	snop;
	(pc) =	sbr.rel @p0 .LBB2_1-.Ltmp8, $3  }
0x252: {  	_ =	sdelay $0x1  }
0x253: {  	[sflag:s31] =	ssyncset.done $0x0  }
0x254: {  	[sflag:s31] =	ssyncadd.s32 $0xFFFFFC00  }
0x255: {  	_ =	sfence.sel $0x180000  }
0x256: {  	[bflag:$0x0] =	sbarrier.arrive $0xFFFF  }
0x257: {  	_ =	strace $0x90000047  }
0x258: {  	s0 =	stileid.u32;
	[bflag:$0x2] =	sbarrier.arrive $0xFFFF  }
0x259: {  	p0 =	sne.s32 s0, $0x0;
	s0 =	rddreg [dreg:$0x3]  }
0x25a: {  	s0 =	sadd.s32 @!p0 $0x100000, s0  }
0x25b: {  	[sflag:s0] =	ssyncadd.tile.s32 @!p0 $0x1;
	_ =	shalt  }
.Lfunc_end2:
_tile_overlayer_lowered:
.L_overlay_start_2:
0x25c: {  	(tag) =	ssettag $0x2  }
0x25d: {  	s0 =	rddreg [dreg:$0x0];
	s2 =	stileid.u32  }
0x25e: {  	s1 =	rddreg [dreg:$0x1];
	p0 =	sne.s32 s2, $0x0  }
0x25f: {  	s3 =	rddreg [dreg:$0x2];
	[bflag:$0x3] =	sbarrier.arrive $0xFFFF;
	s2 =	simm.s32 @!p0 $0x1C03  }
0x260: {  	[timem:s3], [sflag:s2] =	dma.local @!p0 [hbm:s0], s1  }
0x261: {  	s0 =	simm.s32 @!p0 $0x3  }
0x262: {  	_ =	swait.ge @!p0 [sflag:s0], s1  }
0x263: {  	s1 =	ssub.s32 @!p0 $0x0, s1;
	[sflag:s0] =	ssyncset.done @!p0 $0x0  }
0x264: {  	[sflag:s0] =	ssyncadd.s32 @!p0 s1  }
0x265: {  	[bflag:$0x3] =	sbarrier.arrive $0xFFFF  }
0x266: {  	_ =	shalt  }

</sc_bundles>
